<compile_context>
chip_gen: v7x
topology: tpu7x:2x2x1
jax: 0.10.2.dev20260603
libtpu: 0.0.44.dev20260713+nightly
codegen_flags: <defaults>
</compile_context>

<pallas_src>
import functools

import jax
import jax.numpy as jnp
from jax import lax
from jax.experimental import pallas as pl
from jax.experimental.pallas import tpu as pltpu
from jax.experimental.pallas import tpu_sc as plsc

ROWS = 128
COLS = 32768
K = 64
L = 16
BSHIFT = 21
NBUCKET = 1 << (31 - BSHIFT)
CAND_ROWS = 256
CAND_MASK = CAND_ROWS * L - 1
SIGN_MASK = 0x7FFFFFFF
EDGE_BITS = 0x40380000
NC = 2
NS = 16
ROWS_PER_W = ROWS // (NC * NS)


def _sc_body(in_hbm, out_hbm, row_a, row_b, hist_v, cand_v,
             sem_ai, sem_bi, sem_ao, sem_bo):
    wid = lax.axis_index("s") * NC + lax.axis_index("c")
    lane = lax.iota(jnp.int32, L)
    ones = jnp.ones((L,), jnp.int32)
    zeros = jnp.zeros((L,), jnp.int32)
    base_row = wid * ROWS_PER_W
    bufs = [(row_a, sem_ai, sem_ao), (row_b, sem_bi, sem_bo)]

    def process_row(row_v):
        def fast_collect(i, cs):
            v = plsc.bitcast(row_v[pl.ds(i, L)], jnp.int32)
            ab = v & SIGN_MASK
            m = ab >= EDGE_BITS
            plsc.store_scatter(cand_v, [cs & CAND_MASK], ab, mask=m)
            return cs + jnp.where(m, L, 0)
        cs = plsc.parallel_loop(0, COLS, L, unroll=8,
                                carry=lane)(fast_collect)
        c_vec = (cs - lane) >> 4
        cmax = jnp.max(c_vec)
        cmin = jnp.min(c_vec)
        total = jnp.sum(c_vec)
        fast_ok = jnp.logical_and(total >= K, cmax <= CAND_ROWS)

        rows4 = (jnp.minimum(cmax, CAND_ROWS) + 3) >> 2

        def pad_loop(_, cs_p):
            m = cs_p < rows4 * (4 * L)
            plsc.store_scatter(cand_v, [cs_p & CAND_MASK], zeros, mask=m)
            return cs_p + jnp.where(m, L, 0)
        lax.fori_loop(0, (rows4 << 2) - cmin, pad_loop, cs)

        def bs_and_ties(lo0, hi0, need, extra, c_vec_, max_c_, iters):
            def bs_loop(_, st):
                lo, hi = st
                mid = lo + ((hi - lo + 1) >> 1)

                def count_loop(j, acc):
                    cv = cand_v[pl.ds(j * L, L)]
                    pm = jnp.logical_and(cv >= mid, j < c_vec_)
                    return acc + jnp.where(pm, 1, 0)
                c = jnp.sum(lax.fori_loop(0, max_c_, count_loop, zeros))
                ok = c >= need
                return (jnp.where(ok, mid, lo), jnp.where(ok, hi, mid - 1))
            thr, _ = lax.fori_loop(0, iters, bs_loop, (lo0, hi0))

            def tie_loop(j, acc):
                cv = cand_v[pl.ds(j * L, L)]
                valid = j < c_vec_
                ge = jnp.logical_and(cv >= thr, valid)
                eq = jnp.logical_and(cv == thr, valid)
                return (acc[0] + jnp.where(ge, 1, 0),
                        acc[1] + jnp.where(eq, 1, 0))
            gev, eqv = lax.fori_loop(0, max_c_, tie_loop, (zeros, zeros))
            return thr, extra + jnp.sum(gev), jnp.sum(eqv)

        def fast_path(_):
            def count4(mid):
                def count_loop(jj, acc):
                    b = jj << 6
                    a = acc + jnp.where(cand_v[pl.ds(b, L)] >= mid, 1, 0)
                    a = a + jnp.where(cand_v[pl.ds(b + L, L)] >= mid, 1, 0)
                    a = a + jnp.where(
                        cand_v[pl.ds(b + 2 * L, L)] >= mid, 1, 0)
                    a = a + jnp.where(
                        cand_v[pl.ds(b + 3 * L, L)] >= mid, 1, 0)
                    return a
                return jnp.sum(lax.fori_loop(0, rows4, count_loop, zeros))

            def max_loop(jj, acc):
                b = jj << 6
                a = jnp.maximum(acc, cand_v[pl.ds(b, L)])
                a = jnp.maximum(a, cand_v[pl.ds(b + L, L)])
                a = jnp.maximum(a, cand_v[pl.ds(b + 2 * L, L)])
                return jnp.maximum(a, cand_v[pl.ds(b + 3 * L, L)])
            hi0 = jnp.max(lax.fori_loop(0, rows4, max_loop, zeros))

            def bs_cond(st):
                lo, hi = st
                return lo < hi

            def bs_loop(st):
                lo, hi = st
                mid = lo + ((hi - lo + 1) >> 1)
                ok = count4(mid) >= K
                return (jnp.where(ok, mid, lo), jnp.where(ok, hi, mid - 1))
            thr, _ = lax.while_loop(bs_cond, bs_loop,
                                    (jnp.int32(EDGE_BITS), hi0))

            def tie_loop(jj, acc):
                b = jj << 6
                ge, eq = acc
                for o in range(4):
                    cv = cand_v[pl.ds(b + o * L, L)]
                    ge = ge + jnp.where(cv >= thr, 1, 0)
                    eq = eq + jnp.where(cv == thr, 1, 0)
                return (ge, eq)
            gev, eqv = lax.fori_loop(0, rows4, tie_loop, (zeros, zeros))
            return thr, jnp.sum(gev), jnp.sum(eqv)

        def slow_path(_):
            @plsc.parallel_loop(0, NBUCKET * L, L, unroll=8)
            def zero_loop(i):
                hist_v[pl.ds(i, L)] = zeros

            def hist_loop(i, mx):
                v = plsc.bitcast(row_v[pl.ds(i, L)], jnp.int32)
                ab = v & SIGN_MASK
                idx = ((ab >> BSHIFT) << 4) | lane
                plsc.addupdate_scatter(hist_v, [idx], ones)
                return jnp.maximum(mx, ab)
            mxv = plsc.parallel_loop(0, COLS, L, unroll=8,
                                     carry=zeros)(hist_loop)
            bstart = jnp.max(mxv) >> BSHIFT

            def scan_cond(st):
                b, cum, _ = st
                return jnp.logical_and(cum < K, b >= 0)

            def scan_body(st):
                b, cum, _ = st
                c = jnp.sum(hist_v[pl.ds(b * L, L)])
                return (b - 1, cum + c, c)
            bf, cum, lastc = lax.while_loop(
                scan_cond, scan_body, (bstart, jnp.int32(0), jnp.int32(0)))
            bucket = bf + 1
            need = K - (cum - lastc)
            cand_base = bucket << BSHIFT

            def re_collect(i, cs2):
                v = plsc.bitcast(row_v[pl.ds(i, L)], jnp.int32)
                ab = v & SIGN_MASK
                m = plsc.bitcast(ab - cand_base, jnp.uint32) < jnp.uint32(
                    1 << BSHIFT)
                plsc.store_scatter(cand_v, [cs2 & CAND_MASK], ab, mask=m)
                return cs2 + jnp.where(m, L, 0)
            cs2 = plsc.parallel_loop(0, COLS, L, unroll=8,
                                     carry=lane)(re_collect)
            c_vec2 = (cs2 - lane) >> 4
            return bs_and_ties(cand_base,
                               cand_base + (1 << BSHIFT) - 1,
                               need, K - need, c_vec2,
                               jnp.minimum(jnp.max(c_vec2), CAND_ROWS), 21)

        thr, n_ge, n_eq = lax.cond(fast_ok, fast_path, slow_path, 0)
        t_keep = K - (n_ge - n_eq)

        def mask_loop(i):
            v = plsc.bitcast(row_v[pl.ds(i, L)], jnp.int32)
            keep = (v & SIGN_MASK) >= thr
            row_v[pl.ds(i, L)] = plsc.bitcast(
                jnp.where(keep, v, 0), jnp.float32)
        plsc.parallel_loop(0, COLS, L, unroll=8)(mask_loop)

        @pl.when(n_ge > K)
        def _fixup():
            def fx_cond(st):
                i, c = st
                return jnp.logical_and(i < COLS, c < n_eq)

            def fx_body(st):
                i, c = st
                v = plsc.bitcast(row_v[pl.ds(i, L)], jnp.int32)
                eqm = (v & SIGN_MASK) == thr
                rank = c + plsc.cumsum(jnp.where(eqm, 1, 0)) - 1
                drop = jnp.logical_and(eqm, rank >= t_keep)
                row_v[pl.ds(i, L)] = plsc.bitcast(
                    jnp.where(drop, 0, v), jnp.float32)
                return (i + L, c + plsc.all_reduce_population_count(eqm)[0])
            lax.while_loop(fx_cond, fx_body, (jnp.int32(0), jnp.int32(0)))

    pltpu.async_copy(in_hbm.at[base_row], row_a, sem_ai)
    for r in range(ROWS_PER_W):
        row_v, sem_i, sem_o = bufs[r % 2]
        pltpu.make_async_copy(in_hbm.at[base_row + r], row_v, sem_i).wait()
        if r + 1 < ROWS_PER_W:
            nbuf, nsem_i, nsem_o = bufs[(r + 1) % 2]
            if r >= 1:
                pltpu.make_async_copy(
                    nbuf, out_hbm.at[base_row + r - 1], nsem_o).wait()
            pltpu.async_copy(in_hbm.at[base_row + r + 1], nbuf, nsem_i)
        process_row(row_v)
        pltpu.async_copy(row_v, out_hbm.at[base_row + r], sem_o)

    pltpu.make_async_copy(
        bufs[(ROWS_PER_W - 2) % 2][0],
        out_hbm.at[base_row + ROWS_PER_W - 2],
        bufs[(ROWS_PER_W - 2) % 2][2]).wait()
    pltpu.make_async_copy(
        bufs[(ROWS_PER_W - 1) % 2][0],
        out_hbm.at[base_row + ROWS_PER_W - 1],
        bufs[(ROWS_PER_W - 1) % 2][2]).wait()


_topk_mask = functools.partial(
    pl.kernel,
    out_type=jax.ShapeDtypeStruct((ROWS, COLS), jnp.float32),
    mesh=plsc.VectorSubcoreMesh(core_axis_name="c", subcore_axis_name="s"),
    scratch_types=[
        pltpu.VMEM((COLS,), jnp.float32),
        pltpu.VMEM((COLS,), jnp.float32),
        pltpu.VMEM((NBUCKET * L,), jnp.int32),
        pltpu.VMEM((CAND_ROWS * L,), jnp.int32),
        pltpu.SemaphoreType.DMA,
        pltpu.SemaphoreType.DMA,
        pltpu.SemaphoreType.DMA,
        pltpu.SemaphoreType.DMA,
    ],
    compiler_params=pltpu.CompilerParams(needs_layout_passes=False),
)(_sc_body)


@jax.jit
def kernel(input_):
    return _topk_mask(input_)

# --- scband reference (transcript-rebuilt; emitter-appended) ---
"""Pipeline reference for scband-top-kabsolutes2-d-27504970563634 (READ-ONLY COPY).

The authoritative reference and input builder live on the scoring server;
editing this copy changes nothing except your own understanding.
"""

import jax, jax.numpy as jnp
import numpy as np

TOPK = 64

def setup_inputs(seed: int = 0) -> dict:
    key = jax.random.key(seed)
    input_ = jax.random.normal(key, (128, 32768), dtype=jnp.float32)
    return {"input_": input_}

def reference(input_):
    orig_shape = input_.shape
    x = input_.reshape(input_.shape[0], -1)
    _, idx = jax.lax.top_k(jnp.abs(x), TOPK)
    gathered = jnp.take_along_axis(x, idx, axis=-1)
    rows = jnp.arange(x.shape[0])[:, None]
    out = jnp.zeros_like(x).at[rows, idx].set(gathered)
    return out.reshape(orig_shape)

if __name__ == "__main__":
    import jax
    _d = setup_inputs()
    print(jax.jit(kernel)(*tuple(_d.values())))

</pallas_src>

<mosaic_0001>
#map = affine_map<(d0, d1) -> (0, 0)>
module attributes {stable_mosaic.version = 14 : i64} {
  func.func @_sc_body(%arg0: i32, %arg1: i32, %arg2: memref<128x32768xf32, #tpu.memory_space<hbm>>, %arg3: memref<128x32768xf32, #tpu.memory_space<hbm>>, %arg4: memref<32768xf32, #tpu.memory_space<vmem>>, %arg5: memref<32768xf32, #tpu.memory_space<vmem>>, %arg6: memref<16384xi32, #tpu.memory_space<vmem>>, %arg7: memref<4096xi32, #tpu.memory_space<vmem>>, %arg8: memref<!tpu.dma_semaphore, #tpu.memory_space<semaphore_mem>>, %arg9: memref<!tpu.dma_semaphore, #tpu.memory_space<semaphore_mem>>, %arg10: memref<!tpu.dma_semaphore, #tpu.memory_space<semaphore_mem>>, %arg11: memref<!tpu.dma_semaphore, #tpu.memory_space<semaphore_mem>>) attributes {dimension_semantics = [#tpu.dimension_semantics<core_parallel>, #tpu.dimension_semantics<subcore_parallel>], iteration_bounds = array<i64: 2, 16>, scalar_prefetch = 0 : i64, scratch_operands = 8 : i64, tpu.core_type = #tpu.core_type<sc_vector_subcore>, window_params = [{transform_indices = #map}, {transform_indices = #map}]} {
    %mul3A = arith.constant 2 : i32
    %mul3A_0 = arith.muli %arg1, %mul3A : i32
    %add3A = arith.addi %mul3A_0, %arg0 : i32
    %iota3A = tpu.iota {dimensions = array<i32: 0>} : vector<16xi32>
    %broadcast_in_dim3A = arith.constant 1 : i32
    %broadcast_in_dim3A_1 = vector.broadcast %broadcast_in_dim3A : i32 to vector<16xi32>
    %broadcast_in_dim3A_2 = arith.constant 0 : i32
    %broadcast_in_dim3A_3 = vector.broadcast %broadcast_in_dim3A_2 : i32 to vector<16xi32>
    %mul3A_4 = arith.constant 4 : i32
    %mul3A_5 = arith.muli %add3A, %mul3A_4 : i32
    %dma_start3A = arith.constant 0 : i32
    %dma_start3A_6 = tpu.memref_slice %arg2[%mul3A_5, %dma_start3A] : memref<128x32768xf32, #tpu.memory_space<hbm>> -> memref<1x32768xf32, #tpu.memory_space<hbm>>
    %dma_start3A_7 = tpu.memref_squeeze %dma_start3A_6 : memref<1x32768xf32, #tpu.memory_space<hbm>> -> memref<32768xf32, #tpu.memory_space<hbm>>
    %dma_start3A_8 = arith.constant 0 : i32
    %dma_start3A_9 = tpu.memref_slice %arg2[%mul3A_5, %dma_start3A_8] : memref<128x32768xf32, #tpu.memory_space<hbm>> -> memref<1x32768xf32, #tpu.memory_space<hbm>>
    %dma_start3A_10 = tpu.memref_squeeze %dma_start3A_9 : memref<1x32768xf32, #tpu.memory_space<hbm>> -> memref<32768xf32, #tpu.memory_space<hbm>>
    tpu.enqueue_dma source(%dma_start3A_10 : memref<32768xf32, #tpu.memory_space<hbm>>) target(%arg4 : memref<32768xf32, #tpu.memory_space<vmem>>) target_semaphore(%arg8 : memref<!tpu.dma_semaphore, #tpu.memory_space<semaphore_mem>>)
    %add3A_11 = arith.constant 0 : i32
    %add3A_12 = arith.addi %mul3A_5, %add3A_11 : i32
    %dma_wait3A = arith.constant 0 : i32
    %dma_wait3A_13 = tpu.memref_slice %arg2[%add3A_12, %dma_wait3A] : memref<128x32768xf32, #tpu.memory_space<hbm>> -> memref<1x32768xf32, #tpu.memory_space<hbm>>
    %dma_wait3A_14 = tpu.memref_squeeze %dma_wait3A_13 : memref<1x32768xf32, #tpu.memory_space<hbm>> -> memref<32768xf32, #tpu.memory_space<hbm>>
    %dma_wait3A_15 = arith.constant 0 : i32
    %dma_wait3A_16 = tpu.memref_slice %arg2[%add3A_12, %dma_wait3A_15] : memref<128x32768xf32, #tpu.memory_space<hbm>> -> memref<1x32768xf32, #tpu.memory_space<hbm>>
    %dma_wait3A_17 = tpu.memref_squeeze %dma_wait3A_16 : memref<1x32768xf32, #tpu.memory_space<hbm>> -> memref<32768xf32, #tpu.memory_space<hbm>>
    tpu.wait_dma2 semaphore(%arg8 : memref<!tpu.dma_semaphore, #tpu.memory_space<semaphore_mem>>) src(%dma_wait3A_17 : memref<32768xf32, #tpu.memory_space<hbm>>) dst(%arg4 : memref<32768xf32, #tpu.memory_space<vmem>>)
    %add3A_18 = arith.constant 0 : i32
    %add3A_19 = arith.addi %mul3A_5, %add3A_18 : i32
    %add3A_20 = arith.constant 1 : i32
    %add3A_21 = arith.addi %add3A_19, %add3A_20 : i32
    %dma_start3A_22 = arith.constant 0 : i32
    %dma_start3A_23 = tpu.memref_slice %arg2[%add3A_21, %dma_start3A_22] : memref<128x32768xf32, #tpu.memory_space<hbm>> -> memref<1x32768xf32, #tpu.memory_space<hbm>>
    %dma_start3A_24 = tpu.memref_squeeze %dma_start3A_23 : memref<1x32768xf32, #tpu.memory_space<hbm>> -> memref<32768xf32, #tpu.memory_space<hbm>>
    %dma_start3A_25 = arith.constant 0 : i32
    %dma_start3A_26 = tpu.memref_slice %arg2[%add3A_21, %dma_start3A_25] : memref<128x32768xf32, #tpu.memory_space<hbm>> -> memref<1x32768xf32, #tpu.memory_space<hbm>>
    %dma_start3A_27 = tpu.memref_squeeze %dma_start3A_26 : memref<1x32768xf32, #tpu.memory_space<hbm>> -> memref<32768xf32, #tpu.memory_space<hbm>>
    tpu.enqueue_dma source(%dma_start3A_27 : memref<32768xf32, #tpu.memory_space<hbm>>) target(%arg5 : memref<32768xf32, #tpu.memory_space<vmem>>) target_semaphore(%arg9 : memref<!tpu.dma_semaphore, #tpu.memory_space<semaphore_mem>>)
    %parallel_loop3A = arith.constant 0 : i32
    %parallel_loop3A_28 = arith.constant 32768 : i32
    %parallel_loop3A_29 = arith.constant 16 : i32
    %parallel_loop3A_30 = scf.for %parallel_loop3A_405 = %parallel_loop3A to %parallel_loop3A_28 step %parallel_loop3A_29 iter_args(%parallel_loop3A_406 = %iota3A) -> (vector<16xi32>)  : i32 {
      %parallel_loop3A_407 = arith.index_cast %parallel_loop3A_405 : i32 to index
      %parallel_loop3A_408 = tpu.vector_load %arg4[%parallel_loop3A_407] {strides = array<i32>} : memref<32768xf32, #tpu.memory_space<vmem>>, vector<16xf32>,
      %parallel_loop3A_409 = vector.bitcast %parallel_loop3A_408 : vector<16xf32> to vector<16xi32>
      %parallel_loop3A_410 = arith.constant 2147483647 : i32
      %parallel_loop3A_411 = vector.broadcast %parallel_loop3A_410 : i32 to vector<16xi32>
      %parallel_loop3A_412 = arith.andi %parallel_loop3A_409, %parallel_loop3A_411 : vector<16xi32>
      %parallel_loop3A_413 = arith.constant 1077411840 : i32
      %parallel_loop3A_414 = vector.broadcast %parallel_loop3A_413 : i32 to vector<16xi32>
      %parallel_loop3A_415 = arith.cmpi sge, %parallel_loop3A_412, %parallel_loop3A_414 : vector<16xi32>
      %parallel_loop3A_416 = arith.constant 4095 : i32
      %parallel_loop3A_417 = vector.broadcast %parallel_loop3A_416 : i32 to vector<16xi32>
      %parallel_loop3A_418 = arith.andi %parallel_loop3A_406, %parallel_loop3A_417 : vector<16xi32>
      tpu.vector_store_idx %arg7[%parallel_loop3A_418], %parallel_loop3A_412 masked %parallel_loop3A_415 : memref<4096xi32, #tpu.memory_space<vmem>>[vector<16xi32>], vector<16xi32>, vector<16xi1>
      %parallel_loop3A_419 = arith.constant 16 : i32
      %parallel_loop3A_420 = arith.constant 0 : i32
      %parallel_loop3A_421 = vector.broadcast %parallel_loop3A_419 : i32 to vector<16xi32>
      %parallel_loop3A_422 = vector.broadcast %parallel_loop3A_420 : i32 to vector<16xi32>
      %parallel_loop3A_423 = arith.select %parallel_loop3A_415, %parallel_loop3A_421, %parallel_loop3A_422 : vector<16xi1>, vector<16xi32>
      %parallel_loop3A_424 = arith.addi %parallel_loop3A_406, %parallel_loop3A_423 : vector<16xi32>
      scf.yield %parallel_loop3A_424 : vector<16xi32>
    } {sc.loop_unroll_factor = 8 : i64, sc.parallel_access}
    %sub3A = arith.subi %parallel_loop3A_30, %iota3A : vector<16xi32>
    %shift_right_arithmetic3A = arith.constant 4 : i32
    %shift_right_arithmetic3A_31 = vector.broadcast %shift_right_arithmetic3A : i32 to vector<16xi32>
    %shift_right_arithmetic3A_32 = arith.shrsi %sub3A, %shift_right_arithmetic3A_31 : vector<16xi32>
    %reduce_max3A = arith.constant true
    %reduce_max3A_33 = vector.broadcast %reduce_max3A : i1 to vector<16xi1>
    %reduce_max3A_34 = arith.constant -2147483648 : i32
    %reduce_max3A_35 = vector.broadcast %reduce_max3A_34 : i32 to vector<16xi32>
    %reduce_max3A_36 = arith.xori %shift_right_arithmetic3A_32, %reduce_max3A_35 : vector<16xi32>
    %reduce_max3A_37 = tpu.scan <max>, %reduce_max3A_36 masked %reduce_max3A_33 : vector<16xi32>, vector<16xi1> -> vector<16xi32>
    %reduce_max3A_38 = arith.xori %reduce_max3A_37, %reduce_max3A_35 : vector<16xi32>
    %reduce_max3A_39 = vector.extract %reduce_max3A_38[15] : i32 from vector<16xi32>
    %reduce_min3A = arith.constant true
    %reduce_min3A_40 = vector.broadcast %reduce_min3A : i1 to vector<16xi1>
    %reduce_min3A_41 = arith.constant -2147483648 : i32
    %reduce_min3A_42 = vector.broadcast %reduce_min3A_41 : i32 to vector<16xi32>
    %reduce_min3A_43 = arith.xori %shift_right_arithmetic3A_32, %reduce_min3A_42 : vector<16xi32>
    %reduce_min3A_44 = tpu.scan <min>, %reduce_min3A_43 masked %reduce_min3A_40 : vector<16xi32>, vector<16xi1> -> vector<16xi32>
    %reduce_min3A_45 = arith.xori %reduce_min3A_44, %reduce_min3A_42 : vector<16xi32>
    %reduce_min3A_46 = vector.extract %reduce_min3A_45[15] : i32 from vector<16xi32>
    %reduce_sum3A = arith.constant true
    %reduce_sum3A_47 = vector.broadcast %reduce_sum3A : i1 to vector<16xi1>
    %reduce_sum3A_48 = tpu.scan <sum>, %shift_right_arithmetic3A_32 masked %reduce_sum3A_47 : vector<16xi32>, vector<16xi1> -> vector<16xi32>
    %reduce_sum3A_49 = vector.extract %reduce_sum3A_48[15] : i32 from vector<16xi32>
    %ge3A = arith.constant 64 : i32
    %ge3A_50 = arith.cmpi sge, %reduce_sum3A_49, %ge3A : i32
    %le3A = arith.constant 256 : i32
    %le3A_51 = arith.cmpi sle, %reduce_max3A_39, %le3A : i32
    %and3A = arith.andi %ge3A_50, %le3A_51 : i1
    %min3A = arith.constant 256 : i32
    %min3A_52 = arith.minsi %reduce_max3A_39, %min3A : i32
    %add3A_53 = arith.constant 3 : i32
    %add3A_54 = arith.addi %min3A_52, %add3A_53 : i32
    %shift_right_arithmetic3A_55 = arith.constant 2 : i32
    %shift_right_arithmetic3A_56 = arith.shrsi %add3A_54, %shift_right_arithmetic3A_55 : i32
    %shift_left3A = arith.constant 2 : i32
    %shift_left3A_57 = arith.shli %shift_right_arithmetic3A_56, %shift_left3A : i32
    %sub3A_58 = arith.subi %shift_left3A_57, %reduce_min3A_46 : i32
    %while3A = arith.constant 0 : i32
    %while3A_59 = arith.subi %sub3A_58, %while3A : i32
    %while3A_60 = arith.addi %while3A, %while3A_59 : i32
    %while3A_61 = arith.constant 1 : i32
    %while3A_62 = arith.divsi %while3A_59, %while3A_61 : i32
    %while3A_63 = arith.muli %while3A_62, %while3A_61 : i32
    %while3A_64 = arith.addi %while3A, %while3A_63 : i32
    %while3A_65 = arith.constant 1 : i32
    %while3A_66 = scf.for %while3A_405 = %while3A to %while3A_64 step %while3A_65 iter_args(%while3A_406 = %parallel_loop3A_30) -> (vector<16xi32>)  : i32 {
      %mul3A_407 = arith.constant 64 : i32
      %mul3A_408 = arith.muli %shift_right_arithmetic3A_56, %mul3A_407 : i32
      %lt3A = vector.broadcast %mul3A_408 : i32 to vector<16xi32>
      %lt3A_409 = arith.cmpi slt, %while3A_406, %lt3A : vector<16xi32>
      %and3A_410 = arith.constant 4095 : i32
      %and3A_411 = vector.broadcast %and3A_410 : i32 to vector<16xi32>
      %and3A_412 = arith.andi %while3A_406, %and3A_411 : vector<16xi32>
      tpu.vector_store_idx %arg7[%and3A_412], %broadcast_in_dim3A_3 masked %lt3A_409 : memref<4096xi32, #tpu.memory_space<vmem>>[vector<16xi32>], vector<16xi32>, vector<16xi1>
      %jit3A = arith.constant 16 : i32
      %jit3A_413 = arith.constant 0 : i32
      %broadcast_in_dim3A_414 = vector.broadcast %jit3A : i32 to vector<16xi32>
      %broadcast_in_dim3A_415 = vector.broadcast %jit3A_413 : i32 to vector<16xi32>
      %select_n3A = arith.select %lt3A_409, %broadcast_in_dim3A_414, %broadcast_in_dim3A_415 : vector<16xi1>, vector<16xi32>
      %add3A_416 = arith.addi %while3A_406, %select_n3A : vector<16xi32>
      scf.yield %add3A_416 : vector<16xi32>
    }
    %while3A_67 = arith.constant 1 : i32
    %while3A_68 = scf.for %while3A_405 = %while3A_64 to %while3A_60 step %while3A_67 iter_args(%while3A_406 = %while3A_66) -> (vector<16xi32>)  : i32 {
      %mul3A_407 = arith.constant 64 : i32
      %mul3A_408 = arith.muli %shift_right_arithmetic3A_56, %mul3A_407 : i32
      %lt3A = vector.broadcast %mul3A_408 : i32 to vector<16xi32>
      %lt3A_409 = arith.cmpi slt, %while3A_406, %lt3A : vector<16xi32>
      %and3A_410 = arith.constant 4095 : i32
      %and3A_411 = vector.broadcast %and3A_410 : i32 to vector<16xi32>
      %and3A_412 = arith.andi %while3A_406, %and3A_411 : vector<16xi32>
      tpu.vector_store_idx %arg7[%and3A_412], %broadcast_in_dim3A_3 masked %lt3A_409 : memref<4096xi32, #tpu.memory_space<vmem>>[vector<16xi32>], vector<16xi32>, vector<16xi1>
      %jit3A = arith.constant 16 : i32
      %jit3A_413 = arith.constant 0 : i32
      %broadcast_in_dim3A_414 = vector.broadcast %jit3A : i32 to vector<16xi32>
      %broadcast_in_dim3A_415 = vector.broadcast %jit3A_413 : i32 to vector<16xi32>
      %select_n3A = arith.select %lt3A_409, %broadcast_in_dim3A_414, %broadcast_in_dim3A_415 : vector<16xi1>, vector<16xi32>
      %add3A_416 = arith.addi %while3A_406, %select_n3A : vector<16xi32>
      scf.yield %add3A_416 : vector<16xi32>
    }
    %convert_element_type3A = arith.extui %and3A : i1 to i32
    %cond3A = arith.constant 0 : i32
    %cond3A_69 = arith.constant 0 : i32
    %cond3A_70 = arith.cmpi ne, %convert_element_type3A, %cond3A_69 : i32
    %cond3A_71:3 = scf.if %cond3A_70 -> (i32, i32, i32) {
      %while3A_405 = arith.constant 0 : i32
      %while3A_406 = arith.subi %shift_right_arithmetic3A_56, %while3A_405 : i32
      %while3A_407 = arith.addi %while3A_405, %while3A_406 : i32
      %while3A_408 = arith.constant 1 : i32
      %while3A_409 = arith.divsi %while3A_406, %while3A_408 : i32
      %while3A_410 = arith.muli %while3A_409, %while3A_408 : i32
      %while3A_411 = arith.addi %while3A_405, %while3A_410 : i32
      %while3A_412 = arith.constant 1 : i32
      %while3A_413 = scf.for %while3A_445 = %while3A_405 to %while3A_411 step %while3A_412 iter_args(%while3A_446 = %broadcast_in_dim3A_3) -> (vector<16xi32>)  : i32 {
        %shift_left3A_447 = arith.constant 6 : i32
        %shift_left3A_448 = arith.shli %while3A_445, %shift_left3A_447 : i32
        %get3A = arith.index_cast %shift_left3A_448 : i32 to index
        %get3A_449 = tpu.vector_load %arg7[%get3A] {strides = array<i32>} : memref<4096xi32, #tpu.memory_space<vmem>>, vector<16xi32>,
        %max3A = arith.maxsi %while3A_446, %get3A_449 : vector<16xi32>
        %add3A_450 = arith.constant 16 : i32
        %add3A_451 = arith.addi %shift_left3A_448, %add3A_450 : i32
        %get3A_452 = arith.index_cast %add3A_451 : i32 to index
        %get3A_453 = tpu.vector_load %arg7[%get3A_452] {strides = array<i32>} : memref<4096xi32, #tpu.memory_space<vmem>>, vector<16xi32>,
        %max3A_454 = arith.maxsi %max3A, %get3A_453 : vector<16xi32>
        %add3A_455 = arith.constant 32 : i32
        %add3A_456 = arith.addi %shift_left3A_448, %add3A_455 : i32
        %get3A_457 = arith.index_cast %add3A_456 : i32 to index
        %get3A_458 = tpu.vector_load %arg7[%get3A_457] {strides = array<i32>} : memref<4096xi32, #tpu.memory_space<vmem>>, vector<16xi32>,
        %max3A_459 = arith.maxsi %max3A_454, %get3A_458 : vector<16xi32>
        %add3A_460 = arith.constant 48 : i32
        %add3A_461 = arith.addi %shift_left3A_448, %add3A_460 : i32
        %get3A_462 = arith.index_cast %add3A_461 : i32 to index
        %get3A_463 = tpu.vector_load %arg7[%get3A_462] {strides = array<i32>} : memref<4096xi32, #tpu.memory_space<vmem>>, vector<16xi32>,
        %max3A_464 = arith.maxsi %max3A_459, %get3A_463 : vector<16xi32>
        scf.yield %max3A_464 : vector<16xi32>
      }
      %while3A_414 = arith.constant 1 : i32
      %while3A_415 = scf.for %while3A_445 = %while3A_411 to %while3A_407 step %while3A_414 iter_args(%while3A_446 = %while3A_413) -> (vector<16xi32>)  : i32 {
        %shift_left3A_447 = arith.constant 6 : i32
        %shift_left3A_448 = arith.shli %while3A_445, %shift_left3A_447 : i32
        %get3A = arith.index_cast %shift_left3A_448 : i32 to index
        %get3A_449 = tpu.vector_load %arg7[%get3A] {strides = array<i32>} : memref<4096xi32, #tpu.memory_space<vmem>>, vector<16xi32>,
        %max3A = arith.maxsi %while3A_446, %get3A_449 : vector<16xi32>
        %add3A_450 = arith.constant 16 : i32
        %add3A_451 = arith.addi %shift_left3A_448, %add3A_450 : i32
        %get3A_452 = arith.index_cast %add3A_451 : i32 to index
        %get3A_453 = tpu.vector_load %arg7[%get3A_452] {strides = array<i32>} : memref<4096xi32, #tpu.memory_space<vmem>>, vector<16xi32>,
        %max3A_454 = arith.maxsi %max3A, %get3A_453 : vector<16xi32>
        %add3A_455 = arith.constant 32 : i32
        %add3A_456 = arith.addi %shift_left3A_448, %add3A_455 : i32
        %get3A_457 = arith.index_cast %add3A_456 : i32 to index
        %get3A_458 = tpu.vector_load %arg7[%get3A_457] {strides = array<i32>} : memref<4096xi32, #tpu.memory_space<vmem>>, vector<16xi32>,
        %max3A_459 = arith.maxsi %max3A_454, %get3A_458 : vector<16xi32>
        %add3A_460 = arith.constant 48 : i32
        %add3A_461 = arith.addi %shift_left3A_448, %add3A_460 : i32
        %get3A_462 = arith.index_cast %add3A_461 : i32 to index
        %get3A_463 = tpu.vector_load %arg7[%get3A_462] {strides = array<i32>} : memref<4096xi32, #tpu.memory_space<vmem>>, vector<16xi32>,
        %max3A_464 = arith.maxsi %max3A_459, %get3A_463 : vector<16xi32>
        scf.yield %max3A_464 : vector<16xi32>
      }
      %reduce_max3A_416 = arith.constant true
      %reduce_max3A_417 = vector.broadcast %reduce_max3A_416 : i1 to vector<16xi1>
      %reduce_max3A_418 = arith.constant -2147483648 : i32
      %reduce_max3A_419 = vector.broadcast %reduce_max3A_418 : i32 to vector<16xi32>
      %reduce_max3A_420 = arith.xori %while3A_415, %reduce_max3A_419 : vector<16xi32>
      %reduce_max3A_421 = tpu.scan <max>, %reduce_max3A_420 masked %reduce_max3A_417 : vector<16xi32>, vector<16xi1> -> vector<16xi32>
      %reduce_max3A_422 = arith.xori %reduce_max3A_421, %reduce_max3A_419 : vector<16xi32>
      %reduce_max3A_423 = vector.extract %reduce_max3A_422[15] : i32 from vector<16xi32>
      %while3A_424 = arith.constant 1077411840 : i32
      %while3A_425:2 = scf.while (%while3A_445 = %while3A_424, %while3A_446 = %reduce_max3A_423) : (i32, i32) -> (i32, i32) {
        %lt3A = arith.cmpi slt, %while3A_445, %while3A_446 : i32
        scf.condition(%lt3A) %while3A_445, %while3A_446 : i32, i32
      } do {
      ^bb0(%while3A_445: i32, %while3A_446: i32):
        %sub3A_447 = arith.subi %while3A_446, %while3A_445 : i32
        %add3A_448 = arith.constant 1 : i32
        %add3A_449 = arith.addi %sub3A_447, %add3A_448 : i32
        %shift_right_arithmetic3A_450 = arith.constant 1 : i32
        %shift_right_arithmetic3A_451 = arith.shrsi %add3A_449, %shift_right_arithmetic3A_450 : i32
        %add3A_452 = arith.addi %while3A_445, %shift_right_arithmetic3A_451 : i32
        %while3A_453 = arith.constant 0 : i32
        %while3A_454 = arith.subi %shift_right_arithmetic3A_56, %while3A_453 : i32
        %while3A_455 = arith.addi %while3A_453, %while3A_454 : i32
        %while3A_456 = arith.constant 1 : i32
        %while3A_457 = arith.divsi %while3A_454, %while3A_456 : i32
        %while3A_458 = arith.muli %while3A_457, %while3A_456 : i32
        %while3A_459 = arith.addi %while3A_453, %while3A_458 : i32
        %while3A_460 = arith.constant 1 : i32
        %while3A_461 = scf.for %while3A_473 = %while3A_453 to %while3A_459 step %while3A_460 iter_args(%while3A_474 = %broadcast_in_dim3A_3) -> (vector<16xi32>)  : i32 {
          %shift_left3A_475 = arith.constant 6 : i32
          %shift_left3A_476 = arith.shli %while3A_473, %shift_left3A_475 : i32
          %get3A = arith.index_cast %shift_left3A_476 : i32 to index
          %get3A_477 = tpu.vector_load %arg7[%get3A] {strides = array<i32>} : memref<4096xi32, #tpu.memory_space<vmem>>, vector<16xi32>,
          %ge3A_478 = vector.broadcast %add3A_452 : i32 to vector<16xi32>
          %ge3A_479 = arith.cmpi sge, %get3A_477, %ge3A_478 : vector<16xi32>
          %jit3A = arith.constant 1 : i32
          %jit3A_480 = arith.constant 0 : i32
          %broadcast_in_dim3A_481 = vector.broadcast %jit3A : i32 to vector<16xi32>
          %broadcast_in_dim3A_482 = vector.broadcast %jit3A_480 : i32 to vector<16xi32>
          %select_n3A_483 = arith.select %ge3A_479, %broadcast_in_dim3A_481, %broadcast_in_dim3A_482 : vector<16xi1>, vector<16xi32>
          %add3A_484 = arith.addi %while3A_474, %select_n3A_483 : vector<16xi32>
          %add3A_485 = arith.constant 16 : i32
          %add3A_486 = arith.addi %shift_left3A_476, %add3A_485 : i32
          %get3A_487 = arith.index_cast %add3A_486 : i32 to index
          %get3A_488 = tpu.vector_load %arg7[%get3A_487] {strides = array<i32>} : memref<4096xi32, #tpu.memory_space<vmem>>, vector<16xi32>,
          %ge3A_489 = vector.broadcast %add3A_452 : i32 to vector<16xi32>
          %ge3A_490 = arith.cmpi sge, %get3A_488, %ge3A_489 : vector<16xi32>
          %jit3A_491 = arith.constant 1 : i32
          %jit3A_492 = arith.constant 0 : i32
          %broadcast_in_dim3A_493 = vector.broadcast %jit3A_491 : i32 to vector<16xi32>
          %broadcast_in_dim3A_494 = vector.broadcast %jit3A_492 : i32 to vector<16xi32>
          %select_n3A_495 = arith.select %ge3A_490, %broadcast_in_dim3A_493, %broadcast_in_dim3A_494 : vector<16xi1>, vector<16xi32>
          %add3A_496 = arith.addi %add3A_484, %select_n3A_495 : vector<16xi32>
          %add3A_497 = arith.constant 32 : i32
          %add3A_498 = arith.addi %shift_left3A_476, %add3A_497 : i32
          %get3A_499 = arith.index_cast %add3A_498 : i32 to index
          %get3A_500 = tpu.vector_load %arg7[%get3A_499] {strides = array<i32>} : memref<4096xi32, #tpu.memory_space<vmem>>, vector<16xi32>,
          %ge3A_501 = vector.broadcast %add3A_452 : i32 to vector<16xi32>
          %ge3A_502 = arith.cmpi sge, %get3A_500, %ge3A_501 : vector<16xi32>
          %jit3A_503 = arith.constant 1 : i32
          %jit3A_504 = arith.constant 0 : i32
          %broadcast_in_dim3A_505 = vector.broadcast %jit3A_503 : i32 to vector<16xi32>
          %broadcast_in_dim3A_506 = vector.broadcast %jit3A_504 : i32 to vector<16xi32>
          %select_n3A_507 = arith.select %ge3A_502, %broadcast_in_dim3A_505, %broadcast_in_dim3A_506 : vector<16xi1>, vector<16xi32>
          %add3A_508 = arith.addi %add3A_496, %select_n3A_507 : vector<16xi32>
          %add3A_509 = arith.constant 48 : i32
          %add3A_510 = arith.addi %shift_left3A_476, %add3A_509 : i32
          %get3A_511 = arith.index_cast %add3A_510 : i32 to index
          %get3A_512 = tpu.vector_load %arg7[%get3A_511] {strides = array<i32>} : memref<4096xi32, #tpu.memory_space<vmem>>, vector<16xi32>,
          %ge3A_513 = vector.broadcast %add3A_452 : i32 to vector<16xi32>
          %ge3A_514 = arith.cmpi sge, %get3A_512, %ge3A_513 : vector<16xi32>
          %jit3A_515 = arith.constant 1 : i32
          %jit3A_516 = arith.constant 0 : i32
          %broadcast_in_dim3A_517 = vector.broadcast %jit3A_515 : i32 to vector<16xi32>
          %broadcast_in_dim3A_518 = vector.broadcast %jit3A_516 : i32 to vector<16xi32>
          %select_n3A_519 = arith.select %ge3A_514, %broadcast_in_dim3A_517, %broadcast_in_dim3A_518 : vector<16xi1>, vector<16xi32>
          %add3A_520 = arith.addi %add3A_508, %select_n3A_519 : vector<16xi32>
          scf.yield %add3A_520 : vector<16xi32>
        }
        %while3A_462 = arith.constant 1 : i32
        %while3A_463 = scf.for %while3A_473 = %while3A_459 to %while3A_455 step %while3A_462 iter_args(%while3A_474 = %while3A_461) -> (vector<16xi32>)  : i32 {
          %shift_left3A_475 = arith.constant 6 : i32
          %shift_left3A_476 = arith.shli %while3A_473, %shift_left3A_475 : i32
          %get3A = arith.index_cast %shift_left3A_476 : i32 to index
          %get3A_477 = tpu.vector_load %arg7[%get3A] {strides = array<i32>} : memref<4096xi32, #tpu.memory_space<vmem>>, vector<16xi32>,
          %ge3A_478 = vector.broadcast %add3A_452 : i32 to vector<16xi32>
          %ge3A_479 = arith.cmpi sge, %get3A_477, %ge3A_478 : vector<16xi32>
          %jit3A = arith.constant 1 : i32
          %jit3A_480 = arith.constant 0 : i32
          %broadcast_in_dim3A_481 = vector.broadcast %jit3A : i32 to vector<16xi32>
          %broadcast_in_dim3A_482 = vector.broadcast %jit3A_480 : i32 to vector<16xi32>
          %select_n3A_483 = arith.select %ge3A_479, %broadcast_in_dim3A_481, %broadcast_in_dim3A_482 : vector<16xi1>, vector<16xi32>
          %add3A_484 = arith.addi %while3A_474, %select_n3A_483 : vector<16xi32>
          %add3A_485 = arith.constant 16 : i32
          %add3A_486 = arith.addi %shift_left3A_476, %add3A_485 : i32
          %get3A_487 = arith.index_cast %add3A_486 : i32 to index
          %get3A_488 = tpu.vector_load %arg7[%get3A_487] {strides = array<i32>} : memref<4096xi32, #tpu.memory_space<vmem>>, vector<16xi32>,
          %ge3A_489 = vector.broadcast %add3A_452 : i32 to vector<16xi32>
          %ge3A_490 = arith.cmpi sge, %get3A_488, %ge3A_489 : vector<16xi32>
          %jit3A_491 = arith.constant 1 : i32
          %jit3A_492 = arith.constant 0 : i32
          %broadcast_in_dim3A_493 = vector.broadcast %jit3A_491 : i32 to vector<16xi32>
          %broadcast_in_dim3A_494 = vector.broadcast %jit3A_492 : i32 to vector<16xi32>
          %select_n3A_495 = arith.select %ge3A_490, %broadcast_in_dim3A_493, %broadcast_in_dim3A_494 : vector<16xi1>, vector<16xi32>
          %add3A_496 = arith.addi %add3A_484, %select_n3A_495 : vector<16xi32>
          %add3A_497 = arith.constant 32 : i32
          %add3A_498 = arith.addi %shift_left3A_476, %add3A_497 : i32
          %get3A_499 = arith.index_cast %add3A_498 : i32 to index
          %get3A_500 = tpu.vector_load %arg7[%get3A_499] {strides = array<i32>} : memref<4096xi32, #tpu.memory_space<vmem>>, vector<16xi32>,
          %ge3A_501 = vector.broadcast %add3A_452 : i32 to vector<16xi32>
          %ge3A_502 = arith.cmpi sge, %get3A_500, %ge3A_501 : vector<16xi32>
          %jit3A_503 = arith.constant 1 : i32
          %jit3A_504 = arith.constant 0 : i32
          %broadcast_in_dim3A_505 = vector.broadcast %jit3A_503 : i32 to vector<16xi32>
          %broadcast_in_dim3A_506 = vector.broadcast %jit3A_504 : i32 to vector<16xi32>
          %select_n3A_507 = arith.select %ge3A_502, %broadcast_in_dim3A_505, %broadcast_in_dim3A_506 : vector<16xi1>, vector<16xi32>
          %add3A_508 = arith.addi %add3A_496, %select_n3A_507 : vector<16xi32>
          %add3A_509 = arith.constant 48 : i32
          %add3A_510 = arith.addi %shift_left3A_476, %add3A_509 : i32
          %get3A_511 = arith.index_cast %add3A_510 : i32 to index
          %get3A_512 = tpu.vector_load %arg7[%get3A_511] {strides = array<i32>} : memref<4096xi32, #tpu.memory_space<vmem>>, vector<16xi32>,
          %ge3A_513 = vector.broadcast %add3A_452 : i32 to vector<16xi32>
          %ge3A_514 = arith.cmpi sge, %get3A_512, %ge3A_513 : vector<16xi32>
          %jit3A_515 = arith.constant 1 : i32
          %jit3A_516 = arith.constant 0 : i32
          %broadcast_in_dim3A_517 = vector.broadcast %jit3A_515 : i32 to vector<16xi32>
          %broadcast_in_dim3A_518 = vector.broadcast %jit3A_516 : i32 to vector<16xi32>
          %select_n3A_519 = arith.select %ge3A_514, %broadcast_in_dim3A_517, %broadcast_in_dim3A_518 : vector<16xi1>, vector<16xi32>
          %add3A_520 = arith.addi %add3A_508, %select_n3A_519 : vector<16xi32>
          scf.yield %add3A_520 : vector<16xi32>
        }
        %reduce_sum3A_464 = arith.constant true
        %reduce_sum3A_465 = vector.broadcast %reduce_sum3A_464 : i1 to vector<16xi1>
        %reduce_sum3A_466 = tpu.scan <sum>, %while3A_463 masked %reduce_sum3A_465 : vector<16xi32>, vector<16xi1> -> vector<16xi32>
        %reduce_sum3A_467 = vector.extract %reduce_sum3A_466[15] : i32 from vector<16xi32>
        %ge3A_468 = arith.constant 64 : i32
        %ge3A_469 = arith.cmpi sge, %reduce_sum3A_467, %ge3A_468 : i32
        %select_n3A = arith.select %ge3A_469, %add3A_452, %while3A_445 : i32
        %sub3A_470 = arith.constant 1 : i32
        %sub3A_471 = arith.subi %add3A_452, %sub3A_470 : i32
        %select_n3A_472 = arith.select %ge3A_469, %while3A_446, %sub3A_471 : i32
        scf.yield %select_n3A, %select_n3A_472 : i32, i32
      }
      %while3A_426 = arith.constant 0 : i32
      %while3A_427 = arith.subi %shift_right_arithmetic3A_56, %while3A_426 : i32
      %while3A_428 = arith.addi %while3A_426, %while3A_427 : i32
      %while3A_429 = arith.constant 1 : i32
      %while3A_430 = arith.divsi %while3A_427, %while3A_429 : i32
      %while3A_431 = arith.muli %while3A_430, %while3A_429 : i32
      %while3A_432 = arith.addi %while3A_426, %while3A_431 : i32
      %while3A_433 = arith.constant 1 : i32
      %while3A_434:2 = scf.for %while3A_445 = %while3A_426 to %while3A_432 step %while3A_433 iter_args(%while3A_446 = %broadcast_in_dim3A_3, %while3A_447 = %broadcast_in_dim3A_3) -> (vector<16xi32>, vector<16xi32>)  : i32 {
        %shift_left3A_448 = arith.constant 6 : i32
        %shift_left3A_449 = arith.shli %while3A_445, %shift_left3A_448 : i32
        %add3A_450 = arith.constant 0 : i32
        %add3A_451 = arith.addi %shift_left3A_449, %add3A_450 : i32
        %get3A = arith.index_cast %add3A_451 : i32 to index
        %get3A_452 = tpu.vector_load %arg7[%get3A] {strides = array<i32>} : memref<4096xi32, #tpu.memory_space<vmem>>, vector<16xi32>,
        %ge3A_453 = vector.broadcast %while3A_425#0 : i32 to vector<16xi32>
        %ge3A_454 = arith.cmpi sge, %get3A_452, %ge3A_453 : vector<16xi32>
        %jit3A = arith.constant 1 : i32
        %jit3A_455 = arith.constant 0 : i32
        %broadcast_in_dim3A_456 = vector.broadcast %jit3A : i32 to vector<16xi32>
        %broadcast_in_dim3A_457 = vector.broadcast %jit3A_455 : i32 to vector<16xi32>
        %select_n3A = arith.select %ge3A_454, %broadcast_in_dim3A_456, %broadcast_in_dim3A_457 : vector<16xi1>, vector<16xi32>
        %add3A_458 = arith.addi %while3A_446, %select_n3A : vector<16xi32>
        %eq3A = vector.broadcast %while3A_425#0 : i32 to vector<16xi32>
        %eq3A_459 = arith.cmpi eq, %get3A_452, %eq3A : vector<16xi32>
        %jit3A_460 = arith.constant 1 : i32
        %jit3A_461 = arith.constant 0 : i32
        %broadcast_in_dim3A_462 = vector.broadcast %jit3A_460 : i32 to vector<16xi32>
        %broadcast_in_dim3A_463 = vector.broadcast %jit3A_461 : i32 to vector<16xi32>
        %select_n3A_464 = arith.select %eq3A_459, %broadcast_in_dim3A_462, %broadcast_in_dim3A_463 : vector<16xi1>, vector<16xi32>
        %add3A_465 = arith.addi %while3A_447, %select_n3A_464 : vector<16xi32>
        %add3A_466 = arith.constant 16 : i32
        %add3A_467 = arith.addi %shift_left3A_449, %add3A_466 : i32
        %get3A_468 = arith.index_cast %add3A_467 : i32 to index
        %get3A_469 = tpu.vector_load %arg7[%get3A_468] {strides = array<i32>} : memref<4096xi32, #tpu.memory_space<vmem>>, vector<16xi32>,
        %ge3A_470 = vector.broadcast %while3A_425#0 : i32 to vector<16xi32>
        %ge3A_471 = arith.cmpi sge, %get3A_469, %ge3A_470 : vector<16xi32>
        %jit3A_472 = arith.constant 1 : i32
        %jit3A_473 = arith.constant 0 : i32
        %broadcast_in_dim3A_474 = vector.broadcast %jit3A_472 : i32 to vector<16xi32>
        %broadcast_in_dim3A_475 = vector.broadcast %jit3A_473 : i32 to vector<16xi32>
        %select_n3A_476 = arith.select %ge3A_471, %broadcast_in_dim3A_474, %broadcast_in_dim3A_475 : vector<16xi1>, vector<16xi32>
        %add3A_477 = arith.addi %add3A_458, %select_n3A_476 : vector<16xi32>
        %eq3A_478 = vector.broadcast %while3A_425#0 : i32 to vector<16xi32>
        %eq3A_479 = arith.cmpi eq, %get3A_469, %eq3A_478 : vector<16xi32>
        %jit3A_480 = arith.constant 1 : i32
        %jit3A_481 = arith.constant 0 : i32
        %broadcast_in_dim3A_482 = vector.broadcast %jit3A_480 : i32 to vector<16xi32>
        %broadcast_in_dim3A_483 = vector.broadcast %jit3A_481 : i32 to vector<16xi32>
        %select_n3A_484 = arith.select %eq3A_479, %broadcast_in_dim3A_482, %broadcast_in_dim3A_483 : vector<16xi1>, vector<16xi32>
        %add3A_485 = arith.addi %add3A_465, %select_n3A_484 : vector<16xi32>
        %add3A_486 = arith.constant 32 : i32
        %add3A_487 = arith.addi %shift_left3A_449, %add3A_486 : i32
        %get3A_488 = arith.index_cast %add3A_487 : i32 to index
        %get3A_489 = tpu.vector_load %arg7[%get3A_488] {strides = array<i32>} : memref<4096xi32, #tpu.memory_space<vmem>>, vector<16xi32>,
        %ge3A_490 = vector.broadcast %while3A_425#0 : i32 to vector<16xi32>
        %ge3A_491 = arith.cmpi sge, %get3A_489, %ge3A_490 : vector<16xi32>
        %jit3A_492 = arith.constant 1 : i32
        %jit3A_493 = arith.constant 0 : i32
        %broadcast_in_dim3A_494 = vector.broadcast %jit3A_492 : i32 to vector<16xi32>
        %broadcast_in_dim3A_495 = vector.broadcast %jit3A_493 : i32 to vector<16xi32>
        %select_n3A_496 = arith.select %ge3A_491, %broadcast_in_dim3A_494, %broadcast_in_dim3A_495 : vector<16xi1>, vector<16xi32>
        %add3A_497 = arith.addi %add3A_477, %select_n3A_496 : vector<16xi32>
        %eq3A_498 = vector.broadcast %while3A_425#0 : i32 to vector<16xi32>
        %eq3A_499 = arith.cmpi eq, %get3A_489, %eq3A_498 : vector<16xi32>
        %jit3A_500 = arith.constant 1 : i32
        %jit3A_501 = arith.constant 0 : i32
        %broadcast_in_dim3A_502 = vector.broadcast %jit3A_500 : i32 to vector<16xi32>
        %broadcast_in_dim3A_503 = vector.broadcast %jit3A_501 : i32 to vector<16xi32>
        %select_n3A_504 = arith.select %eq3A_499, %broadcast_in_dim3A_502, %broadcast_in_dim3A_503 : vector<16xi1>, vector<16xi32>
        %add3A_505 = arith.addi %add3A_485, %select_n3A_504 : vector<16xi32>
        %add3A_506 = arith.constant 48 : i32
        %add3A_507 = arith.addi %shift_left3A_449, %add3A_506 : i32
        %get3A_508 = arith.index_cast %add3A_507 : i32 to index
        %get3A_509 = tpu.vector_load %arg7[%get3A_508] {strides = array<i32>} : memref<4096xi32, #tpu.memory_space<vmem>>, vector<16xi32>,
        %ge3A_510 = vector.broadcast %while3A_425#0 : i32 to vector<16xi32>
        %ge3A_511 = arith.cmpi sge, %get3A_509, %ge3A_510 : vector<16xi32>
        %jit3A_512 = arith.constant 1 : i32
        %jit3A_513 = arith.constant 0 : i32
        %broadcast_in_dim3A_514 = vector.broadcast %jit3A_512 : i32 to vector<16xi32>
        %broadcast_in_dim3A_515 = vector.broadcast %jit3A_513 : i32 to vector<16xi32>
        %select_n3A_516 = arith.select %ge3A_511, %broadcast_in_dim3A_514, %broadcast_in_dim3A_515 : vector<16xi1>, vector<16xi32>
        %add3A_517 = arith.addi %add3A_497, %select_n3A_516 : vector<16xi32>
        %eq3A_518 = vector.broadcast %while3A_425#0 : i32 to vector<16xi32>
        %eq3A_519 = arith.cmpi eq, %get3A_509, %eq3A_518 : vector<16xi32>
        %jit3A_520 = arith.constant 1 : i32
        %jit3A_521 = arith.constant 0 : i32
        %broadcast_in_dim3A_522 = vector.broadcast %jit3A_520 : i32 to vector<16xi32>
        %broadcast_in_dim3A_523 = vector.broadcast %jit3A_521 : i32 to vector<16xi32>
        %select_n3A_524 = arith.select %eq3A_519, %broadcast_in_dim3A_522, %broadcast_in_dim3A_523 : vector<16xi1>, vector<16xi32>
        %add3A_525 = arith.addi %add3A_505, %select_n3A_524 : vector<16xi32>
        scf.yield %add3A_517, %add3A_525 : vector<16xi32>, vector<16xi32>
      }
      %while3A_435 = arith.constant 1 : i32
      %while3A_436:2 = scf.for %while3A_445 = %while3A_432 to %while3A_428 step %while3A_435 iter_args(%while3A_446 = %while3A_434#0, %while3A_447 = %while3A_434#1) -> (vector<16xi32>, vector<16xi32>)  : i32 {
        %shift_left3A_448 = arith.constant 6 : i32
        %shift_left3A_449 = arith.shli %while3A_445, %shift_left3A_448 : i32
        %add3A_450 = arith.constant 0 : i32
        %add3A_451 = arith.addi %shift_left3A_449, %add3A_450 : i32
        %get3A = arith.index_cast %add3A_451 : i32 to index
        %get3A_452 = tpu.vector_load %arg7[%get3A] {strides = array<i32>} : memref<4096xi32, #tpu.memory_space<vmem>>, vector<16xi32>,
        %ge3A_453 = vector.broadcast %while3A_425#0 : i32 to vector<16xi32>
        %ge3A_454 = arith.cmpi sge, %get3A_452, %ge3A_453 : vector<16xi32>
        %jit3A = arith.constant 1 : i32
        %jit3A_455 = arith.constant 0 : i32
        %broadcast_in_dim3A_456 = vector.broadcast %jit3A : i32 to vector<16xi32>
        %broadcast_in_dim3A_457 = vector.broadcast %jit3A_455 : i32 to vector<16xi32>
        %select_n3A = arith.select %ge3A_454, %broadcast_in_dim3A_456, %broadcast_in_dim3A_457 : vector<16xi1>, vector<16xi32>
        %add3A_458 = arith.addi %while3A_446, %select_n3A : vector<16xi32>
        %eq3A = vector.broadcast %while3A_425#0 : i32 to vector<16xi32>
        %eq3A_459 = arith.cmpi eq, %get3A_452, %eq3A : vector<16xi32>
        %jit3A_460 = arith.constant 1 : i32
        %jit3A_461 = arith.constant 0 : i32
        %broadcast_in_dim3A_462 = vector.broadcast %jit3A_460 : i32 to vector<16xi32>
        %broadcast_in_dim3A_463 = vector.broadcast %jit3A_461 : i32 to vector<16xi32>
        %select_n3A_464 = arith.select %eq3A_459, %broadcast_in_dim3A_462, %broadcast_in_dim3A_463 : vector<16xi1>, vector<16xi32>
        %add3A_465 = arith.addi %while3A_447, %select_n3A_464 : vector<16xi32>
        %add3A_466 = arith.constant 16 : i32
        %add3A_467 = arith.addi %shift_left3A_449, %add3A_466 : i32
        %get3A_468 = arith.index_cast %add3A_467 : i32 to index
        %get3A_469 = tpu.vector_load %arg7[%get3A_468] {strides = array<i32>} : memref<4096xi32, #tpu.memory_space<vmem>>, vector<16xi32>,
        %ge3A_470 = vector.broadcast %while3A_425#0 : i32 to vector<16xi32>
        %ge3A_471 = arith.cmpi sge, %get3A_469, %ge3A_470 : vector<16xi32>
        %jit3A_472 = arith.constant 1 : i32
        %jit3A_473 = arith.constant 0 : i32
        %broadcast_in_dim3A_474 = vector.broadcast %jit3A_472 : i32 to vector<16xi32>
        %broadcast_in_dim3A_475 = vector.broadcast %jit3A_473 : i32 to vector<16xi32>
        %select_n3A_476 = arith.select %ge3A_471, %broadcast_in_dim3A_474, %broadcast_in_dim3A_475 : vector<16xi1>, vector<16xi32>
        %add3A_477 = arith.addi %add3A_458, %select_n3A_476 : vector<16xi32>
        %eq3A_478 = vector.broadcast %while3A_425#0 : i32 to vector<16xi32>
        %eq3A_479 = arith.cmpi eq, %get3A_469, %eq3A_478 : vector<16xi32>
        %jit3A_480 = arith.constant 1 : i32
        %jit3A_481 = arith.constant 0 : i32
        %broadcast_in_dim3A_482 = vector.broadcast %jit3A_480 : i32 to vector<16xi32>
        %broadcast_in_dim3A_483 = vector.broadcast %jit3A_481 : i32 to vector<16xi32>
        %select_n3A_484 = arith.select %eq3A_479, %broadcast_in_dim3A_482, %broadcast_in_dim3A_483 : vector<16xi1>, vector<16xi32>
        %add3A_485 = arith.addi %add3A_465, %select_n3A_484 : vector<16xi32>
        %add3A_486 = arith.constant 32 : i32
        %add3A_487 = arith.addi %shift_left3A_449, %add3A_486 : i32
        %get3A_488 = arith.index_cast %add3A_487 : i32 to index
        %get3A_489 = tpu.vector_load %arg7[%get3A_488] {strides = array<i32>} : memref<4096xi32, #tpu.memory_space<vmem>>, vector<16xi32>,
        %ge3A_490 = vector.broadcast %while3A_425#0 : i32 to vector<16xi32>
        %ge3A_491 = arith.cmpi sge, %get3A_489, %ge3A_490 : vector<16xi32>
        %jit3A_492 = arith.constant 1 : i32
        %jit3A_493 = arith.constant 0 : i32
        %broadcast_in_dim3A_494 = vector.broadcast %jit3A_492 : i32 to vector<16xi32>
        %broadcast_in_dim3A_495 = vector.broadcast %jit3A_493 : i32 to vector<16xi32>
        %select_n3A_496 = arith.select %ge3A_491, %broadcast_in_dim3A_494, %broadcast_in_dim3A_495 : vector<16xi1>, vector<16xi32>
        %add3A_497 = arith.addi %add3A_477, %select_n3A_496 : vector<16xi32>
        %eq3A_498 = vector.broadcast %while3A_425#0 : i32 to vector<16xi32>
        %eq3A_499 = arith.cmpi eq, %get3A_489, %eq3A_498 : vector<16xi32>
        %jit3A_500 = arith.constant 1 : i32
        %jit3A_501 = arith.constant 0 : i32
        %broadcast_in_dim3A_502 = vector.broadcast %jit3A_500 : i32 to vector<16xi32>
        %broadcast_in_dim3A_503 = vector.broadcast %jit3A_501 : i32 to vector<16xi32>
        %select_n3A_504 = arith.select %eq3A_499, %broadcast_in_dim3A_502, %broadcast_in_dim3A_503 : vector<16xi1>, vector<16xi32>
        %add3A_505 = arith.addi %add3A_485, %select_n3A_504 : vector<16xi32>
        %add3A_506 = arith.constant 48 : i32
        %add3A_507 = arith.addi %shift_left3A_449, %add3A_506 : i32
        %get3A_508 = arith.index_cast %add3A_507 : i32 to index
        %get3A_509 = tpu.vector_load %arg7[%get3A_508] {strides = array<i32>} : memref<4096xi32, #tpu.memory_space<vmem>>, vector<16xi32>,
        %ge3A_510 = vector.broadcast %while3A_425#0 : i32 to vector<16xi32>
        %ge3A_511 = arith.cmpi sge, %get3A_509, %ge3A_510 : vector<16xi32>
        %jit3A_512 = arith.constant 1 : i32
        %jit3A_513 = arith.constant 0 : i32
        %broadcast_in_dim3A_514 = vector.broadcast %jit3A_512 : i32 to vector<16xi32>
        %broadcast_in_dim3A_515 = vector.broadcast %jit3A_513 : i32 to vector<16xi32>
        %select_n3A_516 = arith.select %ge3A_511, %broadcast_in_dim3A_514, %broadcast_in_dim3A_515 : vector<16xi1>, vector<16xi32>
        %add3A_517 = arith.addi %add3A_497, %select_n3A_516 : vector<16xi32>
        %eq3A_518 = vector.broadcast %while3A_425#0 : i32 to vector<16xi32>
        %eq3A_519 = arith.cmpi eq, %get3A_509, %eq3A_518 : vector<16xi32>
        %jit3A_520 = arith.constant 1 : i32
        %jit3A_521 = arith.constant 0 : i32
        %broadcast_in_dim3A_522 = vector.broadcast %jit3A_520 : i32 to vector<16xi32>
        %broadcast_in_dim3A_523 = vector.broadcast %jit3A_521 : i32 to vector<16xi32>
        %select_n3A_524 = arith.select %eq3A_519, %broadcast_in_dim3A_522, %broadcast_in_dim3A_523 : vector<16xi1>, vector<16xi32>
        %add3A_525 = arith.addi %add3A_505, %select_n3A_524 : vector<16xi32>
        scf.yield %add3A_517, %add3A_525 : vector<16xi32>, vector<16xi32>
      }
      %reduce_sum3A_437 = arith.constant true
      %reduce_sum3A_438 = vector.broadcast %reduce_sum3A_437 : i1 to vector<16xi1>
      %reduce_sum3A_439 = tpu.scan <sum>, %while3A_436#0 masked %reduce_sum3A_438 : vector<16xi32>, vector<16xi1> -> vector<16xi32>
      %reduce_sum3A_440 = vector.extract %reduce_sum3A_439[15] : i32 from vector<16xi32>
      %reduce_sum3A_441 = arith.constant true
      %reduce_sum3A_442 = vector.broadcast %reduce_sum3A_441 : i1 to vector<16xi1>
      %reduce_sum3A_443 = tpu.scan <sum>, %while3A_436#1 masked %reduce_sum3A_442 : vector<16xi32>, vector<16xi1> -> vector<16xi32>
      %reduce_sum3A_444 = vector.extract %reduce_sum3A_443[15] : i32 from vector<16xi32>
      scf.yield %while3A_425#0, %reduce_sum3A_440, %reduce_sum3A_444 : i32, i32, i32
    } else {
      %parallel_loop3A_405 = arith.constant 0 : i32
      %parallel_loop3A_406 = arith.constant 16384 : i32
      %parallel_loop3A_407 = arith.constant 16 : i32
      scf.for %parallel_loop3A_481 = %parallel_loop3A_405 to %parallel_loop3A_406 step %parallel_loop3A_407  : i32 {
        %parallel_loop3A_482 = arith.index_cast %parallel_loop3A_481 : i32 to index
        %parallel_loop3A_483 = tpu.vector_load %arg6[%parallel_loop3A_482] {strides = array<i32>} : memref<16384xi32, #tpu.memory_space<vmem>>, vector<16xi32>,
        tpu.vector_store %arg6[%parallel_loop3A_482], %broadcast_in_dim3A_3 {strides = array<i32>} : memref<16384xi32, #tpu.memory_space<vmem>>, vector<16xi32>,
      } {sc.loop_unroll_factor = 8 : i64, sc.parallel_access}
      %parallel_loop3A_408 = arith.constant 0 : i32
      %parallel_loop3A_409 = arith.constant 32768 : i32
      %parallel_loop3A_410 = arith.constant 16 : i32
      %parallel_loop3A_411 = scf.for %parallel_loop3A_481 = %parallel_loop3A_408 to %parallel_loop3A_409 step %parallel_loop3A_410 iter_args(%parallel_loop3A_482 = %broadcast_in_dim3A_3) -> (vector<16xi32>)  : i32 {
        %parallel_loop3A_483 = arith.index_cast %parallel_loop3A_481 : i32 to index
        %parallel_loop3A_484 = tpu.vector_load %arg4[%parallel_loop3A_483] {strides = array<i32>} : memref<32768xf32, #tpu.memory_space<vmem>>, vector<16xf32>,
        %parallel_loop3A_485 = vector.bitcast %parallel_loop3A_484 : vector<16xf32> to vector<16xi32>
        %parallel_loop3A_486 = arith.constant 2147483647 : i32
        %parallel_loop3A_487 = vector.broadcast %parallel_loop3A_486 : i32 to vector<16xi32>
        %parallel_loop3A_488 = arith.andi %parallel_loop3A_485, %parallel_loop3A_487 : vector<16xi32>
        %parallel_loop3A_489 = arith.constant 21 : i32
        %parallel_loop3A_490 = vector.broadcast %parallel_loop3A_489 : i32 to vector<16xi32>
        %parallel_loop3A_491 = arith.shrsi %parallel_loop3A_488, %parallel_loop3A_490 : vector<16xi32>
        %parallel_loop3A_492 = arith.constant 4 : i32
        %parallel_loop3A_493 = vector.broadcast %parallel_loop3A_492 : i32 to vector<16xi32>
        %parallel_loop3A_494 = arith.shli %parallel_loop3A_491, %parallel_loop3A_493 : vector<16xi32>
        %parallel_loop3A_495 = arith.ori %parallel_loop3A_494, %iota3A : vector<16xi32>
        tpu.vector_store_idx %arg6[%parallel_loop3A_495], %broadcast_in_dim3A_1 {add = true} : memref<16384xi32, #tpu.memory_space<vmem>>[vector<16xi32>], vector<16xi32>,
        %parallel_loop3A_496 = arith.maxsi %parallel_loop3A_482, %parallel_loop3A_488 : vector<16xi32>
        scf.yield %parallel_loop3A_496 : vector<16xi32>
      } {sc.loop_unroll_factor = 8 : i64, sc.parallel_access}
      %reduce_max3A_412 = arith.constant true
      %reduce_max3A_413 = vector.broadcast %reduce_max3A_412 : i1 to vector<16xi1>
      %reduce_max3A_414 = arith.constant -2147483648 : i32
      %reduce_max3A_415 = vector.broadcast %reduce_max3A_414 : i32 to vector<16xi32>
      %reduce_max3A_416 = arith.xori %parallel_loop3A_411, %reduce_max3A_415 : vector<16xi32>
      %reduce_max3A_417 = tpu.scan <max>, %reduce_max3A_416 masked %reduce_max3A_413 : vector<16xi32>, vector<16xi1> -> vector<16xi32>
      %reduce_max3A_418 = arith.xori %reduce_max3A_417, %reduce_max3A_415 : vector<16xi32>
      %reduce_max3A_419 = vector.extract %reduce_max3A_418[15] : i32 from vector<16xi32>
      %shift_right_arithmetic3A_420 = arith.constant 21 : i32
      %shift_right_arithmetic3A_421 = arith.shrsi %reduce_max3A_419, %shift_right_arithmetic3A_420 : i32
      %while3A_422 = arith.constant 0 : i32
      %while3A_423 = arith.constant 0 : i32
      %while3A_424:3 = scf.while (%while3A_481 = %shift_right_arithmetic3A_421, %while3A_482 = %while3A_422, %while3A_483 = %while3A_423) : (i32, i32, i32) -> (i32, i32, i32) {
        %lt3A = arith.constant 64 : i32
        %lt3A_484 = arith.cmpi slt, %while3A_482, %lt3A : i32
        %ge3A_485 = arith.constant 0 : i32
        %ge3A_486 = arith.cmpi sge, %while3A_481, %ge3A_485 : i32
        %and3A_487 = arith.andi %lt3A_484, %ge3A_486 : i1
        scf.condition(%and3A_487) %while3A_481, %while3A_482, %while3A_483 : i32, i32, i32
      } do {
      ^bb0(%while3A_481: i32, %while3A_482: i32, %while3A_483: i32):
        %mul3A_484 = arith.constant 16 : i32
        %mul3A_485 = arith.muli %while3A_481, %mul3A_484 : i32
        %get3A = arith.index_cast %mul3A_485 : i32 to index
        %get3A_486 = tpu.vector_load %arg6[%get3A] {strides = array<i32>} : memref<16384xi32, #tpu.memory_space<vmem>>, vector<16xi32>,
        %reduce_sum3A_487 = arith.constant true
        %reduce_sum3A_488 = vector.broadcast %reduce_sum3A_487 : i1 to vector<16xi1>
        %reduce_sum3A_489 = tpu.scan <sum>, %get3A_486 masked %reduce_sum3A_488 : vector<16xi32>, vector<16xi1> -> vector<16xi32>
        %reduce_sum3A_490 = vector.extract %reduce_sum3A_489[15] : i32 from vector<16xi32>
        %sub3A_491 = arith.constant 1 : i32
        %sub3A_492 = arith.subi %while3A_481, %sub3A_491 : i32
        %add3A_493 = arith.addi %while3A_482, %reduce_sum3A_490 : i32
        scf.yield %sub3A_492, %add3A_493, %reduce_sum3A_490 : i32, i32, i32
      }
      %add3A_425 = arith.constant 1 : i32
      %add3A_426 = arith.addi %while3A_424#0, %add3A_425 : i32
      %sub3A_427 = arith.subi %while3A_424#1, %while3A_424#2 : i32
      %sub3A_428 = arith.constant 64 : i32
      %sub3A_429 = arith.subi %sub3A_428, %sub3A_427 : i32
      %shift_left3A_430 = arith.constant 21 : i32
      %shift_left3A_431 = arith.shli %add3A_426, %shift_left3A_430 : i32
      %parallel_loop3A_432 = arith.constant 0 : i32
      %parallel_loop3A_433 = arith.constant 32768 : i32
      %parallel_loop3A_434 = arith.constant 16 : i32
      %parallel_loop3A_435 = scf.for %parallel_loop3A_481 = %parallel_loop3A_432 to %parallel_loop3A_433 step %parallel_loop3A_434 iter_args(%parallel_loop3A_482 = %iota3A) -> (vector<16xi32>)  : i32 {
        %parallel_loop3A_483 = arith.index_cast %parallel_loop3A_481 : i32 to index
        %parallel_loop3A_484 = tpu.vector_load %arg4[%parallel_loop3A_483] {strides = array<i32>} : memref<32768xf32, #tpu.memory_space<vmem>>, vector<16xf32>,
        %parallel_loop3A_485 = vector.bitcast %parallel_loop3A_484 : vector<16xf32> to vector<16xi32>
        %parallel_loop3A_486 = arith.constant 2147483647 : i32
        %parallel_loop3A_487 = vector.broadcast %parallel_loop3A_486 : i32 to vector<16xi32>
        %parallel_loop3A_488 = arith.andi %parallel_loop3A_485, %parallel_loop3A_487 : vector<16xi32>
        %parallel_loop3A_489 = vector.broadcast %shift_left3A_431 : i32 to vector<16xi32>
        %parallel_loop3A_490 = arith.subi %parallel_loop3A_488, %parallel_loop3A_489 : vector<16xi32>
        %parallel_loop3A_491 = vector.bitcast %parallel_loop3A_490 : vector<16xi32> to vector<16xi32>
        %parallel_loop3A_492 = arith.constant 2097152 : i32
        %parallel_loop3A_493 = vector.broadcast %parallel_loop3A_492 : i32 to vector<16xi32>
        %parallel_loop3A_494 = arith.cmpi ult, %parallel_loop3A_491, %parallel_loop3A_493 : vector<16xi32>
        %parallel_loop3A_495 = arith.constant 4095 : i32
        %parallel_loop3A_496 = vector.broadcast %parallel_loop3A_495 : i32 to vector<16xi32>
        %parallel_loop3A_497 = arith.andi %parallel_loop3A_482, %parallel_loop3A_496 : vector<16xi32>
        tpu.vector_store_idx %arg7[%parallel_loop3A_497], %parallel_loop3A_488 masked %parallel_loop3A_494 : memref<4096xi32, #tpu.memory_space<vmem>>[vector<16xi32>], vector<16xi32>, vector<16xi1>
        %parallel_loop3A_498 = arith.constant 16 : i32
        %parallel_loop3A_499 = arith.constant 0 : i32
        %parallel_loop3A_500 = vector.broadcast %parallel_loop3A_498 : i32 to vector<16xi32>
        %parallel_loop3A_501 = vector.broadcast %parallel_loop3A_499 : i32 to vector<16xi32>
        %parallel_loop3A_502 = arith.select %parallel_loop3A_494, %parallel_loop3A_500, %parallel_loop3A_501 : vector<16xi1>, vector<16xi32>
        %parallel_loop3A_503 = arith.addi %parallel_loop3A_482, %parallel_loop3A_502 : vector<16xi32>
        scf.yield %parallel_loop3A_503 : vector<16xi32>
      } {sc.loop_unroll_factor = 8 : i64, sc.parallel_access}
      %sub3A_436 = arith.subi %parallel_loop3A_435, %iota3A : vector<16xi32>
      %shift_right_arithmetic3A_437 = arith.constant 4 : i32
      %shift_right_arithmetic3A_438 = vector.broadcast %shift_right_arithmetic3A_437 : i32 to vector<16xi32>
      %shift_right_arithmetic3A_439 = arith.shrsi %sub3A_436, %shift_right_arithmetic3A_438 : vector<16xi32>
      %add3A_440 = arith.constant 2097152 : i32
      %add3A_441 = arith.addi %shift_left3A_431, %add3A_440 : i32
      %sub3A_442 = arith.constant 1 : i32
      %sub3A_443 = arith.subi %add3A_441, %sub3A_442 : i32
      %sub3A_444 = arith.constant 64 : i32
      %sub3A_445 = arith.subi %sub3A_444, %sub3A_429 : i32
      %reduce_max3A_446 = arith.constant true
      %reduce_max3A_447 = vector.broadcast %reduce_max3A_446 : i1 to vector<16xi1>
      %reduce_max3A_448 = arith.constant -2147483648 : i32
      %reduce_max3A_449 = vector.broadcast %reduce_max3A_448 : i32 to vector<16xi32>
      %reduce_max3A_450 = arith.xori %shift_right_arithmetic3A_439, %reduce_max3A_449 : vector<16xi32>
      %reduce_max3A_451 = tpu.scan <max>, %reduce_max3A_450 masked %reduce_max3A_447 : vector<16xi32>, vector<16xi1> -> vector<16xi32>
      %reduce_max3A_452 = arith.xori %reduce_max3A_451, %reduce_max3A_449 : vector<16xi32>
      %reduce_max3A_453 = vector.extract %reduce_max3A_452[15] : i32 from vector<16xi32>
      %min3A_454 = arith.constant 256 : i32
      %min3A_455 = arith.minsi %reduce_max3A_453, %min3A_454 : i32
      %scan3A = arith.constant 0 : i32
      %scan3A_456 = arith.constant 21 : i32
      %scan3A_457 = arith.addi %scan3A, %scan3A_456 : i32
      %scan3A_458 = arith.constant 1 : i32
      %scan3A_459:2 = scf.for %scan3A_481 = %scan3A to %scan3A_457 step %scan3A_458 iter_args(%scan3A_482 = %shift_left3A_431, %scan3A_483 = %sub3A_443) -> (i32, i32)  : i32 {
        %sub3A_484 = arith.subi %scan3A_483, %scan3A_482 : i32
        %add3A_485 = arith.constant 1 : i32
        %add3A_486 = arith.addi %sub3A_484, %add3A_485 : i32
        %shift_right_arithmetic3A_487 = arith.constant 1 : i32
        %shift_right_arithmetic3A_488 = arith.shrsi %add3A_486, %shift_right_arithmetic3A_487 : i32
        %add3A_489 = arith.addi %scan3A_482, %shift_right_arithmetic3A_488 : i32
        %while3A_490 = arith.constant 0 : i32
        %while3A_491 = arith.subi %min3A_455, %while3A_490 : i32
        %while3A_492 = arith.addi %while3A_490, %while3A_491 : i32
        %while3A_493 = arith.constant 1 : i32
        %while3A_494 = arith.divsi %while3A_491, %while3A_493 : i32
        %while3A_495 = arith.muli %while3A_494, %while3A_493 : i32
        %while3A_496 = arith.addi %while3A_490, %while3A_495 : i32
        %while3A_497 = arith.constant 1 : i32
        %while3A_498 = scf.for %while3A_509 = %while3A_490 to %while3A_496 step %while3A_497 iter_args(%while3A_510 = %broadcast_in_dim3A_3) -> (vector<16xi32>)  : i32 {
          %mul3A_511 = arith.constant 16 : i32
          %mul3A_512 = arith.muli %while3A_509, %mul3A_511 : i32
          %get3A = arith.index_cast %mul3A_512 : i32 to index
          %get3A_513 = tpu.vector_load %arg7[%get3A] {strides = array<i32>} : memref<4096xi32, #tpu.memory_space<vmem>>, vector<16xi32>,
          %ge3A_514 = vector.broadcast %add3A_489 : i32 to vector<16xi32>
          %ge3A_515 = arith.cmpi sge, %get3A_513, %ge3A_514 : vector<16xi32>
          %lt3A = vector.broadcast %while3A_509 : i32 to vector<16xi32>
          %lt3A_516 = arith.cmpi slt, %lt3A, %shift_right_arithmetic3A_439 : vector<16xi32>
          %and3A_517 = arith.andi %ge3A_515, %lt3A_516 : vector<16xi1>
          %jit3A = arith.constant 1 : i32
          %jit3A_518 = arith.constant 0 : i32
          %broadcast_in_dim3A_519 = vector.broadcast %jit3A : i32 to vector<16xi32>
          %broadcast_in_dim3A_520 = vector.broadcast %jit3A_518 : i32 to vector<16xi32>
          %select_n3A_521 = arith.select %and3A_517, %broadcast_in_dim3A_519, %broadcast_in_dim3A_520 : vector<16xi1>, vector<16xi32>
          %add3A_522 = arith.addi %while3A_510, %select_n3A_521 : vector<16xi32>
          scf.yield %add3A_522 : vector<16xi32>
        }
        %while3A_499 = arith.constant 1 : i32
        %while3A_500 = scf.for %while3A_509 = %while3A_496 to %while3A_492 step %while3A_499 iter_args(%while3A_510 = %while3A_498) -> (vector<16xi32>)  : i32 {
          %mul3A_511 = arith.constant 16 : i32
          %mul3A_512 = arith.muli %while3A_509, %mul3A_511 : i32
          %get3A = arith.index_cast %mul3A_512 : i32 to index
          %get3A_513 = tpu.vector_load %arg7[%get3A] {strides = array<i32>} : memref<4096xi32, #tpu.memory_space<vmem>>, vector<16xi32>,
          %ge3A_514 = vector.broadcast %add3A_489 : i32 to vector<16xi32>
          %ge3A_515 = arith.cmpi sge, %get3A_513, %ge3A_514 : vector<16xi32>
          %lt3A = vector.broadcast %while3A_509 : i32 to vector<16xi32>
          %lt3A_516 = arith.cmpi slt, %lt3A, %shift_right_arithmetic3A_439 : vector<16xi32>
          %and3A_517 = arith.andi %ge3A_515, %lt3A_516 : vector<16xi1>
          %jit3A = arith.constant 1 : i32
          %jit3A_518 = arith.constant 0 : i32
          %broadcast_in_dim3A_519 = vector.broadcast %jit3A : i32 to vector<16xi32>
          %broadcast_in_dim3A_520 = vector.broadcast %jit3A_518 : i32 to vector<16xi32>
          %select_n3A_521 = arith.select %and3A_517, %broadcast_in_dim3A_519, %broadcast_in_dim3A_520 : vector<16xi1>, vector<16xi32>
          %add3A_522 = arith.addi %while3A_510, %select_n3A_521 : vector<16xi32>
          scf.yield %add3A_522 : vector<16xi32>
        }
        %reduce_sum3A_501 = arith.constant true
        %reduce_sum3A_502 = vector.broadcast %reduce_sum3A_501 : i1 to vector<16xi1>
        %reduce_sum3A_503 = tpu.scan <sum>, %while3A_500 masked %reduce_sum3A_502 : vector<16xi32>, vector<16xi1> -> vector<16xi32>
        %reduce_sum3A_504 = vector.extract %reduce_sum3A_503[15] : i32 from vector<16xi32>
        %ge3A_505 = arith.cmpi sge, %reduce_sum3A_504, %sub3A_429 : i32
        %select_n3A = arith.select %ge3A_505, %add3A_489, %scan3A_482 : i32
        %sub3A_506 = arith.constant 1 : i32
        %sub3A_507 = arith.subi %add3A_489, %sub3A_506 : i32
        %select_n3A_508 = arith.select %ge3A_505, %scan3A_483, %sub3A_507 : i32
        scf.yield %select_n3A, %select_n3A_508 : i32, i32
      }
      %scan3A_460 = arith.constant 21 : i32
      %while3A_461 = arith.constant 0 : i32
      %while3A_462 = arith.subi %min3A_455, %while3A_461 : i32
      %while3A_463 = arith.addi %while3A_461, %while3A_462 : i32
      %while3A_464 = arith.constant 1 : i32
      %while3A_465 = arith.divsi %while3A_462, %while3A_464 : i32
      %while3A_466 = arith.muli %while3A_465, %while3A_464 : i32
      %while3A_467 = arith.addi %while3A_461, %while3A_466 : i32
      %while3A_468 = arith.constant 1 : i32
      %while3A_469:2 = scf.for %while3A_481 = %while3A_461 to %while3A_467 step %while3A_468 iter_args(%while3A_482 = %broadcast_in_dim3A_3, %while3A_483 = %broadcast_in_dim3A_3) -> (vector<16xi32>, vector<16xi32>)  : i32 {
        %mul3A_484 = arith.constant 16 : i32
        %mul3A_485 = arith.muli %while3A_481, %mul3A_484 : i32
        %get3A = arith.index_cast %mul3A_485 : i32 to index
        %get3A_486 = tpu.vector_load %arg7[%get3A] {strides = array<i32>} : memref<4096xi32, #tpu.memory_space<vmem>>, vector<16xi32>,
        %lt3A = vector.broadcast %while3A_481 : i32 to vector<16xi32>
        %lt3A_487 = arith.cmpi slt, %lt3A, %shift_right_arithmetic3A_439 : vector<16xi32>
        %ge3A_488 = vector.broadcast %scan3A_459#0 : i32 to vector<16xi32>
        %ge3A_489 = arith.cmpi sge, %get3A_486, %ge3A_488 : vector<16xi32>
        %and3A_490 = arith.andi %ge3A_489, %lt3A_487 : vector<16xi1>
        %eq3A = vector.broadcast %scan3A_459#0 : i32 to vector<16xi32>
        %eq3A_491 = arith.cmpi eq, %get3A_486, %eq3A : vector<16xi32>
        %and3A_492 = arith.andi %eq3A_491, %lt3A_487 : vector<16xi1>
        %jit3A = arith.constant 1 : i32
        %jit3A_493 = arith.constant 0 : i32
        %broadcast_in_dim3A_494 = vector.broadcast %jit3A : i32 to vector<16xi32>
        %broadcast_in_dim3A_495 = vector.broadcast %jit3A_493 : i32 to vector<16xi32>
        %select_n3A = arith.select %and3A_490, %broadcast_in_dim3A_494, %broadcast_in_dim3A_495 : vector<16xi1>, vector<16xi32>
        %add3A_496 = arith.addi %while3A_482, %select_n3A : vector<16xi32>
        %jit3A_497 = arith.constant 1 : i32
        %jit3A_498 = arith.constant 0 : i32
        %broadcast_in_dim3A_499 = vector.broadcast %jit3A_497 : i32 to vector<16xi32>
        %broadcast_in_dim3A_500 = vector.broadcast %jit3A_498 : i32 to vector<16xi32>
        %select_n3A_501 = arith.select %and3A_492, %broadcast_in_dim3A_499, %broadcast_in_dim3A_500 : vector<16xi1>, vector<16xi32>
        %add3A_502 = arith.addi %while3A_483, %select_n3A_501 : vector<16xi32>
        scf.yield %add3A_496, %add3A_502 : vector<16xi32>, vector<16xi32>
      }
      %while3A_470 = arith.constant 1 : i32
      %while3A_471:2 = scf.for %while3A_481 = %while3A_467 to %while3A_463 step %while3A_470 iter_args(%while3A_482 = %while3A_469#0, %while3A_483 = %while3A_469#1) -> (vector<16xi32>, vector<16xi32>)  : i32 {
        %mul3A_484 = arith.constant 16 : i32
        %mul3A_485 = arith.muli %while3A_481, %mul3A_484 : i32
        %get3A = arith.index_cast %mul3A_485 : i32 to index
        %get3A_486 = tpu.vector_load %arg7[%get3A] {strides = array<i32>} : memref<4096xi32, #tpu.memory_space<vmem>>, vector<16xi32>,
        %lt3A = vector.broadcast %while3A_481 : i32 to vector<16xi32>
        %lt3A_487 = arith.cmpi slt, %lt3A, %shift_right_arithmetic3A_439 : vector<16xi32>
        %ge3A_488 = vector.broadcast %scan3A_459#0 : i32 to vector<16xi32>
        %ge3A_489 = arith.cmpi sge, %get3A_486, %ge3A_488 : vector<16xi32>
        %and3A_490 = arith.andi %ge3A_489, %lt3A_487 : vector<16xi1>
        %eq3A = vector.broadcast %scan3A_459#0 : i32 to vector<16xi32>
        %eq3A_491 = arith.cmpi eq, %get3A_486, %eq3A : vector<16xi32>
        %and3A_492 = arith.andi %eq3A_491, %lt3A_487 : vector<16xi1>
        %jit3A = arith.constant 1 : i32
        %jit3A_493 = arith.constant 0 : i32
        %broadcast_in_dim3A_494 = vector.broadcast %jit3A : i32 to vector<16xi32>
        %broadcast_in_dim3A_495 = vector.broadcast %jit3A_493 : i32 to vector<16xi32>
        %select_n3A = arith.select %and3A_490, %broadcast_in_dim3A_494, %broadcast_in_dim3A_495 : vector<16xi1>, vector<16xi32>
        %add3A_496 = arith.addi %while3A_482, %select_n3A : vector<16xi32>
        %jit3A_497 = arith.constant 1 : i32
        %jit3A_498 = arith.constant 0 : i32
        %broadcast_in_dim3A_499 = vector.broadcast %jit3A_497 : i32 to vector<16xi32>
        %broadcast_in_dim3A_500 = vector.broadcast %jit3A_498 : i32 to vector<16xi32>
        %select_n3A_501 = arith.select %and3A_492, %broadcast_in_dim3A_499, %broadcast_in_dim3A_500 : vector<16xi1>, vector<16xi32>
        %add3A_502 = arith.addi %while3A_483, %select_n3A_501 : vector<16xi32>
        scf.yield %add3A_496, %add3A_502 : vector<16xi32>, vector<16xi32>
      }
      %reduce_sum3A_472 = arith.constant true
      %reduce_sum3A_473 = vector.broadcast %reduce_sum3A_472 : i1 to vector<16xi1>
      %reduce_sum3A_474 = tpu.scan <sum>, %while3A_471#0 masked %reduce_sum3A_473 : vector<16xi32>, vector<16xi1> -> vector<16xi32>
      %reduce_sum3A_475 = vector.extract %reduce_sum3A_474[15] : i32 from vector<16xi32>
      %add3A_476 = arith.addi %sub3A_445, %reduce_sum3A_475 : i32
      %reduce_sum3A_477 = arith.constant true
      %reduce_sum3A_478 = vector.broadcast %reduce_sum3A_477 : i1 to vector<16xi1>
      %reduce_sum3A_479 = tpu.scan <sum>, %while3A_471#1 masked %reduce_sum3A_478 : vector<16xi32>, vector<16xi1> -> vector<16xi32>
      %reduce_sum3A_480 = vector.extract %reduce_sum3A_479[15] : i32 from vector<16xi32>
      scf.yield %scan3A_459#0, %add3A_476, %reduce_sum3A_480 : i32, i32, i32
    }
    %sub3A_72 = arith.subi %cond3A_71#1, %cond3A_71#2 : i32
    %sub3A_73 = arith.constant 64 : i32
    %sub3A_74 = arith.subi %sub3A_73, %sub3A_72 : i32
    %parallel_loop3A_75 = arith.constant 0 : i32
    %parallel_loop3A_76 = arith.constant 32768 : i32
    %parallel_loop3A_77 = arith.constant 16 : i32
    scf.for %parallel_loop3A_405 = %parallel_loop3A_75 to %parallel_loop3A_76 step %parallel_loop3A_77  : i32 {
      %parallel_loop3A_406 = arith.index_cast %parallel_loop3A_405 : i32 to index
      %parallel_loop3A_407 = tpu.vector_load %arg4[%parallel_loop3A_406] {strides = array<i32>} : memref<32768xf32, #tpu.memory_space<vmem>>, vector<16xf32>,
      %parallel_loop3A_408 = vector.bitcast %parallel_loop3A_407 : vector<16xf32> to vector<16xi32>
      %parallel_loop3A_409 = arith.constant 2147483647 : i32
      %parallel_loop3A_410 = vector.broadcast %parallel_loop3A_409 : i32 to vector<16xi32>
      %parallel_loop3A_411 = arith.andi %parallel_loop3A_408, %parallel_loop3A_410 : vector<16xi32>
      %parallel_loop3A_412 = vector.broadcast %cond3A_71#0 : i32 to vector<16xi32>
      %parallel_loop3A_413 = arith.cmpi sge, %parallel_loop3A_411, %parallel_loop3A_412 : vector<16xi32>
      %parallel_loop3A_414 = arith.constant 0 : i32
      %parallel_loop3A_415 = vector.broadcast %parallel_loop3A_414 : i32 to vector<16xi32>
      %parallel_loop3A_416 = arith.select %parallel_loop3A_413, %parallel_loop3A_408, %parallel_loop3A_415 : vector<16xi1>, vector<16xi32>
      %parallel_loop3A_417 = vector.bitcast %parallel_loop3A_416 : vector<16xi32> to vector<16xf32>
      %parallel_loop3A_418 = arith.index_cast %parallel_loop3A_405 : i32 to index
      %parallel_loop3A_419 = tpu.vector_load %arg4[%parallel_loop3A_418] {strides = array<i32>} : memref<32768xf32, #tpu.memory_space<vmem>>, vector<16xf32>,
      tpu.vector_store %arg4[%parallel_loop3A_418], %parallel_loop3A_417 {strides = array<i32>} : memref<32768xf32, #tpu.memory_space<vmem>>, vector<16xf32>,
    } {sc.loop_unroll_factor = 8 : i64, sc.parallel_access}
    %gt3A = arith.constant 64 : i32
    %gt3A_78 = arith.cmpi sgt, %cond3A_71#1, %gt3A : i32
    %convert_element_type3A_79 = arith.extui %gt3A_78 : i1 to i32
    %cond3A_80 = arith.constant 0 : i32
    %cond3A_81 = arith.cmpi ne, %convert_element_type3A_79, %cond3A_80 : i32
    scf.if %cond3A_81 {
      %while3A_405 = arith.constant 0 : i32
      %while3A_406 = arith.constant 0 : i32
      %while3A_407:2 = scf.while (%while3A_408 = %while3A_405, %while3A_409 = %while3A_406) : (i32, i32) -> (i32, i32) {
        %lt3A = arith.constant 32768 : i32
        %lt3A_410 = arith.cmpi slt, %while3A_408, %lt3A : i32
        %lt3A_411 = arith.cmpi slt, %while3A_409, %cond3A_71#2 : i32
        %and3A_412 = arith.andi %lt3A_410, %lt3A_411 : i1
        scf.condition(%and3A_412) %while3A_408, %while3A_409 : i32, i32
      } do {
      ^bb0(%while3A_408: i32, %while3A_409: i32):
        %get3A = arith.index_cast %while3A_408 : i32 to index
        %get3A_410 = tpu.vector_load %arg4[%get3A] {strides = array<i32>} : memref<32768xf32, #tpu.memory_space<vmem>>, vector<16xf32>,
        %bitcast3A = vector.bitcast %get3A_410 : vector<16xf32> to vector<16xi32>
        %and3A_411 = arith.constant 2147483647 : i32
        %and3A_412 = vector.broadcast %and3A_411 : i32 to vector<16xi32>
        %and3A_413 = arith.andi %bitcast3A, %and3A_412 : vector<16xi32>
        %eq3A = vector.broadcast %cond3A_71#0 : i32 to vector<16xi32>
        %eq3A_414 = arith.cmpi eq, %and3A_413, %eq3A : vector<16xi32>
        %jit3A = arith.constant 1 : i32
        %jit3A_415 = arith.constant 0 : i32
        %broadcast_in_dim3A_416 = vector.broadcast %jit3A : i32 to vector<16xi32>
        %broadcast_in_dim3A_417 = vector.broadcast %jit3A_415 : i32 to vector<16xi32>
        %select_n3A = arith.select %eq3A_414, %broadcast_in_dim3A_416, %broadcast_in_dim3A_417 : vector<16xi1>, vector<16xi32>
        %broadcast_in_dim3A_418 = arith.constant true
        %broadcast_in_dim3A_419 = vector.broadcast %broadcast_in_dim3A_418 : i1 to vector<16xi1>
        %masked_cumsum3A = tpu.scan <sum>, %select_n3A masked %broadcast_in_dim3A_419 : vector<16xi32>, vector<16xi1> -> vector<16xi32>
        %add3A_420 = vector.broadcast %while3A_409 : i32 to vector<16xi32>
        %add3A_421 = arith.addi %add3A_420, %masked_cumsum3A : vector<16xi32>
        %sub3A_422 = arith.constant 1 : i32
        %sub3A_423 = vector.broadcast %sub3A_422 : i32 to vector<16xi32>
        %sub3A_424 = arith.subi %add3A_421, %sub3A_423 : vector<16xi32>
        %ge3A_425 = vector.broadcast %sub3A_74 : i32 to vector<16xi32>
        %ge3A_426 = arith.cmpi sge, %sub3A_424, %ge3A_425 : vector<16xi32>
        %and3A_427 = arith.andi %eq3A_414, %ge3A_426 : vector<16xi1>
        %jit3A_428 = arith.constant 0 : i32
        %broadcast_in_dim3A_429 = vector.broadcast %jit3A_428 : i32 to vector<16xi32>
        %select_n3A_430 = arith.select %and3A_427, %broadcast_in_dim3A_429, %bitcast3A : vector<16xi1>, vector<16xi32>
        %bitcast3A_431 = vector.bitcast %select_n3A_430 : vector<16xi32> to vector<16xf32>
        %swap3A = arith.index_cast %while3A_408 : i32 to index
        %swap3A_432 = tpu.vector_load %arg4[%swap3A] {strides = array<i32>} : memref<32768xf32, #tpu.memory_space<vmem>>, vector<16xf32>,
        tpu.vector_store %arg4[%swap3A], %bitcast3A_431 {strides = array<i32>} : memref<32768xf32, #tpu.memory_space<vmem>>, vector<16xf32>,
        %add3A_433 = arith.constant 16 : i32
        %add3A_434 = arith.addi %while3A_408, %add3A_433 : i32
        %all_reduce_population_count3A = tpu.all_reduce %eq3A_414 {dim = 0 : i64, kind = #tpu.reduction_kind<sum>} : vector<16xi1> -> vector<16xi32>
        %slice3A = vector.extract_strided_slice %all_reduce_population_count3A {offsets = [0], sizes = [1], strides = [1]} : vector<16xi32> to vector<1xi32>
        %squeeze3A = vector.extract %slice3A[0] : i32 from vector<1xi32>
        %add3A_435 = arith.addi %while3A_409, %squeeze3A : i32
        scf.yield %add3A_434, %add3A_435 : i32, i32
      }
    } else {
    }
    %add3A_82 = arith.constant 0 : i32
    %add3A_83 = arith.addi %mul3A_5, %add3A_82 : i32
    %dma_start3A_84 = arith.constant 0 : i32
    %dma_start3A_85 = tpu.memref_slice %arg3[%add3A_83, %dma_start3A_84] : memref<128x32768xf32, #tpu.memory_space<hbm>> -> memref<1x32768xf32, #tpu.memory_space<hbm>>
    %dma_start3A_86 = tpu.memref_squeeze %dma_start3A_85 : memref<1x32768xf32, #tpu.memory_space<hbm>> -> memref<32768xf32, #tpu.memory_space<hbm>>
    %dma_start3A_87 = arith.constant 0 : i32
    %dma_start3A_88 = tpu.memref_slice %arg3[%add3A_83, %dma_start3A_87] : memref<128x32768xf32, #tpu.memory_space<hbm>> -> memref<1x32768xf32, #tpu.memory_space<hbm>>
    %dma_start3A_89 = tpu.memref_squeeze %dma_start3A_88 : memref<1x32768xf32, #tpu.memory_space<hbm>> -> memref<32768xf32, #tpu.memory_space<hbm>>
    tpu.enqueue_dma source(%arg4 : memref<32768xf32, #tpu.memory_space<vmem>>) target(%dma_start3A_89 : memref<32768xf32, #tpu.memory_space<hbm>>) target_semaphore(%arg10 : memref<!tpu.dma_semaphore, #tpu.memory_space<semaphore_mem>>)
    %add3A_90 = arith.constant 1 : i32
    %add3A_91 = arith.addi %mul3A_5, %add3A_90 : i32
    %dma_wait3A_92 = arith.constant 0 : i32
    %dma_wait3A_93 = tpu.memref_slice %arg2[%add3A_91, %dma_wait3A_92] : memref<128x32768xf32, #tpu.memory_space<hbm>> -> memref<1x32768xf32, #tpu.memory_space<hbm>>
    %dma_wait3A_94 = tpu.memref_squeeze %dma_wait3A_93 : memref<1x32768xf32, #tpu.memory_space<hbm>> -> memref<32768xf32, #tpu.memory_space<hbm>>
    %dma_wait3A_95 = arith.constant 0 : i32
    %dma_wait3A_96 = tpu.memref_slice %arg2[%add3A_91, %dma_wait3A_95] : memref<128x32768xf32, #tpu.memory_space<hbm>> -> memref<1x32768xf32, #tpu.memory_space<hbm>>
    %dma_wait3A_97 = tpu.memref_squeeze %dma_wait3A_96 : memref<1x32768xf32, #tpu.memory_space<hbm>> -> memref<32768xf32, #tpu.memory_space<hbm>>
    tpu.wait_dma2 semaphore(%arg9 : memref<!tpu.dma_semaphore, #tpu.memory_space<semaphore_mem>>) src(%dma_wait3A_97 : memref<32768xf32, #tpu.memory_space<hbm>>) dst(%arg5 : memref<32768xf32, #tpu.memory_space<vmem>>)
    %add3A_98 = arith.constant 1 : i32
    %add3A_99 = arith.addi %mul3A_5, %add3A_98 : i32
    %sub3A_100 = arith.constant 1 : i32
    %sub3A_101 = arith.subi %add3A_99, %sub3A_100 : i32
    %dma_wait3A_102 = arith.constant 0 : i32
    %dma_wait3A_103 = tpu.memref_slice %arg3[%sub3A_101, %dma_wait3A_102] : memref<128x32768xf32, #tpu.memory_space<hbm>> -> memref<1x32768xf32, #tpu.memory_space<hbm>>
    %dma_wait3A_104 = tpu.memref_squeeze %dma_wait3A_103 : memref<1x32768xf32, #tpu.memory_space<hbm>> -> memref<32768xf32, #tpu.memory_space<hbm>>
    %dma_wait3A_105 = arith.constant 0 : i32
    %dma_wait3A_106 = tpu.memref_slice %arg3[%sub3A_101, %dma_wait3A_105] : memref<128x32768xf32, #tpu.memory_space<hbm>> -> memref<1x32768xf32, #tpu.memory_space<hbm>>
    %dma_wait3A_107 = tpu.memref_squeeze %dma_wait3A_106 : memref<1x32768xf32, #tpu.memory_space<hbm>> -> memref<32768xf32, #tpu.memory_space<hbm>>
    tpu.wait_dma2 semaphore(%arg10 : memref<!tpu.dma_semaphore, #tpu.memory_space<semaphore_mem>>) src(%arg4 : memref<32768xf32, #tpu.memory_space<vmem>>) dst(%dma_wait3A_107 : memref<32768xf32, #tpu.memory_space<hbm>>)
    %add3A_108 = arith.constant 1 : i32
    %add3A_109 = arith.addi %mul3A_5, %add3A_108 : i32
    %add3A_110 = arith.constant 1 : i32
    %add3A_111 = arith.addi %add3A_109, %add3A_110 : i32
    %dma_start3A_112 = arith.constant 0 : i32
    %dma_start3A_113 = tpu.memref_slice %arg2[%add3A_111, %dma_start3A_112] : memref<128x32768xf32, #tpu.memory_space<hbm>> -> memref<1x32768xf32, #tpu.memory_space<hbm>>
    %dma_start3A_114 = tpu.memref_squeeze %dma_start3A_113 : memref<1x32768xf32, #tpu.memory_space<hbm>> -> memref<32768xf32, #tpu.memory_space<hbm>>
    %dma_start3A_115 = arith.constant 0 : i32
    %dma_start3A_116 = tpu.memref_slice %arg2[%add3A_111, %dma_start3A_115] : memref<128x32768xf32, #tpu.memory_space<hbm>> -> memref<1x32768xf32, #tpu.memory_space<hbm>>
    %dma_start3A_117 = tpu.memref_squeeze %dma_start3A_116 : memref<1x32768xf32, #tpu.memory_space<hbm>> -> memref<32768xf32, #tpu.memory_space<hbm>>
    tpu.enqueue_dma source(%dma_start3A_117 : memref<32768xf32, #tpu.memory_space<hbm>>) target(%arg4 : memref<32768xf32, #tpu.memory_space<vmem>>) target_semaphore(%arg8 : memref<!tpu.dma_semaphore, #tpu.memory_space<semaphore_mem>>)
    %parallel_loop3A_118 = arith.constant 0 : i32
    %parallel_loop3A_119 = arith.constant 32768 : i32
    %parallel_loop3A_120 = arith.constant 16 : i32
    %parallel_loop3A_121 = scf.for %parallel_loop3A_405 = %parallel_loop3A_118 to %parallel_loop3A_119 step %parallel_loop3A_120 iter_args(%parallel_loop3A_406 = %iota3A) -> (vector<16xi32>)  : i32 {
      %parallel_loop3A_407 = arith.index_cast %parallel_loop3A_405 : i32 to index
      %parallel_loop3A_408 = tpu.vector_load %arg5[%parallel_loop3A_407] {strides = array<i32>} : memref<32768xf32, #tpu.memory_space<vmem>>, vector<16xf32>,
      %parallel_loop3A_409 = vector.bitcast %parallel_loop3A_408 : vector<16xf32> to vector<16xi32>
      %parallel_loop3A_410 = arith.constant 2147483647 : i32
      %parallel_loop3A_411 = vector.broadcast %parallel_loop3A_410 : i32 to vector<16xi32>
      %parallel_loop3A_412 = arith.andi %parallel_loop3A_409, %parallel_loop3A_411 : vector<16xi32>
      %parallel_loop3A_413 = arith.constant 1077411840 : i32
      %parallel_loop3A_414 = vector.broadcast %parallel_loop3A_413 : i32 to vector<16xi32>
      %parallel_loop3A_415 = arith.cmpi sge, %parallel_loop3A_412, %parallel_loop3A_414 : vector<16xi32>
      %parallel_loop3A_416 = arith.constant 4095 : i32
      %parallel_loop3A_417 = vector.broadcast %parallel_loop3A_416 : i32 to vector<16xi32>
      %parallel_loop3A_418 = arith.andi %parallel_loop3A_406, %parallel_loop3A_417 : vector<16xi32>
      tpu.vector_store_idx %arg7[%parallel_loop3A_418], %parallel_loop3A_412 masked %parallel_loop3A_415 : memref<4096xi32, #tpu.memory_space<vmem>>[vector<16xi32>], vector<16xi32>, vector<16xi1>
      %parallel_loop3A_419 = arith.constant 16 : i32
      %parallel_loop3A_420 = arith.constant 0 : i32
      %parallel_loop3A_421 = vector.broadcast %parallel_loop3A_419 : i32 to vector<16xi32>
      %parallel_loop3A_422 = vector.broadcast %parallel_loop3A_420 : i32 to vector<16xi32>
      %parallel_loop3A_423 = arith.select %parallel_loop3A_415, %parallel_loop3A_421, %parallel_loop3A_422 : vector<16xi1>, vector<16xi32>
      %parallel_loop3A_424 = arith.addi %parallel_loop3A_406, %parallel_loop3A_423 : vector<16xi32>
      scf.yield %parallel_loop3A_424 : vector<16xi32>
    } {sc.loop_unroll_factor = 8 : i64, sc.parallel_access}
    %sub3A_122 = arith.subi %parallel_loop3A_121, %iota3A : vector<16xi32>
    %shift_right_arithmetic3A_123 = arith.constant 4 : i32
    %shift_right_arithmetic3A_124 = vector.broadcast %shift_right_arithmetic3A_123 : i32 to vector<16xi32>
    %shift_right_arithmetic3A_125 = arith.shrsi %sub3A_122, %shift_right_arithmetic3A_124 : vector<16xi32>
    %reduce_max3A_126 = arith.constant true
    %reduce_max3A_127 = vector.broadcast %reduce_max3A_126 : i1 to vector<16xi1>
    %reduce_max3A_128 = arith.constant -2147483648 : i32
    %reduce_max3A_129 = vector.broadcast %reduce_max3A_128 : i32 to vector<16xi32>
    %reduce_max3A_130 = arith.xori %shift_right_arithmetic3A_125, %reduce_max3A_129 : vector<16xi32>
    %reduce_max3A_131 = tpu.scan <max>, %reduce_max3A_130 masked %reduce_max3A_127 : vector<16xi32>, vector<16xi1> -> vector<16xi32>
    %reduce_max3A_132 = arith.xori %reduce_max3A_131, %reduce_max3A_129 : vector<16xi32>
    %reduce_max3A_133 = vector.extract %reduce_max3A_132[15] : i32 from vector<16xi32>
    %reduce_min3A_134 = arith.constant true
    %reduce_min3A_135 = vector.broadcast %reduce_min3A_134 : i1 to vector<16xi1>
    %reduce_min3A_136 = arith.constant -2147483648 : i32
    %reduce_min3A_137 = vector.broadcast %reduce_min3A_136 : i32 to vector<16xi32>
    %reduce_min3A_138 = arith.xori %shift_right_arithmetic3A_125, %reduce_min3A_137 : vector<16xi32>
    %reduce_min3A_139 = tpu.scan <min>, %reduce_min3A_138 masked %reduce_min3A_135 : vector<16xi32>, vector<16xi1> -> vector<16xi32>
    %reduce_min3A_140 = arith.xori %reduce_min3A_139, %reduce_min3A_137 : vector<16xi32>
    %reduce_min3A_141 = vector.extract %reduce_min3A_140[15] : i32 from vector<16xi32>
    %reduce_sum3A_142 = arith.constant true
    %reduce_sum3A_143 = vector.broadcast %reduce_sum3A_142 : i1 to vector<16xi1>
    %reduce_sum3A_144 = tpu.scan <sum>, %shift_right_arithmetic3A_125 masked %reduce_sum3A_143 : vector<16xi32>, vector<16xi1> -> vector<16xi32>
    %reduce_sum3A_145 = vector.extract %reduce_sum3A_144[15] : i32 from vector<16xi32>
    %ge3A_146 = arith.constant 64 : i32
    %ge3A_147 = arith.cmpi sge, %reduce_sum3A_145, %ge3A_146 : i32
    %le3A_148 = arith.constant 256 : i32
    %le3A_149 = arith.cmpi sle, %reduce_max3A_133, %le3A_148 : i32
    %and3A_150 = arith.andi %ge3A_147, %le3A_149 : i1
    %min3A_151 = arith.constant 256 : i32
    %min3A_152 = arith.minsi %reduce_max3A_133, %min3A_151 : i32
    %add3A_153 = arith.constant 3 : i32
    %add3A_154 = arith.addi %min3A_152, %add3A_153 : i32
    %shift_right_arithmetic3A_155 = arith.constant 2 : i32
    %shift_right_arithmetic3A_156 = arith.shrsi %add3A_154, %shift_right_arithmetic3A_155 : i32
    %shift_left3A_157 = arith.constant 2 : i32
    %shift_left3A_158 = arith.shli %shift_right_arithmetic3A_156, %shift_left3A_157 : i32
    %sub3A_159 = arith.subi %shift_left3A_158, %reduce_min3A_141 : i32
    %while3A_160 = arith.constant 0 : i32
    %while3A_161 = arith.subi %sub3A_159, %while3A_160 : i32
    %while3A_162 = arith.addi %while3A_160, %while3A_161 : i32
    %while3A_163 = arith.constant 1 : i32
    %while3A_164 = arith.divsi %while3A_161, %while3A_163 : i32
    %while3A_165 = arith.muli %while3A_164, %while3A_163 : i32
    %while3A_166 = arith.addi %while3A_160, %while3A_165 : i32
    %while3A_167 = arith.constant 1 : i32
    %while3A_168 = scf.for %while3A_405 = %while3A_160 to %while3A_166 step %while3A_167 iter_args(%while3A_406 = %parallel_loop3A_121) -> (vector<16xi32>)  : i32 {
      %mul3A_407 = arith.constant 64 : i32
      %mul3A_408 = arith.muli %shift_right_arithmetic3A_156, %mul3A_407 : i32
      %lt3A = vector.broadcast %mul3A_408 : i32 to vector<16xi32>
      %lt3A_409 = arith.cmpi slt, %while3A_406, %lt3A : vector<16xi32>
      %and3A_410 = arith.constant 4095 : i32
      %and3A_411 = vector.broadcast %and3A_410 : i32 to vector<16xi32>
      %and3A_412 = arith.andi %while3A_406, %and3A_411 : vector<16xi32>
      tpu.vector_store_idx %arg7[%and3A_412], %broadcast_in_dim3A_3 masked %lt3A_409 : memref<4096xi32, #tpu.memory_space<vmem>>[vector<16xi32>], vector<16xi32>, vector<16xi1>
      %jit3A = arith.constant 16 : i32
      %jit3A_413 = arith.constant 0 : i32
      %broadcast_in_dim3A_414 = vector.broadcast %jit3A : i32 to vector<16xi32>
      %broadcast_in_dim3A_415 = vector.broadcast %jit3A_413 : i32 to vector<16xi32>
      %select_n3A = arith.select %lt3A_409, %broadcast_in_dim3A_414, %broadcast_in_dim3A_415 : vector<16xi1>, vector<16xi32>
      %add3A_416 = arith.addi %while3A_406, %select_n3A : vector<16xi32>
      scf.yield %add3A_416 : vector<16xi32>
    }
    %while3A_169 = arith.constant 1 : i32
    %while3A_170 = scf.for %while3A_405 = %while3A_166 to %while3A_162 step %while3A_169 iter_args(%while3A_406 = %while3A_168) -> (vector<16xi32>)  : i32 {
      %mul3A_407 = arith.constant 64 : i32
      %mul3A_408 = arith.muli %shift_right_arithmetic3A_156, %mul3A_407 : i32
      %lt3A = vector.broadcast %mul3A_408 : i32 to vector<16xi32>
      %lt3A_409 = arith.cmpi slt, %while3A_406, %lt3A : vector<16xi32>
      %and3A_410 = arith.constant 4095 : i32
      %and3A_411 = vector.broadcast %and3A_410 : i32 to vector<16xi32>
      %and3A_412 = arith.andi %while3A_406, %and3A_411 : vector<16xi32>
      tpu.vector_store_idx %arg7[%and3A_412], %broadcast_in_dim3A_3 masked %lt3A_409 : memref<4096xi32, #tpu.memory_space<vmem>>[vector<16xi32>], vector<16xi32>, vector<16xi1>
      %jit3A = arith.constant 16 : i32
      %jit3A_413 = arith.constant 0 : i32
      %broadcast_in_dim3A_414 = vector.broadcast %jit3A : i32 to vector<16xi32>
      %broadcast_in_dim3A_415 = vector.broadcast %jit3A_413 : i32 to vector<16xi32>
      %select_n3A = arith.select %lt3A_409, %broadcast_in_dim3A_414, %broadcast_in_dim3A_415 : vector<16xi1>, vector<16xi32>
      %add3A_416 = arith.addi %while3A_406, %select_n3A : vector<16xi32>
      scf.yield %add3A_416 : vector<16xi32>
    }
    %convert_element_type3A_171 = arith.extui %and3A_150 : i1 to i32
    %cond3A_172 = arith.constant 0 : i32
    %cond3A_173 = arith.constant 0 : i32
    %cond3A_174 = arith.cmpi ne, %convert_element_type3A_171, %cond3A_173 : i32
    %cond3A_175:3 = scf.if %cond3A_174 -> (i32, i32, i32) {
      %while3A_405 = arith.constant 0 : i32
      %while3A_406 = arith.subi %shift_right_arithmetic3A_156, %while3A_405 : i32
      %while3A_407 = arith.addi %while3A_405, %while3A_406 : i32
      %while3A_408 = arith.constant 1 : i32
      %while3A_409 = arith.divsi %while3A_406, %while3A_408 : i32
      %while3A_410 = arith.muli %while3A_409, %while3A_408 : i32
      %while3A_411 = arith.addi %while3A_405, %while3A_410 : i32
      %while3A_412 = arith.constant 1 : i32
      %while3A_413 = scf.for %while3A_445 = %while3A_405 to %while3A_411 step %while3A_412 iter_args(%while3A_446 = %broadcast_in_dim3A_3) -> (vector<16xi32>)  : i32 {
        %shift_left3A_447 = arith.constant 6 : i32
        %shift_left3A_448 = arith.shli %while3A_445, %shift_left3A_447 : i32
        %get3A = arith.index_cast %shift_left3A_448 : i32 to index
        %get3A_449 = tpu.vector_load %arg7[%get3A] {strides = array<i32>} : memref<4096xi32, #tpu.memory_space<vmem>>, vector<16xi32>,
        %max3A = arith.maxsi %while3A_446, %get3A_449 : vector<16xi32>
        %add3A_450 = arith.constant 16 : i32
        %add3A_451 = arith.addi %shift_left3A_448, %add3A_450 : i32
        %get3A_452 = arith.index_cast %add3A_451 : i32 to index
        %get3A_453 = tpu.vector_load %arg7[%get3A_452] {strides = array<i32>} : memref<4096xi32, #tpu.memory_space<vmem>>, vector<16xi32>,
        %max3A_454 = arith.maxsi %max3A, %get3A_453 : vector<16xi32>
        %add3A_455 = arith.constant 32 : i32
        %add3A_456 = arith.addi %shift_left3A_448, %add3A_455 : i32
        %get3A_457 = arith.index_cast %add3A_456 : i32 to index
        %get3A_458 = tpu.vector_load %arg7[%get3A_457] {strides = array<i32>} : memref<4096xi32, #tpu.memory_space<vmem>>, vector<16xi32>,
        %max3A_459 = arith.maxsi %max3A_454, %get3A_458 : vector<16xi32>
        %add3A_460 = arith.constant 48 : i32
        %add3A_461 = arith.addi %shift_left3A_448, %add3A_460 : i32
        %get3A_462 = arith.index_cast %add3A_461 : i32 to index
        %get3A_463 = tpu.vector_load %arg7[%get3A_462] {strides = array<i32>} : memref<4096xi32, #tpu.memory_space<vmem>>, vector<16xi32>,
        %max3A_464 = arith.maxsi %max3A_459, %get3A_463 : vector<16xi32>
        scf.yield %max3A_464 : vector<16xi32>
      }
      %while3A_414 = arith.constant 1 : i32
      %while3A_415 = scf.for %while3A_445 = %while3A_411 to %while3A_407 step %while3A_414 iter_args(%while3A_446 = %while3A_413) -> (vector<16xi32>)  : i32 {
        %shift_left3A_447 = arith.constant 6 : i32
        %shift_left3A_448 = arith.shli %while3A_445, %shift_left3A_447 : i32
        %get3A = arith.index_cast %shift_left3A_448 : i32 to index
        %get3A_449 = tpu.vector_load %arg7[%get3A] {strides = array<i32>} : memref<4096xi32, #tpu.memory_space<vmem>>, vector<16xi32>,
        %max3A = arith.maxsi %while3A_446, %get3A_449 : vector<16xi32>
        %add3A_450 = arith.constant 16 : i32
        %add3A_451 = arith.addi %shift_left3A_448, %add3A_450 : i32
        %get3A_452 = arith.index_cast %add3A_451 : i32 to index
        %get3A_453 = tpu.vector_load %arg7[%get3A_452] {strides = array<i32>} : memref<4096xi32, #tpu.memory_space<vmem>>, vector<16xi32>,
        %max3A_454 = arith.maxsi %max3A, %get3A_453 : vector<16xi32>
        %add3A_455 = arith.constant 32 : i32
        %add3A_456 = arith.addi %shift_left3A_448, %add3A_455 : i32
        %get3A_457 = arith.index_cast %add3A_456 : i32 to index
        %get3A_458 = tpu.vector_load %arg7[%get3A_457] {strides = array<i32>} : memref<4096xi32, #tpu.memory_space<vmem>>, vector<16xi32>,
        %max3A_459 = arith.maxsi %max3A_454, %get3A_458 : vector<16xi32>
        %add3A_460 = arith.constant 48 : i32
        %add3A_461 = arith.addi %shift_left3A_448, %add3A_460 : i32
        %get3A_462 = arith.index_cast %add3A_461 : i32 to index
        %get3A_463 = tpu.vector_load %arg7[%get3A_462] {strides = array<i32>} : memref<4096xi32, #tpu.memory_space<vmem>>, vector<16xi32>,
        %max3A_464 = arith.maxsi %max3A_459, %get3A_463 : vector<16xi32>
        scf.yield %max3A_464 : vector<16xi32>
      }
      %reduce_max3A_416 = arith.constant true
      %reduce_max3A_417 = vector.broadcast %reduce_max3A_416 : i1 to vector<16xi1>
      %reduce_max3A_418 = arith.constant -2147483648 : i32
      %reduce_max3A_419 = vector.broadcast %reduce_max3A_418 : i32 to vector<16xi32>
      %reduce_max3A_420 = arith.xori %while3A_415, %reduce_max3A_419 : vector<16xi32>
      %reduce_max3A_421 = tpu.scan <max>, %reduce_max3A_420 masked %reduce_max3A_417 : vector<16xi32>, vector<16xi1> -> vector<16xi32>
      %reduce_max3A_422 = arith.xori %reduce_max3A_421, %reduce_max3A_419 : vector<16xi32>
      %reduce_max3A_423 = vector.extract %reduce_max3A_422[15] : i32 from vector<16xi32>
      %while3A_424 = arith.constant 1077411840 : i32
      %while3A_425:2 = scf.while (%while3A_445 = %while3A_424, %while3A_446 = %reduce_max3A_423) : (i32, i32) -> (i32, i32) {
        %lt3A = arith.cmpi slt, %while3A_445, %while3A_446 : i32
        scf.condition(%lt3A) %while3A_445, %while3A_446 : i32, i32
      } do {
      ^bb0(%while3A_445: i32, %while3A_446: i32):
        %sub3A_447 = arith.subi %while3A_446, %while3A_445 : i32
        %add3A_448 = arith.constant 1 : i32
        %add3A_449 = arith.addi %sub3A_447, %add3A_448 : i32
        %shift_right_arithmetic3A_450 = arith.constant 1 : i32
        %shift_right_arithmetic3A_451 = arith.shrsi %add3A_449, %shift_right_arithmetic3A_450 : i32
        %add3A_452 = arith.addi %while3A_445, %shift_right_arithmetic3A_451 : i32
        %while3A_453 = arith.constant 0 : i32
        %while3A_454 = arith.subi %shift_right_arithmetic3A_156, %while3A_453 : i32
        %while3A_455 = arith.addi %while3A_453, %while3A_454 : i32
        %while3A_456 = arith.constant 1 : i32
        %while3A_457 = arith.divsi %while3A_454, %while3A_456 : i32
        %while3A_458 = arith.muli %while3A_457, %while3A_456 : i32
        %while3A_459 = arith.addi %while3A_453, %while3A_458 : i32
        %while3A_460 = arith.constant 1 : i32
        %while3A_461 = scf.for %while3A_473 = %while3A_453 to %while3A_459 step %while3A_460 iter_args(%while3A_474 = %broadcast_in_dim3A_3) -> (vector<16xi32>)  : i32 {
          %shift_left3A_475 = arith.constant 6 : i32
          %shift_left3A_476 = arith.shli %while3A_473, %shift_left3A_475 : i32
          %get3A = arith.index_cast %shift_left3A_476 : i32 to index
          %get3A_477 = tpu.vector_load %arg7[%get3A] {strides = array<i32>} : memref<4096xi32, #tpu.memory_space<vmem>>, vector<16xi32>,
          %ge3A_478 = vector.broadcast %add3A_452 : i32 to vector<16xi32>
          %ge3A_479 = arith.cmpi sge, %get3A_477, %ge3A_478 : vector<16xi32>
          %jit3A = arith.constant 1 : i32
          %jit3A_480 = arith.constant 0 : i32
          %broadcast_in_dim3A_481 = vector.broadcast %jit3A : i32 to vector<16xi32>
          %broadcast_in_dim3A_482 = vector.broadcast %jit3A_480 : i32 to vector<16xi32>
          %select_n3A_483 = arith.select %ge3A_479, %broadcast_in_dim3A_481, %broadcast_in_dim3A_482 : vector<16xi1>, vector<16xi32>
          %add3A_484 = arith.addi %while3A_474, %select_n3A_483 : vector<16xi32>
          %add3A_485 = arith.constant 16 : i32
          %add3A_486 = arith.addi %shift_left3A_476, %add3A_485 : i32
          %get3A_487 = arith.index_cast %add3A_486 : i32 to index
          %get3A_488 = tpu.vector_load %arg7[%get3A_487] {strides = array<i32>} : memref<4096xi32, #tpu.memory_space<vmem>>, vector<16xi32>,
          %ge3A_489 = vector.broadcast %add3A_452 : i32 to vector<16xi32>
          %ge3A_490 = arith.cmpi sge, %get3A_488, %ge3A_489 : vector<16xi32>
          %jit3A_491 = arith.constant 1 : i32
          %jit3A_492 = arith.constant 0 : i32
          %broadcast_in_dim3A_493 = vector.broadcast %jit3A_491 : i32 to vector<16xi32>
          %broadcast_in_dim3A_494 = vector.broadcast %jit3A_492 : i32 to vector<16xi32>
          %select_n3A_495 = arith.select %ge3A_490, %broadcast_in_dim3A_493, %broadcast_in_dim3A_494 : vector<16xi1>, vector<16xi32>
          %add3A_496 = arith.addi %add3A_484, %select_n3A_495 : vector<16xi32>
          %add3A_497 = arith.constant 32 : i32
          %add3A_498 = arith.addi %shift_left3A_476, %add3A_497 : i32
          %get3A_499 = arith.index_cast %add3A_498 : i32 to index
          %get3A_500 = tpu.vector_load %arg7[%get3A_499] {strides = array<i32>} : memref<4096xi32, #tpu.memory_space<vmem>>, vector<16xi32>,
          %ge3A_501 = vector.broadcast %add3A_452 : i32 to vector<16xi32>
          %ge3A_502 = arith.cmpi sge, %get3A_500, %ge3A_501 : vector<16xi32>
          %jit3A_503 = arith.constant 1 : i32
          %jit3A_504 = arith.constant 0 : i32
          %broadcast_in_dim3A_505 = vector.broadcast %jit3A_503 : i32 to vector<16xi32>
          %broadcast_in_dim3A_506 = vector.broadcast %jit3A_504 : i32 to vector<16xi32>
          %select_n3A_507 = arith.select %ge3A_502, %broadcast_in_dim3A_505, %broadcast_in_dim3A_506 : vector<16xi1>, vector<16xi32>
          %add3A_508 = arith.addi %add3A_496, %select_n3A_507 : vector<16xi32>
          %add3A_509 = arith.constant 48 : i32
          %add3A_510 = arith.addi %shift_left3A_476, %add3A_509 : i32
          %get3A_511 = arith.index_cast %add3A_510 : i32 to index
          %get3A_512 = tpu.vector_load %arg7[%get3A_511] {strides = array<i32>} : memref<4096xi32, #tpu.memory_space<vmem>>, vector<16xi32>,
          %ge3A_513 = vector.broadcast %add3A_452 : i32 to vector<16xi32>
          %ge3A_514 = arith.cmpi sge, %get3A_512, %ge3A_513 : vector<16xi32>
          %jit3A_515 = arith.constant 1 : i32
          %jit3A_516 = arith.constant 0 : i32
          %broadcast_in_dim3A_517 = vector.broadcast %jit3A_515 : i32 to vector<16xi32>
          %broadcast_in_dim3A_518 = vector.broadcast %jit3A_516 : i32 to vector<16xi32>
          %select_n3A_519 = arith.select %ge3A_514, %broadcast_in_dim3A_517, %broadcast_in_dim3A_518 : vector<16xi1>, vector<16xi32>
          %add3A_520 = arith.addi %add3A_508, %select_n3A_519 : vector<16xi32>
          scf.yield %add3A_520 : vector<16xi32>
        }
        %while3A_462 = arith.constant 1 : i32
        %while3A_463 = scf.for %while3A_473 = %while3A_459 to %while3A_455 step %while3A_462 iter_args(%while3A_474 = %while3A_461) -> (vector<16xi32>)  : i32 {
          %shift_left3A_475 = arith.constant 6 : i32
          %shift_left3A_476 = arith.shli %while3A_473, %shift_left3A_475 : i32
          %get3A = arith.index_cast %shift_left3A_476 : i32 to index
          %get3A_477 = tpu.vector_load %arg7[%get3A] {strides = array<i32>} : memref<4096xi32, #tpu.memory_space<vmem>>, vector<16xi32>,
          %ge3A_478 = vector.broadcast %add3A_452 : i32 to vector<16xi32>
          %ge3A_479 = arith.cmpi sge, %get3A_477, %ge3A_478 : vector<16xi32>
          %jit3A = arith.constant 1 : i32
          %jit3A_480 = arith.constant 0 : i32
          %broadcast_in_dim3A_481 = vector.broadcast %jit3A : i32 to vector<16xi32>
          %broadcast_in_dim3A_482 = vector.broadcast %jit3A_480 : i32 to vector<16xi32>
          %select_n3A_483 = arith.select %ge3A_479, %broadcast_in_dim3A_481, %broadcast_in_dim3A_482 : vector<16xi1>, vector<16xi32>
          %add3A_484 = arith.addi %while3A_474, %select_n3A_483 : vector<16xi32>
          %add3A_485 = arith.constant 16 : i32
          %add3A_486 = arith.addi %shift_left3A_476, %add3A_485 : i32
          %get3A_487 = arith.index_cast %add3A_486 : i32 to index
          %get3A_488 = tpu.vector_load %arg7[%get3A_487] {strides = array<i32>} : memref<4096xi32, #tpu.memory_space<vmem>>, vector<16xi32>,
          %ge3A_489 = vector.broadcast %add3A_452 : i32 to vector<16xi32>
          %ge3A_490 = arith.cmpi sge, %get3A_488, %ge3A_489 : vector<16xi32>
          %jit3A_491 = arith.constant 1 : i32
          %jit3A_492 = arith.constant 0 : i32
          %broadcast_in_dim3A_493 = vector.broadcast %jit3A_491 : i32 to vector<16xi32>
          %broadcast_in_dim3A_494 = vector.broadcast %jit3A_492 : i32 to vector<16xi32>
          %select_n3A_495 = arith.select %ge3A_490, %broadcast_in_dim3A_493, %broadcast_in_dim3A_494 : vector<16xi1>, vector<16xi32>
          %add3A_496 = arith.addi %add3A_484, %select_n3A_495 : vector<16xi32>
          %add3A_497 = arith.constant 32 : i32
          %add3A_498 = arith.addi %shift_left3A_476, %add3A_497 : i32
          %get3A_499 = arith.index_cast %add3A_498 : i32 to index
          %get3A_500 = tpu.vector_load %arg7[%get3A_499] {strides = array<i32>} : memref<4096xi32, #tpu.memory_space<vmem>>, vector<16xi32>,
          %ge3A_501 = vector.broadcast %add3A_452 : i32 to vector<16xi32>
          %ge3A_502 = arith.cmpi sge, %get3A_500, %ge3A_501 : vector<16xi32>
          %jit3A_503 = arith.constant 1 : i32
          %jit3A_504 = arith.constant 0 : i32
          %broadcast_in_dim3A_505 = vector.broadcast %jit3A_503 : i32 to vector<16xi32>
          %broadcast_in_dim3A_506 = vector.broadcast %jit3A_504 : i32 to vector<16xi32>
          %select_n3A_507 = arith.select %ge3A_502, %broadcast_in_dim3A_505, %broadcast_in_dim3A_506 : vector<16xi1>, vector<16xi32>
          %add3A_508 = arith.addi %add3A_496, %select_n3A_507 : vector<16xi32>
          %add3A_509 = arith.constant 48 : i32
          %add3A_510 = arith.addi %shift_left3A_476, %add3A_509 : i32
          %get3A_511 = arith.index_cast %add3A_510 : i32 to index
          %get3A_512 = tpu.vector_load %arg7[%get3A_511] {strides = array<i32>} : memref<4096xi32, #tpu.memory_space<vmem>>, vector<16xi32>,
          %ge3A_513 = vector.broadcast %add3A_452 : i32 to vector<16xi32>
          %ge3A_514 = arith.cmpi sge, %get3A_512, %ge3A_513 : vector<16xi32>
          %jit3A_515 = arith.constant 1 : i32
          %jit3A_516 = arith.constant 0 : i32
          %broadcast_in_dim3A_517 = vector.broadcast %jit3A_515 : i32 to vector<16xi32>
          %broadcast_in_dim3A_518 = vector.broadcast %jit3A_516 : i32 to vector<16xi32>
          %select_n3A_519 = arith.select %ge3A_514, %broadcast_in_dim3A_517, %broadcast_in_dim3A_518 : vector<16xi1>, vector<16xi32>
          %add3A_520 = arith.addi %add3A_508, %select_n3A_519 : vector<16xi32>
          scf.yield %add3A_520 : vector<16xi32>
        }
        %reduce_sum3A_464 = arith.constant true
        %reduce_sum3A_465 = vector.broadcast %reduce_sum3A_464 : i1 to vector<16xi1>
        %reduce_sum3A_466 = tpu.scan <sum>, %while3A_463 masked %reduce_sum3A_465 : vector<16xi32>, vector<16xi1> -> vector<16xi32>
        %reduce_sum3A_467 = vector.extract %reduce_sum3A_466[15] : i32 from vector<16xi32>
        %ge3A_468 = arith.constant 64 : i32
        %ge3A_469 = arith.cmpi sge, %reduce_sum3A_467, %ge3A_468 : i32
        %select_n3A = arith.select %ge3A_469, %add3A_452, %while3A_445 : i32
        %sub3A_470 = arith.constant 1 : i32
        %sub3A_471 = arith.subi %add3A_452, %sub3A_470 : i32
        %select_n3A_472 = arith.select %ge3A_469, %while3A_446, %sub3A_471 : i32
        scf.yield %select_n3A, %select_n3A_472 : i32, i32
      }
      %while3A_426 = arith.constant 0 : i32
      %while3A_427 = arith.subi %shift_right_arithmetic3A_156, %while3A_426 : i32
      %while3A_428 = arith.addi %while3A_426, %while3A_427 : i32
      %while3A_429 = arith.constant 1 : i32
      %while3A_430 = arith.divsi %while3A_427, %while3A_429 : i32
      %while3A_431 = arith.muli %while3A_430, %while3A_429 : i32
      %while3A_432 = arith.addi %while3A_426, %while3A_431 : i32
      %while3A_433 = arith.constant 1 : i32
      %while3A_434:2 = scf.for %while3A_445 = %while3A_426 to %while3A_432 step %while3A_433 iter_args(%while3A_446 = %broadcast_in_dim3A_3, %while3A_447 = %broadcast_in_dim3A_3) -> (vector<16xi32>, vector<16xi32>)  : i32 {
        %shift_left3A_448 = arith.constant 6 : i32
        %shift_left3A_449 = arith.shli %while3A_445, %shift_left3A_448 : i32
        %add3A_450 = arith.constant 0 : i32
        %add3A_451 = arith.addi %shift_left3A_449, %add3A_450 : i32
        %get3A = arith.index_cast %add3A_451 : i32 to index
        %get3A_452 = tpu.vector_load %arg7[%get3A] {strides = array<i32>} : memref<4096xi32, #tpu.memory_space<vmem>>, vector<16xi32>,
        %ge3A_453 = vector.broadcast %while3A_425#0 : i32 to vector<16xi32>
        %ge3A_454 = arith.cmpi sge, %get3A_452, %ge3A_453 : vector<16xi32>
        %jit3A = arith.constant 1 : i32
        %jit3A_455 = arith.constant 0 : i32
        %broadcast_in_dim3A_456 = vector.broadcast %jit3A : i32 to vector<16xi32>
        %broadcast_in_dim3A_457 = vector.broadcast %jit3A_455 : i32 to vector<16xi32>
        %select_n3A = arith.select %ge3A_454, %broadcast_in_dim3A_456, %broadcast_in_dim3A_457 : vector<16xi1>, vector<16xi32>
        %add3A_458 = arith.addi %while3A_446, %select_n3A : vector<16xi32>
        %eq3A = vector.broadcast %while3A_425#0 : i32 to vector<16xi32>
        %eq3A_459 = arith.cmpi eq, %get3A_452, %eq3A : vector<16xi32>
        %jit3A_460 = arith.constant 1 : i32
        %jit3A_461 = arith.constant 0 : i32
        %broadcast_in_dim3A_462 = vector.broadcast %jit3A_460 : i32 to vector<16xi32>
        %broadcast_in_dim3A_463 = vector.broadcast %jit3A_461 : i32 to vector<16xi32>
        %select_n3A_464 = arith.select %eq3A_459, %broadcast_in_dim3A_462, %broadcast_in_dim3A_463 : vector<16xi1>, vector<16xi32>
        %add3A_465 = arith.addi %while3A_447, %select_n3A_464 : vector<16xi32>
        %add3A_466 = arith.constant 16 : i32
        %add3A_467 = arith.addi %shift_left3A_449, %add3A_466 : i32
        %get3A_468 = arith.index_cast %add3A_467 : i32 to index
        %get3A_469 = tpu.vector_load %arg7[%get3A_468] {strides = array<i32>} : memref<4096xi32, #tpu.memory_space<vmem>>, vector<16xi32>,
        %ge3A_470 = vector.broadcast %while3A_425#0 : i32 to vector<16xi32>
        %ge3A_471 = arith.cmpi sge, %get3A_469, %ge3A_470 : vector<16xi32>
        %jit3A_472 = arith.constant 1 : i32
        %jit3A_473 = arith.constant 0 : i32
        %broadcast_in_dim3A_474 = vector.broadcast %jit3A_472 : i32 to vector<16xi32>
        %broadcast_in_dim3A_475 = vector.broadcast %jit3A_473 : i32 to vector<16xi32>
        %select_n3A_476 = arith.select %ge3A_471, %broadcast_in_dim3A_474, %broadcast_in_dim3A_475 : vector<16xi1>, vector<16xi32>
        %add3A_477 = arith.addi %add3A_458, %select_n3A_476 : vector<16xi32>
        %eq3A_478 = vector.broadcast %while3A_425#0 : i32 to vector<16xi32>
        %eq3A_479 = arith.cmpi eq, %get3A_469, %eq3A_478 : vector<16xi32>
        %jit3A_480 = arith.constant 1 : i32
        %jit3A_481 = arith.constant 0 : i32
        %broadcast_in_dim3A_482 = vector.broadcast %jit3A_480 : i32 to vector<16xi32>
        %broadcast_in_dim3A_483 = vector.broadcast %jit3A_481 : i32 to vector<16xi32>
        %select_n3A_484 = arith.select %eq3A_479, %broadcast_in_dim3A_482, %broadcast_in_dim3A_483 : vector<16xi1>, vector<16xi32>
        %add3A_485 = arith.addi %add3A_465, %select_n3A_484 : vector<16xi32>
        %add3A_486 = arith.constant 32 : i32
        %add3A_487 = arith.addi %shift_left3A_449, %add3A_486 : i32
        %get3A_488 = arith.index_cast %add3A_487 : i32 to index
        %get3A_489 = tpu.vector_load %arg7[%get3A_488] {strides = array<i32>} : memref<4096xi32, #tpu.memory_space<vmem>>, vector<16xi32>,
        %ge3A_490 = vector.broadcast %while3A_425#0 : i32 to vector<16xi32>
        %ge3A_491 = arith.cmpi sge, %get3A_489, %ge3A_490 : vector<16xi32>
        %jit3A_492 = arith.constant 1 : i32
        %jit3A_493 = arith.constant 0 : i32
        %broadcast_in_dim3A_494 = vector.broadcast %jit3A_492 : i32 to vector<16xi32>
        %broadcast_in_dim3A_495 = vector.broadcast %jit3A_493 : i32 to vector<16xi32>
        %select_n3A_496 = arith.select %ge3A_491, %broadcast_in_dim3A_494, %broadcast_in_dim3A_495 : vector<16xi1>, vector<16xi32>
        %add3A_497 = arith.addi %add3A_477, %select_n3A_496 : vector<16xi32>
        %eq3A_498 = vector.broadcast %while3A_425#0 : i32 to vector<16xi32>
        %eq3A_499 = arith.cmpi eq, %get3A_489, %eq3A_498 : vector<16xi32>
        %jit3A_500 = arith.constant 1 : i32
        %jit3A_501 = arith.constant 0 : i32
        %broadcast_in_dim3A_502 = vector.broadcast %jit3A_500 : i32 to vector<16xi32>
        %broadcast_in_dim3A_503 = vector.broadcast %jit3A_501 : i32 to vector<16xi32>
        %select_n3A_504 = arith.select %eq3A_499, %broadcast_in_dim3A_502, %broadcast_in_dim3A_503 : vector<16xi1>, vector<16xi32>
        %add3A_505 = arith.addi %add3A_485, %select_n3A_504 : vector<16xi32>
        %add3A_506 = arith.constant 48 : i32
        %add3A_507 = arith.addi %shift_left3A_449, %add3A_506 : i32
        %get3A_508 = arith.index_cast %add3A_507 : i32 to index
        %get3A_509 = tpu.vector_load %arg7[%get3A_508] {strides = array<i32>} : memref<4096xi32, #tpu.memory_space<vmem>>, vector<16xi32>,
        %ge3A_510 = vector.broadcast %while3A_425#0 : i32 to vector<16xi32>
        %ge3A_511 = arith.cmpi sge, %get3A_509, %ge3A_510 : vector<16xi32>
        %jit3A_512 = arith.constant 1 : i32
        %jit3A_513 = arith.constant 0 : i32
        %broadcast_in_dim3A_514 = vector.broadcast %jit3A_512 : i32 to vector<16xi32>
        %broadcast_in_dim3A_515 = vector.broadcast %jit3A_513 : i32 to vector<16xi32>
        %select_n3A_516 = arith.select %ge3A_511, %broadcast_in_dim3A_514, %broadcast_in_dim3A_515 : vector<16xi1>, vector<16xi32>
        %add3A_517 = arith.addi %add3A_497, %select_n3A_516 : vector<16xi32>
        %eq3A_518 = vector.broadcast %while3A_425#0 : i32 to vector<16xi32>
        %eq3A_519 = arith.cmpi eq, %get3A_509, %eq3A_518 : vector<16xi32>
        %jit3A_520 = arith.constant 1 : i32
        %jit3A_521 = arith.constant 0 : i32
        %broadcast_in_dim3A_522 = vector.broadcast %jit3A_520 : i32 to vector<16xi32>
        %broadcast_in_dim3A_523 = vector.broadcast %jit3A_521 : i32 to vector<16xi32>
        %select_n3A_524 = arith.select %eq3A_519, %broadcast_in_dim3A_522, %broadcast_in_dim3A_523 : vector<16xi1>, vector<16xi32>
        %add3A_525 = arith.addi %add3A_505, %select_n3A_524 : vector<16xi32>
        scf.yield %add3A_517, %add3A_525 : vector<16xi32>, vector<16xi32>
      }
      %while3A_435 = arith.constant 1 : i32
      %while3A_436:2 = scf.for %while3A_445 = %while3A_432 to %while3A_428 step %while3A_435 iter_args(%while3A_446 = %while3A_434#0, %while3A_447 = %while3A_434#1) -> (vector<16xi32>, vector<16xi32>)  : i32 {
        %shift_left3A_448 = arith.constant 6 : i32
        %shift_left3A_449 = arith.shli %while3A_445, %shift_left3A_448 : i32
        %add3A_450 = arith.constant 0 : i32
        %add3A_451 = arith.addi %shift_left3A_449, %add3A_450 : i32
        %get3A = arith.index_cast %add3A_451 : i32 to index
        %get3A_452 = tpu.vector_load %arg7[%get3A] {strides = array<i32>} : memref<4096xi32, #tpu.memory_space<vmem>>, vector<16xi32>,
        %ge3A_453 = vector.broadcast %while3A_425#0 : i32 to vector<16xi32>
        %ge3A_454 = arith.cmpi sge, %get3A_452, %ge3A_453 : vector<16xi32>
        %jit3A = arith.constant 1 : i32
        %jit3A_455 = arith.constant 0 : i32
        %broadcast_in_dim3A_456 = vector.broadcast %jit3A : i32 to vector<16xi32>
        %broadcast_in_dim3A_457 = vector.broadcast %jit3A_455 : i32 to vector<16xi32>
        %select_n3A = arith.select %ge3A_454, %broadcast_in_dim3A_456, %broadcast_in_dim3A_457 : vector<16xi1>, vector<16xi32>
        %add3A_458 = arith.addi %while3A_446, %select_n3A : vector<16xi32>
        %eq3A = vector.broadcast %while3A_425#0 : i32 to vector<16xi32>
        %eq3A_459 = arith.cmpi eq, %get3A_452, %eq3A : vector<16xi32>
        %jit3A_460 = arith.constant 1 : i32
        %jit3A_461 = arith.constant 0 : i32
        %broadcast_in_dim3A_462 = vector.broadcast %jit3A_460 : i32 to vector<16xi32>
        %broadcast_in_dim3A_463 = vector.broadcast %jit3A_461 : i32 to vector<16xi32>
        %select_n3A_464 = arith.select %eq3A_459, %broadcast_in_dim3A_462, %broadcast_in_dim3A_463 : vector<16xi1>, vector<16xi32>
        %add3A_465 = arith.addi %while3A_447, %select_n3A_464 : vector<16xi32>
        %add3A_466 = arith.constant 16 : i32
        %add3A_467 = arith.addi %shift_left3A_449, %add3A_466 : i32
        %get3A_468 = arith.index_cast %add3A_467 : i32 to index
        %get3A_469 = tpu.vector_load %arg7[%get3A_468] {strides = array<i32>} : memref<4096xi32, #tpu.memory_space<vmem>>, vector<16xi32>,
        %ge3A_470 = vector.broadcast %while3A_425#0 : i32 to vector<16xi32>
        %ge3A_471 = arith.cmpi sge, %get3A_469, %ge3A_470 : vector<16xi32>
        %jit3A_472 = arith.constant 1 : i32
        %jit3A_473 = arith.constant 0 : i32
        %broadcast_in_dim3A_474 = vector.broadcast %jit3A_472 : i32 to vector<16xi32>
        %broadcast_in_dim3A_475 = vector.broadcast %jit3A_473 : i32 to vector<16xi32>
        %select_n3A_476 = arith.select %ge3A_471, %broadcast_in_dim3A_474, %broadcast_in_dim3A_475 : vector<16xi1>, vector<16xi32>
        %add3A_477 = arith.addi %add3A_458, %select_n3A_476 : vector<16xi32>
        %eq3A_478 = vector.broadcast %while3A_425#0 : i32 to vector<16xi32>
        %eq3A_479 = arith.cmpi eq, %get3A_469, %eq3A_478 : vector<16xi32>
        %jit3A_480 = arith.constant 1 : i32
        %jit3A_481 = arith.constant 0 : i32
        %broadcast_in_dim3A_482 = vector.broadcast %jit3A_480 : i32 to vector<16xi32>
        %broadcast_in_dim3A_483 = vector.broadcast %jit3A_481 : i32 to vector<16xi32>
        %select_n3A_484 = arith.select %eq3A_479, %broadcast_in_dim3A_482, %broadcast_in_dim3A_483 : vector<16xi1>, vector<16xi32>
        %add3A_485 = arith.addi %add3A_465, %select_n3A_484 : vector<16xi32>
        %add3A_486 = arith.constant 32 : i32
        %add3A_487 = arith.addi %shift_left3A_449, %add3A_486 : i32
        %get3A_488 = arith.index_cast %add3A_487 : i32 to index
        %get3A_489 = tpu.vector_load %arg7[%get3A_488] {strides = array<i32>} : memref<4096xi32, #tpu.memory_space<vmem>>, vector<16xi32>,
        %ge3A_490 = vector.broadcast %while3A_425#0 : i32 to vector<16xi32>
        %ge3A_491 = arith.cmpi sge, %get3A_489, %ge3A_490 : vector<16xi32>
        %jit3A_492 = arith.constant 1 : i32
        %jit3A_493 = arith.constant 0 : i32
        %broadcast_in_dim3A_494 = vector.broadcast %jit3A_492 : i32 to vector<16xi32>
        %broadcast_in_dim3A_495 = vector.broadcast %jit3A_493 : i32 to vector<16xi32>
        %select_n3A_496 = arith.select %ge3A_491, %broadcast_in_dim3A_494, %broadcast_in_dim3A_495 : vector<16xi1>, vector<16xi32>
        %add3A_497 = arith.addi %add3A_477, %select_n3A_496 : vector<16xi32>
        %eq3A_498 = vector.broadcast %while3A_425#0 : i32 to vector<16xi32>
        %eq3A_499 = arith.cmpi eq, %get3A_489, %eq3A_498 : vector<16xi32>
        %jit3A_500 = arith.constant 1 : i32
        %jit3A_501 = arith.constant 0 : i32
        %broadcast_in_dim3A_502 = vector.broadcast %jit3A_500 : i32 to vector<16xi32>
        %broadcast_in_dim3A_503 = vector.broadcast %jit3A_501 : i32 to vector<16xi32>
        %select_n3A_504 = arith.select %eq3A_499, %broadcast_in_dim3A_502, %broadcast_in_dim3A_503 : vector<16xi1>, vector<16xi32>
        %add3A_505 = arith.addi %add3A_485, %select_n3A_504 : vector<16xi32>
        %add3A_506 = arith.constant 48 : i32
        %add3A_507 = arith.addi %shift_left3A_449, %add3A_506 : i32
        %get3A_508 = arith.index_cast %add3A_507 : i32 to index
        %get3A_509 = tpu.vector_load %arg7[%get3A_508] {strides = array<i32>} : memref<4096xi32, #tpu.memory_space<vmem>>, vector<16xi32>,
        %ge3A_510 = vector.broadcast %while3A_425#0 : i32 to vector<16xi32>
        %ge3A_511 = arith.cmpi sge, %get3A_509, %ge3A_510 : vector<16xi32>
        %jit3A_512 = arith.constant 1 : i32
        %jit3A_513 = arith.constant 0 : i32
        %broadcast_in_dim3A_514 = vector.broadcast %jit3A_512 : i32 to vector<16xi32>
        %broadcast_in_dim3A_515 = vector.broadcast %jit3A_513 : i32 to vector<16xi32>
        %select_n3A_516 = arith.select %ge3A_511, %broadcast_in_dim3A_514, %broadcast_in_dim3A_515 : vector<16xi1>, vector<16xi32>
        %add3A_517 = arith.addi %add3A_497, %select_n3A_516 : vector<16xi32>
        %eq3A_518 = vector.broadcast %while3A_425#0 : i32 to vector<16xi32>
        %eq3A_519 = arith.cmpi eq, %get3A_509, %eq3A_518 : vector<16xi32>
        %jit3A_520 = arith.constant 1 : i32
        %jit3A_521 = arith.constant 0 : i32
        %broadcast_in_dim3A_522 = vector.broadcast %jit3A_520 : i32 to vector<16xi32>
        %broadcast_in_dim3A_523 = vector.broadcast %jit3A_521 : i32 to vector<16xi32>
        %select_n3A_524 = arith.select %eq3A_519, %broadcast_in_dim3A_522, %broadcast_in_dim3A_523 : vector<16xi1>, vector<16xi32>
        %add3A_525 = arith.addi %add3A_505, %select_n3A_524 : vector<16xi32>
        scf.yield %add3A_517, %add3A_525 : vector<16xi32>, vector<16xi32>
      }
      %reduce_sum3A_437 = arith.constant true
      %reduce_sum3A_438 = vector.broadcast %reduce_sum3A_437 : i1 to vector<16xi1>
      %reduce_sum3A_439 = tpu.scan <sum>, %while3A_436#0 masked %reduce_sum3A_438 : vector<16xi32>, vector<16xi1> -> vector<16xi32>
      %reduce_sum3A_440 = vector.extract %reduce_sum3A_439[15] : i32 from vector<16xi32>
      %reduce_sum3A_441 = arith.constant true
      %reduce_sum3A_442 = vector.broadcast %reduce_sum3A_441 : i1 to vector<16xi1>
      %reduce_sum3A_443 = tpu.scan <sum>, %while3A_436#1 masked %reduce_sum3A_442 : vector<16xi32>, vector<16xi1> -> vector<16xi32>
      %reduce_sum3A_444 = vector.extract %reduce_sum3A_443[15] : i32 from vector<16xi32>
      scf.yield %while3A_425#0, %reduce_sum3A_440, %reduce_sum3A_444 : i32, i32, i32
    } else {
      %parallel_loop3A_405 = arith.constant 0 : i32
      %parallel_loop3A_406 = arith.constant 16384 : i32
      %parallel_loop3A_407 = arith.constant 16 : i32
      scf.for %parallel_loop3A_481 = %parallel_loop3A_405 to %parallel_loop3A_406 step %parallel_loop3A_407  : i32 {
        %parallel_loop3A_482 = arith.index_cast %parallel_loop3A_481 : i32 to index
        %parallel_loop3A_483 = tpu.vector_load %arg6[%parallel_loop3A_482] {strides = array<i32>} : memref<16384xi32, #tpu.memory_space<vmem>>, vector<16xi32>,
        tpu.vector_store %arg6[%parallel_loop3A_482], %broadcast_in_dim3A_3 {strides = array<i32>} : memref<16384xi32, #tpu.memory_space<vmem>>, vector<16xi32>,
      } {sc.loop_unroll_factor = 8 : i64, sc.parallel_access}
      %parallel_loop3A_408 = arith.constant 0 : i32
      %parallel_loop3A_409 = arith.constant 32768 : i32
      %parallel_loop3A_410 = arith.constant 16 : i32
      %parallel_loop3A_411 = scf.for %parallel_loop3A_481 = %parallel_loop3A_408 to %parallel_loop3A_409 step %parallel_loop3A_410 iter_args(%parallel_loop3A_482 = %broadcast_in_dim3A_3) -> (vector<16xi32>)  : i32 {
        %parallel_loop3A_483 = arith.index_cast %parallel_loop3A_481 : i32 to index
        %parallel_loop3A_484 = tpu.vector_load %arg5[%parallel_loop3A_483] {strides = array<i32>} : memref<32768xf32, #tpu.memory_space<vmem>>, vector<16xf32>,
        %parallel_loop3A_485 = vector.bitcast %parallel_loop3A_484 : vector<16xf32> to vector<16xi32>
        %parallel_loop3A_486 = arith.constant 2147483647 : i32
        %parallel_loop3A_487 = vector.broadcast %parallel_loop3A_486 : i32 to vector<16xi32>
        %parallel_loop3A_488 = arith.andi %parallel_loop3A_485, %parallel_loop3A_487 : vector<16xi32>
        %parallel_loop3A_489 = arith.constant 21 : i32
        %parallel_loop3A_490 = vector.broadcast %parallel_loop3A_489 : i32 to vector<16xi32>
        %parallel_loop3A_491 = arith.shrsi %parallel_loop3A_488, %parallel_loop3A_490 : vector<16xi32>
        %parallel_loop3A_492 = arith.constant 4 : i32
        %parallel_loop3A_493 = vector.broadcast %parallel_loop3A_492 : i32 to vector<16xi32>
        %parallel_loop3A_494 = arith.shli %parallel_loop3A_491, %parallel_loop3A_493 : vector<16xi32>
        %parallel_loop3A_495 = arith.ori %parallel_loop3A_494, %iota3A : vector<16xi32>
        tpu.vector_store_idx %arg6[%parallel_loop3A_495], %broadcast_in_dim3A_1 {add = true} : memref<16384xi32, #tpu.memory_space<vmem>>[vector<16xi32>], vector<16xi32>,
        %parallel_loop3A_496 = arith.maxsi %parallel_loop3A_482, %parallel_loop3A_488 : vector<16xi32>
        scf.yield %parallel_loop3A_496 : vector<16xi32>
      } {sc.loop_unroll_factor = 8 : i64, sc.parallel_access}
      %reduce_max3A_412 = arith.constant true
      %reduce_max3A_413 = vector.broadcast %reduce_max3A_412 : i1 to vector<16xi1>
      %reduce_max3A_414 = arith.constant -2147483648 : i32
      %reduce_max3A_415 = vector.broadcast %reduce_max3A_414 : i32 to vector<16xi32>
      %reduce_max3A_416 = arith.xori %parallel_loop3A_411, %reduce_max3A_415 : vector<16xi32>
      %reduce_max3A_417 = tpu.scan <max>, %reduce_max3A_416 masked %reduce_max3A_413 : vector<16xi32>, vector<16xi1> -> vector<16xi32>
      %reduce_max3A_418 = arith.xori %reduce_max3A_417, %reduce_max3A_415 : vector<16xi32>
      %reduce_max3A_419 = vector.extract %reduce_max3A_418[15] : i32 from vector<16xi32>
      %shift_right_arithmetic3A_420 = arith.constant 21 : i32
      %shift_right_arithmetic3A_421 = arith.shrsi %reduce_max3A_419, %shift_right_arithmetic3A_420 : i32
      %while3A_422 = arith.constant 0 : i32
      %while3A_423 = arith.constant 0 : i32
      %while3A_424:3 = scf.while (%while3A_481 = %shift_right_arithmetic3A_421, %while3A_482 = %while3A_422, %while3A_483 = %while3A_423) : (i32, i32, i32) -> (i32, i32, i32) {
        %lt3A = arith.constant 64 : i32
        %lt3A_484 = arith.cmpi slt, %while3A_482, %lt3A : i32
        %ge3A_485 = arith.constant 0 : i32
        %ge3A_486 = arith.cmpi sge, %while3A_481, %ge3A_485 : i32
        %and3A_487 = arith.andi %lt3A_484, %ge3A_486 : i1
        scf.condition(%and3A_487) %while3A_481, %while3A_482, %while3A_483 : i32, i32, i32
      } do {
      ^bb0(%while3A_481: i32, %while3A_482: i32, %while3A_483: i32):
        %mul3A_484 = arith.constant 16 : i32
        %mul3A_485 = arith.muli %while3A_481, %mul3A_484 : i32
        %get3A = arith.index_cast %mul3A_485 : i32 to index
        %get3A_486 = tpu.vector_load %arg6[%get3A] {strides = array<i32>} : memref<16384xi32, #tpu.memory_space<vmem>>, vector<16xi32>,
        %reduce_sum3A_487 = arith.constant true
        %reduce_sum3A_488 = vector.broadcast %reduce_sum3A_487 : i1 to vector<16xi1>
        %reduce_sum3A_489 = tpu.scan <sum>, %get3A_486 masked %reduce_sum3A_488 : vector<16xi32>, vector<16xi1> -> vector<16xi32>
        %reduce_sum3A_490 = vector.extract %reduce_sum3A_489[15] : i32 from vector<16xi32>
        %sub3A_491 = arith.constant 1 : i32
        %sub3A_492 = arith.subi %while3A_481, %sub3A_491 : i32
        %add3A_493 = arith.addi %while3A_482, %reduce_sum3A_490 : i32
        scf.yield %sub3A_492, %add3A_493, %reduce_sum3A_490 : i32, i32, i32
      }
      %add3A_425 = arith.constant 1 : i32
      %add3A_426 = arith.addi %while3A_424#0, %add3A_425 : i32
      %sub3A_427 = arith.subi %while3A_424#1, %while3A_424#2 : i32
      %sub3A_428 = arith.constant 64 : i32
      %sub3A_429 = arith.subi %sub3A_428, %sub3A_427 : i32
      %shift_left3A_430 = arith.constant 21 : i32
      %shift_left3A_431 = arith.shli %add3A_426, %shift_left3A_430 : i32
      %parallel_loop3A_432 = arith.constant 0 : i32
      %parallel_loop3A_433 = arith.constant 32768 : i32
      %parallel_loop3A_434 = arith.constant 16 : i32
      %parallel_loop3A_435 = scf.for %parallel_loop3A_481 = %parallel_loop3A_432 to %parallel_loop3A_433 step %parallel_loop3A_434 iter_args(%parallel_loop3A_482 = %iota3A) -> (vector<16xi32>)  : i32 {
        %parallel_loop3A_483 = arith.index_cast %parallel_loop3A_481 : i32 to index
        %parallel_loop3A_484 = tpu.vector_load %arg5[%parallel_loop3A_483] {strides = array<i32>} : memref<32768xf32, #tpu.memory_space<vmem>>, vector<16xf32>,
        %parallel_loop3A_485 = vector.bitcast %parallel_loop3A_484 : vector<16xf32> to vector<16xi32>
        %parallel_loop3A_486 = arith.constant 2147483647 : i32
        %parallel_loop3A_487 = vector.broadcast %parallel_loop3A_486 : i32 to vector<16xi32>
        %parallel_loop3A_488 = arith.andi %parallel_loop3A_485, %parallel_loop3A_487 : vector<16xi32>
        %parallel_loop3A_489 = vector.broadcast %shift_left3A_431 : i32 to vector<16xi32>
        %parallel_loop3A_490 = arith.subi %parallel_loop3A_488, %parallel_loop3A_489 : vector<16xi32>
        %parallel_loop3A_491 = vector.bitcast %parallel_loop3A_490 : vector<16xi32> to vector<16xi32>
        %parallel_loop3A_492 = arith.constant 2097152 : i32
        %parallel_loop3A_493 = vector.broadcast %parallel_loop3A_492 : i32 to vector<16xi32>
        %parallel_loop3A_494 = arith.cmpi ult, %parallel_loop3A_491, %parallel_loop3A_493 : vector<16xi32>
        %parallel_loop3A_495 = arith.constant 4095 : i32
        %parallel_loop3A_496 = vector.broadcast %parallel_loop3A_495 : i32 to vector<16xi32>
        %parallel_loop3A_497 = arith.andi %parallel_loop3A_482, %parallel_loop3A_496 : vector<16xi32>
        tpu.vector_store_idx %arg7[%parallel_loop3A_497], %parallel_loop3A_488 masked %parallel_loop3A_494 : memref<4096xi32, #tpu.memory_space<vmem>>[vector<16xi32>], vector<16xi32>, vector<16xi1>
        %parallel_loop3A_498 = arith.constant 16 : i32
        %parallel_loop3A_499 = arith.constant 0 : i32
        %parallel_loop3A_500 = vector.broadcast %parallel_loop3A_498 : i32 to vector<16xi32>
        %parallel_loop3A_501 = vector.broadcast %parallel_loop3A_499 : i32 to vector<16xi32>
        %parallel_loop3A_502 = arith.select %parallel_loop3A_494, %parallel_loop3A_500, %parallel_loop3A_501 : vector<16xi1>, vector<16xi32>
        %parallel_loop3A_503 = arith.addi %parallel_loop3A_482, %parallel_loop3A_502 : vector<16xi32>
        scf.yield %parallel_loop3A_503 : vector<16xi32>
      } {sc.loop_unroll_factor = 8 : i64, sc.parallel_access}
      %sub3A_436 = arith.subi %parallel_loop3A_435, %iota3A : vector<16xi32>
      %shift_right_arithmetic3A_437 = arith.constant 4 : i32
      %shift_right_arithmetic3A_438 = vector.broadcast %shift_right_arithmetic3A_437 : i32 to vector<16xi32>
      %shift_right_arithmetic3A_439 = arith.shrsi %sub3A_436, %shift_right_arithmetic3A_438 : vector<16xi32>
      %add3A_440 = arith.constant 2097152 : i32
      %add3A_441 = arith.addi %shift_left3A_431, %add3A_440 : i32
      %sub3A_442 = arith.constant 1 : i32
      %sub3A_443 = arith.subi %add3A_441, %sub3A_442 : i32
      %sub3A_444 = arith.constant 64 : i32
      %sub3A_445 = arith.subi %sub3A_444, %sub3A_429 : i32
      %reduce_max3A_446 = arith.constant true
      %reduce_max3A_447 = vector.broadcast %reduce_max3A_446 : i1 to vector<16xi1>
      %reduce_max3A_448 = arith.constant -2147483648 : i32
      %reduce_max3A_449 = vector.broadcast %reduce_max3A_448 : i32 to vector<16xi32>
      %reduce_max3A_450 = arith.xori %shift_right_arithmetic3A_439, %reduce_max3A_449 : vector<16xi32>
      %reduce_max3A_451 = tpu.scan <max>, %reduce_max3A_450 masked %reduce_max3A_447 : vector<16xi32>, vector<16xi1> -> vector<16xi32>
      %reduce_max3A_452 = arith.xori %reduce_max3A_451, %reduce_max3A_449 : vector<16xi32>
      %reduce_max3A_453 = vector.extract %reduce_max3A_452[15] : i32 from vector<16xi32>
      %min3A_454 = arith.constant 256 : i32
      %min3A_455 = arith.minsi %reduce_max3A_453, %min3A_454 : i32
      %scan3A = arith.constant 0 : i32
      %scan3A_456 = arith.constant 21 : i32
      %scan3A_457 = arith.addi %scan3A, %scan3A_456 : i32
      %scan3A_458 = arith.constant 1 : i32
      %scan3A_459:2 = scf.for %scan3A_481 = %scan3A to %scan3A_457 step %scan3A_458 iter_args(%scan3A_482 = %shift_left3A_431, %scan3A_483 = %sub3A_443) -> (i32, i32)  : i32 {
        %sub3A_484 = arith.subi %scan3A_483, %scan3A_482 : i32
        %add3A_485 = arith.constant 1 : i32
        %add3A_486 = arith.addi %sub3A_484, %add3A_485 : i32
        %shift_right_arithmetic3A_487 = arith.constant 1 : i32
        %shift_right_arithmetic3A_488 = arith.shrsi %add3A_486, %shift_right_arithmetic3A_487 : i32
        %add3A_489 = arith.addi %scan3A_482, %shift_right_arithmetic3A_488 : i32
        %while3A_490 = arith.constant 0 : i32
        %while3A_491 = arith.subi %min3A_455, %while3A_490 : i32
        %while3A_492 = arith.addi %while3A_490, %while3A_491 : i32
        %while3A_493 = arith.constant 1 : i32
        %while3A_494 = arith.divsi %while3A_491, %while3A_493 : i32
        %while3A_495 = arith.muli %while3A_494, %while3A_493 : i32
        %while3A_496 = arith.addi %while3A_490, %while3A_495 : i32
        %while3A_497 = arith.constant 1 : i32
        %while3A_498 = scf.for %while3A_509 = %while3A_490 to %while3A_496 step %while3A_497 iter_args(%while3A_510 = %broadcast_in_dim3A_3) -> (vector<16xi32>)  : i32 {
          %mul3A_511 = arith.constant 16 : i32
          %mul3A_512 = arith.muli %while3A_509, %mul3A_511 : i32
          %get3A = arith.index_cast %mul3A_512 : i32 to index
          %get3A_513 = tpu.vector_load %arg7[%get3A] {strides = array<i32>} : memref<4096xi32, #tpu.memory_space<vmem>>, vector<16xi32>,
          %ge3A_514 = vector.broadcast %add3A_489 : i32 to vector<16xi32>
          %ge3A_515 = arith.cmpi sge, %get3A_513, %ge3A_514 : vector<16xi32>
          %lt3A = vector.broadcast %while3A_509 : i32 to vector<16xi32>
          %lt3A_516 = arith.cmpi slt, %lt3A, %shift_right_arithmetic3A_439 : vector<16xi32>
          %and3A_517 = arith.andi %ge3A_515, %lt3A_516 : vector<16xi1>
          %jit3A = arith.constant 1 : i32
          %jit3A_518 = arith.constant 0 : i32
          %broadcast_in_dim3A_519 = vector.broadcast %jit3A : i32 to vector<16xi32>
          %broadcast_in_dim3A_520 = vector.broadcast %jit3A_518 : i32 to vector<16xi32>
          %select_n3A_521 = arith.select %and3A_517, %broadcast_in_dim3A_519, %broadcast_in_dim3A_520 : vector<16xi1>, vector<16xi32>
          %add3A_522 = arith.addi %while3A_510, %select_n3A_521 : vector<16xi32>
          scf.yield %add3A_522 : vector<16xi32>
        }
        %while3A_499 = arith.constant 1 : i32
        %while3A_500 = scf.for %while3A_509 = %while3A_496 to %while3A_492 step %while3A_499 iter_args(%while3A_510 = %while3A_498) -> (vector<16xi32>)  : i32 {
          %mul3A_511 = arith.constant 16 : i32
          %mul3A_512 = arith.muli %while3A_509, %mul3A_511 : i32
          %get3A = arith.index_cast %mul3A_512 : i32 to index
          %get3A_513 = tpu.vector_load %arg7[%get3A] {strides = array<i32>} : memref<4096xi32, #tpu.memory_space<vmem>>, vector<16xi32>,
          %ge3A_514 = vector.broadcast %add3A_489 : i32 to vector<16xi32>
          %ge3A_515 = arith.cmpi sge, %get3A_513, %ge3A_514 : vector<16xi32>
          %lt3A = vector.broadcast %while3A_509 : i32 to vector<16xi32>
          %lt3A_516 = arith.cmpi slt, %lt3A, %shift_right_arithmetic3A_439 : vector<16xi32>
          %and3A_517 = arith.andi %ge3A_515, %lt3A_516 : vector<16xi1>
          %jit3A = arith.constant 1 : i32
          %jit3A_518 = arith.constant 0 : i32
          %broadcast_in_dim3A_519 = vector.broadcast %jit3A : i32 to vector<16xi32>
          %broadcast_in_dim3A_520 = vector.broadcast %jit3A_518 : i32 to vector<16xi32>
          %select_n3A_521 = arith.select %and3A_517, %broadcast_in_dim3A_519, %broadcast_in_dim3A_520 : vector<16xi1>, vector<16xi32>
          %add3A_522 = arith.addi %while3A_510, %select_n3A_521 : vector<16xi32>
          scf.yield %add3A_522 : vector<16xi32>
        }
        %reduce_sum3A_501 = arith.constant true
        %reduce_sum3A_502 = vector.broadcast %reduce_sum3A_501 : i1 to vector<16xi1>
        %reduce_sum3A_503 = tpu.scan <sum>, %while3A_500 masked %reduce_sum3A_502 : vector<16xi32>, vector<16xi1> -> vector<16xi32>
        %reduce_sum3A_504 = vector.extract %reduce_sum3A_503[15] : i32 from vector<16xi32>
        %ge3A_505 = arith.cmpi sge, %reduce_sum3A_504, %sub3A_429 : i32
        %select_n3A = arith.select %ge3A_505, %add3A_489, %scan3A_482 : i32
        %sub3A_506 = arith.constant 1 : i32
        %sub3A_507 = arith.subi %add3A_489, %sub3A_506 : i32
        %select_n3A_508 = arith.select %ge3A_505, %scan3A_483, %sub3A_507 : i32
        scf.yield %select_n3A, %select_n3A_508 : i32, i32
      }
      %scan3A_460 = arith.constant 21 : i32
      %while3A_461 = arith.constant 0 : i32
      %while3A_462 = arith.subi %min3A_455, %while3A_461 : i32
      %while3A_463 = arith.addi %while3A_461, %while3A_462 : i32
      %while3A_464 = arith.constant 1 : i32
      %while3A_465 = arith.divsi %while3A_462, %while3A_464 : i32
      %while3A_466 = arith.muli %while3A_465, %while3A_464 : i32
      %while3A_467 = arith.addi %while3A_461, %while3A_466 : i32
      %while3A_468 = arith.constant 1 : i32
      %while3A_469:2 = scf.for %while3A_481 = %while3A_461 to %while3A_467 step %while3A_468 iter_args(%while3A_482 = %broadcast_in_dim3A_3, %while3A_483 = %broadcast_in_dim3A_3) -> (vector<16xi32>, vector<16xi32>)  : i32 {
        %mul3A_484 = arith.constant 16 : i32
        %mul3A_485 = arith.muli %while3A_481, %mul3A_484 : i32
        %get3A = arith.index_cast %mul3A_485 : i32 to index
        %get3A_486 = tpu.vector_load %arg7[%get3A] {strides = array<i32>} : memref<4096xi32, #tpu.memory_space<vmem>>, vector<16xi32>,
        %lt3A = vector.broadcast %while3A_481 : i32 to vector<16xi32>
        %lt3A_487 = arith.cmpi slt, %lt3A, %shift_right_arithmetic3A_439 : vector<16xi32>
        %ge3A_488 = vector.broadcast %scan3A_459#0 : i32 to vector<16xi32>
        %ge3A_489 = arith.cmpi sge, %get3A_486, %ge3A_488 : vector<16xi32>
        %and3A_490 = arith.andi %ge3A_489, %lt3A_487 : vector<16xi1>
        %eq3A = vector.broadcast %scan3A_459#0 : i32 to vector<16xi32>
        %eq3A_491 = arith.cmpi eq, %get3A_486, %eq3A : vector<16xi32>
        %and3A_492 = arith.andi %eq3A_491, %lt3A_487 : vector<16xi1>
        %jit3A = arith.constant 1 : i32
        %jit3A_493 = arith.constant 0 : i32
        %broadcast_in_dim3A_494 = vector.broadcast %jit3A : i32 to vector<16xi32>
        %broadcast_in_dim3A_495 = vector.broadcast %jit3A_493 : i32 to vector<16xi32>
        %select_n3A = arith.select %and3A_490, %broadcast_in_dim3A_494, %broadcast_in_dim3A_495 : vector<16xi1>, vector<16xi32>
        %add3A_496 = arith.addi %while3A_482, %select_n3A : vector<16xi32>
        %jit3A_497 = arith.constant 1 : i32
        %jit3A_498 = arith.constant 0 : i32
        %broadcast_in_dim3A_499 = vector.broadcast %jit3A_497 : i32 to vector<16xi32>
        %broadcast_in_dim3A_500 = vector.broadcast %jit3A_498 : i32 to vector<16xi32>
        %select_n3A_501 = arith.select %and3A_492, %broadcast_in_dim3A_499, %broadcast_in_dim3A_500 : vector<16xi1>, vector<16xi32>
        %add3A_502 = arith.addi %while3A_483, %select_n3A_501 : vector<16xi32>
        scf.yield %add3A_496, %add3A_502 : vector<16xi32>, vector<16xi32>
      }
      %while3A_470 = arith.constant 1 : i32
      %while3A_471:2 = scf.for %while3A_481 = %while3A_467 to %while3A_463 step %while3A_470 iter_args(%while3A_482 = %while3A_469#0, %while3A_483 = %while3A_469#1) -> (vector<16xi32>, vector<16xi32>)  : i32 {
        %mul3A_484 = arith.constant 16 : i32
        %mul3A_485 = arith.muli %while3A_481, %mul3A_484 : i32
        %get3A = arith.index_cast %mul3A_485 : i32 to index
        %get3A_486 = tpu.vector_load %arg7[%get3A] {strides = array<i32>} : memref<4096xi32, #tpu.memory_space<vmem>>, vector<16xi32>,
        %lt3A = vector.broadcast %while3A_481 : i32 to vector<16xi32>
        %lt3A_487 = arith.cmpi slt, %lt3A, %shift_right_arithmetic3A_439 : vector<16xi32>
        %ge3A_488 = vector.broadcast %scan3A_459#0 : i32 to vector<16xi32>
        %ge3A_489 = arith.cmpi sge, %get3A_486, %ge3A_488 : vector<16xi32>
        %and3A_490 = arith.andi %ge3A_489, %lt3A_487 : vector<16xi1>
        %eq3A = vector.broadcast %scan3A_459#0 : i32 to vector<16xi32>
        %eq3A_491 = arith.cmpi eq, %get3A_486, %eq3A : vector<16xi32>
        %and3A_492 = arith.andi %eq3A_491, %lt3A_487 : vector<16xi1>
        %jit3A = arith.constant 1 : i32
        %jit3A_493 = arith.constant 0 : i32
        %broadcast_in_dim3A_494 = vector.broadcast %jit3A : i32 to vector<16xi32>
        %broadcast_in_dim3A_495 = vector.broadcast %jit3A_493 : i32 to vector<16xi32>
        %select_n3A = arith.select %and3A_490, %broadcast_in_dim3A_494, %broadcast_in_dim3A_495 : vector<16xi1>, vector<16xi32>
        %add3A_496 = arith.addi %while3A_482, %select_n3A : vector<16xi32>
        %jit3A_497 = arith.constant 1 : i32
        %jit3A_498 = arith.constant 0 : i32
        %broadcast_in_dim3A_499 = vector.broadcast %jit3A_497 : i32 to vector<16xi32>
        %broadcast_in_dim3A_500 = vector.broadcast %jit3A_498 : i32 to vector<16xi32>
        %select_n3A_501 = arith.select %and3A_492, %broadcast_in_dim3A_499, %broadcast_in_dim3A_500 : vector<16xi1>, vector<16xi32>
        %add3A_502 = arith.addi %while3A_483, %select_n3A_501 : vector<16xi32>
        scf.yield %add3A_496, %add3A_502 : vector<16xi32>, vector<16xi32>
      }
      %reduce_sum3A_472 = arith.constant true
      %reduce_sum3A_473 = vector.broadcast %reduce_sum3A_472 : i1 to vector<16xi1>
      %reduce_sum3A_474 = tpu.scan <sum>, %while3A_471#0 masked %reduce_sum3A_473 : vector<16xi32>, vector<16xi1> -> vector<16xi32>
      %reduce_sum3A_475 = vector.extract %reduce_sum3A_474[15] : i32 from vector<16xi32>
      %add3A_476 = arith.addi %sub3A_445, %reduce_sum3A_475 : i32
      %reduce_sum3A_477 = arith.constant true
      %reduce_sum3A_478 = vector.broadcast %reduce_sum3A_477 : i1 to vector<16xi1>
      %reduce_sum3A_479 = tpu.scan <sum>, %while3A_471#1 masked %reduce_sum3A_478 : vector<16xi32>, vector<16xi1> -> vector<16xi32>
      %reduce_sum3A_480 = vector.extract %reduce_sum3A_479[15] : i32 from vector<16xi32>
      scf.yield %scan3A_459#0, %add3A_476, %reduce_sum3A_480 : i32, i32, i32
    }
    %sub3A_176 = arith.subi %cond3A_175#1, %cond3A_175#2 : i32
    %sub3A_177 = arith.constant 64 : i32
    %sub3A_178 = arith.subi %sub3A_177, %sub3A_176 : i32
    %parallel_loop3A_179 = arith.constant 0 : i32
    %parallel_loop3A_180 = arith.constant 32768 : i32
    %parallel_loop3A_181 = arith.constant 16 : i32
    scf.for %parallel_loop3A_405 = %parallel_loop3A_179 to %parallel_loop3A_180 step %parallel_loop3A_181  : i32 {
      %parallel_loop3A_406 = arith.index_cast %parallel_loop3A_405 : i32 to index
      %parallel_loop3A_407 = tpu.vector_load %arg5[%parallel_loop3A_406] {strides = array<i32>} : memref<32768xf32, #tpu.memory_space<vmem>>, vector<16xf32>,
      %parallel_loop3A_408 = vector.bitcast %parallel_loop3A_407 : vector<16xf32> to vector<16xi32>
      %parallel_loop3A_409 = arith.constant 2147483647 : i32
      %parallel_loop3A_410 = vector.broadcast %parallel_loop3A_409 : i32 to vector<16xi32>
      %parallel_loop3A_411 = arith.andi %parallel_loop3A_408, %parallel_loop3A_410 : vector<16xi32>
      %parallel_loop3A_412 = vector.broadcast %cond3A_175#0 : i32 to vector<16xi32>
      %parallel_loop3A_413 = arith.cmpi sge, %parallel_loop3A_411, %parallel_loop3A_412 : vector<16xi32>
      %parallel_loop3A_414 = arith.constant 0 : i32
      %parallel_loop3A_415 = vector.broadcast %parallel_loop3A_414 : i32 to vector<16xi32>
      %parallel_loop3A_416 = arith.select %parallel_loop3A_413, %parallel_loop3A_408, %parallel_loop3A_415 : vector<16xi1>, vector<16xi32>
      %parallel_loop3A_417 = vector.bitcast %parallel_loop3A_416 : vector<16xi32> to vector<16xf32>
      %parallel_loop3A_418 = arith.index_cast %parallel_loop3A_405 : i32 to index
      %parallel_loop3A_419 = tpu.vector_load %arg5[%parallel_loop3A_418] {strides = array<i32>} : memref<32768xf32, #tpu.memory_space<vmem>>, vector<16xf32>,
      tpu.vector_store %arg5[%parallel_loop3A_418], %parallel_loop3A_417 {strides = array<i32>} : memref<32768xf32, #tpu.memory_space<vmem>>, vector<16xf32>,
    } {sc.loop_unroll_factor = 8 : i64, sc.parallel_access}
    %gt3A_182 = arith.constant 64 : i32
    %gt3A_183 = arith.cmpi sgt, %cond3A_175#1, %gt3A_182 : i32
    %convert_element_type3A_184 = arith.extui %gt3A_183 : i1 to i32
    %cond3A_185 = arith.constant 0 : i32
    %cond3A_186 = arith.cmpi ne, %convert_element_type3A_184, %cond3A_185 : i32
    scf.if %cond3A_186 {
      %while3A_405 = arith.constant 0 : i32
      %while3A_406 = arith.constant 0 : i32
      %while3A_407:2 = scf.while (%while3A_408 = %while3A_405, %while3A_409 = %while3A_406) : (i32, i32) -> (i32, i32) {
        %lt3A = arith.constant 32768 : i32
        %lt3A_410 = arith.cmpi slt, %while3A_408, %lt3A : i32
        %lt3A_411 = arith.cmpi slt, %while3A_409, %cond3A_175#2 : i32
        %and3A_412 = arith.andi %lt3A_410, %lt3A_411 : i1
        scf.condition(%and3A_412) %while3A_408, %while3A_409 : i32, i32
      } do {
      ^bb0(%while3A_408: i32, %while3A_409: i32):
        %get3A = arith.index_cast %while3A_408 : i32 to index
        %get3A_410 = tpu.vector_load %arg5[%get3A] {strides = array<i32>} : memref<32768xf32, #tpu.memory_space<vmem>>, vector<16xf32>,
        %bitcast3A = vector.bitcast %get3A_410 : vector<16xf32> to vector<16xi32>
        %and3A_411 = arith.constant 2147483647 : i32
        %and3A_412 = vector.broadcast %and3A_411 : i32 to vector<16xi32>
        %and3A_413 = arith.andi %bitcast3A, %and3A_412 : vector<16xi32>
        %eq3A = vector.broadcast %cond3A_175#0 : i32 to vector<16xi32>
        %eq3A_414 = arith.cmpi eq, %and3A_413, %eq3A : vector<16xi32>
        %jit3A = arith.constant 1 : i32
        %jit3A_415 = arith.constant 0 : i32
        %broadcast_in_dim3A_416 = vector.broadcast %jit3A : i32 to vector<16xi32>
        %broadcast_in_dim3A_417 = vector.broadcast %jit3A_415 : i32 to vector<16xi32>
        %select_n3A = arith.select %eq3A_414, %broadcast_in_dim3A_416, %broadcast_in_dim3A_417 : vector<16xi1>, vector<16xi32>
        %broadcast_in_dim3A_418 = arith.constant true
        %broadcast_in_dim3A_419 = vector.broadcast %broadcast_in_dim3A_418 : i1 to vector<16xi1>
        %masked_cumsum3A = tpu.scan <sum>, %select_n3A masked %broadcast_in_dim3A_419 : vector<16xi32>, vector<16xi1> -> vector<16xi32>
        %add3A_420 = vector.broadcast %while3A_409 : i32 to vector<16xi32>
        %add3A_421 = arith.addi %add3A_420, %masked_cumsum3A : vector<16xi32>
        %sub3A_422 = arith.constant 1 : i32
        %sub3A_423 = vector.broadcast %sub3A_422 : i32 to vector<16xi32>
        %sub3A_424 = arith.subi %add3A_421, %sub3A_423 : vector<16xi32>
        %ge3A_425 = vector.broadcast %sub3A_178 : i32 to vector<16xi32>
        %ge3A_426 = arith.cmpi sge, %sub3A_424, %ge3A_425 : vector<16xi32>
        %and3A_427 = arith.andi %eq3A_414, %ge3A_426 : vector<16xi1>
        %jit3A_428 = arith.constant 0 : i32
        %broadcast_in_dim3A_429 = vector.broadcast %jit3A_428 : i32 to vector<16xi32>
        %select_n3A_430 = arith.select %and3A_427, %broadcast_in_dim3A_429, %bitcast3A : vector<16xi1>, vector<16xi32>
        %bitcast3A_431 = vector.bitcast %select_n3A_430 : vector<16xi32> to vector<16xf32>
        %swap3A = arith.index_cast %while3A_408 : i32 to index
        %swap3A_432 = tpu.vector_load %arg5[%swap3A] {strides = array<i32>} : memref<32768xf32, #tpu.memory_space<vmem>>, vector<16xf32>,
        tpu.vector_store %arg5[%swap3A], %bitcast3A_431 {strides = array<i32>} : memref<32768xf32, #tpu.memory_space<vmem>>, vector<16xf32>,
        %add3A_433 = arith.constant 16 : i32
        %add3A_434 = arith.addi %while3A_408, %add3A_433 : i32
        %all_reduce_population_count3A = tpu.all_reduce %eq3A_414 {dim = 0 : i64, kind = #tpu.reduction_kind<sum>} : vector<16xi1> -> vector<16xi32>
        %slice3A = vector.extract_strided_slice %all_reduce_population_count3A {offsets = [0], sizes = [1], strides = [1]} : vector<16xi32> to vector<1xi32>
        %squeeze3A = vector.extract %slice3A[0] : i32 from vector<1xi32>
        %add3A_435 = arith.addi %while3A_409, %squeeze3A : i32
        scf.yield %add3A_434, %add3A_435 : i32, i32
      }
    } else {
    }
    %add3A_187 = arith.constant 1 : i32
    %add3A_188 = arith.addi %mul3A_5, %add3A_187 : i32
    %dma_start3A_189 = arith.constant 0 : i32
    %dma_start3A_190 = tpu.memref_slice %arg3[%add3A_188, %dma_start3A_189] : memref<128x32768xf32, #tpu.memory_space<hbm>> -> memref<1x32768xf32, #tpu.memory_space<hbm>>
    %dma_start3A_191 = tpu.memref_squeeze %dma_start3A_190 : memref<1x32768xf32, #tpu.memory_space<hbm>> -> memref<32768xf32, #tpu.memory_space<hbm>>
    %dma_start3A_192 = arith.constant 0 : i32
    %dma_start3A_193 = tpu.memref_slice %arg3[%add3A_188, %dma_start3A_192] : memref<128x32768xf32, #tpu.memory_space<hbm>> -> memref<1x32768xf32, #tpu.memory_space<hbm>>
    %dma_start3A_194 = tpu.memref_squeeze %dma_start3A_193 : memref<1x32768xf32, #tpu.memory_space<hbm>> -> memref<32768xf32, #tpu.memory_space<hbm>>
    tpu.enqueue_dma source(%arg5 : memref<32768xf32, #tpu.memory_space<vmem>>) target(%dma_start3A_194 : memref<32768xf32, #tpu.memory_space<hbm>>) target_semaphore(%arg11 : memref<!tpu.dma_semaphore, #tpu.memory_space<semaphore_mem>>)
    %add3A_195 = arith.constant 2 : i32
    %add3A_196 = arith.addi %mul3A_5, %add3A_195 : i32
    %dma_wait3A_197 = arith.constant 0 : i32
    %dma_wait3A_198 = tpu.memref_slice %arg2[%add3A_196, %dma_wait3A_197] : memref<128x32768xf32, #tpu.memory_space<hbm>> -> memref<1x32768xf32, #tpu.memory_space<hbm>>
    %dma_wait3A_199 = tpu.memref_squeeze %dma_wait3A_198 : memref<1x32768xf32, #tpu.memory_space<hbm>> -> memref<32768xf32, #tpu.memory_space<hbm>>
    %dma_wait3A_200 = arith.constant 0 : i32
    %dma_wait3A_201 = tpu.memref_slice %arg2[%add3A_196, %dma_wait3A_200] : memref<128x32768xf32, #tpu.memory_space<hbm>> -> memref<1x32768xf32, #tpu.memory_space<hbm>>
    %dma_wait3A_202 = tpu.memref_squeeze %dma_wait3A_201 : memref<1x32768xf32, #tpu.memory_space<hbm>> -> memref<32768xf32, #tpu.memory_space<hbm>>
    tpu.wait_dma2 semaphore(%arg8 : memref<!tpu.dma_semaphore, #tpu.memory_space<semaphore_mem>>) src(%dma_wait3A_202 : memref<32768xf32, #tpu.memory_space<hbm>>) dst(%arg4 : memref<32768xf32, #tpu.memory_space<vmem>>)
    %add3A_203 = arith.constant 2 : i32
    %add3A_204 = arith.addi %mul3A_5, %add3A_203 : i32
    %sub3A_205 = arith.constant 1 : i32
    %sub3A_206 = arith.subi %add3A_204, %sub3A_205 : i32
    %dma_wait3A_207 = arith.constant 0 : i32
    %dma_wait3A_208 = tpu.memref_slice %arg3[%sub3A_206, %dma_wait3A_207] : memref<128x32768xf32, #tpu.memory_space<hbm>> -> memref<1x32768xf32, #tpu.memory_space<hbm>>
    %dma_wait3A_209 = tpu.memref_squeeze %dma_wait3A_208 : memref<1x32768xf32, #tpu.memory_space<hbm>> -> memref<32768xf32, #tpu.memory_space<hbm>>
    %dma_wait3A_210 = arith.constant 0 : i32
    %dma_wait3A_211 = tpu.memref_slice %arg3[%sub3A_206, %dma_wait3A_210] : memref<128x32768xf32, #tpu.memory_space<hbm>> -> memref<1x32768xf32, #tpu.memory_space<hbm>>
    %dma_wait3A_212 = tpu.memref_squeeze %dma_wait3A_211 : memref<1x32768xf32, #tpu.memory_space<hbm>> -> memref<32768xf32, #tpu.memory_space<hbm>>
    tpu.wait_dma2 semaphore(%arg11 : memref<!tpu.dma_semaphore, #tpu.memory_space<semaphore_mem>>) src(%arg5 : memref<32768xf32, #tpu.memory_space<vmem>>) dst(%dma_wait3A_212 : memref<32768xf32, #tpu.memory_space<hbm>>)
    %add3A_213 = arith.constant 2 : i32
    %add3A_214 = arith.addi %mul3A_5, %add3A_213 : i32
    %add3A_215 = arith.constant 1 : i32
    %add3A_216 = arith.addi %add3A_214, %add3A_215 : i32
    %dma_start3A_217 = arith.constant 0 : i32
    %dma_start3A_218 = tpu.memref_slice %arg2[%add3A_216, %dma_start3A_217] : memref<128x32768xf32, #tpu.memory_space<hbm>> -> memref<1x32768xf32, #tpu.memory_space<hbm>>
    %dma_start3A_219 = tpu.memref_squeeze %dma_start3A_218 : memref<1x32768xf32, #tpu.memory_space<hbm>> -> memref<32768xf32, #tpu.memory_space<hbm>>
    %dma_start3A_220 = arith.constant 0 : i32
    %dma_start3A_221 = tpu.memref_slice %arg2[%add3A_216, %dma_start3A_220] : memref<128x32768xf32, #tpu.memory_space<hbm>> -> memref<1x32768xf32, #tpu.memory_space<hbm>>
    %dma_start3A_222 = tpu.memref_squeeze %dma_start3A_221 : memref<1x32768xf32, #tpu.memory_space<hbm>> -> memref<32768xf32, #tpu.memory_space<hbm>>
    tpu.enqueue_dma source(%dma_start3A_222 : memref<32768xf32, #tpu.memory_space<hbm>>) target(%arg5 : memref<32768xf32, #tpu.memory_space<vmem>>) target_semaphore(%arg9 : memref<!tpu.dma_semaphore, #tpu.memory_space<semaphore_mem>>)
    %parallel_loop3A_223 = arith.constant 0 : i32
    %parallel_loop3A_224 = arith.constant 32768 : i32
    %parallel_loop3A_225 = arith.constant 16 : i32
    %parallel_loop3A_226 = scf.for %parallel_loop3A_405 = %parallel_loop3A_223 to %parallel_loop3A_224 step %parallel_loop3A_225 iter_args(%parallel_loop3A_406 = %iota3A) -> (vector<16xi32>)  : i32 {
      %parallel_loop3A_407 = arith.index_cast %parallel_loop3A_405 : i32 to index
      %parallel_loop3A_408 = tpu.vector_load %arg4[%parallel_loop3A_407] {strides = array<i32>} : memref<32768xf32, #tpu.memory_space<vmem>>, vector<16xf32>,
      %parallel_loop3A_409 = vector.bitcast %parallel_loop3A_408 : vector<16xf32> to vector<16xi32>
      %parallel_loop3A_410 = arith.constant 2147483647 : i32
      %parallel_loop3A_411 = vector.broadcast %parallel_loop3A_410 : i32 to vector<16xi32>
      %parallel_loop3A_412 = arith.andi %parallel_loop3A_409, %parallel_loop3A_411 : vector<16xi32>
      %parallel_loop3A_413 = arith.constant 1077411840 : i32
      %parallel_loop3A_414 = vector.broadcast %parallel_loop3A_413 : i32 to vector<16xi32>
      %parallel_loop3A_415 = arith.cmpi sge, %parallel_loop3A_412, %parallel_loop3A_414 : vector<16xi32>
      %parallel_loop3A_416 = arith.constant 4095 : i32
      %parallel_loop3A_417 = vector.broadcast %parallel_loop3A_416 : i32 to vector<16xi32>
      %parallel_loop3A_418 = arith.andi %parallel_loop3A_406, %parallel_loop3A_417 : vector<16xi32>
      tpu.vector_store_idx %arg7[%parallel_loop3A_418], %parallel_loop3A_412 masked %parallel_loop3A_415 : memref<4096xi32, #tpu.memory_space<vmem>>[vector<16xi32>], vector<16xi32>, vector<16xi1>
      %parallel_loop3A_419 = arith.constant 16 : i32
      %parallel_loop3A_420 = arith.constant 0 : i32
      %parallel_loop3A_421 = vector.broadcast %parallel_loop3A_419 : i32 to vector<16xi32>
      %parallel_loop3A_422 = vector.broadcast %parallel_loop3A_420 : i32 to vector<16xi32>
      %parallel_loop3A_423 = arith.select %parallel_loop3A_415, %parallel_loop3A_421, %parallel_loop3A_422 : vector<16xi1>, vector<16xi32>
      %parallel_loop3A_424 = arith.addi %parallel_loop3A_406, %parallel_loop3A_423 : vector<16xi32>
      scf.yield %parallel_loop3A_424 : vector<16xi32>
    } {sc.loop_unroll_factor = 8 : i64, sc.parallel_access}
    %sub3A_227 = arith.subi %parallel_loop3A_226, %iota3A : vector<16xi32>
    %shift_right_arithmetic3A_228 = arith.constant 4 : i32
    %shift_right_arithmetic3A_229 = vector.broadcast %shift_right_arithmetic3A_228 : i32 to vector<16xi32>
    %shift_right_arithmetic3A_230 = arith.shrsi %sub3A_227, %shift_right_arithmetic3A_229 : vector<16xi32>
    %reduce_max3A_231 = arith.constant true
    %reduce_max3A_232 = vector.broadcast %reduce_max3A_231 : i1 to vector<16xi1>
    %reduce_max3A_233 = arith.constant -2147483648 : i32
    %reduce_max3A_234 = vector.broadcast %reduce_max3A_233 : i32 to vector<16xi32>
    %reduce_max3A_235 = arith.xori %shift_right_arithmetic3A_230, %reduce_max3A_234 : vector<16xi32>
    %reduce_max3A_236 = tpu.scan <max>, %reduce_max3A_235 masked %reduce_max3A_232 : vector<16xi32>, vector<16xi1> -> vector<16xi32>
    %reduce_max3A_237 = arith.xori %reduce_max3A_236, %reduce_max3A_234 : vector<16xi32>
    %reduce_max3A_238 = vector.extract %reduce_max3A_237[15] : i32 from vector<16xi32>
    %reduce_min3A_239 = arith.constant true
    %reduce_min3A_240 = vector.broadcast %reduce_min3A_239 : i1 to vector<16xi1>
    %reduce_min3A_241 = arith.constant -2147483648 : i32
    %reduce_min3A_242 = vector.broadcast %reduce_min3A_241 : i32 to vector<16xi32>
    %reduce_min3A_243 = arith.xori %shift_right_arithmetic3A_230, %reduce_min3A_242 : vector<16xi32>
    %reduce_min3A_244 = tpu.scan <min>, %reduce_min3A_243 masked %reduce_min3A_240 : vector<16xi32>, vector<16xi1> -> vector<16xi32>
    %reduce_min3A_245 = arith.xori %reduce_min3A_244, %reduce_min3A_242 : vector<16xi32>
    %reduce_min3A_246 = vector.extract %reduce_min3A_245[15] : i32 from vector<16xi32>
    %reduce_sum3A_247 = arith.constant true
    %reduce_sum3A_248 = vector.broadcast %reduce_sum3A_247 : i1 to vector<16xi1>
    %reduce_sum3A_249 = tpu.scan <sum>, %shift_right_arithmetic3A_230 masked %reduce_sum3A_248 : vector<16xi32>, vector<16xi1> -> vector<16xi32>
    %reduce_sum3A_250 = vector.extract %reduce_sum3A_249[15] : i32 from vector<16xi32>
    %ge3A_251 = arith.constant 64 : i32
    %ge3A_252 = arith.cmpi sge, %reduce_sum3A_250, %ge3A_251 : i32
    %le3A_253 = arith.constant 256 : i32
    %le3A_254 = arith.cmpi sle, %reduce_max3A_238, %le3A_253 : i32
    %and3A_255 = arith.andi %ge3A_252, %le3A_254 : i1
    %min3A_256 = arith.constant 256 : i32
    %min3A_257 = arith.minsi %reduce_max3A_238, %min3A_256 : i32
    %add3A_258 = arith.constant 3 : i32
    %add3A_259 = arith.addi %min3A_257, %add3A_258 : i32
    %shift_right_arithmetic3A_260 = arith.constant 2 : i32
    %shift_right_arithmetic3A_261 = arith.shrsi %add3A_259, %shift_right_arithmetic3A_260 : i32
    %shift_left3A_262 = arith.constant 2 : i32
    %shift_left3A_263 = arith.shli %shift_right_arithmetic3A_261, %shift_left3A_262 : i32
    %sub3A_264 = arith.subi %shift_left3A_263, %reduce_min3A_246 : i32
    %while3A_265 = arith.constant 0 : i32
    %while3A_266 = arith.subi %sub3A_264, %while3A_265 : i32
    %while3A_267 = arith.addi %while3A_265, %while3A_266 : i32
    %while3A_268 = arith.constant 1 : i32
    %while3A_269 = arith.divsi %while3A_266, %while3A_268 : i32
    %while3A_270 = arith.muli %while3A_269, %while3A_268 : i32
    %while3A_271 = arith.addi %while3A_265, %while3A_270 : i32
    %while3A_272 = arith.constant 1 : i32
    %while3A_273 = scf.for %while3A_405 = %while3A_265 to %while3A_271 step %while3A_272 iter_args(%while3A_406 = %parallel_loop3A_226) -> (vector<16xi32>)  : i32 {
      %mul3A_407 = arith.constant 64 : i32
      %mul3A_408 = arith.muli %shift_right_arithmetic3A_261, %mul3A_407 : i32
      %lt3A = vector.broadcast %mul3A_408 : i32 to vector<16xi32>
      %lt3A_409 = arith.cmpi slt, %while3A_406, %lt3A : vector<16xi32>
      %and3A_410 = arith.constant 4095 : i32
      %and3A_411 = vector.broadcast %and3A_410 : i32 to vector<16xi32>
      %and3A_412 = arith.andi %while3A_406, %and3A_411 : vector<16xi32>
      tpu.vector_store_idx %arg7[%and3A_412], %broadcast_in_dim3A_3 masked %lt3A_409 : memref<4096xi32, #tpu.memory_space<vmem>>[vector<16xi32>], vector<16xi32>, vector<16xi1>
      %jit3A = arith.constant 16 : i32
      %jit3A_413 = arith.constant 0 : i32
      %broadcast_in_dim3A_414 = vector.broadcast %jit3A : i32 to vector<16xi32>
      %broadcast_in_dim3A_415 = vector.broadcast %jit3A_413 : i32 to vector<16xi32>
      %select_n3A = arith.select %lt3A_409, %broadcast_in_dim3A_414, %broadcast_in_dim3A_415 : vector<16xi1>, vector<16xi32>
      %add3A_416 = arith.addi %while3A_406, %select_n3A : vector<16xi32>
      scf.yield %add3A_416 : vector<16xi32>
    }
    %while3A_274 = arith.constant 1 : i32
    %while3A_275 = scf.for %while3A_405 = %while3A_271 to %while3A_267 step %while3A_274 iter_args(%while3A_406 = %while3A_273) -> (vector<16xi32>)  : i32 {
      %mul3A_407 = arith.constant 64 : i32
      %mul3A_408 = arith.muli %shift_right_arithmetic3A_261, %mul3A_407 : i32
      %lt3A = vector.broadcast %mul3A_408 : i32 to vector<16xi32>
      %lt3A_409 = arith.cmpi slt, %while3A_406, %lt3A : vector<16xi32>
      %and3A_410 = arith.constant 4095 : i32
      %and3A_411 = vector.broadcast %and3A_410 : i32 to vector<16xi32>
      %and3A_412 = arith.andi %while3A_406, %and3A_411 : vector<16xi32>
      tpu.vector_store_idx %arg7[%and3A_412], %broadcast_in_dim3A_3 masked %lt3A_409 : memref<4096xi32, #tpu.memory_space<vmem>>[vector<16xi32>], vector<16xi32>, vector<16xi1>
      %jit3A = arith.constant 16 : i32
      %jit3A_413 = arith.constant 0 : i32
      %broadcast_in_dim3A_414 = vector.broadcast %jit3A : i32 to vector<16xi32>
      %broadcast_in_dim3A_415 = vector.broadcast %jit3A_413 : i32 to vector<16xi32>
      %select_n3A = arith.select %lt3A_409, %broadcast_in_dim3A_414, %broadcast_in_dim3A_415 : vector<16xi1>, vector<16xi32>
      %add3A_416 = arith.addi %while3A_406, %select_n3A : vector<16xi32>
      scf.yield %add3A_416 : vector<16xi32>
    }
    %convert_element_type3A_276 = arith.extui %and3A_255 : i1 to i32
    %cond3A_277 = arith.constant 0 : i32
    %cond3A_278 = arith.constant 0 : i32
    %cond3A_279 = arith.cmpi ne, %convert_element_type3A_276, %cond3A_278 : i32
    %cond3A_280:3 = scf.if %cond3A_279 -> (i32, i32, i32) {
      %while3A_405 = arith.constant 0 : i32
      %while3A_406 = arith.subi %shift_right_arithmetic3A_261, %while3A_405 : i32
      %while3A_407 = arith.addi %while3A_405, %while3A_406 : i32
      %while3A_408 = arith.constant 1 : i32
      %while3A_409 = arith.divsi %while3A_406, %while3A_408 : i32
      %while3A_410 = arith.muli %while3A_409, %while3A_408 : i32
      %while3A_411 = arith.addi %while3A_405, %while3A_410 : i32
      %while3A_412 = arith.constant 1 : i32
      %while3A_413 = scf.for %while3A_445 = %while3A_405 to %while3A_411 step %while3A_412 iter_args(%while3A_446 = %broadcast_in_dim3A_3) -> (vector<16xi32>)  : i32 {
        %shift_left3A_447 = arith.constant 6 : i32
        %shift_left3A_448 = arith.shli %while3A_445, %shift_left3A_447 : i32
        %get3A = arith.index_cast %shift_left3A_448 : i32 to index
        %get3A_449 = tpu.vector_load %arg7[%get3A] {strides = array<i32>} : memref<4096xi32, #tpu.memory_space<vmem>>, vector<16xi32>,
        %max3A = arith.maxsi %while3A_446, %get3A_449 : vector<16xi32>
        %add3A_450 = arith.constant 16 : i32
        %add3A_451 = arith.addi %shift_left3A_448, %add3A_450 : i32
        %get3A_452 = arith.index_cast %add3A_451 : i32 to index
        %get3A_453 = tpu.vector_load %arg7[%get3A_452] {strides = array<i32>} : memref<4096xi32, #tpu.memory_space<vmem>>, vector<16xi32>,
        %max3A_454 = arith.maxsi %max3A, %get3A_453 : vector<16xi32>
        %add3A_455 = arith.constant 32 : i32
        %add3A_456 = arith.addi %shift_left3A_448, %add3A_455 : i32
        %get3A_457 = arith.index_cast %add3A_456 : i32 to index
        %get3A_458 = tpu.vector_load %arg7[%get3A_457] {strides = array<i32>} : memref<4096xi32, #tpu.memory_space<vmem>>, vector<16xi32>,
        %max3A_459 = arith.maxsi %max3A_454, %get3A_458 : vector<16xi32>
        %add3A_460 = arith.constant 48 : i32
        %add3A_461 = arith.addi %shift_left3A_448, %add3A_460 : i32
        %get3A_462 = arith.index_cast %add3A_461 : i32 to index
        %get3A_463 = tpu.vector_load %arg7[%get3A_462] {strides = array<i32>} : memref<4096xi32, #tpu.memory_space<vmem>>, vector<16xi32>,
        %max3A_464 = arith.maxsi %max3A_459, %get3A_463 : vector<16xi32>
        scf.yield %max3A_464 : vector<16xi32>
      }
      %while3A_414 = arith.constant 1 : i32
      %while3A_415 = scf.for %while3A_445 = %while3A_411 to %while3A_407 step %while3A_414 iter_args(%while3A_446 = %while3A_413) -> (vector<16xi32>)  : i32 {
        %shift_left3A_447 = arith.constant 6 : i32
        %shift_left3A_448 = arith.shli %while3A_445, %shift_left3A_447 : i32
        %get3A = arith.index_cast %shift_left3A_448 : i32 to index
        %get3A_449 = tpu.vector_load %arg7[%get3A] {strides = array<i32>} : memref<4096xi32, #tpu.memory_space<vmem>>, vector<16xi32>,
        %max3A = arith.maxsi %while3A_446, %get3A_449 : vector<16xi32>
        %add3A_450 = arith.constant 16 : i32
        %add3A_451 = arith.addi %shift_left3A_448, %add3A_450 : i32
        %get3A_452 = arith.index_cast %add3A_451 : i32 to index
        %get3A_453 = tpu.vector_load %arg7[%get3A_452] {strides = array<i32>} : memref<4096xi32, #tpu.memory_space<vmem>>, vector<16xi32>,
        %max3A_454 = arith.maxsi %max3A, %get3A_453 : vector<16xi32>
        %add3A_455 = arith.constant 32 : i32
        %add3A_456 = arith.addi %shift_left3A_448, %add3A_455 : i32
        %get3A_457 = arith.index_cast %add3A_456 : i32 to index
        %get3A_458 = tpu.vector_load %arg7[%get3A_457] {strides = array<i32>} : memref<4096xi32, #tpu.memory_space<vmem>>, vector<16xi32>,
        %max3A_459 = arith.maxsi %max3A_454, %get3A_458 : vector<16xi32>
        %add3A_460 = arith.constant 48 : i32
        %add3A_461 = arith.addi %shift_left3A_448, %add3A_460 : i32
        %get3A_462 = arith.index_cast %add3A_461 : i32 to index
        %get3A_463 = tpu.vector_load %arg7[%get3A_462] {strides = array<i32>} : memref<4096xi32, #tpu.memory_space<vmem>>, vector<16xi32>,
        %max3A_464 = arith.maxsi %max3A_459, %get3A_463 : vector<16xi32>
        scf.yield %max3A_464 : vector<16xi32>
      }
      %reduce_max3A_416 = arith.constant true
      %reduce_max3A_417 = vector.broadcast %reduce_max3A_416 : i1 to vector<16xi1>
      %reduce_max3A_418 = arith.constant -2147483648 : i32
      %reduce_max3A_419 = vector.broadcast %reduce_max3A_418 : i32 to vector<16xi32>
      %reduce_max3A_420 = arith.xori %while3A_415, %reduce_max3A_419 : vector<16xi32>
      %reduce_max3A_421 = tpu.scan <max>, %reduce_max3A_420 masked %reduce_max3A_417 : vector<16xi32>, vector<16xi1> -> vector<16xi32>
      %reduce_max3A_422 = arith.xori %reduce_max3A_421, %reduce_max3A_419 : vector<16xi32>
      %reduce_max3A_423 = vector.extract %reduce_max3A_422[15] : i32 from vector<16xi32>
      %while3A_424 = arith.constant 1077411840 : i32
      %while3A_425:2 = scf.while (%while3A_445 = %while3A_424, %while3A_446 = %reduce_max3A_423) : (i32, i32) -> (i32, i32) {
        %lt3A = arith.cmpi slt, %while3A_445, %while3A_446 : i32
        scf.condition(%lt3A) %while3A_445, %while3A_446 : i32, i32
      } do {
      ^bb0(%while3A_445: i32, %while3A_446: i32):
        %sub3A_447 = arith.subi %while3A_446, %while3A_445 : i32
        %add3A_448 = arith.constant 1 : i32
        %add3A_449 = arith.addi %sub3A_447, %add3A_448 : i32
        %shift_right_arithmetic3A_450 = arith.constant 1 : i32
        %shift_right_arithmetic3A_451 = arith.shrsi %add3A_449, %shift_right_arithmetic3A_450 : i32
        %add3A_452 = arith.addi %while3A_445, %shift_right_arithmetic3A_451 : i32
        %while3A_453 = arith.constant 0 : i32
        %while3A_454 = arith.subi %shift_right_arithmetic3A_261, %while3A_453 : i32
        %while3A_455 = arith.addi %while3A_453, %while3A_454 : i32
        %while3A_456 = arith.constant 1 : i32
        %while3A_457 = arith.divsi %while3A_454, %while3A_456 : i32
        %while3A_458 = arith.muli %while3A_457, %while3A_456 : i32
        %while3A_459 = arith.addi %while3A_453, %while3A_458 : i32
        %while3A_460 = arith.constant 1 : i32
        %while3A_461 = scf.for %while3A_473 = %while3A_453 to %while3A_459 step %while3A_460 iter_args(%while3A_474 = %broadcast_in_dim3A_3) -> (vector<16xi32>)  : i32 {
          %shift_left3A_475 = arith.constant 6 : i32
          %shift_left3A_476 = arith.shli %while3A_473, %shift_left3A_475 : i32
          %get3A = arith.index_cast %shift_left3A_476 : i32 to index
          %get3A_477 = tpu.vector_load %arg7[%get3A] {strides = array<i32>} : memref<4096xi32, #tpu.memory_space<vmem>>, vector<16xi32>,
          %ge3A_478 = vector.broadcast %add3A_452 : i32 to vector<16xi32>
          %ge3A_479 = arith.cmpi sge, %get3A_477, %ge3A_478 : vector<16xi32>
          %jit3A = arith.constant 1 : i32
          %jit3A_480 = arith.constant 0 : i32
          %broadcast_in_dim3A_481 = vector.broadcast %jit3A : i32 to vector<16xi32>
          %broadcast_in_dim3A_482 = vector.broadcast %jit3A_480 : i32 to vector<16xi32>
          %select_n3A_483 = arith.select %ge3A_479, %broadcast_in_dim3A_481, %broadcast_in_dim3A_482 : vector<16xi1>, vector<16xi32>
          %add3A_484 = arith.addi %while3A_474, %select_n3A_483 : vector<16xi32>
          %add3A_485 = arith.constant 16 : i32
          %add3A_486 = arith.addi %shift_left3A_476, %add3A_485 : i32
          %get3A_487 = arith.index_cast %add3A_486 : i32 to index
          %get3A_488 = tpu.vector_load %arg7[%get3A_487] {strides = array<i32>} : memref<4096xi32, #tpu.memory_space<vmem>>, vector<16xi32>,
          %ge3A_489 = vector.broadcast %add3A_452 : i32 to vector<16xi32>
          %ge3A_490 = arith.cmpi sge, %get3A_488, %ge3A_489 : vector<16xi32>
          %jit3A_491 = arith.constant 1 : i32
          %jit3A_492 = arith.constant 0 : i32
          %broadcast_in_dim3A_493 = vector.broadcast %jit3A_491 : i32 to vector<16xi32>
          %broadcast_in_dim3A_494 = vector.broadcast %jit3A_492 : i32 to vector<16xi32>
          %select_n3A_495 = arith.select %ge3A_490, %broadcast_in_dim3A_493, %broadcast_in_dim3A_494 : vector<16xi1>, vector<16xi32>
          %add3A_496 = arith.addi %add3A_484, %select_n3A_495 : vector<16xi32>
          %add3A_497 = arith.constant 32 : i32
          %add3A_498 = arith.addi %shift_left3A_476, %add3A_497 : i32
          %get3A_499 = arith.index_cast %add3A_498 : i32 to index
          %get3A_500 = tpu.vector_load %arg7[%get3A_499] {strides = array<i32>} : memref<4096xi32, #tpu.memory_space<vmem>>, vector<16xi32>,
          %ge3A_501 = vector.broadcast %add3A_452 : i32 to vector<16xi32>
          %ge3A_502 = arith.cmpi sge, %get3A_500, %ge3A_501 : vector<16xi32>
          %jit3A_503 = arith.constant 1 : i32
          %jit3A_504 = arith.constant 0 : i32
          %broadcast_in_dim3A_505 = vector.broadcast %jit3A_503 : i32 to vector<16xi32>
          %broadcast_in_dim3A_506 = vector.broadcast %jit3A_504 : i32 to vector<16xi32>
          %select_n3A_507 = arith.select %ge3A_502, %broadcast_in_dim3A_505, %broadcast_in_dim3A_506 : vector<16xi1>, vector<16xi32>
          %add3A_508 = arith.addi %add3A_496, %select_n3A_507 : vector<16xi32>
          %add3A_509 = arith.constant 48 : i32
          %add3A_510 = arith.addi %shift_left3A_476, %add3A_509 : i32
          %get3A_511 = arith.index_cast %add3A_510 : i32 to index
          %get3A_512 = tpu.vector_load %arg7[%get3A_511] {strides = array<i32>} : memref<4096xi32, #tpu.memory_space<vmem>>, vector<16xi32>,
          %ge3A_513 = vector.broadcast %add3A_452 : i32 to vector<16xi32>
          %ge3A_514 = arith.cmpi sge, %get3A_512, %ge3A_513 : vector<16xi32>
          %jit3A_515 = arith.constant 1 : i32
          %jit3A_516 = arith.constant 0 : i32
          %broadcast_in_dim3A_517 = vector.broadcast %jit3A_515 : i32 to vector<16xi32>
          %broadcast_in_dim3A_518 = vector.broadcast %jit3A_516 : i32 to vector<16xi32>
          %select_n3A_519 = arith.select %ge3A_514, %broadcast_in_dim3A_517, %broadcast_in_dim3A_518 : vector<16xi1>, vector<16xi32>
          %add3A_520 = arith.addi %add3A_508, %select_n3A_519 : vector<16xi32>
          scf.yield %add3A_520 : vector<16xi32>
        }
        %while3A_462 = arith.constant 1 : i32
        %while3A_463 = scf.for %while3A_473 = %while3A_459 to %while3A_455 step %while3A_462 iter_args(%while3A_474 = %while3A_461) -> (vector<16xi32>)  : i32 {
          %shift_left3A_475 = arith.constant 6 : i32
          %shift_left3A_476 = arith.shli %while3A_473, %shift_left3A_475 : i32
          %get3A = arith.index_cast %shift_left3A_476 : i32 to index
          %get3A_477 = tpu.vector_load %arg7[%get3A] {strides = array<i32>} : memref<4096xi32, #tpu.memory_space<vmem>>, vector<16xi32>,
          %ge3A_478 = vector.broadcast %add3A_452 : i32 to vector<16xi32>
          %ge3A_479 = arith.cmpi sge, %get3A_477, %ge3A_478 : vector<16xi32>
          %jit3A = arith.constant 1 : i32
          %jit3A_480 = arith.constant 0 : i32
          %broadcast_in_dim3A_481 = vector.broadcast %jit3A : i32 to vector<16xi32>
          %broadcast_in_dim3A_482 = vector.broadcast %jit3A_480 : i32 to vector<16xi32>
          %select_n3A_483 = arith.select %ge3A_479, %broadcast_in_dim3A_481, %broadcast_in_dim3A_482 : vector<16xi1>, vector<16xi32>
          %add3A_484 = arith.addi %while3A_474, %select_n3A_483 : vector<16xi32>
          %add3A_485 = arith.constant 16 : i32
          %add3A_486 = arith.addi %shift_left3A_476, %add3A_485 : i32
          %get3A_487 = arith.index_cast %add3A_486 : i32 to index
          %get3A_488 = tpu.vector_load %arg7[%get3A_487] {strides = array<i32>} : memref<4096xi32, #tpu.memory_space<vmem>>, vector<16xi32>,
          %ge3A_489 = vector.broadcast %add3A_452 : i32 to vector<16xi32>
          %ge3A_490 = arith.cmpi sge, %get3A_488, %ge3A_489 : vector<16xi32>
          %jit3A_491 = arith.constant 1 : i32
          %jit3A_492 = arith.constant 0 : i32
          %broadcast_in_dim3A_493 = vector.broadcast %jit3A_491 : i32 to vector<16xi32>
          %broadcast_in_dim3A_494 = vector.broadcast %jit3A_492 : i32 to vector<16xi32>
          %select_n3A_495 = arith.select %ge3A_490, %broadcast_in_dim3A_493, %broadcast_in_dim3A_494 : vector<16xi1>, vector<16xi32>
          %add3A_496 = arith.addi %add3A_484, %select_n3A_495 : vector<16xi32>
          %add3A_497 = arith.constant 32 : i32
          %add3A_498 = arith.addi %shift_left3A_476, %add3A_497 : i32
          %get3A_499 = arith.index_cast %add3A_498 : i32 to index
          %get3A_500 = tpu.vector_load %arg7[%get3A_499] {strides = array<i32>} : memref<4096xi32, #tpu.memory_space<vmem>>, vector<16xi32>,
          %ge3A_501 = vector.broadcast %add3A_452 : i32 to vector<16xi32>
          %ge3A_502 = arith.cmpi sge, %get3A_500, %ge3A_501 : vector<16xi32>
          %jit3A_503 = arith.constant 1 : i32
          %jit3A_504 = arith.constant 0 : i32
          %broadcast_in_dim3A_505 = vector.broadcast %jit3A_503 : i32 to vector<16xi32>
          %broadcast_in_dim3A_506 = vector.broadcast %jit3A_504 : i32 to vector<16xi32>
          %select_n3A_507 = arith.select %ge3A_502, %broadcast_in_dim3A_505, %broadcast_in_dim3A_506 : vector<16xi1>, vector<16xi32>
          %add3A_508 = arith.addi %add3A_496, %select_n3A_507 : vector<16xi32>
          %add3A_509 = arith.constant 48 : i32
          %add3A_510 = arith.addi %shift_left3A_476, %add3A_509 : i32
          %get3A_511 = arith.index_cast %add3A_510 : i32 to index
          %get3A_512 = tpu.vector_load %arg7[%get3A_511] {strides = array<i32>} : memref<4096xi32, #tpu.memory_space<vmem>>, vector<16xi32>,
          %ge3A_513 = vector.broadcast %add3A_452 : i32 to vector<16xi32>
          %ge3A_514 = arith.cmpi sge, %get3A_512, %ge3A_513 : vector<16xi32>
          %jit3A_515 = arith.constant 1 : i32
          %jit3A_516 = arith.constant 0 : i32
          %broadcast_in_dim3A_517 = vector.broadcast %jit3A_515 : i32 to vector<16xi32>
          %broadcast_in_dim3A_518 = vector.broadcast %jit3A_516 : i32 to vector<16xi32>
          %select_n3A_519 = arith.select %ge3A_514, %broadcast_in_dim3A_517, %broadcast_in_dim3A_518 : vector<16xi1>, vector<16xi32>
          %add3A_520 = arith.addi %add3A_508, %select_n3A_519 : vector<16xi32>
          scf.yield %add3A_520 : vector<16xi32>
        }
        %reduce_sum3A_464 = arith.constant true
        %reduce_sum3A_465 = vector.broadcast %reduce_sum3A_464 : i1 to vector<16xi1>
        %reduce_sum3A_466 = tpu.scan <sum>, %while3A_463 masked %reduce_sum3A_465 : vector<16xi32>, vector<16xi1> -> vector<16xi32>
        %reduce_sum3A_467 = vector.extract %reduce_sum3A_466[15] : i32 from vector<16xi32>
        %ge3A_468 = arith.constant 64 : i32
        %ge3A_469 = arith.cmpi sge, %reduce_sum3A_467, %ge3A_468 : i32
        %select_n3A = arith.select %ge3A_469, %add3A_452, %while3A_445 : i32
        %sub3A_470 = arith.constant 1 : i32
        %sub3A_471 = arith.subi %add3A_452, %sub3A_470 : i32
        %select_n3A_472 = arith.select %ge3A_469, %while3A_446, %sub3A_471 : i32
        scf.yield %select_n3A, %select_n3A_472 : i32, i32
      }
      %while3A_426 = arith.constant 0 : i32
      %while3A_427 = arith.subi %shift_right_arithmetic3A_261, %while3A_426 : i32
      %while3A_428 = arith.addi %while3A_426, %while3A_427 : i32
      %while3A_429 = arith.constant 1 : i32
      %while3A_430 = arith.divsi %while3A_427, %while3A_429 : i32
      %while3A_431 = arith.muli %while3A_430, %while3A_429 : i32
      %while3A_432 = arith.addi %while3A_426, %while3A_431 : i32
      %while3A_433 = arith.constant 1 : i32
      %while3A_434:2 = scf.for %while3A_445 = %while3A_426 to %while3A_432 step %while3A_433 iter_args(%while3A_446 = %broadcast_in_dim3A_3, %while3A_447 = %broadcast_in_dim3A_3) -> (vector<16xi32>, vector<16xi32>)  : i32 {
        %shift_left3A_448 = arith.constant 6 : i32
        %shift_left3A_449 = arith.shli %while3A_445, %shift_left3A_448 : i32
        %add3A_450 = arith.constant 0 : i32
        %add3A_451 = arith.addi %shift_left3A_449, %add3A_450 : i32
        %get3A = arith.index_cast %add3A_451 : i32 to index
        %get3A_452 = tpu.vector_load %arg7[%get3A] {strides = array<i32>} : memref<4096xi32, #tpu.memory_space<vmem>>, vector<16xi32>,
        %ge3A_453 = vector.broadcast %while3A_425#0 : i32 to vector<16xi32>
        %ge3A_454 = arith.cmpi sge, %get3A_452, %ge3A_453 : vector<16xi32>
        %jit3A = arith.constant 1 : i32
        %jit3A_455 = arith.constant 0 : i32
        %broadcast_in_dim3A_456 = vector.broadcast %jit3A : i32 to vector<16xi32>
        %broadcast_in_dim3A_457 = vector.broadcast %jit3A_455 : i32 to vector<16xi32>
        %select_n3A = arith.select %ge3A_454, %broadcast_in_dim3A_456, %broadcast_in_dim3A_457 : vector<16xi1>, vector<16xi32>
        %add3A_458 = arith.addi %while3A_446, %select_n3A : vector<16xi32>
        %eq3A = vector.broadcast %while3A_425#0 : i32 to vector<16xi32>
        %eq3A_459 = arith.cmpi eq, %get3A_452, %eq3A : vector<16xi32>
        %jit3A_460 = arith.constant 1 : i32
        %jit3A_461 = arith.constant 0 : i32
        %broadcast_in_dim3A_462 = vector.broadcast %jit3A_460 : i32 to vector<16xi32>
        %broadcast_in_dim3A_463 = vector.broadcast %jit3A_461 : i32 to vector<16xi32>
        %select_n3A_464 = arith.select %eq3A_459, %broadcast_in_dim3A_462, %broadcast_in_dim3A_463 : vector<16xi1>, vector<16xi32>
        %add3A_465 = arith.addi %while3A_447, %select_n3A_464 : vector<16xi32>
        %add3A_466 = arith.constant 16 : i32
        %add3A_467 = arith.addi %shift_left3A_449, %add3A_466 : i32
        %get3A_468 = arith.index_cast %add3A_467 : i32 to index
        %get3A_469 = tpu.vector_load %arg7[%get3A_468] {strides = array<i32>} : memref<4096xi32, #tpu.memory_space<vmem>>, vector<16xi32>,
        %ge3A_470 = vector.broadcast %while3A_425#0 : i32 to vector<16xi32>
        %ge3A_471 = arith.cmpi sge, %get3A_469, %ge3A_470 : vector<16xi32>
        %jit3A_472 = arith.constant 1 : i32
        %jit3A_473 = arith.constant 0 : i32
        %broadcast_in_dim3A_474 = vector.broadcast %jit3A_472 : i32 to vector<16xi32>
        %broadcast_in_dim3A_475 = vector.broadcast %jit3A_473 : i32 to vector<16xi32>
        %select_n3A_476 = arith.select %ge3A_471, %broadcast_in_dim3A_474, %broadcast_in_dim3A_475 : vector<16xi1>, vector<16xi32>
        %add3A_477 = arith.addi %add3A_458, %select_n3A_476 : vector<16xi32>
        %eq3A_478 = vector.broadcast %while3A_425#0 : i32 to vector<16xi32>
        %eq3A_479 = arith.cmpi eq, %get3A_469, %eq3A_478 : vector<16xi32>
        %jit3A_480 = arith.constant 1 : i32
        %jit3A_481 = arith.constant 0 : i32
        %broadcast_in_dim3A_482 = vector.broadcast %jit3A_480 : i32 to vector<16xi32>
        %broadcast_in_dim3A_483 = vector.broadcast %jit3A_481 : i32 to vector<16xi32>
        %select_n3A_484 = arith.select %eq3A_479, %broadcast_in_dim3A_482, %broadcast_in_dim3A_483 : vector<16xi1>, vector<16xi32>
        %add3A_485 = arith.addi %add3A_465, %select_n3A_484 : vector<16xi32>
        %add3A_486 = arith.constant 32 : i32
        %add3A_487 = arith.addi %shift_left3A_449, %add3A_486 : i32
        %get3A_488 = arith.index_cast %add3A_487 : i32 to index
        %get3A_489 = tpu.vector_load %arg7[%get3A_488] {strides = array<i32>} : memref<4096xi32, #tpu.memory_space<vmem>>, vector<16xi32>,
        %ge3A_490 = vector.broadcast %while3A_425#0 : i32 to vector<16xi32>
        %ge3A_491 = arith.cmpi sge, %get3A_489, %ge3A_490 : vector<16xi32>
        %jit3A_492 = arith.constant 1 : i32
        %jit3A_493 = arith.constant 0 : i32
        %broadcast_in_dim3A_494 = vector.broadcast %jit3A_492 : i32 to vector<16xi32>
        %broadcast_in_dim3A_495 = vector.broadcast %jit3A_493 : i32 to vector<16xi32>
        %select_n3A_496 = arith.select %ge3A_491, %broadcast_in_dim3A_494, %broadcast_in_dim3A_495 : vector<16xi1>, vector<16xi32>
        %add3A_497 = arith.addi %add3A_477, %select_n3A_496 : vector<16xi32>
        %eq3A_498 = vector.broadcast %while3A_425#0 : i32 to vector<16xi32>
        %eq3A_499 = arith.cmpi eq, %get3A_489, %eq3A_498 : vector<16xi32>
        %jit3A_500 = arith.constant 1 : i32
        %jit3A_501 = arith.constant 0 : i32
        %broadcast_in_dim3A_502 = vector.broadcast %jit3A_500 : i32 to vector<16xi32>
        %broadcast_in_dim3A_503 = vector.broadcast %jit3A_501 : i32 to vector<16xi32>
        %select_n3A_504 = arith.select %eq3A_499, %broadcast_in_dim3A_502, %broadcast_in_dim3A_503 : vector<16xi1>, vector<16xi32>
        %add3A_505 = arith.addi %add3A_485, %select_n3A_504 : vector<16xi32>
        %add3A_506 = arith.constant 48 : i32
        %add3A_507 = arith.addi %shift_left3A_449, %add3A_506 : i32
        %get3A_508 = arith.index_cast %add3A_507 : i32 to index
        %get3A_509 = tpu.vector_load %arg7[%get3A_508] {strides = array<i32>} : memref<4096xi32, #tpu.memory_space<vmem>>, vector<16xi32>,
        %ge3A_510 = vector.broadcast %while3A_425#0 : i32 to vector<16xi32>
        %ge3A_511 = arith.cmpi sge, %get3A_509, %ge3A_510 : vector<16xi32>
        %jit3A_512 = arith.constant 1 : i32
        %jit3A_513 = arith.constant 0 : i32
        %broadcast_in_dim3A_514 = vector.broadcast %jit3A_512 : i32 to vector<16xi32>
        %broadcast_in_dim3A_515 = vector.broadcast %jit3A_513 : i32 to vector<16xi32>
        %select_n3A_516 = arith.select %ge3A_511, %broadcast_in_dim3A_514, %broadcast_in_dim3A_515 : vector<16xi1>, vector<16xi32>
        %add3A_517 = arith.addi %add3A_497, %select_n3A_516 : vector<16xi32>
        %eq3A_518 = vector.broadcast %while3A_425#0 : i32 to vector<16xi32>
        %eq3A_519 = arith.cmpi eq, %get3A_509, %eq3A_518 : vector<16xi32>
        %jit3A_520 = arith.constant 1 : i32
        %jit3A_521 = arith.constant 0 : i32
        %broadcast_in_dim3A_522 = vector.broadcast %jit3A_520 : i32 to vector<16xi32>
        %broadcast_in_dim3A_523 = vector.broadcast %jit3A_521 : i32 to vector<16xi32>
        %select_n3A_524 = arith.select %eq3A_519, %broadcast_in_dim3A_522, %broadcast_in_dim3A_523 : vector<16xi1>, vector<16xi32>
        %add3A_525 = arith.addi %add3A_505, %select_n3A_524 : vector<16xi32>
        scf.yield %add3A_517, %add3A_525 : vector<16xi32>, vector<16xi32>
      }
      %while3A_435 = arith.constant 1 : i32
      %while3A_436:2 = scf.for %while3A_445 = %while3A_432 to %while3A_428 step %while3A_435 iter_args(%while3A_446 = %while3A_434#0, %while3A_447 = %while3A_434#1) -> (vector<16xi32>, vector<16xi32>)  : i32 {
        %shift_left3A_448 = arith.constant 6 : i32
        %shift_left3A_449 = arith.shli %while3A_445, %shift_left3A_448 : i32
        %add3A_450 = arith.constant 0 : i32
        %add3A_451 = arith.addi %shift_left3A_449, %add3A_450 : i32
        %get3A = arith.index_cast %add3A_451 : i32 to index
        %get3A_452 = tpu.vector_load %arg7[%get3A] {strides = array<i32>} : memref<4096xi32, #tpu.memory_space<vmem>>, vector<16xi32>,
        %ge3A_453 = vector.broadcast %while3A_425#0 : i32 to vector<16xi32>
        %ge3A_454 = arith.cmpi sge, %get3A_452, %ge3A_453 : vector<16xi32>
        %jit3A = arith.constant 1 : i32
        %jit3A_455 = arith.constant 0 : i32
        %broadcast_in_dim3A_456 = vector.broadcast %jit3A : i32 to vector<16xi32>
        %broadcast_in_dim3A_457 = vector.broadcast %jit3A_455 : i32 to vector<16xi32>
        %select_n3A = arith.select %ge3A_454, %broadcast_in_dim3A_456, %broadcast_in_dim3A_457 : vector<16xi1>, vector<16xi32>
        %add3A_458 = arith.addi %while3A_446, %select_n3A : vector<16xi32>
        %eq3A = vector.broadcast %while3A_425#0 : i32 to vector<16xi32>
        %eq3A_459 = arith.cmpi eq, %get3A_452, %eq3A : vector<16xi32>
        %jit3A_460 = arith.constant 1 : i32
        %jit3A_461 = arith.constant 0 : i32
        %broadcast_in_dim3A_462 = vector.broadcast %jit3A_460 : i32 to vector<16xi32>
        %broadcast_in_dim3A_463 = vector.broadcast %jit3A_461 : i32 to vector<16xi32>
        %select_n3A_464 = arith.select %eq3A_459, %broadcast_in_dim3A_462, %broadcast_in_dim3A_463 : vector<16xi1>, vector<16xi32>
        %add3A_465 = arith.addi %while3A_447, %select_n3A_464 : vector<16xi32>
        %add3A_466 = arith.constant 16 : i32
        %add3A_467 = arith.addi %shift_left3A_449, %add3A_466 : i32
        %get3A_468 = arith.index_cast %add3A_467 : i32 to index
        %get3A_469 = tpu.vector_load %arg7[%get3A_468] {strides = array<i32>} : memref<4096xi32, #tpu.memory_space<vmem>>, vector<16xi32>,
        %ge3A_470 = vector.broadcast %while3A_425#0 : i32 to vector<16xi32>
        %ge3A_471 = arith.cmpi sge, %get3A_469, %ge3A_470 : vector<16xi32>
        %jit3A_472 = arith.constant 1 : i32
        %jit3A_473 = arith.constant 0 : i32
        %broadcast_in_dim3A_474 = vector.broadcast %jit3A_472 : i32 to vector<16xi32>
        %broadcast_in_dim3A_475 = vector.broadcast %jit3A_473 : i32 to vector<16xi32>
        %select_n3A_476 = arith.select %ge3A_471, %broadcast_in_dim3A_474, %broadcast_in_dim3A_475 : vector<16xi1>, vector<16xi32>
        %add3A_477 = arith.addi %add3A_458, %select_n3A_476 : vector<16xi32>
        %eq3A_478 = vector.broadcast %while3A_425#0 : i32 to vector<16xi32>
        %eq3A_479 = arith.cmpi eq, %get3A_469, %eq3A_478 : vector<16xi32>
        %jit3A_480 = arith.constant 1 : i32
        %jit3A_481 = arith.constant 0 : i32
        %broadcast_in_dim3A_482 = vector.broadcast %jit3A_480 : i32 to vector<16xi32>
        %broadcast_in_dim3A_483 = vector.broadcast %jit3A_481 : i32 to vector<16xi32>
        %select_n3A_484 = arith.select %eq3A_479, %broadcast_in_dim3A_482, %broadcast_in_dim3A_483 : vector<16xi1>, vector<16xi32>
        %add3A_485 = arith.addi %add3A_465, %select_n3A_484 : vector<16xi32>
        %add3A_486 = arith.constant 32 : i32
        %add3A_487 = arith.addi %shift_left3A_449, %add3A_486 : i32
        %get3A_488 = arith.index_cast %add3A_487 : i32 to index
        %get3A_489 = tpu.vector_load %arg7[%get3A_488] {strides = array<i32>} : memref<4096xi32, #tpu.memory_space<vmem>>, vector<16xi32>,
        %ge3A_490 = vector.broadcast %while3A_425#0 : i32 to vector<16xi32>
        %ge3A_491 = arith.cmpi sge, %get3A_489, %ge3A_490 : vector<16xi32>
        %jit3A_492 = arith.constant 1 : i32
        %jit3A_493 = arith.constant 0 : i32
        %broadcast_in_dim3A_494 = vector.broadcast %jit3A_492 : i32 to vector<16xi32>
        %broadcast_in_dim3A_495 = vector.broadcast %jit3A_493 : i32 to vector<16xi32>
        %select_n3A_496 = arith.select %ge3A_491, %broadcast_in_dim3A_494, %broadcast_in_dim3A_495 : vector<16xi1>, vector<16xi32>
        %add3A_497 = arith.addi %add3A_477, %select_n3A_496 : vector<16xi32>
        %eq3A_498 = vector.broadcast %while3A_425#0 : i32 to vector<16xi32>
        %eq3A_499 = arith.cmpi eq, %get3A_489, %eq3A_498 : vector<16xi32>
        %jit3A_500 = arith.constant 1 : i32
        %jit3A_501 = arith.constant 0 : i32
        %broadcast_in_dim3A_502 = vector.broadcast %jit3A_500 : i32 to vector<16xi32>
        %broadcast_in_dim3A_503 = vector.broadcast %jit3A_501 : i32 to vector<16xi32>
        %select_n3A_504 = arith.select %eq3A_499, %broadcast_in_dim3A_502, %broadcast_in_dim3A_503 : vector<16xi1>, vector<16xi32>
        %add3A_505 = arith.addi %add3A_485, %select_n3A_504 : vector<16xi32>
        %add3A_506 = arith.constant 48 : i32
        %add3A_507 = arith.addi %shift_left3A_449, %add3A_506 : i32
        %get3A_508 = arith.index_cast %add3A_507 : i32 to index
        %get3A_509 = tpu.vector_load %arg7[%get3A_508] {strides = array<i32>} : memref<4096xi32, #tpu.memory_space<vmem>>, vector<16xi32>,
        %ge3A_510 = vector.broadcast %while3A_425#0 : i32 to vector<16xi32>
        %ge3A_511 = arith.cmpi sge, %get3A_509, %ge3A_510 : vector<16xi32>
        %jit3A_512 = arith.constant 1 : i32
        %jit3A_513 = arith.constant 0 : i32
        %broadcast_in_dim3A_514 = vector.broadcast %jit3A_512 : i32 to vector<16xi32>
        %broadcast_in_dim3A_515 = vector.broadcast %jit3A_513 : i32 to vector<16xi32>
        %select_n3A_516 = arith.select %ge3A_511, %broadcast_in_dim3A_514, %broadcast_in_dim3A_515 : vector<16xi1>, vector<16xi32>
        %add3A_517 = arith.addi %add3A_497, %select_n3A_516 : vector<16xi32>
        %eq3A_518 = vector.broadcast %while3A_425#0 : i32 to vector<16xi32>
        %eq3A_519 = arith.cmpi eq, %get3A_509, %eq3A_518 : vector<16xi32>
        %jit3A_520 = arith.constant 1 : i32
        %jit3A_521 = arith.constant 0 : i32
        %broadcast_in_dim3A_522 = vector.broadcast %jit3A_520 : i32 to vector<16xi32>
        %broadcast_in_dim3A_523 = vector.broadcast %jit3A_521 : i32 to vector<16xi32>
        %select_n3A_524 = arith.select %eq3A_519, %broadcast_in_dim3A_522, %broadcast_in_dim3A_523 : vector<16xi1>, vector<16xi32>
        %add3A_525 = arith.addi %add3A_505, %select_n3A_524 : vector<16xi32>
        scf.yield %add3A_517, %add3A_525 : vector<16xi32>, vector<16xi32>
      }
      %reduce_sum3A_437 = arith.constant true
      %reduce_sum3A_438 = vector.broadcast %reduce_sum3A_437 : i1 to vector<16xi1>
      %reduce_sum3A_439 = tpu.scan <sum>, %while3A_436#0 masked %reduce_sum3A_438 : vector<16xi32>, vector<16xi1> -> vector<16xi32>
      %reduce_sum3A_440 = vector.extract %reduce_sum3A_439[15] : i32 from vector<16xi32>
      %reduce_sum3A_441 = arith.constant true
      %reduce_sum3A_442 = vector.broadcast %reduce_sum3A_441 : i1 to vector<16xi1>
      %reduce_sum3A_443 = tpu.scan <sum>, %while3A_436#1 masked %reduce_sum3A_442 : vector<16xi32>, vector<16xi1> -> vector<16xi32>
      %reduce_sum3A_444 = vector.extract %reduce_sum3A_443[15] : i32 from vector<16xi32>
      scf.yield %while3A_425#0, %reduce_sum3A_440, %reduce_sum3A_444 : i32, i32, i32
    } else {
      %parallel_loop3A_405 = arith.constant 0 : i32
      %parallel_loop3A_406 = arith.constant 16384 : i32
      %parallel_loop3A_407 = arith.constant 16 : i32
      scf.for %parallel_loop3A_481 = %parallel_loop3A_405 to %parallel_loop3A_406 step %parallel_loop3A_407  : i32 {
        %parallel_loop3A_482 = arith.index_cast %parallel_loop3A_481 : i32 to index
        %parallel_loop3A_483 = tpu.vector_load %arg6[%parallel_loop3A_482] {strides = array<i32>} : memref<16384xi32, #tpu.memory_space<vmem>>, vector<16xi32>,
        tpu.vector_store %arg6[%parallel_loop3A_482], %broadcast_in_dim3A_3 {strides = array<i32>} : memref<16384xi32, #tpu.memory_space<vmem>>, vector<16xi32>,
      } {sc.loop_unroll_factor = 8 : i64, sc.parallel_access}
      %parallel_loop3A_408 = arith.constant 0 : i32
      %parallel_loop3A_409 = arith.constant 32768 : i32
      %parallel_loop3A_410 = arith.constant 16 : i32
      %parallel_loop3A_411 = scf.for %parallel_loop3A_481 = %parallel_loop3A_408 to %parallel_loop3A_409 step %parallel_loop3A_410 iter_args(%parallel_loop3A_482 = %broadcast_in_dim3A_3) -> (vector<16xi32>)  : i32 {
        %parallel_loop3A_483 = arith.index_cast %parallel_loop3A_481 : i32 to index
        %parallel_loop3A_484 = tpu.vector_load %arg4[%parallel_loop3A_483] {strides = array<i32>} : memref<32768xf32, #tpu.memory_space<vmem>>, vector<16xf32>,
        %parallel_loop3A_485 = vector.bitcast %parallel_loop3A_484 : vector<16xf32> to vector<16xi32>
        %parallel_loop3A_486 = arith.constant 2147483647 : i32
        %parallel_loop3A_487 = vector.broadcast %parallel_loop3A_486 : i32 to vector<16xi32>
        %parallel_loop3A_488 = arith.andi %parallel_loop3A_485, %parallel_loop3A_487 : vector<16xi32>
        %parallel_loop3A_489 = arith.constant 21 : i32
        %parallel_loop3A_490 = vector.broadcast %parallel_loop3A_489 : i32 to vector<16xi32>
        %parallel_loop3A_491 = arith.shrsi %parallel_loop3A_488, %parallel_loop3A_490 : vector<16xi32>
        %parallel_loop3A_492 = arith.constant 4 : i32
        %parallel_loop3A_493 = vector.broadcast %parallel_loop3A_492 : i32 to vector<16xi32>
        %parallel_loop3A_494 = arith.shli %parallel_loop3A_491, %parallel_loop3A_493 : vector<16xi32>
        %parallel_loop3A_495 = arith.ori %parallel_loop3A_494, %iota3A : vector<16xi32>
        tpu.vector_store_idx %arg6[%parallel_loop3A_495], %broadcast_in_dim3A_1 {add = true} : memref<16384xi32, #tpu.memory_space<vmem>>[vector<16xi32>], vector<16xi32>,
        %parallel_loop3A_496 = arith.maxsi %parallel_loop3A_482, %parallel_loop3A_488 : vector<16xi32>
        scf.yield %parallel_loop3A_496 : vector<16xi32>
      } {sc.loop_unroll_factor = 8 : i64, sc.parallel_access}
      %reduce_max3A_412 = arith.constant true
      %reduce_max3A_413 = vector.broadcast %reduce_max3A_412 : i1 to vector<16xi1>
      %reduce_max3A_414 = arith.constant -2147483648 : i32
      %reduce_max3A_415 = vector.broadcast %reduce_max3A_414 : i32 to vector<16xi32>
      %reduce_max3A_416 = arith.xori %parallel_loop3A_411, %reduce_max3A_415 : vector<16xi32>
      %reduce_max3A_417 = tpu.scan <max>, %reduce_max3A_416 masked %reduce_max3A_413 : vector<16xi32>, vector<16xi1> -> vector<16xi32>
      %reduce_max3A_418 = arith.xori %reduce_max3A_417, %reduce_max3A_415 : vector<16xi32>
      %reduce_max3A_419 = vector.extract %reduce_max3A_418[15] : i32 from vector<16xi32>
      %shift_right_arithmetic3A_420 = arith.constant 21 : i32
      %shift_right_arithmetic3A_421 = arith.shrsi %reduce_max3A_419, %shift_right_arithmetic3A_420 : i32
      %while3A_422 = arith.constant 0 : i32
      %while3A_423 = arith.constant 0 : i32
      %while3A_424:3 = scf.while (%while3A_481 = %shift_right_arithmetic3A_421, %while3A_482 = %while3A_422, %while3A_483 = %while3A_423) : (i32, i32, i32) -> (i32, i32, i32) {
        %lt3A = arith.constant 64 : i32
        %lt3A_484 = arith.cmpi slt, %while3A_482, %lt3A : i32
        %ge3A_485 = arith.constant 0 : i32
        %ge3A_486 = arith.cmpi sge, %while3A_481, %ge3A_485 : i32
        %and3A_487 = arith.andi %lt3A_484, %ge3A_486 : i1
        scf.condition(%and3A_487) %while3A_481, %while3A_482, %while3A_483 : i32, i32, i32
      } do {
      ^bb0(%while3A_481: i32, %while3A_482: i32, %while3A_483: i32):
        %mul3A_484 = arith.constant 16 : i32
        %mul3A_485 = arith.muli %while3A_481, %mul3A_484 : i32
        %get3A = arith.index_cast %mul3A_485 : i32 to index
        %get3A_486 = tpu.vector_load %arg6[%get3A] {strides = array<i32>} : memref<16384xi32, #tpu.memory_space<vmem>>, vector<16xi32>,
        %reduce_sum3A_487 = arith.constant true
        %reduce_sum3A_488 = vector.broadcast %reduce_sum3A_487 : i1 to vector<16xi1>
        %reduce_sum3A_489 = tpu.scan <sum>, %get3A_486 masked %reduce_sum3A_488 : vector<16xi32>, vector<16xi1> -> vector<16xi32>
        %reduce_sum3A_490 = vector.extract %reduce_sum3A_489[15] : i32 from vector<16xi32>
        %sub3A_491 = arith.constant 1 : i32
        %sub3A_492 = arith.subi %while3A_481, %sub3A_491 : i32
        %add3A_493 = arith.addi %while3A_482, %reduce_sum3A_490 : i32
        scf.yield %sub3A_492, %add3A_493, %reduce_sum3A_490 : i32, i32, i32
      }
      %add3A_425 = arith.constant 1 : i32
      %add3A_426 = arith.addi %while3A_424#0, %add3A_425 : i32
      %sub3A_427 = arith.subi %while3A_424#1, %while3A_424#2 : i32
      %sub3A_428 = arith.constant 64 : i32
      %sub3A_429 = arith.subi %sub3A_428, %sub3A_427 : i32
      %shift_left3A_430 = arith.constant 21 : i32
      %shift_left3A_431 = arith.shli %add3A_426, %shift_left3A_430 : i32
      %parallel_loop3A_432 = arith.constant 0 : i32
      %parallel_loop3A_433 = arith.constant 32768 : i32
      %parallel_loop3A_434 = arith.constant 16 : i32
      %parallel_loop3A_435 = scf.for %parallel_loop3A_481 = %parallel_loop3A_432 to %parallel_loop3A_433 step %parallel_loop3A_434 iter_args(%parallel_loop3A_482 = %iota3A) -> (vector<16xi32>)  : i32 {
        %parallel_loop3A_483 = arith.index_cast %parallel_loop3A_481 : i32 to index
        %parallel_loop3A_484 = tpu.vector_load %arg4[%parallel_loop3A_483] {strides = array<i32>} : memref<32768xf32, #tpu.memory_space<vmem>>, vector<16xf32>,
        %parallel_loop3A_485 = vector.bitcast %parallel_loop3A_484 : vector<16xf32> to vector<16xi32>
        %parallel_loop3A_486 = arith.constant 2147483647 : i32
        %parallel_loop3A_487 = vector.broadcast %parallel_loop3A_486 : i32 to vector<16xi32>
        %parallel_loop3A_488 = arith.andi %parallel_loop3A_485, %parallel_loop3A_487 : vector<16xi32>
        %parallel_loop3A_489 = vector.broadcast %shift_left3A_431 : i32 to vector<16xi32>
        %parallel_loop3A_490 = arith.subi %parallel_loop3A_488, %parallel_loop3A_489 : vector<16xi32>
        %parallel_loop3A_491 = vector.bitcast %parallel_loop3A_490 : vector<16xi32> to vector<16xi32>
        %parallel_loop3A_492 = arith.constant 2097152 : i32
        %parallel_loop3A_493 = vector.broadcast %parallel_loop3A_492 : i32 to vector<16xi32>
        %parallel_loop3A_494 = arith.cmpi ult, %parallel_loop3A_491, %parallel_loop3A_493 : vector<16xi32>
        %parallel_loop3A_495 = arith.constant 4095 : i32
        %parallel_loop3A_496 = vector.broadcast %parallel_loop3A_495 : i32 to vector<16xi32>
        %parallel_loop3A_497 = arith.andi %parallel_loop3A_482, %parallel_loop3A_496 : vector<16xi32>
        tpu.vector_store_idx %arg7[%parallel_loop3A_497], %parallel_loop3A_488 masked %parallel_loop3A_494 : memref<4096xi32, #tpu.memory_space<vmem>>[vector<16xi32>], vector<16xi32>, vector<16xi1>
        %parallel_loop3A_498 = arith.constant 16 : i32
        %parallel_loop3A_499 = arith.constant 0 : i32
        %parallel_loop3A_500 = vector.broadcast %parallel_loop3A_498 : i32 to vector<16xi32>
        %parallel_loop3A_501 = vector.broadcast %parallel_loop3A_499 : i32 to vector<16xi32>
        %parallel_loop3A_502 = arith.select %parallel_loop3A_494, %parallel_loop3A_500, %parallel_loop3A_501 : vector<16xi1>, vector<16xi32>
        %parallel_loop3A_503 = arith.addi %parallel_loop3A_482, %parallel_loop3A_502 : vector<16xi32>
        scf.yield %parallel_loop3A_503 : vector<16xi32>
      } {sc.loop_unroll_factor = 8 : i64, sc.parallel_access}
      %sub3A_436 = arith.subi %parallel_loop3A_435, %iota3A : vector<16xi32>
      %shift_right_arithmetic3A_437 = arith.constant 4 : i32
      %shift_right_arithmetic3A_438 = vector.broadcast %shift_right_arithmetic3A_437 : i32 to vector<16xi32>
      %shift_right_arithmetic3A_439 = arith.shrsi %sub3A_436, %shift_right_arithmetic3A_438 : vector<16xi32>
      %add3A_440 = arith.constant 2097152 : i32
      %add3A_441 = arith.addi %shift_left3A_431, %add3A_440 : i32
      %sub3A_442 = arith.constant 1 : i32
      %sub3A_443 = arith.subi %add3A_441, %sub3A_442 : i32
      %sub3A_444 = arith.constant 64 : i32
      %sub3A_445 = arith.subi %sub3A_444, %sub3A_429 : i32
      %reduce_max3A_446 = arith.constant true
      %reduce_max3A_447 = vector.broadcast %reduce_max3A_446 : i1 to vector<16xi1>
      %reduce_max3A_448 = arith.constant -2147483648 : i32
      %reduce_max3A_449 = vector.broadcast %reduce_max3A_448 : i32 to vector<16xi32>
      %reduce_max3A_450 = arith.xori %shift_right_arithmetic3A_439, %reduce_max3A_449 : vector<16xi32>
      %reduce_max3A_451 = tpu.scan <max>, %reduce_max3A_450 masked %reduce_max3A_447 : vector<16xi32>, vector<16xi1> -> vector<16xi32>
      %reduce_max3A_452 = arith.xori %reduce_max3A_451, %reduce_max3A_449 : vector<16xi32>
      %reduce_max3A_453 = vector.extract %reduce_max3A_452[15] : i32 from vector<16xi32>
      %min3A_454 = arith.constant 256 : i32
      %min3A_455 = arith.minsi %reduce_max3A_453, %min3A_454 : i32
      %scan3A = arith.constant 0 : i32
      %scan3A_456 = arith.constant 21 : i32
      %scan3A_457 = arith.addi %scan3A, %scan3A_456 : i32
      %scan3A_458 = arith.constant 1 : i32
      %scan3A_459:2 = scf.for %scan3A_481 = %scan3A to %scan3A_457 step %scan3A_458 iter_args(%scan3A_482 = %shift_left3A_431, %scan3A_483 = %sub3A_443) -> (i32, i32)  : i32 {
        %sub3A_484 = arith.subi %scan3A_483, %scan3A_482 : i32
        %add3A_485 = arith.constant 1 : i32
        %add3A_486 = arith.addi %sub3A_484, %add3A_485 : i32
        %shift_right_arithmetic3A_487 = arith.constant 1 : i32
        %shift_right_arithmetic3A_488 = arith.shrsi %add3A_486, %shift_right_arithmetic3A_487 : i32
        %add3A_489 = arith.addi %scan3A_482, %shift_right_arithmetic3A_488 : i32
        %while3A_490 = arith.constant 0 : i32
        %while3A_491 = arith.subi %min3A_455, %while3A_490 : i32
        %while3A_492 = arith.addi %while3A_490, %while3A_491 : i32
        %while3A_493 = arith.constant 1 : i32
        %while3A_494 = arith.divsi %while3A_491, %while3A_493 : i32
        %while3A_495 = arith.muli %while3A_494, %while3A_493 : i32
        %while3A_496 = arith.addi %while3A_490, %while3A_495 : i32
        %while3A_497 = arith.constant 1 : i32
        %while3A_498 = scf.for %while3A_509 = %while3A_490 to %while3A_496 step %while3A_497 iter_args(%while3A_510 = %broadcast_in_dim3A_3) -> (vector<16xi32>)  : i32 {
          %mul3A_511 = arith.constant 16 : i32
          %mul3A_512 = arith.muli %while3A_509, %mul3A_511 : i32
          %get3A = arith.index_cast %mul3A_512 : i32 to index
          %get3A_513 = tpu.vector_load %arg7[%get3A] {strides = array<i32>} : memref<4096xi32, #tpu.memory_space<vmem>>, vector<16xi32>,
          %ge3A_514 = vector.broadcast %add3A_489 : i32 to vector<16xi32>
          %ge3A_515 = arith.cmpi sge, %get3A_513, %ge3A_514 : vector<16xi32>
          %lt3A = vector.broadcast %while3A_509 : i32 to vector<16xi32>
          %lt3A_516 = arith.cmpi slt, %lt3A, %shift_right_arithmetic3A_439 : vector<16xi32>
          %and3A_517 = arith.andi %ge3A_515, %lt3A_516 : vector<16xi1>
          %jit3A = arith.constant 1 : i32
          %jit3A_518 = arith.constant 0 : i32
          %broadcast_in_dim3A_519 = vector.broadcast %jit3A : i32 to vector<16xi32>
          %broadcast_in_dim3A_520 = vector.broadcast %jit3A_518 : i32 to vector<16xi32>
          %select_n3A_521 = arith.select %and3A_517, %broadcast_in_dim3A_519, %broadcast_in_dim3A_520 : vector<16xi1>, vector<16xi32>
          %add3A_522 = arith.addi %while3A_510, %select_n3A_521 : vector<16xi32>
          scf.yield %add3A_522 : vector<16xi32>
        }
        %while3A_499 = arith.constant 1 : i32
        %while3A_500 = scf.for %while3A_509 = %while3A_496 to %while3A_492 step %while3A_499 iter_args(%while3A_510 = %while3A_498) -> (vector<16xi32>)  : i32 {
          %mul3A_511 = arith.constant 16 : i32
          %mul3A_512 = arith.muli %while3A_509, %mul3A_511 : i32
          %get3A = arith.index_cast %mul3A_512 : i32 to index
          %get3A_513 = tpu.vector_load %arg7[%get3A] {strides = array<i32>} : memref<4096xi32, #tpu.memory_space<vmem>>, vector<16xi32>,
          %ge3A_514 = vector.broadcast %add3A_489 : i32 to vector<16xi32>
          %ge3A_515 = arith.cmpi sge, %get3A_513, %ge3A_514 : vector<16xi32>
          %lt3A = vector.broadcast %while3A_509 : i32 to vector<16xi32>
          %lt3A_516 = arith.cmpi slt, %lt3A, %shift_right_arithmetic3A_439 : vector<16xi32>
          %and3A_517 = arith.andi %ge3A_515, %lt3A_516 : vector<16xi1>
          %jit3A = arith.constant 1 : i32
          %jit3A_518 = arith.constant 0 : i32
          %broadcast_in_dim3A_519 = vector.broadcast %jit3A : i32 to vector<16xi32>
          %broadcast_in_dim3A_520 = vector.broadcast %jit3A_518 : i32 to vector<16xi32>
          %select_n3A_521 = arith.select %and3A_517, %broadcast_in_dim3A_519, %broadcast_in_dim3A_520 : vector<16xi1>, vector<16xi32>
          %add3A_522 = arith.addi %while3A_510, %select_n3A_521 : vector<16xi32>
          scf.yield %add3A_522 : vector<16xi32>
        }
        %reduce_sum3A_501 = arith.constant true
        %reduce_sum3A_502 = vector.broadcast %reduce_sum3A_501 : i1 to vector<16xi1>
        %reduce_sum3A_503 = tpu.scan <sum>, %while3A_500 masked %reduce_sum3A_502 : vector<16xi32>, vector<16xi1> -> vector<16xi32>
        %reduce_sum3A_504 = vector.extract %reduce_sum3A_503[15] : i32 from vector<16xi32>
        %ge3A_505 = arith.cmpi sge, %reduce_sum3A_504, %sub3A_429 : i32
        %select_n3A = arith.select %ge3A_505, %add3A_489, %scan3A_482 : i32
        %sub3A_506 = arith.constant 1 : i32
        %sub3A_507 = arith.subi %add3A_489, %sub3A_506 : i32
        %select_n3A_508 = arith.select %ge3A_505, %scan3A_483, %sub3A_507 : i32
        scf.yield %select_n3A, %select_n3A_508 : i32, i32
      }
      %scan3A_460 = arith.constant 21 : i32
      %while3A_461 = arith.constant 0 : i32
      %while3A_462 = arith.subi %min3A_455, %while3A_461 : i32
      %while3A_463 = arith.addi %while3A_461, %while3A_462 : i32
      %while3A_464 = arith.constant 1 : i32
      %while3A_465 = arith.divsi %while3A_462, %while3A_464 : i32
      %while3A_466 = arith.muli %while3A_465, %while3A_464 : i32
      %while3A_467 = arith.addi %while3A_461, %while3A_466 : i32
      %while3A_468 = arith.constant 1 : i32
      %while3A_469:2 = scf.for %while3A_481 = %while3A_461 to %while3A_467 step %while3A_468 iter_args(%while3A_482 = %broadcast_in_dim3A_3, %while3A_483 = %broadcast_in_dim3A_3) -> (vector<16xi32>, vector<16xi32>)  : i32 {
        %mul3A_484 = arith.constant 16 : i32
        %mul3A_485 = arith.muli %while3A_481, %mul3A_484 : i32
        %get3A = arith.index_cast %mul3A_485 : i32 to index
        %get3A_486 = tpu.vector_load %arg7[%get3A] {strides = array<i32>} : memref<4096xi32, #tpu.memory_space<vmem>>, vector<16xi32>,
        %lt3A = vector.broadcast %while3A_481 : i32 to vector<16xi32>
        %lt3A_487 = arith.cmpi slt, %lt3A, %shift_right_arithmetic3A_439 : vector<16xi32>
        %ge3A_488 = vector.broadcast %scan3A_459#0 : i32 to vector<16xi32>
        %ge3A_489 = arith.cmpi sge, %get3A_486, %ge3A_488 : vector<16xi32>
        %and3A_490 = arith.andi %ge3A_489, %lt3A_487 : vector<16xi1>
        %eq3A = vector.broadcast %scan3A_459#0 : i32 to vector<16xi32>
        %eq3A_491 = arith.cmpi eq, %get3A_486, %eq3A : vector<16xi32>
        %and3A_492 = arith.andi %eq3A_491, %lt3A_487 : vector<16xi1>
        %jit3A = arith.constant 1 : i32
        %jit3A_493 = arith.constant 0 : i32
        %broadcast_in_dim3A_494 = vector.broadcast %jit3A : i32 to vector<16xi32>
        %broadcast_in_dim3A_495 = vector.broadcast %jit3A_493 : i32 to vector<16xi32>
        %select_n3A = arith.select %and3A_490, %broadcast_in_dim3A_494, %broadcast_in_dim3A_495 : vector<16xi1>, vector<16xi32>
        %add3A_496 = arith.addi %while3A_482, %select_n3A : vector<16xi32>
        %jit3A_497 = arith.constant 1 : i32
        %jit3A_498 = arith.constant 0 : i32
        %broadcast_in_dim3A_499 = vector.broadcast %jit3A_497 : i32 to vector<16xi32>
        %broadcast_in_dim3A_500 = vector.broadcast %jit3A_498 : i32 to vector<16xi32>
        %select_n3A_501 = arith.select %and3A_492, %broadcast_in_dim3A_499, %broadcast_in_dim3A_500 : vector<16xi1>, vector<16xi32>
        %add3A_502 = arith.addi %while3A_483, %select_n3A_501 : vector<16xi32>
        scf.yield %add3A_496, %add3A_502 : vector<16xi32>, vector<16xi32>
      }
      %while3A_470 = arith.constant 1 : i32
      %while3A_471:2 = scf.for %while3A_481 = %while3A_467 to %while3A_463 step %while3A_470 iter_args(%while3A_482 = %while3A_469#0, %while3A_483 = %while3A_469#1) -> (vector<16xi32>, vector<16xi32>)  : i32 {
        %mul3A_484 = arith.constant 16 : i32
        %mul3A_485 = arith.muli %while3A_481, %mul3A_484 : i32
        %get3A = arith.index_cast %mul3A_485 : i32 to index
        %get3A_486 = tpu.vector_load %arg7[%get3A] {strides = array<i32>} : memref<4096xi32, #tpu.memory_space<vmem>>, vector<16xi32>,
        %lt3A = vector.broadcast %while3A_481 : i32 to vector<16xi32>
        %lt3A_487 = arith.cmpi slt, %lt3A, %shift_right_arithmetic3A_439 : vector<16xi32>
        %ge3A_488 = vector.broadcast %scan3A_459#0 : i32 to vector<16xi32>
        %ge3A_489 = arith.cmpi sge, %get3A_486, %ge3A_488 : vector<16xi32>
        %and3A_490 = arith.andi %ge3A_489, %lt3A_487 : vector<16xi1>
        %eq3A = vector.broadcast %scan3A_459#0 : i32 to vector<16xi32>
        %eq3A_491 = arith.cmpi eq, %get3A_486, %eq3A : vector<16xi32>
        %and3A_492 = arith.andi %eq3A_491, %lt3A_487 : vector<16xi1>
        %jit3A = arith.constant 1 : i32
        %jit3A_493 = arith.constant 0 : i32
        %broadcast_in_dim3A_494 = vector.broadcast %jit3A : i32 to vector<16xi32>
        %broadcast_in_dim3A_495 = vector.broadcast %jit3A_493 : i32 to vector<16xi32>
        %select_n3A = arith.select %and3A_490, %broadcast_in_dim3A_494, %broadcast_in_dim3A_495 : vector<16xi1>, vector<16xi32>
        %add3A_496 = arith.addi %while3A_482, %select_n3A : vector<16xi32>
        %jit3A_497 = arith.constant 1 : i32
        %jit3A_498 = arith.constant 0 : i32
        %broadcast_in_dim3A_499 = vector.broadcast %jit3A_497 : i32 to vector<16xi32>
        %broadcast_in_dim3A_500 = vector.broadcast %jit3A_498 : i32 to vector<16xi32>
        %select_n3A_501 = arith.select %and3A_492, %broadcast_in_dim3A_499, %broadcast_in_dim3A_500 : vector<16xi1>, vector<16xi32>
        %add3A_502 = arith.addi %while3A_483, %select_n3A_501 : vector<16xi32>
        scf.yield %add3A_496, %add3A_502 : vector<16xi32>, vector<16xi32>
      }
      %reduce_sum3A_472 = arith.constant true
      %reduce_sum3A_473 = vector.broadcast %reduce_sum3A_472 : i1 to vector<16xi1>
      %reduce_sum3A_474 = tpu.scan <sum>, %while3A_471#0 masked %reduce_sum3A_473 : vector<16xi32>, vector<16xi1> -> vector<16xi32>
      %reduce_sum3A_475 = vector.extract %reduce_sum3A_474[15] : i32 from vector<16xi32>
      %add3A_476 = arith.addi %sub3A_445, %reduce_sum3A_475 : i32
      %reduce_sum3A_477 = arith.constant true
      %reduce_sum3A_478 = vector.broadcast %reduce_sum3A_477 : i1 to vector<16xi1>
      %reduce_sum3A_479 = tpu.scan <sum>, %while3A_471#1 masked %reduce_sum3A_478 : vector<16xi32>, vector<16xi1> -> vector<16xi32>
      %reduce_sum3A_480 = vector.extract %reduce_sum3A_479[15] : i32 from vector<16xi32>
      scf.yield %scan3A_459#0, %add3A_476, %reduce_sum3A_480 : i32, i32, i32
    }
    %sub3A_281 = arith.subi %cond3A_280#1, %cond3A_280#2 : i32
    %sub3A_282 = arith.constant 64 : i32
    %sub3A_283 = arith.subi %sub3A_282, %sub3A_281 : i32
    %parallel_loop3A_284 = arith.constant 0 : i32
    %parallel_loop3A_285 = arith.constant 32768 : i32
    %parallel_loop3A_286 = arith.constant 16 : i32
    scf.for %parallel_loop3A_405 = %parallel_loop3A_284 to %parallel_loop3A_285 step %parallel_loop3A_286  : i32 {
      %parallel_loop3A_406 = arith.index_cast %parallel_loop3A_405 : i32 to index
      %parallel_loop3A_407 = tpu.vector_load %arg4[%parallel_loop3A_406] {strides = array<i32>} : memref<32768xf32, #tpu.memory_space<vmem>>, vector<16xf32>,
      %parallel_loop3A_408 = vector.bitcast %parallel_loop3A_407 : vector<16xf32> to vector<16xi32>
      %parallel_loop3A_409 = arith.constant 2147483647 : i32
      %parallel_loop3A_410 = vector.broadcast %parallel_loop3A_409 : i32 to vector<16xi32>
      %parallel_loop3A_411 = arith.andi %parallel_loop3A_408, %parallel_loop3A_410 : vector<16xi32>
      %parallel_loop3A_412 = vector.broadcast %cond3A_280#0 : i32 to vector<16xi32>
      %parallel_loop3A_413 = arith.cmpi sge, %parallel_loop3A_411, %parallel_loop3A_412 : vector<16xi32>
      %parallel_loop3A_414 = arith.constant 0 : i32
      %parallel_loop3A_415 = vector.broadcast %parallel_loop3A_414 : i32 to vector<16xi32>
      %parallel_loop3A_416 = arith.select %parallel_loop3A_413, %parallel_loop3A_408, %parallel_loop3A_415 : vector<16xi1>, vector<16xi32>
      %parallel_loop3A_417 = vector.bitcast %parallel_loop3A_416 : vector<16xi32> to vector<16xf32>
      %parallel_loop3A_418 = arith.index_cast %parallel_loop3A_405 : i32 to index
      %parallel_loop3A_419 = tpu.vector_load %arg4[%parallel_loop3A_418] {strides = array<i32>} : memref<32768xf32, #tpu.memory_space<vmem>>, vector<16xf32>,
      tpu.vector_store %arg4[%parallel_loop3A_418], %parallel_loop3A_417 {strides = array<i32>} : memref<32768xf32, #tpu.memory_space<vmem>>, vector<16xf32>,
    } {sc.loop_unroll_factor = 8 : i64, sc.parallel_access}
    %gt3A_287 = arith.constant 64 : i32
    %gt3A_288 = arith.cmpi sgt, %cond3A_280#1, %gt3A_287 : i32
    %convert_element_type3A_289 = arith.extui %gt3A_288 : i1 to i32
    %cond3A_290 = arith.constant 0 : i32
    %cond3A_291 = arith.cmpi ne, %convert_element_type3A_289, %cond3A_290 : i32
    scf.if %cond3A_291 {
      %while3A_405 = arith.constant 0 : i32
      %while3A_406 = arith.constant 0 : i32
      %while3A_407:2 = scf.while (%while3A_408 = %while3A_405, %while3A_409 = %while3A_406) : (i32, i32) -> (i32, i32) {
        %lt3A = arith.constant 32768 : i32
        %lt3A_410 = arith.cmpi slt, %while3A_408, %lt3A : i32
        %lt3A_411 = arith.cmpi slt, %while3A_409, %cond3A_280#2 : i32
        %and3A_412 = arith.andi %lt3A_410, %lt3A_411 : i1
        scf.condition(%and3A_412) %while3A_408, %while3A_409 : i32, i32
      } do {
      ^bb0(%while3A_408: i32, %while3A_409: i32):
        %get3A = arith.index_cast %while3A_408 : i32 to index
        %get3A_410 = tpu.vector_load %arg4[%get3A] {strides = array<i32>} : memref<32768xf32, #tpu.memory_space<vmem>>, vector<16xf32>,
        %bitcast3A = vector.bitcast %get3A_410 : vector<16xf32> to vector<16xi32>
        %and3A_411 = arith.constant 2147483647 : i32
        %and3A_412 = vector.broadcast %and3A_411 : i32 to vector<16xi32>
        %and3A_413 = arith.andi %bitcast3A, %and3A_412 : vector<16xi32>
        %eq3A = vector.broadcast %cond3A_280#0 : i32 to vector<16xi32>
        %eq3A_414 = arith.cmpi eq, %and3A_413, %eq3A : vector<16xi32>
        %jit3A = arith.constant 1 : i32
        %jit3A_415 = arith.constant 0 : i32
        %broadcast_in_dim3A_416 = vector.broadcast %jit3A : i32 to vector<16xi32>
        %broadcast_in_dim3A_417 = vector.broadcast %jit3A_415 : i32 to vector<16xi32>
        %select_n3A = arith.select %eq3A_414, %broadcast_in_dim3A_416, %broadcast_in_dim3A_417 : vector<16xi1>, vector<16xi32>
        %broadcast_in_dim3A_418 = arith.constant true
        %broadcast_in_dim3A_419 = vector.broadcast %broadcast_in_dim3A_418 : i1 to vector<16xi1>
        %masked_cumsum3A = tpu.scan <sum>, %select_n3A masked %broadcast_in_dim3A_419 : vector<16xi32>, vector<16xi1> -> vector<16xi32>
        %add3A_420 = vector.broadcast %while3A_409 : i32 to vector<16xi32>
        %add3A_421 = arith.addi %add3A_420, %masked_cumsum3A : vector<16xi32>
        %sub3A_422 = arith.constant 1 : i32
        %sub3A_423 = vector.broadcast %sub3A_422 : i32 to vector<16xi32>
        %sub3A_424 = arith.subi %add3A_421, %sub3A_423 : vector<16xi32>
        %ge3A_425 = vector.broadcast %sub3A_283 : i32 to vector<16xi32>
        %ge3A_426 = arith.cmpi sge, %sub3A_424, %ge3A_425 : vector<16xi32>
        %and3A_427 = arith.andi %eq3A_414, %ge3A_426 : vector<16xi1>
        %jit3A_428 = arith.constant 0 : i32
        %broadcast_in_dim3A_429 = vector.broadcast %jit3A_428 : i32 to vector<16xi32>
        %select_n3A_430 = arith.select %and3A_427, %broadcast_in_dim3A_429, %bitcast3A : vector<16xi1>, vector<16xi32>
        %bitcast3A_431 = vector.bitcast %select_n3A_430 : vector<16xi32> to vector<16xf32>
        %swap3A = arith.index_cast %while3A_408 : i32 to index
        %swap3A_432 = tpu.vector_load %arg4[%swap3A] {strides = array<i32>} : memref<32768xf32, #tpu.memory_space<vmem>>, vector<16xf32>,
        tpu.vector_store %arg4[%swap3A], %bitcast3A_431 {strides = array<i32>} : memref<32768xf32, #tpu.memory_space<vmem>>, vector<16xf32>,
        %add3A_433 = arith.constant 16 : i32
        %add3A_434 = arith.addi %while3A_408, %add3A_433 : i32
        %all_reduce_population_count3A = tpu.all_reduce %eq3A_414 {dim = 0 : i64, kind = #tpu.reduction_kind<sum>} : vector<16xi1> -> vector<16xi32>
        %slice3A = vector.extract_strided_slice %all_reduce_population_count3A {offsets = [0], sizes = [1], strides = [1]} : vector<16xi32> to vector<1xi32>
        %squeeze3A = vector.extract %slice3A[0] : i32 from vector<1xi32>
        %add3A_435 = arith.addi %while3A_409, %squeeze3A : i32
        scf.yield %add3A_434, %add3A_435 : i32, i32
      }
    } else {
    }
    %add3A_292 = arith.constant 2 : i32
    %add3A_293 = arith.addi %mul3A_5, %add3A_292 : i32
    %dma_start3A_294 = arith.constant 0 : i32
    %dma_start3A_295 = tpu.memref_slice %arg3[%add3A_293, %dma_start3A_294] : memref<128x32768xf32, #tpu.memory_space<hbm>> -> memref<1x32768xf32, #tpu.memory_space<hbm>>
    %dma_start3A_296 = tpu.memref_squeeze %dma_start3A_295 : memref<1x32768xf32, #tpu.memory_space<hbm>> -> memref<32768xf32, #tpu.memory_space<hbm>>
    %dma_start3A_297 = arith.constant 0 : i32
    %dma_start3A_298 = tpu.memref_slice %arg3[%add3A_293, %dma_start3A_297] : memref<128x32768xf32, #tpu.memory_space<hbm>> -> memref<1x32768xf32, #tpu.memory_space<hbm>>
    %dma_start3A_299 = tpu.memref_squeeze %dma_start3A_298 : memref<1x32768xf32, #tpu.memory_space<hbm>> -> memref<32768xf32, #tpu.memory_space<hbm>>
    tpu.enqueue_dma source(%arg4 : memref<32768xf32, #tpu.memory_space<vmem>>) target(%dma_start3A_299 : memref<32768xf32, #tpu.memory_space<hbm>>) target_semaphore(%arg10 : memref<!tpu.dma_semaphore, #tpu.memory_space<semaphore_mem>>)
    %add3A_300 = arith.constant 3 : i32
    %add3A_301 = arith.addi %mul3A_5, %add3A_300 : i32
    %dma_wait3A_302 = arith.constant 0 : i32
    %dma_wait3A_303 = tpu.memref_slice %arg2[%add3A_301, %dma_wait3A_302] : memref<128x32768xf32, #tpu.memory_space<hbm>> -> memref<1x32768xf32, #tpu.memory_space<hbm>>
    %dma_wait3A_304 = tpu.memref_squeeze %dma_wait3A_303 : memref<1x32768xf32, #tpu.memory_space<hbm>> -> memref<32768xf32, #tpu.memory_space<hbm>>
    %dma_wait3A_305 = arith.constant 0 : i32
    %dma_wait3A_306 = tpu.memref_slice %arg2[%add3A_301, %dma_wait3A_305] : memref<128x32768xf32, #tpu.memory_space<hbm>> -> memref<1x32768xf32, #tpu.memory_space<hbm>>
    %dma_wait3A_307 = tpu.memref_squeeze %dma_wait3A_306 : memref<1x32768xf32, #tpu.memory_space<hbm>> -> memref<32768xf32, #tpu.memory_space<hbm>>
    tpu.wait_dma2 semaphore(%arg9 : memref<!tpu.dma_semaphore, #tpu.memory_space<semaphore_mem>>) src(%dma_wait3A_307 : memref<32768xf32, #tpu.memory_space<hbm>>) dst(%arg5 : memref<32768xf32, #tpu.memory_space<vmem>>)
    %parallel_loop3A_308 = arith.constant 0 : i32
    %parallel_loop3A_309 = arith.constant 32768 : i32
    %parallel_loop3A_310 = arith.constant 16 : i32
    %parallel_loop3A_311 = scf.for %parallel_loop3A_405 = %parallel_loop3A_308 to %parallel_loop3A_309 step %parallel_loop3A_310 iter_args(%parallel_loop3A_406 = %iota3A) -> (vector<16xi32>)  : i32 {
      %parallel_loop3A_407 = arith.index_cast %parallel_loop3A_405 : i32 to index
      %parallel_loop3A_408 = tpu.vector_load %arg5[%parallel_loop3A_407] {strides = array<i32>} : memref<32768xf32, #tpu.memory_space<vmem>>, vector<16xf32>,
      %parallel_loop3A_409 = vector.bitcast %parallel_loop3A_408 : vector<16xf32> to vector<16xi32>
      %parallel_loop3A_410 = arith.constant 2147483647 : i32
      %parallel_loop3A_411 = vector.broadcast %parallel_loop3A_410 : i32 to vector<16xi32>
      %parallel_loop3A_412 = arith.andi %parallel_loop3A_409, %parallel_loop3A_411 : vector<16xi32>
      %parallel_loop3A_413 = arith.constant 1077411840 : i32
      %parallel_loop3A_414 = vector.broadcast %parallel_loop3A_413 : i32 to vector<16xi32>
      %parallel_loop3A_415 = arith.cmpi sge, %parallel_loop3A_412, %parallel_loop3A_414 : vector<16xi32>
      %parallel_loop3A_416 = arith.constant 4095 : i32
      %parallel_loop3A_417 = vector.broadcast %parallel_loop3A_416 : i32 to vector<16xi32>
      %parallel_loop3A_418 = arith.andi %parallel_loop3A_406, %parallel_loop3A_417 : vector<16xi32>
      tpu.vector_store_idx %arg7[%parallel_loop3A_418], %parallel_loop3A_412 masked %parallel_loop3A_415 : memref<4096xi32, #tpu.memory_space<vmem>>[vector<16xi32>], vector<16xi32>, vector<16xi1>
      %parallel_loop3A_419 = arith.constant 16 : i32
      %parallel_loop3A_420 = arith.constant 0 : i32
      %parallel_loop3A_421 = vector.broadcast %parallel_loop3A_419 : i32 to vector<16xi32>
      %parallel_loop3A_422 = vector.broadcast %parallel_loop3A_420 : i32 to vector<16xi32>
      %parallel_loop3A_423 = arith.select %parallel_loop3A_415, %parallel_loop3A_421, %parallel_loop3A_422 : vector<16xi1>, vector<16xi32>
      %parallel_loop3A_424 = arith.addi %parallel_loop3A_406, %parallel_loop3A_423 : vector<16xi32>
      scf.yield %parallel_loop3A_424 : vector<16xi32>
    } {sc.loop_unroll_factor = 8 : i64, sc.parallel_access}
    %sub3A_312 = arith.subi %parallel_loop3A_311, %iota3A : vector<16xi32>
    %shift_right_arithmetic3A_313 = arith.constant 4 : i32
    %shift_right_arithmetic3A_314 = vector.broadcast %shift_right_arithmetic3A_313 : i32 to vector<16xi32>
    %shift_right_arithmetic3A_315 = arith.shrsi %sub3A_312, %shift_right_arithmetic3A_314 : vector<16xi32>
    %reduce_max3A_316 = arith.constant true
    %reduce_max3A_317 = vector.broadcast %reduce_max3A_316 : i1 to vector<16xi1>
    %reduce_max3A_318 = arith.constant -2147483648 : i32
    %reduce_max3A_319 = vector.broadcast %reduce_max3A_318 : i32 to vector<16xi32>
    %reduce_max3A_320 = arith.xori %shift_right_arithmetic3A_315, %reduce_max3A_319 : vector<16xi32>
    %reduce_max3A_321 = tpu.scan <max>, %reduce_max3A_320 masked %reduce_max3A_317 : vector<16xi32>, vector<16xi1> -> vector<16xi32>
    %reduce_max3A_322 = arith.xori %reduce_max3A_321, %reduce_max3A_319 : vector<16xi32>
    %reduce_max3A_323 = vector.extract %reduce_max3A_322[15] : i32 from vector<16xi32>
    %reduce_min3A_324 = arith.constant true
    %reduce_min3A_325 = vector.broadcast %reduce_min3A_324 : i1 to vector<16xi1>
    %reduce_min3A_326 = arith.constant -2147483648 : i32
    %reduce_min3A_327 = vector.broadcast %reduce_min3A_326 : i32 to vector<16xi32>
    %reduce_min3A_328 = arith.xori %shift_right_arithmetic3A_315, %reduce_min3A_327 : vector<16xi32>
    %reduce_min3A_329 = tpu.scan <min>, %reduce_min3A_328 masked %reduce_min3A_325 : vector<16xi32>, vector<16xi1> -> vector<16xi32>
    %reduce_min3A_330 = arith.xori %reduce_min3A_329, %reduce_min3A_327 : vector<16xi32>
    %reduce_min3A_331 = vector.extract %reduce_min3A_330[15] : i32 from vector<16xi32>
    %reduce_sum3A_332 = arith.constant true
    %reduce_sum3A_333 = vector.broadcast %reduce_sum3A_332 : i1 to vector<16xi1>
    %reduce_sum3A_334 = tpu.scan <sum>, %shift_right_arithmetic3A_315 masked %reduce_sum3A_333 : vector<16xi32>, vector<16xi1> -> vector<16xi32>
    %reduce_sum3A_335 = vector.extract %reduce_sum3A_334[15] : i32 from vector<16xi32>
    %ge3A_336 = arith.constant 64 : i32
    %ge3A_337 = arith.cmpi sge, %reduce_sum3A_335, %ge3A_336 : i32
    %le3A_338 = arith.constant 256 : i32
    %le3A_339 = arith.cmpi sle, %reduce_max3A_323, %le3A_338 : i32
    %and3A_340 = arith.andi %ge3A_337, %le3A_339 : i1
    %min3A_341 = arith.constant 256 : i32
    %min3A_342 = arith.minsi %reduce_max3A_323, %min3A_341 : i32
    %add3A_343 = arith.constant 3 : i32
    %add3A_344 = arith.addi %min3A_342, %add3A_343 : i32
    %shift_right_arithmetic3A_345 = arith.constant 2 : i32
    %shift_right_arithmetic3A_346 = arith.shrsi %add3A_344, %shift_right_arithmetic3A_345 : i32
    %shift_left3A_347 = arith.constant 2 : i32
    %shift_left3A_348 = arith.shli %shift_right_arithmetic3A_346, %shift_left3A_347 : i32
    %sub3A_349 = arith.subi %shift_left3A_348, %reduce_min3A_331 : i32
    %while3A_350 = arith.constant 0 : i32
    %while3A_351 = arith.subi %sub3A_349, %while3A_350 : i32
    %while3A_352 = arith.addi %while3A_350, %while3A_351 : i32
    %while3A_353 = arith.constant 1 : i32
    %while3A_354 = arith.divsi %while3A_351, %while3A_353 : i32
    %while3A_355 = arith.muli %while3A_354, %while3A_353 : i32
    %while3A_356 = arith.addi %while3A_350, %while3A_355 : i32
    %while3A_357 = arith.constant 1 : i32
    %while3A_358 = scf.for %while3A_405 = %while3A_350 to %while3A_356 step %while3A_357 iter_args(%while3A_406 = %parallel_loop3A_311) -> (vector<16xi32>)  : i32 {
      %mul3A_407 = arith.constant 64 : i32
      %mul3A_408 = arith.muli %shift_right_arithmetic3A_346, %mul3A_407 : i32
      %lt3A = vector.broadcast %mul3A_408 : i32 to vector<16xi32>
      %lt3A_409 = arith.cmpi slt, %while3A_406, %lt3A : vector<16xi32>
      %and3A_410 = arith.constant 4095 : i32
      %and3A_411 = vector.broadcast %and3A_410 : i32 to vector<16xi32>
      %and3A_412 = arith.andi %while3A_406, %and3A_411 : vector<16xi32>
      tpu.vector_store_idx %arg7[%and3A_412], %broadcast_in_dim3A_3 masked %lt3A_409 : memref<4096xi32, #tpu.memory_space<vmem>>[vector<16xi32>], vector<16xi32>, vector<16xi1>
      %jit3A = arith.constant 16 : i32
      %jit3A_413 = arith.constant 0 : i32
      %broadcast_in_dim3A_414 = vector.broadcast %jit3A : i32 to vector<16xi32>
      %broadcast_in_dim3A_415 = vector.broadcast %jit3A_413 : i32 to vector<16xi32>
      %select_n3A = arith.select %lt3A_409, %broadcast_in_dim3A_414, %broadcast_in_dim3A_415 : vector<16xi1>, vector<16xi32>
      %add3A_416 = arith.addi %while3A_406, %select_n3A : vector<16xi32>
      scf.yield %add3A_416 : vector<16xi32>
    }
    %while3A_359 = arith.constant 1 : i32
    %while3A_360 = scf.for %while3A_405 = %while3A_356 to %while3A_352 step %while3A_359 iter_args(%while3A_406 = %while3A_358) -> (vector<16xi32>)  : i32 {
      %mul3A_407 = arith.constant 64 : i32
      %mul3A_408 = arith.muli %shift_right_arithmetic3A_346, %mul3A_407 : i32
      %lt3A = vector.broadcast %mul3A_408 : i32 to vector<16xi32>
      %lt3A_409 = arith.cmpi slt, %while3A_406, %lt3A : vector<16xi32>
      %and3A_410 = arith.constant 4095 : i32
      %and3A_411 = vector.broadcast %and3A_410 : i32 to vector<16xi32>
      %and3A_412 = arith.andi %while3A_406, %and3A_411 : vector<16xi32>
      tpu.vector_store_idx %arg7[%and3A_412], %broadcast_in_dim3A_3 masked %lt3A_409 : memref<4096xi32, #tpu.memory_space<vmem>>[vector<16xi32>], vector<16xi32>, vector<16xi1>
      %jit3A = arith.constant 16 : i32
      %jit3A_413 = arith.constant 0 : i32
      %broadcast_in_dim3A_414 = vector.broadcast %jit3A : i32 to vector<16xi32>
      %broadcast_in_dim3A_415 = vector.broadcast %jit3A_413 : i32 to vector<16xi32>
      %select_n3A = arith.select %lt3A_409, %broadcast_in_dim3A_414, %broadcast_in_dim3A_415 : vector<16xi1>, vector<16xi32>
      %add3A_416 = arith.addi %while3A_406, %select_n3A : vector<16xi32>
      scf.yield %add3A_416 : vector<16xi32>
    }
    %convert_element_type3A_361 = arith.extui %and3A_340 : i1 to i32
    %cond3A_362 = arith.constant 0 : i32
    %cond3A_363 = arith.constant 0 : i32
    %cond3A_364 = arith.cmpi ne, %convert_element_type3A_361, %cond3A_363 : i32
    %cond3A_365:3 = scf.if %cond3A_364 -> (i32, i32, i32) {
      %while3A_405 = arith.constant 0 : i32
      %while3A_406 = arith.subi %shift_right_arithmetic3A_346, %while3A_405 : i32
      %while3A_407 = arith.addi %while3A_405, %while3A_406 : i32
      %while3A_408 = arith.constant 1 : i32
      %while3A_409 = arith.divsi %while3A_406, %while3A_408 : i32
      %while3A_410 = arith.muli %while3A_409, %while3A_408 : i32
      %while3A_411 = arith.addi %while3A_405, %while3A_410 : i32
      %while3A_412 = arith.constant 1 : i32
      %while3A_413 = scf.for %while3A_445 = %while3A_405 to %while3A_411 step %while3A_412 iter_args(%while3A_446 = %broadcast_in_dim3A_3) -> (vector<16xi32>)  : i32 {
        %shift_left3A_447 = arith.constant 6 : i32
        %shift_left3A_448 = arith.shli %while3A_445, %shift_left3A_447 : i32
        %get3A = arith.index_cast %shift_left3A_448 : i32 to index
        %get3A_449 = tpu.vector_load %arg7[%get3A] {strides = array<i32>} : memref<4096xi32, #tpu.memory_space<vmem>>, vector<16xi32>,
        %max3A = arith.maxsi %while3A_446, %get3A_449 : vector<16xi32>
        %add3A_450 = arith.constant 16 : i32
        %add3A_451 = arith.addi %shift_left3A_448, %add3A_450 : i32
        %get3A_452 = arith.index_cast %add3A_451 : i32 to index
        %get3A_453 = tpu.vector_load %arg7[%get3A_452] {strides = array<i32>} : memref<4096xi32, #tpu.memory_space<vmem>>, vector<16xi32>,
        %max3A_454 = arith.maxsi %max3A, %get3A_453 : vector<16xi32>
        %add3A_455 = arith.constant 32 : i32
        %add3A_456 = arith.addi %shift_left3A_448, %add3A_455 : i32
        %get3A_457 = arith.index_cast %add3A_456 : i32 to index
        %get3A_458 = tpu.vector_load %arg7[%get3A_457] {strides = array<i32>} : memref<4096xi32, #tpu.memory_space<vmem>>, vector<16xi32>,
        %max3A_459 = arith.maxsi %max3A_454, %get3A_458 : vector<16xi32>
        %add3A_460 = arith.constant 48 : i32
        %add3A_461 = arith.addi %shift_left3A_448, %add3A_460 : i32
        %get3A_462 = arith.index_cast %add3A_461 : i32 to index
        %get3A_463 = tpu.vector_load %arg7[%get3A_462] {strides = array<i32>} : memref<4096xi32, #tpu.memory_space<vmem>>, vector<16xi32>,
        %max3A_464 = arith.maxsi %max3A_459, %get3A_463 : vector<16xi32>
        scf.yield %max3A_464 : vector<16xi32>
      }
      %while3A_414 = arith.constant 1 : i32
      %while3A_415 = scf.for %while3A_445 = %while3A_411 to %while3A_407 step %while3A_414 iter_args(%while3A_446 = %while3A_413) -> (vector<16xi32>)  : i32 {
        %shift_left3A_447 = arith.constant 6 : i32
        %shift_left3A_448 = arith.shli %while3A_445, %shift_left3A_447 : i32
        %get3A = arith.index_cast %shift_left3A_448 : i32 to index
        %get3A_449 = tpu.vector_load %arg7[%get3A] {strides = array<i32>} : memref<4096xi32, #tpu.memory_space<vmem>>, vector<16xi32>,
        %max3A = arith.maxsi %while3A_446, %get3A_449 : vector<16xi32>
        %add3A_450 = arith.constant 16 : i32
        %add3A_451 = arith.addi %shift_left3A_448, %add3A_450 : i32
        %get3A_452 = arith.index_cast %add3A_451 : i32 to index
        %get3A_453 = tpu.vector_load %arg7[%get3A_452] {strides = array<i32>} : memref<4096xi32, #tpu.memory_space<vmem>>, vector<16xi32>,
        %max3A_454 = arith.maxsi %max3A, %get3A_453 : vector<16xi32>
        %add3A_455 = arith.constant 32 : i32
        %add3A_456 = arith.addi %shift_left3A_448, %add3A_455 : i32
        %get3A_457 = arith.index_cast %add3A_456 : i32 to index
        %get3A_458 = tpu.vector_load %arg7[%get3A_457] {strides = array<i32>} : memref<4096xi32, #tpu.memory_space<vmem>>, vector<16xi32>,
        %max3A_459 = arith.maxsi %max3A_454, %get3A_458 : vector<16xi32>
        %add3A_460 = arith.constant 48 : i32
        %add3A_461 = arith.addi %shift_left3A_448, %add3A_460 : i32
        %get3A_462 = arith.index_cast %add3A_461 : i32 to index
        %get3A_463 = tpu.vector_load %arg7[%get3A_462] {strides = array<i32>} : memref<4096xi32, #tpu.memory_space<vmem>>, vector<16xi32>,
        %max3A_464 = arith.maxsi %max3A_459, %get3A_463 : vector<16xi32>
        scf.yield %max3A_464 : vector<16xi32>
      }
      %reduce_max3A_416 = arith.constant true
      %reduce_max3A_417 = vector.broadcast %reduce_max3A_416 : i1 to vector<16xi1>
      %reduce_max3A_418 = arith.constant -2147483648 : i32
      %reduce_max3A_419 = vector.broadcast %reduce_max3A_418 : i32 to vector<16xi32>
      %reduce_max3A_420 = arith.xori %while3A_415, %reduce_max3A_419 : vector<16xi32>
      %reduce_max3A_421 = tpu.scan <max>, %reduce_max3A_420 masked %reduce_max3A_417 : vector<16xi32>, vector<16xi1> -> vector<16xi32>
      %reduce_max3A_422 = arith.xori %reduce_max3A_421, %reduce_max3A_419 : vector<16xi32>
      %reduce_max3A_423 = vector.extract %reduce_max3A_422[15] : i32 from vector<16xi32>
      %while3A_424 = arith.constant 1077411840 : i32
      %while3A_425:2 = scf.while (%while3A_445 = %while3A_424, %while3A_446 = %reduce_max3A_423) : (i32, i32) -> (i32, i32) {
        %lt3A = arith.cmpi slt, %while3A_445, %while3A_446 : i32
        scf.condition(%lt3A) %while3A_445, %while3A_446 : i32, i32
      } do {
      ^bb0(%while3A_445: i32, %while3A_446: i32):
        %sub3A_447 = arith.subi %while3A_446, %while3A_445 : i32
        %add3A_448 = arith.constant 1 : i32
        %add3A_449 = arith.addi %sub3A_447, %add3A_448 : i32
        %shift_right_arithmetic3A_450 = arith.constant 1 : i32
        %shift_right_arithmetic3A_451 = arith.shrsi %add3A_449, %shift_right_arithmetic3A_450 : i32
        %add3A_452 = arith.addi %while3A_445, %shift_right_arithmetic3A_451 : i32
        %while3A_453 = arith.constant 0 : i32
        %while3A_454 = arith.subi %shift_right_arithmetic3A_346, %while3A_453 : i32
        %while3A_455 = arith.addi %while3A_453, %while3A_454 : i32
        %while3A_456 = arith.constant 1 : i32
        %while3A_457 = arith.divsi %while3A_454, %while3A_456 : i32
        %while3A_458 = arith.muli %while3A_457, %while3A_456 : i32
        %while3A_459 = arith.addi %while3A_453, %while3A_458 : i32
        %while3A_460 = arith.constant 1 : i32
        %while3A_461 = scf.for %while3A_473 = %while3A_453 to %while3A_459 step %while3A_460 iter_args(%while3A_474 = %broadcast_in_dim3A_3) -> (vector<16xi32>)  : i32 {
          %shift_left3A_475 = arith.constant 6 : i32
          %shift_left3A_476 = arith.shli %while3A_473, %shift_left3A_475 : i32
          %get3A = arith.index_cast %shift_left3A_476 : i32 to index
          %get3A_477 = tpu.vector_load %arg7[%get3A] {strides = array<i32>} : memref<4096xi32, #tpu.memory_space<vmem>>, vector<16xi32>,
          %ge3A_478 = vector.broadcast %add3A_452 : i32 to vector<16xi32>
          %ge3A_479 = arith.cmpi sge, %get3A_477, %ge3A_478 : vector<16xi32>
          %jit3A = arith.constant 1 : i32
          %jit3A_480 = arith.constant 0 : i32
          %broadcast_in_dim3A_481 = vector.broadcast %jit3A : i32 to vector<16xi32>
          %broadcast_in_dim3A_482 = vector.broadcast %jit3A_480 : i32 to vector<16xi32>
          %select_n3A_483 = arith.select %ge3A_479, %broadcast_in_dim3A_481, %broadcast_in_dim3A_482 : vector<16xi1>, vector<16xi32>
          %add3A_484 = arith.addi %while3A_474, %select_n3A_483 : vector<16xi32>
          %add3A_485 = arith.constant 16 : i32
          %add3A_486 = arith.addi %shift_left3A_476, %add3A_485 : i32
          %get3A_487 = arith.index_cast %add3A_486 : i32 to index
          %get3A_488 = tpu.vector_load %arg7[%get3A_487] {strides = array<i32>} : memref<4096xi32, #tpu.memory_space<vmem>>, vector<16xi32>,
          %ge3A_489 = vector.broadcast %add3A_452 : i32 to vector<16xi32>
          %ge3A_490 = arith.cmpi sge, %get3A_488, %ge3A_489 : vector<16xi32>
          %jit3A_491 = arith.constant 1 : i32
          %jit3A_492 = arith.constant 0 : i32
          %broadcast_in_dim3A_493 = vector.broadcast %jit3A_491 : i32 to vector<16xi32>
          %broadcast_in_dim3A_494 = vector.broadcast %jit3A_492 : i32 to vector<16xi32>
          %select_n3A_495 = arith.select %ge3A_490, %broadcast_in_dim3A_493, %broadcast_in_dim3A_494 : vector<16xi1>, vector<16xi32>
          %add3A_496 = arith.addi %add3A_484, %select_n3A_495 : vector<16xi32>
          %add3A_497 = arith.constant 32 : i32
          %add3A_498 = arith.addi %shift_left3A_476, %add3A_497 : i32
          %get3A_499 = arith.index_cast %add3A_498 : i32 to index
          %get3A_500 = tpu.vector_load %arg7[%get3A_499] {strides = array<i32>} : memref<4096xi32, #tpu.memory_space<vmem>>, vector<16xi32>,
          %ge3A_501 = vector.broadcast %add3A_452 : i32 to vector<16xi32>
          %ge3A_502 = arith.cmpi sge, %get3A_500, %ge3A_501 : vector<16xi32>
          %jit3A_503 = arith.constant 1 : i32
          %jit3A_504 = arith.constant 0 : i32
          %broadcast_in_dim3A_505 = vector.broadcast %jit3A_503 : i32 to vector<16xi32>
          %broadcast_in_dim3A_506 = vector.broadcast %jit3A_504 : i32 to vector<16xi32>
          %select_n3A_507 = arith.select %ge3A_502, %broadcast_in_dim3A_505, %broadcast_in_dim3A_506 : vector<16xi1>, vector<16xi32>
          %add3A_508 = arith.addi %add3A_496, %select_n3A_507 : vector<16xi32>
          %add3A_509 = arith.constant 48 : i32
          %add3A_510 = arith.addi %shift_left3A_476, %add3A_509 : i32
          %get3A_511 = arith.index_cast %add3A_510 : i32 to index
          %get3A_512 = tpu.vector_load %arg7[%get3A_511] {strides = array<i32>} : memref<4096xi32, #tpu.memory_space<vmem>>, vector<16xi32>,
          %ge3A_513 = vector.broadcast %add3A_452 : i32 to vector<16xi32>
          %ge3A_514 = arith.cmpi sge, %get3A_512, %ge3A_513 : vector<16xi32>
          %jit3A_515 = arith.constant 1 : i32
          %jit3A_516 = arith.constant 0 : i32
          %broadcast_in_dim3A_517 = vector.broadcast %jit3A_515 : i32 to vector<16xi32>
          %broadcast_in_dim3A_518 = vector.broadcast %jit3A_516 : i32 to vector<16xi32>
          %select_n3A_519 = arith.select %ge3A_514, %broadcast_in_dim3A_517, %broadcast_in_dim3A_518 : vector<16xi1>, vector<16xi32>
          %add3A_520 = arith.addi %add3A_508, %select_n3A_519 : vector<16xi32>
          scf.yield %add3A_520 : vector<16xi32>
        }
        %while3A_462 = arith.constant 1 : i32
        %while3A_463 = scf.for %while3A_473 = %while3A_459 to %while3A_455 step %while3A_462 iter_args(%while3A_474 = %while3A_461) -> (vector<16xi32>)  : i32 {
          %shift_left3A_475 = arith.constant 6 : i32
          %shift_left3A_476 = arith.shli %while3A_473, %shift_left3A_475 : i32
          %get3A = arith.index_cast %shift_left3A_476 : i32 to index
          %get3A_477 = tpu.vector_load %arg7[%get3A] {strides = array<i32>} : memref<4096xi32, #tpu.memory_space<vmem>>, vector<16xi32>,
          %ge3A_478 = vector.broadcast %add3A_452 : i32 to vector<16xi32>
          %ge3A_479 = arith.cmpi sge, %get3A_477, %ge3A_478 : vector<16xi32>
          %jit3A = arith.constant 1 : i32
          %jit3A_480 = arith.constant 0 : i32
          %broadcast_in_dim3A_481 = vector.broadcast %jit3A : i32 to vector<16xi32>
          %broadcast_in_dim3A_482 = vector.broadcast %jit3A_480 : i32 to vector<16xi32>
          %select_n3A_483 = arith.select %ge3A_479, %broadcast_in_dim3A_481, %broadcast_in_dim3A_482 : vector<16xi1>, vector<16xi32>
          %add3A_484 = arith.addi %while3A_474, %select_n3A_483 : vector<16xi32>
          %add3A_485 = arith.constant 16 : i32
          %add3A_486 = arith.addi %shift_left3A_476, %add3A_485 : i32
          %get3A_487 = arith.index_cast %add3A_486 : i32 to index
          %get3A_488 = tpu.vector_load %arg7[%get3A_487] {strides = array<i32>} : memref<4096xi32, #tpu.memory_space<vmem>>, vector<16xi32>,
          %ge3A_489 = vector.broadcast %add3A_452 : i32 to vector<16xi32>
          %ge3A_490 = arith.cmpi sge, %get3A_488, %ge3A_489 : vector<16xi32>
          %jit3A_491 = arith.constant 1 : i32
          %jit3A_492 = arith.constant 0 : i32
          %broadcast_in_dim3A_493 = vector.broadcast %jit3A_491 : i32 to vector<16xi32>
          %broadcast_in_dim3A_494 = vector.broadcast %jit3A_492 : i32 to vector<16xi32>
          %select_n3A_495 = arith.select %ge3A_490, %broadcast_in_dim3A_493, %broadcast_in_dim3A_494 : vector<16xi1>, vector<16xi32>
          %add3A_496 = arith.addi %add3A_484, %select_n3A_495 : vector<16xi32>
          %add3A_497 = arith.constant 32 : i32
          %add3A_498 = arith.addi %shift_left3A_476, %add3A_497 : i32
          %get3A_499 = arith.index_cast %add3A_498 : i32 to index
          %get3A_500 = tpu.vector_load %arg7[%get3A_499] {strides = array<i32>} : memref<4096xi32, #tpu.memory_space<vmem>>, vector<16xi32>,
          %ge3A_501 = vector.broadcast %add3A_452 : i32 to vector<16xi32>
          %ge3A_502 = arith.cmpi sge, %get3A_500, %ge3A_501 : vector<16xi32>
          %jit3A_503 = arith.constant 1 : i32
          %jit3A_504 = arith.constant 0 : i32
          %broadcast_in_dim3A_505 = vector.broadcast %jit3A_503 : i32 to vector<16xi32>
          %broadcast_in_dim3A_506 = vector.broadcast %jit3A_504 : i32 to vector<16xi32>
          %select_n3A_507 = arith.select %ge3A_502, %broadcast_in_dim3A_505, %broadcast_in_dim3A_506 : vector<16xi1>, vector<16xi32>
          %add3A_508 = arith.addi %add3A_496, %select_n3A_507 : vector<16xi32>
          %add3A_509 = arith.constant 48 : i32
          %add3A_510 = arith.addi %shift_left3A_476, %add3A_509 : i32
          %get3A_511 = arith.index_cast %add3A_510 : i32 to index
          %get3A_512 = tpu.vector_load %arg7[%get3A_511] {strides = array<i32>} : memref<4096xi32, #tpu.memory_space<vmem>>, vector<16xi32>,
          %ge3A_513 = vector.broadcast %add3A_452 : i32 to vector<16xi32>
          %ge3A_514 = arith.cmpi sge, %get3A_512, %ge3A_513 : vector<16xi32>
          %jit3A_515 = arith.constant 1 : i32
          %jit3A_516 = arith.constant 0 : i32
          %broadcast_in_dim3A_517 = vector.broadcast %jit3A_515 : i32 to vector<16xi32>
          %broadcast_in_dim3A_518 = vector.broadcast %jit3A_516 : i32 to vector<16xi32>
          %select_n3A_519 = arith.select %ge3A_514, %broadcast_in_dim3A_517, %broadcast_in_dim3A_518 : vector<16xi1>, vector<16xi32>
          %add3A_520 = arith.addi %add3A_508, %select_n3A_519 : vector<16xi32>
          scf.yield %add3A_520 : vector<16xi32>
        }
        %reduce_sum3A_464 = arith.constant true
        %reduce_sum3A_465 = vector.broadcast %reduce_sum3A_464 : i1 to vector<16xi1>
        %reduce_sum3A_466 = tpu.scan <sum>, %while3A_463 masked %reduce_sum3A_465 : vector<16xi32>, vector<16xi1> -> vector<16xi32>
        %reduce_sum3A_467 = vector.extract %reduce_sum3A_466[15] : i32 from vector<16xi32>
        %ge3A_468 = arith.constant 64 : i32
        %ge3A_469 = arith.cmpi sge, %reduce_sum3A_467, %ge3A_468 : i32
        %select_n3A = arith.select %ge3A_469, %add3A_452, %while3A_445 : i32
        %sub3A_470 = arith.constant 1 : i32
        %sub3A_471 = arith.subi %add3A_452, %sub3A_470 : i32
        %select_n3A_472 = arith.select %ge3A_469, %while3A_446, %sub3A_471 : i32
        scf.yield %select_n3A, %select_n3A_472 : i32, i32
      }
      %while3A_426 = arith.constant 0 : i32
      %while3A_427 = arith.subi %shift_right_arithmetic3A_346, %while3A_426 : i32
      %while3A_428 = arith.addi %while3A_426, %while3A_427 : i32
      %while3A_429 = arith.constant 1 : i32
      %while3A_430 = arith.divsi %while3A_427, %while3A_429 : i32
      %while3A_431 = arith.muli %while3A_430, %while3A_429 : i32
      %while3A_432 = arith.addi %while3A_426, %while3A_431 : i32
      %while3A_433 = arith.constant 1 : i32
      %while3A_434:2 = scf.for %while3A_445 = %while3A_426 to %while3A_432 step %while3A_433 iter_args(%while3A_446 = %broadcast_in_dim3A_3, %while3A_447 = %broadcast_in_dim3A_3) -> (vector<16xi32>, vector<16xi32>)  : i32 {
        %shift_left3A_448 = arith.constant 6 : i32
        %shift_left3A_449 = arith.shli %while3A_445, %shift_left3A_448 : i32
        %add3A_450 = arith.constant 0 : i32
        %add3A_451 = arith.addi %shift_left3A_449, %add3A_450 : i32
        %get3A = arith.index_cast %add3A_451 : i32 to index
        %get3A_452 = tpu.vector_load %arg7[%get3A] {strides = array<i32>} : memref<4096xi32, #tpu.memory_space<vmem>>, vector<16xi32>,
        %ge3A_453 = vector.broadcast %while3A_425#0 : i32 to vector<16xi32>
        %ge3A_454 = arith.cmpi sge, %get3A_452, %ge3A_453 : vector<16xi32>
        %jit3A = arith.constant 1 : i32
        %jit3A_455 = arith.constant 0 : i32
        %broadcast_in_dim3A_456 = vector.broadcast %jit3A : i32 to vector<16xi32>
        %broadcast_in_dim3A_457 = vector.broadcast %jit3A_455 : i32 to vector<16xi32>
        %select_n3A = arith.select %ge3A_454, %broadcast_in_dim3A_456, %broadcast_in_dim3A_457 : vector<16xi1>, vector<16xi32>
        %add3A_458 = arith.addi %while3A_446, %select_n3A : vector<16xi32>
        %eq3A = vector.broadcast %while3A_425#0 : i32 to vector<16xi32>
        %eq3A_459 = arith.cmpi eq, %get3A_452, %eq3A : vector<16xi32>
        %jit3A_460 = arith.constant 1 : i32
        %jit3A_461 = arith.constant 0 : i32
        %broadcast_in_dim3A_462 = vector.broadcast %jit3A_460 : i32 to vector<16xi32>
        %broadcast_in_dim3A_463 = vector.broadcast %jit3A_461 : i32 to vector<16xi32>
        %select_n3A_464 = arith.select %eq3A_459, %broadcast_in_dim3A_462, %broadcast_in_dim3A_463 : vector<16xi1>, vector<16xi32>
        %add3A_465 = arith.addi %while3A_447, %select_n3A_464 : vector<16xi32>
        %add3A_466 = arith.constant 16 : i32
        %add3A_467 = arith.addi %shift_left3A_449, %add3A_466 : i32
        %get3A_468 = arith.index_cast %add3A_467 : i32 to index
        %get3A_469 = tpu.vector_load %arg7[%get3A_468] {strides = array<i32>} : memref<4096xi32, #tpu.memory_space<vmem>>, vector<16xi32>,
        %ge3A_470 = vector.broadcast %while3A_425#0 : i32 to vector<16xi32>
        %ge3A_471 = arith.cmpi sge, %get3A_469, %ge3A_470 : vector<16xi32>
        %jit3A_472 = arith.constant 1 : i32
        %jit3A_473 = arith.constant 0 : i32
        %broadcast_in_dim3A_474 = vector.broadcast %jit3A_472 : i32 to vector<16xi32>
        %broadcast_in_dim3A_475 = vector.broadcast %jit3A_473 : i32 to vector<16xi32>
        %select_n3A_476 = arith.select %ge3A_471, %broadcast_in_dim3A_474, %broadcast_in_dim3A_475 : vector<16xi1>, vector<16xi32>
        %add3A_477 = arith.addi %add3A_458, %select_n3A_476 : vector<16xi32>
        %eq3A_478 = vector.broadcast %while3A_425#0 : i32 to vector<16xi32>
        %eq3A_479 = arith.cmpi eq, %get3A_469, %eq3A_478 : vector<16xi32>
        %jit3A_480 = arith.constant 1 : i32
        %jit3A_481 = arith.constant 0 : i32
        %broadcast_in_dim3A_482 = vector.broadcast %jit3A_480 : i32 to vector<16xi32>
        %broadcast_in_dim3A_483 = vector.broadcast %jit3A_481 : i32 to vector<16xi32>
        %select_n3A_484 = arith.select %eq3A_479, %broadcast_in_dim3A_482, %broadcast_in_dim3A_483 : vector<16xi1>, vector<16xi32>
        %add3A_485 = arith.addi %add3A_465, %select_n3A_484 : vector<16xi32>
        %add3A_486 = arith.constant 32 : i32
        %add3A_487 = arith.addi %shift_left3A_449, %add3A_486 : i32
        %get3A_488 = arith.index_cast %add3A_487 : i32 to index
        %get3A_489 = tpu.vector_load %arg7[%get3A_488] {strides = array<i32>} : memref<4096xi32, #tpu.memory_space<vmem>>, vector<16xi32>,
        %ge3A_490 = vector.broadcast %while3A_425#0 : i32 to vector<16xi32>
        %ge3A_491 = arith.cmpi sge, %get3A_489, %ge3A_490 : vector<16xi32>
        %jit3A_492 = arith.constant 1 : i32
        %jit3A_493 = arith.constant 0 : i32
        %broadcast_in_dim3A_494 = vector.broadcast %jit3A_492 : i32 to vector<16xi32>
        %broadcast_in_dim3A_495 = vector.broadcast %jit3A_493 : i32 to vector<16xi32>
        %select_n3A_496 = arith.select %ge3A_491, %broadcast_in_dim3A_494, %broadcast_in_dim3A_495 : vector<16xi1>, vector<16xi32>
        %add3A_497 = arith.addi %add3A_477, %select_n3A_496 : vector<16xi32>
        %eq3A_498 = vector.broadcast %while3A_425#0 : i32 to vector<16xi32>
        %eq3A_499 = arith.cmpi eq, %get3A_489, %eq3A_498 : vector<16xi32>
        %jit3A_500 = arith.constant 1 : i32
        %jit3A_501 = arith.constant 0 : i32
        %broadcast_in_dim3A_502 = vector.broadcast %jit3A_500 : i32 to vector<16xi32>
        %broadcast_in_dim3A_503 = vector.broadcast %jit3A_501 : i32 to vector<16xi32>
        %select_n3A_504 = arith.select %eq3A_499, %broadcast_in_dim3A_502, %broadcast_in_dim3A_503 : vector<16xi1>, vector<16xi32>
        %add3A_505 = arith.addi %add3A_485, %select_n3A_504 : vector<16xi32>
        %add3A_506 = arith.constant 48 : i32
        %add3A_507 = arith.addi %shift_left3A_449, %add3A_506 : i32
        %get3A_508 = arith.index_cast %add3A_507 : i32 to index
        %get3A_509 = tpu.vector_load %arg7[%get3A_508] {strides = array<i32>} : memref<4096xi32, #tpu.memory_space<vmem>>, vector<16xi32>,
        %ge3A_510 = vector.broadcast %while3A_425#0 : i32 to vector<16xi32>
        %ge3A_511 = arith.cmpi sge, %get3A_509, %ge3A_510 : vector<16xi32>
        %jit3A_512 = arith.constant 1 : i32
        %jit3A_513 = arith.constant 0 : i32
        %broadcast_in_dim3A_514 = vector.broadcast %jit3A_512 : i32 to vector<16xi32>
        %broadcast_in_dim3A_515 = vector.broadcast %jit3A_513 : i32 to vector<16xi32>
        %select_n3A_516 = arith.select %ge3A_511, %broadcast_in_dim3A_514, %broadcast_in_dim3A_515 : vector<16xi1>, vector<16xi32>
        %add3A_517 = arith.addi %add3A_497, %select_n3A_516 : vector<16xi32>
        %eq3A_518 = vector.broadcast %while3A_425#0 : i32 to vector<16xi32>
        %eq3A_519 = arith.cmpi eq, %get3A_509, %eq3A_518 : vector<16xi32>
        %jit3A_520 = arith.constant 1 : i32
        %jit3A_521 = arith.constant 0 : i32
        %broadcast_in_dim3A_522 = vector.broadcast %jit3A_520 : i32 to vector<16xi32>
        %broadcast_in_dim3A_523 = vector.broadcast %jit3A_521 : i32 to vector<16xi32>
        %select_n3A_524 = arith.select %eq3A_519, %broadcast_in_dim3A_522, %broadcast_in_dim3A_523 : vector<16xi1>, vector<16xi32>
        %add3A_525 = arith.addi %add3A_505, %select_n3A_524 : vector<16xi32>
        scf.yield %add3A_517, %add3A_525 : vector<16xi32>, vector<16xi32>
      }
      %while3A_435 = arith.constant 1 : i32
      %while3A_436:2 = scf.for %while3A_445 = %while3A_432 to %while3A_428 step %while3A_435 iter_args(%while3A_446 = %while3A_434#0, %while3A_447 = %while3A_434#1) -> (vector<16xi32>, vector<16xi32>)  : i32 {
        %shift_left3A_448 = arith.constant 6 : i32
        %shift_left3A_449 = arith.shli %while3A_445, %shift_left3A_448 : i32
        %add3A_450 = arith.constant 0 : i32
        %add3A_451 = arith.addi %shift_left3A_449, %add3A_450 : i32
        %get3A = arith.index_cast %add3A_451 : i32 to index
        %get3A_452 = tpu.vector_load %arg7[%get3A] {strides = array<i32>} : memref<4096xi32, #tpu.memory_space<vmem>>, vector<16xi32>,
        %ge3A_453 = vector.broadcast %while3A_425#0 : i32 to vector<16xi32>
        %ge3A_454 = arith.cmpi sge, %get3A_452, %ge3A_453 : vector<16xi32>
        %jit3A = arith.constant 1 : i32
        %jit3A_455 = arith.constant 0 : i32
        %broadcast_in_dim3A_456 = vector.broadcast %jit3A : i32 to vector<16xi32>
        %broadcast_in_dim3A_457 = vector.broadcast %jit3A_455 : i32 to vector<16xi32>
        %select_n3A = arith.select %ge3A_454, %broadcast_in_dim3A_456, %broadcast_in_dim3A_457 : vector<16xi1>, vector<16xi32>
        %add3A_458 = arith.addi %while3A_446, %select_n3A : vector<16xi32>
        %eq3A = vector.broadcast %while3A_425#0 : i32 to vector<16xi32>
        %eq3A_459 = arith.cmpi eq, %get3A_452, %eq3A : vector<16xi32>
        %jit3A_460 = arith.constant 1 : i32
        %jit3A_461 = arith.constant 0 : i32
        %broadcast_in_dim3A_462 = vector.broadcast %jit3A_460 : i32 to vector<16xi32>
        %broadcast_in_dim3A_463 = vector.broadcast %jit3A_461 : i32 to vector<16xi32>
        %select_n3A_464 = arith.select %eq3A_459, %broadcast_in_dim3A_462, %broadcast_in_dim3A_463 : vector<16xi1>, vector<16xi32>
        %add3A_465 = arith.addi %while3A_447, %select_n3A_464 : vector<16xi32>
        %add3A_466 = arith.constant 16 : i32
        %add3A_467 = arith.addi %shift_left3A_449, %add3A_466 : i32
        %get3A_468 = arith.index_cast %add3A_467 : i32 to index
        %get3A_469 = tpu.vector_load %arg7[%get3A_468] {strides = array<i32>} : memref<4096xi32, #tpu.memory_space<vmem>>, vector<16xi32>,
        %ge3A_470 = vector.broadcast %while3A_425#0 : i32 to vector<16xi32>
        %ge3A_471 = arith.cmpi sge, %get3A_469, %ge3A_470 : vector<16xi32>
        %jit3A_472 = arith.constant 1 : i32
        %jit3A_473 = arith.constant 0 : i32
        %broadcast_in_dim3A_474 = vector.broadcast %jit3A_472 : i32 to vector<16xi32>
        %broadcast_in_dim3A_475 = vector.broadcast %jit3A_473 : i32 to vector<16xi32>
        %select_n3A_476 = arith.select %ge3A_471, %broadcast_in_dim3A_474, %broadcast_in_dim3A_475 : vector<16xi1>, vector<16xi32>
        %add3A_477 = arith.addi %add3A_458, %select_n3A_476 : vector<16xi32>
        %eq3A_478 = vector.broadcast %while3A_425#0 : i32 to vector<16xi32>
        %eq3A_479 = arith.cmpi eq, %get3A_469, %eq3A_478 : vector<16xi32>
        %jit3A_480 = arith.constant 1 : i32
        %jit3A_481 = arith.constant 0 : i32
        %broadcast_in_dim3A_482 = vector.broadcast %jit3A_480 : i32 to vector<16xi32>
        %broadcast_in_dim3A_483 = vector.broadcast %jit3A_481 : i32 to vector<16xi32>
        %select_n3A_484 = arith.select %eq3A_479, %broadcast_in_dim3A_482, %broadcast_in_dim3A_483 : vector<16xi1>, vector<16xi32>
        %add3A_485 = arith.addi %add3A_465, %select_n3A_484 : vector<16xi32>
        %add3A_486 = arith.constant 32 : i32
        %add3A_487 = arith.addi %shift_left3A_449, %add3A_486 : i32
        %get3A_488 = arith.index_cast %add3A_487 : i32 to index
        %get3A_489 = tpu.vector_load %arg7[%get3A_488] {strides = array<i32>} : memref<4096xi32, #tpu.memory_space<vmem>>, vector<16xi32>,
        %ge3A_490 = vector.broadcast %while3A_425#0 : i32 to vector<16xi32>
        %ge3A_491 = arith.cmpi sge, %get3A_489, %ge3A_490 : vector<16xi32>
        %jit3A_492 = arith.constant 1 : i32
        %jit3A_493 = arith.constant 0 : i32
        %broadcast_in_dim3A_494 = vector.broadcast %jit3A_492 : i32 to vector<16xi32>
        %broadcast_in_dim3A_495 = vector.broadcast %jit3A_493 : i32 to vector<16xi32>
        %select_n3A_496 = arith.select %ge3A_491, %broadcast_in_dim3A_494, %broadcast_in_dim3A_495 : vector<16xi1>, vector<16xi32>
        %add3A_497 = arith.addi %add3A_477, %select_n3A_496 : vector<16xi32>
        %eq3A_498 = vector.broadcast %while3A_425#0 : i32 to vector<16xi32>
        %eq3A_499 = arith.cmpi eq, %get3A_489, %eq3A_498 : vector<16xi32>
        %jit3A_500 = arith.constant 1 : i32
        %jit3A_501 = arith.constant 0 : i32
        %broadcast_in_dim3A_502 = vector.broadcast %jit3A_500 : i32 to vector<16xi32>
        %broadcast_in_dim3A_503 = vector.broadcast %jit3A_501 : i32 to vector<16xi32>
        %select_n3A_504 = arith.select %eq3A_499, %broadcast_in_dim3A_502, %broadcast_in_dim3A_503 : vector<16xi1>, vector<16xi32>
        %add3A_505 = arith.addi %add3A_485, %select_n3A_504 : vector<16xi32>
        %add3A_506 = arith.constant 48 : i32
        %add3A_507 = arith.addi %shift_left3A_449, %add3A_506 : i32
        %get3A_508 = arith.index_cast %add3A_507 : i32 to index
        %get3A_509 = tpu.vector_load %arg7[%get3A_508] {strides = array<i32>} : memref<4096xi32, #tpu.memory_space<vmem>>, vector<16xi32>,
        %ge3A_510 = vector.broadcast %while3A_425#0 : i32 to vector<16xi32>
        %ge3A_511 = arith.cmpi sge, %get3A_509, %ge3A_510 : vector<16xi32>
        %jit3A_512 = arith.constant 1 : i32
        %jit3A_513 = arith.constant 0 : i32
        %broadcast_in_dim3A_514 = vector.broadcast %jit3A_512 : i32 to vector<16xi32>
        %broadcast_in_dim3A_515 = vector.broadcast %jit3A_513 : i32 to vector<16xi32>
        %select_n3A_516 = arith.select %ge3A_511, %broadcast_in_dim3A_514, %broadcast_in_dim3A_515 : vector<16xi1>, vector<16xi32>
        %add3A_517 = arith.addi %add3A_497, %select_n3A_516 : vector<16xi32>
        %eq3A_518 = vector.broadcast %while3A_425#0 : i32 to vector<16xi32>
        %eq3A_519 = arith.cmpi eq, %get3A_509, %eq3A_518 : vector<16xi32>
        %jit3A_520 = arith.constant 1 : i32
        %jit3A_521 = arith.constant 0 : i32
        %broadcast_in_dim3A_522 = vector.broadcast %jit3A_520 : i32 to vector<16xi32>
        %broadcast_in_dim3A_523 = vector.broadcast %jit3A_521 : i32 to vector<16xi32>
        %select_n3A_524 = arith.select %eq3A_519, %broadcast_in_dim3A_522, %broadcast_in_dim3A_523 : vector<16xi1>, vector<16xi32>
        %add3A_525 = arith.addi %add3A_505, %select_n3A_524 : vector<16xi32>
        scf.yield %add3A_517, %add3A_525 : vector<16xi32>, vector<16xi32>
      }
      %reduce_sum3A_437 = arith.constant true
      %reduce_sum3A_438 = vector.broadcast %reduce_sum3A_437 : i1 to vector<16xi1>
      %reduce_sum3A_439 = tpu.scan <sum>, %while3A_436#0 masked %reduce_sum3A_438 : vector<16xi32>, vector<16xi1> -> vector<16xi32>
      %reduce_sum3A_440 = vector.extract %reduce_sum3A_439[15] : i32 from vector<16xi32>
      %reduce_sum3A_441 = arith.constant true
      %reduce_sum3A_442 = vector.broadcast %reduce_sum3A_441 : i1 to vector<16xi1>
      %reduce_sum3A_443 = tpu.scan <sum>, %while3A_436#1 masked %reduce_sum3A_442 : vector<16xi32>, vector<16xi1> -> vector<16xi32>
      %reduce_sum3A_444 = vector.extract %reduce_sum3A_443[15] : i32 from vector<16xi32>
      scf.yield %while3A_425#0, %reduce_sum3A_440, %reduce_sum3A_444 : i32, i32, i32
    } else {
      %parallel_loop3A_405 = arith.constant 0 : i32
      %parallel_loop3A_406 = arith.constant 16384 : i32
      %parallel_loop3A_407 = arith.constant 16 : i32
      scf.for %parallel_loop3A_481 = %parallel_loop3A_405 to %parallel_loop3A_406 step %parallel_loop3A_407  : i32 {
        %parallel_loop3A_482 = arith.index_cast %parallel_loop3A_481 : i32 to index
        %parallel_loop3A_483 = tpu.vector_load %arg6[%parallel_loop3A_482] {strides = array<i32>} : memref<16384xi32, #tpu.memory_space<vmem>>, vector<16xi32>,
        tpu.vector_store %arg6[%parallel_loop3A_482], %broadcast_in_dim3A_3 {strides = array<i32>} : memref<16384xi32, #tpu.memory_space<vmem>>, vector<16xi32>,
      } {sc.loop_unroll_factor = 8 : i64, sc.parallel_access}
      %parallel_loop3A_408 = arith.constant 0 : i32
      %parallel_loop3A_409 = arith.constant 32768 : i32
      %parallel_loop3A_410 = arith.constant 16 : i32
      %parallel_loop3A_411 = scf.for %parallel_loop3A_481 = %parallel_loop3A_408 to %parallel_loop3A_409 step %parallel_loop3A_410 iter_args(%parallel_loop3A_482 = %broadcast_in_dim3A_3) -> (vector<16xi32>)  : i32 {
        %parallel_loop3A_483 = arith.index_cast %parallel_loop3A_481 : i32 to index
        %parallel_loop3A_484 = tpu.vector_load %arg5[%parallel_loop3A_483] {strides = array<i32>} : memref<32768xf32, #tpu.memory_space<vmem>>, vector<16xf32>,
        %parallel_loop3A_485 = vector.bitcast %parallel_loop3A_484 : vector<16xf32> to vector<16xi32>
        %parallel_loop3A_486 = arith.constant 2147483647 : i32
        %parallel_loop3A_487 = vector.broadcast %parallel_loop3A_486 : i32 to vector<16xi32>
        %parallel_loop3A_488 = arith.andi %parallel_loop3A_485, %parallel_loop3A_487 : vector<16xi32>
        %parallel_loop3A_489 = arith.constant 21 : i32
        %parallel_loop3A_490 = vector.broadcast %parallel_loop3A_489 : i32 to vector<16xi32>
        %parallel_loop3A_491 = arith.shrsi %parallel_loop3A_488, %parallel_loop3A_490 : vector<16xi32>
        %parallel_loop3A_492 = arith.constant 4 : i32
        %parallel_loop3A_493 = vector.broadcast %parallel_loop3A_492 : i32 to vector<16xi32>
        %parallel_loop3A_494 = arith.shli %parallel_loop3A_491, %parallel_loop3A_493 : vector<16xi32>
        %parallel_loop3A_495 = arith.ori %parallel_loop3A_494, %iota3A : vector<16xi32>
        tpu.vector_store_idx %arg6[%parallel_loop3A_495], %broadcast_in_dim3A_1 {add = true} : memref<16384xi32, #tpu.memory_space<vmem>>[vector<16xi32>], vector<16xi32>,
        %parallel_loop3A_496 = arith.maxsi %parallel_loop3A_482, %parallel_loop3A_488 : vector<16xi32>
        scf.yield %parallel_loop3A_496 : vector<16xi32>
      } {sc.loop_unroll_factor = 8 : i64, sc.parallel_access}
      %reduce_max3A_412 = arith.constant true
      %reduce_max3A_413 = vector.broadcast %reduce_max3A_412 : i1 to vector<16xi1>
      %reduce_max3A_414 = arith.constant -2147483648 : i32
      %reduce_max3A_415 = vector.broadcast %reduce_max3A_414 : i32 to vector<16xi32>
      %reduce_max3A_416 = arith.xori %parallel_loop3A_411, %reduce_max3A_415 : vector<16xi32>
      %reduce_max3A_417 = tpu.scan <max>, %reduce_max3A_416 masked %reduce_max3A_413 : vector<16xi32>, vector<16xi1> -> vector<16xi32>
      %reduce_max3A_418 = arith.xori %reduce_max3A_417, %reduce_max3A_415 : vector<16xi32>
      %reduce_max3A_419 = vector.extract %reduce_max3A_418[15] : i32 from vector<16xi32>
      %shift_right_arithmetic3A_420 = arith.constant 21 : i32
      %shift_right_arithmetic3A_421 = arith.shrsi %reduce_max3A_419, %shift_right_arithmetic3A_420 : i32
      %while3A_422 = arith.constant 0 : i32
      %while3A_423 = arith.constant 0 : i32
      %while3A_424:3 = scf.while (%while3A_481 = %shift_right_arithmetic3A_421, %while3A_482 = %while3A_422, %while3A_483 = %while3A_423) : (i32, i32, i32) -> (i32, i32, i32) {
        %lt3A = arith.constant 64 : i32
        %lt3A_484 = arith.cmpi slt, %while3A_482, %lt3A : i32
        %ge3A_485 = arith.constant 0 : i32
        %ge3A_486 = arith.cmpi sge, %while3A_481, %ge3A_485 : i32
        %and3A_487 = arith.andi %lt3A_484, %ge3A_486 : i1
        scf.condition(%and3A_487) %while3A_481, %while3A_482, %while3A_483 : i32, i32, i32
      } do {
      ^bb0(%while3A_481: i32, %while3A_482: i32, %while3A_483: i32):
        %mul3A_484 = arith.constant 16 : i32
        %mul3A_485 = arith.muli %while3A_481, %mul3A_484 : i32
        %get3A = arith.index_cast %mul3A_485 : i32 to index
        %get3A_486 = tpu.vector_load %arg6[%get3A] {strides = array<i32>} : memref<16384xi32, #tpu.memory_space<vmem>>, vector<16xi32>,
        %reduce_sum3A_487 = arith.constant true
        %reduce_sum3A_488 = vector.broadcast %reduce_sum3A_487 : i1 to vector<16xi1>
        %reduce_sum3A_489 = tpu.scan <sum>, %get3A_486 masked %reduce_sum3A_488 : vector<16xi32>, vector<16xi1> -> vector<16xi32>
        %reduce_sum3A_490 = vector.extract %reduce_sum3A_489[15] : i32 from vector<16xi32>
        %sub3A_491 = arith.constant 1 : i32
        %sub3A_492 = arith.subi %while3A_481, %sub3A_491 : i32
        %add3A_493 = arith.addi %while3A_482, %reduce_sum3A_490 : i32
        scf.yield %sub3A_492, %add3A_493, %reduce_sum3A_490 : i32, i32, i32
      }
      %add3A_425 = arith.constant 1 : i32
      %add3A_426 = arith.addi %while3A_424#0, %add3A_425 : i32
      %sub3A_427 = arith.subi %while3A_424#1, %while3A_424#2 : i32
      %sub3A_428 = arith.constant 64 : i32
      %sub3A_429 = arith.subi %sub3A_428, %sub3A_427 : i32
      %shift_left3A_430 = arith.constant 21 : i32
      %shift_left3A_431 = arith.shli %add3A_426, %shift_left3A_430 : i32
      %parallel_loop3A_432 = arith.constant 0 : i32
      %parallel_loop3A_433 = arith.constant 32768 : i32
      %parallel_loop3A_434 = arith.constant 16 : i32
      %parallel_loop3A_435 = scf.for %parallel_loop3A_481 = %parallel_loop3A_432 to %parallel_loop3A_433 step %parallel_loop3A_434 iter_args(%parallel_loop3A_482 = %iota3A) -> (vector<16xi32>)  : i32 {
        %parallel_loop3A_483 = arith.index_cast %parallel_loop3A_481 : i32 to index
        %parallel_loop3A_484 = tpu.vector_load %arg5[%parallel_loop3A_483] {strides = array<i32>} : memref<32768xf32, #tpu.memory_space<vmem>>, vector<16xf32>,
        %parallel_loop3A_485 = vector.bitcast %parallel_loop3A_484 : vector<16xf32> to vector<16xi32>
        %parallel_loop3A_486 = arith.constant 2147483647 : i32
        %parallel_loop3A_487 = vector.broadcast %parallel_loop3A_486 : i32 to vector<16xi32>
        %parallel_loop3A_488 = arith.andi %parallel_loop3A_485, %parallel_loop3A_487 : vector<16xi32>
        %parallel_loop3A_489 = vector.broadcast %shift_left3A_431 : i32 to vector<16xi32>
        %parallel_loop3A_490 = arith.subi %parallel_loop3A_488, %parallel_loop3A_489 : vector<16xi32>
        %parallel_loop3A_491 = vector.bitcast %parallel_loop3A_490 : vector<16xi32> to vector<16xi32>
        %parallel_loop3A_492 = arith.constant 2097152 : i32
        %parallel_loop3A_493 = vector.broadcast %parallel_loop3A_492 : i32 to vector<16xi32>
        %parallel_loop3A_494 = arith.cmpi ult, %parallel_loop3A_491, %parallel_loop3A_493 : vector<16xi32>
        %parallel_loop3A_495 = arith.constant 4095 : i32
        %parallel_loop3A_496 = vector.broadcast %parallel_loop3A_495 : i32 to vector<16xi32>
        %parallel_loop3A_497 = arith.andi %parallel_loop3A_482, %parallel_loop3A_496 : vector<16xi32>
        tpu.vector_store_idx %arg7[%parallel_loop3A_497], %parallel_loop3A_488 masked %parallel_loop3A_494 : memref<4096xi32, #tpu.memory_space<vmem>>[vector<16xi32>], vector<16xi32>, vector<16xi1>
        %parallel_loop3A_498 = arith.constant 16 : i32
        %parallel_loop3A_499 = arith.constant 0 : i32
        %parallel_loop3A_500 = vector.broadcast %parallel_loop3A_498 : i32 to vector<16xi32>
        %parallel_loop3A_501 = vector.broadcast %parallel_loop3A_499 : i32 to vector<16xi32>
        %parallel_loop3A_502 = arith.select %parallel_loop3A_494, %parallel_loop3A_500, %parallel_loop3A_501 : vector<16xi1>, vector<16xi32>
        %parallel_loop3A_503 = arith.addi %parallel_loop3A_482, %parallel_loop3A_502 : vector<16xi32>
        scf.yield %parallel_loop3A_503 : vector<16xi32>
      } {sc.loop_unroll_factor = 8 : i64, sc.parallel_access}
      %sub3A_436 = arith.subi %parallel_loop3A_435, %iota3A : vector<16xi32>
      %shift_right_arithmetic3A_437 = arith.constant 4 : i32
      %shift_right_arithmetic3A_438 = vector.broadcast %shift_right_arithmetic3A_437 : i32 to vector<16xi32>
      %shift_right_arithmetic3A_439 = arith.shrsi %sub3A_436, %shift_right_arithmetic3A_438 : vector<16xi32>
      %add3A_440 = arith.constant 2097152 : i32
      %add3A_441 = arith.addi %shift_left3A_431, %add3A_440 : i32
      %sub3A_442 = arith.constant 1 : i32
      %sub3A_443 = arith.subi %add3A_441, %sub3A_442 : i32
      %sub3A_444 = arith.constant 64 : i32
      %sub3A_445 = arith.subi %sub3A_444, %sub3A_429 : i32
      %reduce_max3A_446 = arith.constant true
      %reduce_max3A_447 = vector.broadcast %reduce_max3A_446 : i1 to vector<16xi1>
      %reduce_max3A_448 = arith.constant -2147483648 : i32
      %reduce_max3A_449 = vector.broadcast %reduce_max3A_448 : i32 to vector<16xi32>
      %reduce_max3A_450 = arith.xori %shift_right_arithmetic3A_439, %reduce_max3A_449 : vector<16xi32>
      %reduce_max3A_451 = tpu.scan <max>, %reduce_max3A_450 masked %reduce_max3A_447 : vector<16xi32>, vector<16xi1> -> vector<16xi32>
      %reduce_max3A_452 = arith.xori %reduce_max3A_451, %reduce_max3A_449 : vector<16xi32>
      %reduce_max3A_453 = vector.extract %reduce_max3A_452[15] : i32 from vector<16xi32>
      %min3A_454 = arith.constant 256 : i32
      %min3A_455 = arith.minsi %reduce_max3A_453, %min3A_454 : i32
      %scan3A = arith.constant 0 : i32
      %scan3A_456 = arith.constant 21 : i32
      %scan3A_457 = arith.addi %scan3A, %scan3A_456 : i32
      %scan3A_458 = arith.constant 1 : i32
      %scan3A_459:2 = scf.for %scan3A_481 = %scan3A to %scan3A_457 step %scan3A_458 iter_args(%scan3A_482 = %shift_left3A_431, %scan3A_483 = %sub3A_443) -> (i32, i32)  : i32 {
        %sub3A_484 = arith.subi %scan3A_483, %scan3A_482 : i32
        %add3A_485 = arith.constant 1 : i32
        %add3A_486 = arith.addi %sub3A_484, %add3A_485 : i32
        %shift_right_arithmetic3A_487 = arith.constant 1 : i32
        %shift_right_arithmetic3A_488 = arith.shrsi %add3A_486, %shift_right_arithmetic3A_487 : i32
        %add3A_489 = arith.addi %scan3A_482, %shift_right_arithmetic3A_488 : i32
        %while3A_490 = arith.constant 0 : i32
        %while3A_491 = arith.subi %min3A_455, %while3A_490 : i32
        %while3A_492 = arith.addi %while3A_490, %while3A_491 : i32
        %while3A_493 = arith.constant 1 : i32
        %while3A_494 = arith.divsi %while3A_491, %while3A_493 : i32
        %while3A_495 = arith.muli %while3A_494, %while3A_493 : i32
        %while3A_496 = arith.addi %while3A_490, %while3A_495 : i32
        %while3A_497 = arith.constant 1 : i32
        %while3A_498 = scf.for %while3A_509 = %while3A_490 to %while3A_496 step %while3A_497 iter_args(%while3A_510 = %broadcast_in_dim3A_3) -> (vector<16xi32>)  : i32 {
          %mul3A_511 = arith.constant 16 : i32
          %mul3A_512 = arith.muli %while3A_509, %mul3A_511 : i32
          %get3A = arith.index_cast %mul3A_512 : i32 to index
          %get3A_513 = tpu.vector_load %arg7[%get3A] {strides = array<i32>} : memref<4096xi32, #tpu.memory_space<vmem>>, vector<16xi32>,
          %ge3A_514 = vector.broadcast %add3A_489 : i32 to vector<16xi32>
          %ge3A_515 = arith.cmpi sge, %get3A_513, %ge3A_514 : vector<16xi32>
          %lt3A = vector.broadcast %while3A_509 : i32 to vector<16xi32>
          %lt3A_516 = arith.cmpi slt, %lt3A, %shift_right_arithmetic3A_439 : vector<16xi32>
          %and3A_517 = arith.andi %ge3A_515, %lt3A_516 : vector<16xi1>
          %jit3A = arith.constant 1 : i32
          %jit3A_518 = arith.constant 0 : i32
          %broadcast_in_dim3A_519 = vector.broadcast %jit3A : i32 to vector<16xi32>
          %broadcast_in_dim3A_520 = vector.broadcast %jit3A_518 : i32 to vector<16xi32>
          %select_n3A_521 = arith.select %and3A_517, %broadcast_in_dim3A_519, %broadcast_in_dim3A_520 : vector<16xi1>, vector<16xi32>
          %add3A_522 = arith.addi %while3A_510, %select_n3A_521 : vector<16xi32>
          scf.yield %add3A_522 : vector<16xi32>
        }
        %while3A_499 = arith.constant 1 : i32
        %while3A_500 = scf.for %while3A_509 = %while3A_496 to %while3A_492 step %while3A_499 iter_args(%while3A_510 = %while3A_498) -> (vector<16xi32>)  : i32 {
          %mul3A_511 = arith.constant 16 : i32
          %mul3A_512 = arith.muli %while3A_509, %mul3A_511 : i32
          %get3A = arith.index_cast %mul3A_512 : i32 to index
          %get3A_513 = tpu.vector_load %arg7[%get3A] {strides = array<i32>} : memref<4096xi32, #tpu.memory_space<vmem>>, vector<16xi32>,
          %ge3A_514 = vector.broadcast %add3A_489 : i32 to vector<16xi32>
          %ge3A_515 = arith.cmpi sge, %get3A_513, %ge3A_514 : vector<16xi32>
          %lt3A = vector.broadcast %while3A_509 : i32 to vector<16xi32>
          %lt3A_516 = arith.cmpi slt, %lt3A, %shift_right_arithmetic3A_439 : vector<16xi32>
          %and3A_517 = arith.andi %ge3A_515, %lt3A_516 : vector<16xi1>
          %jit3A = arith.constant 1 : i32
          %jit3A_518 = arith.constant 0 : i32
          %broadcast_in_dim3A_519 = vector.broadcast %jit3A : i32 to vector<16xi32>
          %broadcast_in_dim3A_520 = vector.broadcast %jit3A_518 : i32 to vector<16xi32>
          %select_n3A_521 = arith.select %and3A_517, %broadcast_in_dim3A_519, %broadcast_in_dim3A_520 : vector<16xi1>, vector<16xi32>
          %add3A_522 = arith.addi %while3A_510, %select_n3A_521 : vector<16xi32>
          scf.yield %add3A_522 : vector<16xi32>
        }
        %reduce_sum3A_501 = arith.constant true
        %reduce_sum3A_502 = vector.broadcast %reduce_sum3A_501 : i1 to vector<16xi1>
        %reduce_sum3A_503 = tpu.scan <sum>, %while3A_500 masked %reduce_sum3A_502 : vector<16xi32>, vector<16xi1> -> vector<16xi32>
        %reduce_sum3A_504 = vector.extract %reduce_sum3A_503[15] : i32 from vector<16xi32>
        %ge3A_505 = arith.cmpi sge, %reduce_sum3A_504, %sub3A_429 : i32
        %select_n3A = arith.select %ge3A_505, %add3A_489, %scan3A_482 : i32
        %sub3A_506 = arith.constant 1 : i32
        %sub3A_507 = arith.subi %add3A_489, %sub3A_506 : i32
        %select_n3A_508 = arith.select %ge3A_505, %scan3A_483, %sub3A_507 : i32
        scf.yield %select_n3A, %select_n3A_508 : i32, i32
      }
      %scan3A_460 = arith.constant 21 : i32
      %while3A_461 = arith.constant 0 : i32
      %while3A_462 = arith.subi %min3A_455, %while3A_461 : i32
      %while3A_463 = arith.addi %while3A_461, %while3A_462 : i32
      %while3A_464 = arith.constant 1 : i32
      %while3A_465 = arith.divsi %while3A_462, %while3A_464 : i32
      %while3A_466 = arith.muli %while3A_465, %while3A_464 : i32
      %while3A_467 = arith.addi %while3A_461, %while3A_466 : i32
      %while3A_468 = arith.constant 1 : i32
      %while3A_469:2 = scf.for %while3A_481 = %while3A_461 to %while3A_467 step %while3A_468 iter_args(%while3A_482 = %broadcast_in_dim3A_3, %while3A_483 = %broadcast_in_dim3A_3) -> (vector<16xi32>, vector<16xi32>)  : i32 {
        %mul3A_484 = arith.constant 16 : i32
        %mul3A_485 = arith.muli %while3A_481, %mul3A_484 : i32
        %get3A = arith.index_cast %mul3A_485 : i32 to index
        %get3A_486 = tpu.vector_load %arg7[%get3A] {strides = array<i32>} : memref<4096xi32, #tpu.memory_space<vmem>>, vector<16xi32>,
        %lt3A = vector.broadcast %while3A_481 : i32 to vector<16xi32>
        %lt3A_487 = arith.cmpi slt, %lt3A, %shift_right_arithmetic3A_439 : vector<16xi32>
        %ge3A_488 = vector.broadcast %scan3A_459#0 : i32 to vector<16xi32>
        %ge3A_489 = arith.cmpi sge, %get3A_486, %ge3A_488 : vector<16xi32>
        %and3A_490 = arith.andi %ge3A_489, %lt3A_487 : vector<16xi1>
        %eq3A = vector.broadcast %scan3A_459#0 : i32 to vector<16xi32>
        %eq3A_491 = arith.cmpi eq, %get3A_486, %eq3A : vector<16xi32>
        %and3A_492 = arith.andi %eq3A_491, %lt3A_487 : vector<16xi1>
        %jit3A = arith.constant 1 : i32
        %jit3A_493 = arith.constant 0 : i32
        %broadcast_in_dim3A_494 = vector.broadcast %jit3A : i32 to vector<16xi32>
        %broadcast_in_dim3A_495 = vector.broadcast %jit3A_493 : i32 to vector<16xi32>
        %select_n3A = arith.select %and3A_490, %broadcast_in_dim3A_494, %broadcast_in_dim3A_495 : vector<16xi1>, vector<16xi32>
        %add3A_496 = arith.addi %while3A_482, %select_n3A : vector<16xi32>
        %jit3A_497 = arith.constant 1 : i32
        %jit3A_498 = arith.constant 0 : i32
        %broadcast_in_dim3A_499 = vector.broadcast %jit3A_497 : i32 to vector<16xi32>
        %broadcast_in_dim3A_500 = vector.broadcast %jit3A_498 : i32 to vector<16xi32>
        %select_n3A_501 = arith.select %and3A_492, %broadcast_in_dim3A_499, %broadcast_in_dim3A_500 : vector<16xi1>, vector<16xi32>
        %add3A_502 = arith.addi %while3A_483, %select_n3A_501 : vector<16xi32>
        scf.yield %add3A_496, %add3A_502 : vector<16xi32>, vector<16xi32>
      }
      %while3A_470 = arith.constant 1 : i32
      %while3A_471:2 = scf.for %while3A_481 = %while3A_467 to %while3A_463 step %while3A_470 iter_args(%while3A_482 = %while3A_469#0, %while3A_483 = %while3A_469#1) -> (vector<16xi32>, vector<16xi32>)  : i32 {
        %mul3A_484 = arith.constant 16 : i32
        %mul3A_485 = arith.muli %while3A_481, %mul3A_484 : i32
        %get3A = arith.index_cast %mul3A_485 : i32 to index
        %get3A_486 = tpu.vector_load %arg7[%get3A] {strides = array<i32>} : memref<4096xi32, #tpu.memory_space<vmem>>, vector<16xi32>,
        %lt3A = vector.broadcast %while3A_481 : i32 to vector<16xi32>
        %lt3A_487 = arith.cmpi slt, %lt3A, %shift_right_arithmetic3A_439 : vector<16xi32>
        %ge3A_488 = vector.broadcast %scan3A_459#0 : i32 to vector<16xi32>
        %ge3A_489 = arith.cmpi sge, %get3A_486, %ge3A_488 : vector<16xi32>
        %and3A_490 = arith.andi %ge3A_489, %lt3A_487 : vector<16xi1>
        %eq3A = vector.broadcast %scan3A_459#0 : i32 to vector<16xi32>
        %eq3A_491 = arith.cmpi eq, %get3A_486, %eq3A : vector<16xi32>
        %and3A_492 = arith.andi %eq3A_491, %lt3A_487 : vector<16xi1>
        %jit3A = arith.constant 1 : i32
        %jit3A_493 = arith.constant 0 : i32
        %broadcast_in_dim3A_494 = vector.broadcast %jit3A : i32 to vector<16xi32>
        %broadcast_in_dim3A_495 = vector.broadcast %jit3A_493 : i32 to vector<16xi32>
        %select_n3A = arith.select %and3A_490, %broadcast_in_dim3A_494, %broadcast_in_dim3A_495 : vector<16xi1>, vector<16xi32>
        %add3A_496 = arith.addi %while3A_482, %select_n3A : vector<16xi32>
        %jit3A_497 = arith.constant 1 : i32
        %jit3A_498 = arith.constant 0 : i32
        %broadcast_in_dim3A_499 = vector.broadcast %jit3A_497 : i32 to vector<16xi32>
        %broadcast_in_dim3A_500 = vector.broadcast %jit3A_498 : i32 to vector<16xi32>
        %select_n3A_501 = arith.select %and3A_492, %broadcast_in_dim3A_499, %broadcast_in_dim3A_500 : vector<16xi1>, vector<16xi32>
        %add3A_502 = arith.addi %while3A_483, %select_n3A_501 : vector<16xi32>
        scf.yield %add3A_496, %add3A_502 : vector<16xi32>, vector<16xi32>
      }
      %reduce_sum3A_472 = arith.constant true
      %reduce_sum3A_473 = vector.broadcast %reduce_sum3A_472 : i1 to vector<16xi1>
      %reduce_sum3A_474 = tpu.scan <sum>, %while3A_471#0 masked %reduce_sum3A_473 : vector<16xi32>, vector<16xi1> -> vector<16xi32>
      %reduce_sum3A_475 = vector.extract %reduce_sum3A_474[15] : i32 from vector<16xi32>
      %add3A_476 = arith.addi %sub3A_445, %reduce_sum3A_475 : i32
      %reduce_sum3A_477 = arith.constant true
      %reduce_sum3A_478 = vector.broadcast %reduce_sum3A_477 : i1 to vector<16xi1>
      %reduce_sum3A_479 = tpu.scan <sum>, %while3A_471#1 masked %reduce_sum3A_478 : vector<16xi32>, vector<16xi1> -> vector<16xi32>
      %reduce_sum3A_480 = vector.extract %reduce_sum3A_479[15] : i32 from vector<16xi32>
      scf.yield %scan3A_459#0, %add3A_476, %reduce_sum3A_480 : i32, i32, i32
    }
    %sub3A_366 = arith.subi %cond3A_365#1, %cond3A_365#2 : i32
    %sub3A_367 = arith.constant 64 : i32
    %sub3A_368 = arith.subi %sub3A_367, %sub3A_366 : i32
    %parallel_loop3A_369 = arith.constant 0 : i32
    %parallel_loop3A_370 = arith.constant 32768 : i32
    %parallel_loop3A_371 = arith.constant 16 : i32
    scf.for %parallel_loop3A_405 = %parallel_loop3A_369 to %parallel_loop3A_370 step %parallel_loop3A_371  : i32 {
      %parallel_loop3A_406 = arith.index_cast %parallel_loop3A_405 : i32 to index
      %parallel_loop3A_407 = tpu.vector_load %arg5[%parallel_loop3A_406] {strides = array<i32>} : memref<32768xf32, #tpu.memory_space<vmem>>, vector<16xf32>,
      %parallel_loop3A_408 = vector.bitcast %parallel_loop3A_407 : vector<16xf32> to vector<16xi32>
      %parallel_loop3A_409 = arith.constant 2147483647 : i32
      %parallel_loop3A_410 = vector.broadcast %parallel_loop3A_409 : i32 to vector<16xi32>
      %parallel_loop3A_411 = arith.andi %parallel_loop3A_408, %parallel_loop3A_410 : vector<16xi32>
      %parallel_loop3A_412 = vector.broadcast %cond3A_365#0 : i32 to vector<16xi32>
      %parallel_loop3A_413 = arith.cmpi sge, %parallel_loop3A_411, %parallel_loop3A_412 : vector<16xi32>
      %parallel_loop3A_414 = arith.constant 0 : i32
      %parallel_loop3A_415 = vector.broadcast %parallel_loop3A_414 : i32 to vector<16xi32>
      %parallel_loop3A_416 = arith.select %parallel_loop3A_413, %parallel_loop3A_408, %parallel_loop3A_415 : vector<16xi1>, vector<16xi32>
      %parallel_loop3A_417 = vector.bitcast %parallel_loop3A_416 : vector<16xi32> to vector<16xf32>
      %parallel_loop3A_418 = arith.index_cast %parallel_loop3A_405 : i32 to index
      %parallel_loop3A_419 = tpu.vector_load %arg5[%parallel_loop3A_418] {strides = array<i32>} : memref<32768xf32, #tpu.memory_space<vmem>>, vector<16xf32>,
      tpu.vector_store %arg5[%parallel_loop3A_418], %parallel_loop3A_417 {strides = array<i32>} : memref<32768xf32, #tpu.memory_space<vmem>>, vector<16xf32>,
    } {sc.loop_unroll_factor = 8 : i64, sc.parallel_access}
    %gt3A_372 = arith.constant 64 : i32
    %gt3A_373 = arith.cmpi sgt, %cond3A_365#1, %gt3A_372 : i32
    %convert_element_type3A_374 = arith.extui %gt3A_373 : i1 to i32
    %cond3A_375 = arith.constant 0 : i32
    %cond3A_376 = arith.cmpi ne, %convert_element_type3A_374, %cond3A_375 : i32
    scf.if %cond3A_376 {
      %while3A_405 = arith.constant 0 : i32
      %while3A_406 = arith.constant 0 : i32
      %while3A_407:2 = scf.while (%while3A_408 = %while3A_405, %while3A_409 = %while3A_406) : (i32, i32) -> (i32, i32) {
        %lt3A = arith.constant 32768 : i32
        %lt3A_410 = arith.cmpi slt, %while3A_408, %lt3A : i32
        %lt3A_411 = arith.cmpi slt, %while3A_409, %cond3A_365#2 : i32
        %and3A_412 = arith.andi %lt3A_410, %lt3A_411 : i1
        scf.condition(%and3A_412) %while3A_408, %while3A_409 : i32, i32
      } do {
      ^bb0(%while3A_408: i32, %while3A_409: i32):
        %get3A = arith.index_cast %while3A_408 : i32 to index
        %get3A_410 = tpu.vector_load %arg5[%get3A] {strides = array<i32>} : memref<32768xf32, #tpu.memory_space<vmem>>, vector<16xf32>,
        %bitcast3A = vector.bitcast %get3A_410 : vector<16xf32> to vector<16xi32>
        %and3A_411 = arith.constant 2147483647 : i32
        %and3A_412 = vector.broadcast %and3A_411 : i32 to vector<16xi32>
        %and3A_413 = arith.andi %bitcast3A, %and3A_412 : vector<16xi32>
        %eq3A = vector.broadcast %cond3A_365#0 : i32 to vector<16xi32>
        %eq3A_414 = arith.cmpi eq, %and3A_413, %eq3A : vector<16xi32>
        %jit3A = arith.constant 1 : i32
        %jit3A_415 = arith.constant 0 : i32
        %broadcast_in_dim3A_416 = vector.broadcast %jit3A : i32 to vector<16xi32>
        %broadcast_in_dim3A_417 = vector.broadcast %jit3A_415 : i32 to vector<16xi32>
        %select_n3A = arith.select %eq3A_414, %broadcast_in_dim3A_416, %broadcast_in_dim3A_417 : vector<16xi1>, vector<16xi32>
        %broadcast_in_dim3A_418 = arith.constant true
        %broadcast_in_dim3A_419 = vector.broadcast %broadcast_in_dim3A_418 : i1 to vector<16xi1>
        %masked_cumsum3A = tpu.scan <sum>, %select_n3A masked %broadcast_in_dim3A_419 : vector<16xi32>, vector<16xi1> -> vector<16xi32>
        %add3A_420 = vector.broadcast %while3A_409 : i32 to vector<16xi32>
        %add3A_421 = arith.addi %add3A_420, %masked_cumsum3A : vector<16xi32>
        %sub3A_422 = arith.constant 1 : i32
        %sub3A_423 = vector.broadcast %sub3A_422 : i32 to vector<16xi32>
        %sub3A_424 = arith.subi %add3A_421, %sub3A_423 : vector<16xi32>
        %ge3A_425 = vector.broadcast %sub3A_368 : i32 to vector<16xi32>
        %ge3A_426 = arith.cmpi sge, %sub3A_424, %ge3A_425 : vector<16xi32>
        %and3A_427 = arith.andi %eq3A_414, %ge3A_426 : vector<16xi1>
        %jit3A_428 = arith.constant 0 : i32
        %broadcast_in_dim3A_429 = vector.broadcast %jit3A_428 : i32 to vector<16xi32>
        %select_n3A_430 = arith.select %and3A_427, %broadcast_in_dim3A_429, %bitcast3A : vector<16xi1>, vector<16xi32>
        %bitcast3A_431 = vector.bitcast %select_n3A_430 : vector<16xi32> to vector<16xf32>
        %swap3A = arith.index_cast %while3A_408 : i32 to index
        %swap3A_432 = tpu.vector_load %arg5[%swap3A] {strides = array<i32>} : memref<32768xf32, #tpu.memory_space<vmem>>, vector<16xf32>,
        tpu.vector_store %arg5[%swap3A], %bitcast3A_431 {strides = array<i32>} : memref<32768xf32, #tpu.memory_space<vmem>>, vector<16xf32>,
        %add3A_433 = arith.constant 16 : i32
        %add3A_434 = arith.addi %while3A_408, %add3A_433 : i32
        %all_reduce_population_count3A = tpu.all_reduce %eq3A_414 {dim = 0 : i64, kind = #tpu.reduction_kind<sum>} : vector<16xi1> -> vector<16xi32>
        %slice3A = vector.extract_strided_slice %all_reduce_population_count3A {offsets = [0], sizes = [1], strides = [1]} : vector<16xi32> to vector<1xi32>
        %squeeze3A = vector.extract %slice3A[0] : i32 from vector<1xi32>
        %add3A_435 = arith.addi %while3A_409, %squeeze3A : i32
        scf.yield %add3A_434, %add3A_435 : i32, i32
      }
    } else {
    }
    %add3A_377 = arith.constant 3 : i32
    %add3A_378 = arith.addi %mul3A_5, %add3A_377 : i32
    %dma_start3A_379 = arith.constant 0 : i32
    %dma_start3A_380 = tpu.memref_slice %arg3[%add3A_378, %dma_start3A_379] : memref<128x32768xf32, #tpu.memory_space<hbm>> -> memref<1x32768xf32, #tpu.memory_space<hbm>>
    %dma_start3A_381 = tpu.memref_squeeze %dma_start3A_380 : memref<1x32768xf32, #tpu.memory_space<hbm>> -> memref<32768xf32, #tpu.memory_space<hbm>>
    %dma_start3A_382 = arith.constant 0 : i32
    %dma_start3A_383 = tpu.memref_slice %arg3[%add3A_378, %dma_start3A_382] : memref<128x32768xf32, #tpu.memory_space<hbm>> -> memref<1x32768xf32, #tpu.memory_space<hbm>>
    %dma_start3A_384 = tpu.memref_squeeze %dma_start3A_383 : memref<1x32768xf32, #tpu.memory_space<hbm>> -> memref<32768xf32, #tpu.memory_space<hbm>>
    tpu.enqueue_dma source(%arg5 : memref<32768xf32, #tpu.memory_space<vmem>>) target(%dma_start3A_384 : memref<32768xf32, #tpu.memory_space<hbm>>) target_semaphore(%arg11 : memref<!tpu.dma_semaphore, #tpu.memory_space<semaphore_mem>>)
    %add3A_385 = arith.constant 4 : i32
    %add3A_386 = arith.addi %mul3A_5, %add3A_385 : i32
    %sub3A_387 = arith.constant 2 : i32
    %sub3A_388 = arith.subi %add3A_386, %sub3A_387 : i32
    %dma_wait3A_389 = arith.constant 0 : i32
    %dma_wait3A_390 = tpu.memref_slice %arg3[%sub3A_388, %dma_wait3A_389] : memref<128x32768xf32, #tpu.memory_space<hbm>> -> memref<1x32768xf32, #tpu.memory_space<hbm>>
    %dma_wait3A_391 = tpu.memref_squeeze %dma_wait3A_390 : memref<1x32768xf32, #tpu.memory_space<hbm>> -> memref<32768xf32, #tpu.memory_space<hbm>>
    %dma_wait3A_392 = arith.constant 0 : i32
    %dma_wait3A_393 = tpu.memref_slice %arg3[%sub3A_388, %dma_wait3A_392] : memref<128x32768xf32, #tpu.memory_space<hbm>> -> memref<1x32768xf32, #tpu.memory_space<hbm>>
    %dma_wait3A_394 = tpu.memref_squeeze %dma_wait3A_393 : memref<1x32768xf32, #tpu.memory_space<hbm>> -> memref<32768xf32, #tpu.memory_space<hbm>>
    tpu.wait_dma2 semaphore(%arg10 : memref<!tpu.dma_semaphore, #tpu.memory_space<semaphore_mem>>) src(%arg4 : memref<32768xf32, #tpu.memory_space<vmem>>) dst(%dma_wait3A_394 : memref<32768xf32, #tpu.memory_space<hbm>>)
    %add3A_395 = arith.constant 4 : i32
    %add3A_396 = arith.addi %mul3A_5, %add3A_395 : i32
    %sub3A_397 = arith.constant 1 : i32
    %sub3A_398 = arith.subi %add3A_396, %sub3A_397 : i32
    %dma_wait3A_399 = arith.constant 0 : i32
    %dma_wait3A_400 = tpu.memref_slice %arg3[%sub3A_398, %dma_wait3A_399] : memref<128x32768xf32, #tpu.memory_space<hbm>> -> memref<1x32768xf32, #tpu.memory_space<hbm>>
    %dma_wait3A_401 = tpu.memref_squeeze %dma_wait3A_400 : memref<1x32768xf32, #tpu.memory_space<hbm>> -> memref<32768xf32, #tpu.memory_space<hbm>>
    %dma_wait3A_402 = arith.constant 0 : i32
    %dma_wait3A_403 = tpu.memref_slice %arg3[%sub3A_398, %dma_wait3A_402] : memref<128x32768xf32, #tpu.memory_space<hbm>> -> memref<1x32768xf32, #tpu.memory_space<hbm>>
    %dma_wait3A_404 = tpu.memref_squeeze %dma_wait3A_403 : memref<1x32768xf32, #tpu.memory_space<hbm>> -> memref<32768xf32, #tpu.memory_space<hbm>>
    tpu.wait_dma2 semaphore(%arg11 : memref<!tpu.dma_semaphore, #tpu.memory_space<semaphore_mem>>) src(%arg5 : memref<32768xf32, #tpu.memory_space<vmem>>) dst(%dma_wait3A_404 : memref<32768xf32, #tpu.memory_space<hbm>>)
    return
  }
}

</mosaic_0001>

<sc_bundles>
// kernel: kernel.3.cloned.1.call-start
scs
__scs_entry_jumppad:
0x0: {  	(pc) =	sbr.rel $0x88, $3  }
0x1: {  	(tag) =	ssettag $0x0;
	lr =	simm.s32 $0x1  }
0x2: {  	[smem:$0x3FA0] =	sst lr;
	_ =	strace $0xD0000000  }
0x3: {  	_ = 	snop  }
0x4: {  	_ = 	snop  }
0x5: {  	_ = 	snop  }
0x6: {  	_ = 	snop  }
0x7: {  	_ = 	snop  }
__scs_overlays_trampoline_lowered:
0x8: {  	[smem:$0x3FAF] =	sst s0  }
0x9: {  	[smem:$0x3FB0] =	sst s1  }
0xa: {  	[smem:$0x3FB1] =	sst s2  }
0xb: {  	[smem:$0x3FB2] =	sst s3  }
0xc: {  	[smem:$0x3FB3] =	sst s4  }
0xd: {  	[smem:$0x3FB4] =	sst s5  }
0xe: {  	[smem:$0x3FB5] =	sst s6  }
0xf: {  	[smem:$0x3FB6] =	sst s7  }
0x10: {  	[smem:$0x3FB7] =	sst s8  }
0x11: {  	[smem:$0x3FB8] =	sst s9;
	s0 =	simm.s32 @!p0 $0x0  }
0x12: {  	s1 =	sld [smem:$0x3F9E];
	s0 =	simm.s32 @p0 $0x1  }
0x13: {  	[smem:$0x3FB9] =	sst s0;
	s0 =	simm.s32 @!p1 $0x0  }
0x14: {  	s2 =	sld [smem:$0x3F9D];
	s0 =	simm.s32 @p1 $0x1  }
0x15: {  	[smem:$0x3FBA] =	sst s0;
	s0 =	simm.s32 @!p2 $0x0  }
0x16: {  	s3 =	sld [smem:$0x3FDB];
	s0 =	simm.s32 @p2 $0x1  }
0x17: {  	s4 =	simm.s32 $0x1BF5;
	[smem:$0x3FBC] =	sst s0  }
0x18: {  	s0 =	sld [smem:$0x3F9F];
	_ =	swait.ge [sflag:s4], $0x0  }
0x19: {  	s7 =	sld [smem:$0x3FA0]  }
0x1a: {  	s8 =	sadd.s32 $0xFFFFE003, lr  }
0x1b: {  	s9 =	sadd.s32 $0xFFFFFEF7, lr;
	s5 =	simm.s32 $0xFFFFFFFF;
	p2 =	slt.u32 s8, $0xFFFFF086  }
0x1c: {  	p1 =	slt.u32 s9, $0xF7A;
	s5 =	simm.s32 @!p2 $0x0  }
0x1d: {  	s5 =	simm.s32 @p1 $0x1;
	p0 =	seq.s32 s7, s2  }
0x1e: {  	s7 =	smul.u32 @!p0 $0xF7A, s2;
	p2 =	seq.s32 @!p0 s5, $0x0  }
0x1f: {  	s9 =	smul.u32 $0xF7A, s1;
	s8 =	simm.s32 @!p0 $0x1BF5;
	p2 =	por !p2, p0  }
0x20: {  	[sflag:s8] =	ssyncset.s32 @!p0 $0xFFFFF086;
	s6 =	sadd.s32 @!p0 s3, s7;
	s7 =	simm.s32 @!p0 $0x108  }
0x21: {  	s3 =	sadd.s32 s3, s9;
	s6 =	sadd.s32 @!p0 $0x88, s6;
	s7 =	simm.s32 @p2 $0x1082  }
0x22: {  	[simem:s7], [sflag:s8] =	dma.local @!p0 [hbm:s6], $0xF7A  }
0x23: {  	s9 =	sor.u32 $0xD0000000, s2;
	s6 =	simm.s32 $0x108;
	_ =	swait.ge @!p0 [sflag:s8], $0x0  }
0x24: {  	s3 =	sadd.s32 $0x88, s3;
	s6 =	simm.s32 @!p1 $0x1082;
	[sflag:s4] =	ssyncset.s32 $0xFFFFF086  }
0x25: {  	[simem:s6], [sflag:s4] =	dma.local [hbm:s3], $0xF7A  }
0x26: {  	[smem:$0x3FA0] =	sst s1;
	(tag) =	ssettag s2;
	_ =	strace s9  }
0x27: {  	s1 =	sld [smem:$0x3FB0]  }
0x28: {  	s2 =	sld [smem:$0x3FB1]  }
0x29: {  	s4 =	sld [smem:$0x3FB3]  }
0x2a: {  	p0 =	seq.s32 s5, $0x0;
	s5 =	sld [smem:$0x3FB4]  }
0x2b: {  	s6 =	sld [smem:$0x3FB5]  }
0x2c: {  	s7 =	sld [smem:$0x3FB6]  }
0x2d: {  	s3 =	simm.s32 $0x108;
	s8 =	sld [smem:$0x3FB7]  }
0x2e: {  	s3 =	simm.s32 @!p0 $0x1082;
	s9 =	sld [smem:$0x3FB8]  }
0x2f: {  	lr =	sadd.s32 s0, s3;
	s0 =	sld [smem:$0x3FAF]  }
0x30: {  	s3 =	sld [smem:$0x3FB2]  }
0x31: {  	[smem:$0x3FBB] =	sst s10  }
0x32: {  	s10 =	sld [smem:$0x3FB9];
	_ =	sdelay $0x3  }
0x33: {  	p0 =	seq.s32 s10, $0x1;
	s10 =	sld [smem:$0x3FBB];
	_ =	sdelay $0x3  }
0x34: {  	[smem:$0x3FBB] =	sst s10  }
0x35: {  	s10 =	sld [smem:$0x3FBA];
	_ =	sdelay $0x3  }
0x36: {  	p1 =	seq.s32 s10, $0x1;
	s10 =	sld [smem:$0x3FBB];
	_ =	sdelay $0x3  }
0x37: {  	[smem:$0x3FBB] =	sst s10  }
0x38: {  	s10 =	sld [smem:$0x3FBC]  }
0x39: {  	_ = 	snop;
	(pc) =	sbr.ind lr, $3  }
0x3a: {  	_ = 	snop  }
0x3b: {  	_ = 	snop  }
0x3c: {  	p2 =	seq.s32 s10, $0x1;
	s10 =	sld [smem:$0x3FBB]  }
0x3d: {  	_ =	shalt  }
0x3e: {  	_ =	shalt  }
0x3f: {  	_ =	shalt  }
0x40: {  	_ =	shalt  }
0x41: {  	_ =	shalt  }
0x42: {  	_ =	shalt  }
0x43: {  	_ =	shalt  }
0x44: {  	_ =	shalt  }
0x45: {  	_ =	shalt  }
0x46: {  	_ =	shalt  }
0x47: {  	_ =	shalt  }
0x48: {  	_ =	shalt  }
0x49: {  	_ =	shalt  }
0x4a: {  	_ =	shalt  }
0x4b: {  	_ =	shalt  }
0x4c: {  	_ =	shalt  }
0x4d: {  	_ =	shalt  }
0x4e: {  	_ =	shalt  }
0x4f: {  	_ =	shalt  }
0x50: {  	_ =	shalt  }
0x51: {  	_ =	shalt  }
0x52: {  	_ =	shalt  }
0x53: {  	_ =	shalt  }
0x54: {  	_ =	shalt  }
0x55: {  	_ =	shalt  }
0x56: {  	_ =	shalt  }
0x57: {  	_ =	shalt  }
0x58: {  	_ =	shalt  }
0x59: {  	_ =	shalt  }
0x5a: {  	_ =	shalt  }
0x5b: {  	_ =	shalt  }
0x5c: {  	_ =	shalt  }
0x5d: {  	_ =	shalt  }
0x5e: {  	_ =	shalt  }
0x5f: {  	_ =	shalt  }
0x60: {  	_ =	shalt  }
0x61: {  	_ =	shalt  }
0x62: {  	_ =	shalt  }
0x63: {  	_ =	shalt  }
0x64: {  	_ =	shalt  }
0x65: {  	_ =	shalt  }
0x66: {  	_ =	shalt  }
0x67: {  	_ =	shalt  }
0x68: {  	_ =	shalt  }
0x69: {  	_ =	shalt  }
0x6a: {  	_ =	shalt  }
0x6b: {  	_ =	shalt  }
0x6c: {  	_ =	shalt  }
0x6d: {  	_ =	shalt  }
0x6e: {  	_ =	shalt  }
0x6f: {  	_ =	shalt  }
0x70: {  	_ =	shalt  }
0x71: {  	_ =	shalt  }
0x72: {  	_ =	shalt  }
0x73: {  	_ =	shalt  }
0x74: {  	_ =	shalt  }
0x75: {  	_ =	shalt  }
0x76: {  	_ =	shalt  }
0x77: {  	_ =	shalt  }
0x78: {  	_ =	shalt  }
0x79: {  	_ =	shalt  }
0x7a: {  	_ =	shalt  }
0x7b: {  	_ =	shalt  }
0x7c: {  	_ =	shalt  }
0x7d: {  	_ =	shalt  }
0x7e: {  	_ =	shalt  }
0x7f: {  	_ =	shalt  }
0x80: {  	_ =	shalt  }
0x81: {  	_ =	shalt  }
0x82: {  	_ =	shalt  }
0x83: {  	_ =	shalt  }
0x84: {  	_ =	shalt  }
0x85: {  	_ =	shalt  }
0x86: {  	_ =	shalt  }
0x87: {  	_ =	shalt  }
.Lfunc_end0:
.L_simem_size_0:
called_computation_lowered:
.L_overlay_start_0:
0x88: {  	s2 =	sld [smem:$0x3FD9]  }
0x89: {  	s3 =	sld [smem:$0x3FFE];
	_ =	sdelay $0x1  }
0x8a: {  	s1 =	srdreg.scid  }
0x8b: {  	s0 =	sand.u32 $0x1, s1  }
0x8c: {  	s18 =	sshll.u32 s0, $0xA;
	s2 =	sadd.s32 s3, s2  }
0x8d: {  	s2 =	sadd.s32 s2, s18  }
0x8e: {  	[smem:$0x3FC7] =	sst s2  }
0x8f: {  	_ = 	snop  }
0x90: {  	s2 =	sld [smem:$0x3FC9]  }
0x91: {  	s19 =	sld [smem:$0x3FD0];
	(tm) =	ssettm $0x1  }
0x92: {  	s4 =	sld [smem:$0x3FFB];
	_ =	sdelay $0x3  }
0x93: {  	_ =	strace s4  }
0x94: {  	s4 =	sld [smem:$0x3FFC];
	_ =	sdelay $0x3  }
0x95: {  	_ =	strace s4  }
0x96: {  	s4 =	sld [smem:$0x3FFD];
	_ =	sdelay $0x3  }
0x97: {  	_ =	strace s4  }
0x98: {  	_ =	strace $0x8FFFFFFF  }
0x99: {  	s20 =	sld [smem:$0x3FDB];
	_ =	sdelay $0x1  }
0x9a: {  	s5 =	simm.s32 $_scs_section_size  }
0x9b: {  	s6 =	simm.s32 $_size__tile_overlayer_lowered;
	s7 =	simm.s32 $_tile_overlayer_lowered  }
0x9c: {  	s23 =	simm.s32 $0x1BFF;
	s22 =	sshll.u32 s7, $0x1;
	s4 =	sadd.s32 s5, s20  }
0x9d: {  	s8 =	simm.s32 $0x0;
	s21 =	sshll.u32 s6, $0x1;
	s6 =	sadd.s32 s22, s4  }
0x9e: {  	[timem:s8], [sflag:s23] =	dma.local [hbm:s6], s21  }
0x9f: {  	_ =	swait.ge [sflag:s23], s21  }
0xa0: {  	s5 =	ssub.s32 $0x0, s21;
	[sflag:s23] =	ssyncset.done $0x0  }
0xa1: {  	[sflag:s23] =	ssyncadd.s32 s5;
	_ =	sdelay $0x1  }
0xa2: {  	s24 =	simm.s32 $0x1B8B  }
0xa3: {  	_ =	swait.ge [sflag:s24], $0x1  }
0xa4: {  	[sflag:s24] =	ssyncset.done $0x0  }
0xa5: {  	s25 =	simm.s32 $0x1B8E;
	[sflag:s24] =	ssyncadd.s32 $0xFFFFFFFF  }
0xa6: {  	s26 =	simm.s32 $execute0_lowered;
	[smem:$0x3FD2] =	sst s25  }
0xa7: {  	s5 =	sshll.u32 s26, $0x1;
	_ =	strace $0x80000046;
	[dreg:$0x1] =	wrdreg $0xFFFFFFFF  }
0xa8: {  	s28 =	simm.s32 $_size_execute0_lowered;
	s4 =	sadd.s32 s4, s5;
	[dreg:$0x0] =	wrdreg $0x0  }
0xa9: {  	s5 =	sshll.u32 s28, $0x1;
	[dreg:$0x2] =	wrdreg s4  }
0xaa: {  	[dreg:$0x3] =	wrdreg s5  }
0xab: {  	[dreg:$0x4] =	wrdreg $0xC0  }
0xac: {  	_ =	task [dreg:s8], $0x5FFFF  }
0xad: {  	[dreg:$0x1] =	wrdreg $0xFFFFFFFF  }
0xae: {  	[dreg:$0x0] =	wrdreg $0x60  }
0xaf: {  	[dreg:$0x2] =	wrdreg s2  }
0xb0: {  	[dreg:$0x3] =	wrdreg s19  }
0xb1: {  	[dreg:$0x4] =	wrdreg $0x9  }
0xb2: {  	_ =	task.clear_ibuf [dreg:s8], $0x5FFFF;
	_ =	strace $0x90000046  }
0xb3: {  	s29 =	simm.s32 $0x9;
	_ =	strace $0x80000048  }
0xb4: {  	_ =	swait.ge [sflag:s29], $0x1  }
0xb5: {  	[sflag:s29] =	ssyncadd.s32 $0xFFFFFFFF  }
0xb6: {  	_ =	strace $0x90000048  }
0xb7: {  	_ =	sfence  }
0xb8: {  	s30 =	sld [smem:$0x0];
	_ =	sdelay $0x2  }
0xb9: {  	s31 =	sshll.u32 s1, $0xD;
	s1 =	sshrl.u32 s1, $0x2  }
0xba: {  	s3 =	sand.u32 $0x4000, s31;
	s1 =	sadd.s32 s1, s30  }
0xbb: {  	s0 =	sor.u32 s3, s0;
	s1 =	sshll.u32 s1, $0x11  }
0xbc: {  	s0 =	sor.u32 s1, s0  }
0xbd: {  	s0 =	sadd.s32 $0x8F2B, s0  }
0xbe: {  	[sflag:s0] =	ssyncadd.remote.s32 $0x1  }
0xbf: {  	_ =	sfence.sel $0xFFFF  }
0xc0: {  	[dreg:$0x0] =	wrdreg $0xFFFFFFFF;
	(pc) =	sbr.abs _section_cstart, $3  }
0xc1: {  	[dreg:$0x1] =	wrdreg $0xFFFFFFFF  }
0xc2: {  	_ =	task.clear_ibuf [dreg:s8], $0x2FFFF;
	_ =	strace $0x9FFFFFFF  }
0xc3: {  	(tm) =	ssettm $0x7FFFFFFF  }
tec
execute0_lowered:
.L_overlay_start_1:
0x0: {  	(tag) =	ssettag $0x1  }
0x1: {  	s0 =	rddreg [dreg:$0x0]  }
0x2: {  	s10 =	rddreg [dreg:$0x1];
	s3 =	srdreg.scid;
	s2 =	simm.s32 $0x0  }
0x3: {  	s1 =	stileid.u32;
	s13 =	simm.s32 $0x400;
	s14 =	simm.s32 $0x1  }
0x4: {  	s15 =	simm.s32 $0x8000;
	s16 =	simm.s32 $0x14000;
	s17 =	simm.s32 $0x2  }
0x5: {  	s18 =	simm.s32 $0x3;
	s19 =	simm.s32 $0x4;
	s20 =	simm.s32 $0x10000  }
0x6: {  	s21 =	simm.s32 $0x0;
	s3 =	sand.u32 $0x1, s3;
	s5 =	sshll.u32 s1, $0xF  }
0x7: {  	[smem:$0x7FF] =	sst s2;
	s4 =	ssub.s32 $0x2, s3;
	s3 =	sshll.u32 s3, $0x6  }
0x8: {  	_ =	strace $0x80000047;
	s6 =	sshrl.u32 s4, $0x1;
	s7 =	sor.u32 s3, s5  }
.Ltmp0:
0x9: {  	s11 =	ssub.s32 s4, s6;
	s8 =	sor.u32 $0x10, s7;
	(pc) =	sbr.rel .LBB2_1-.Ltmp0, $4  }
0xa: {  	s3 =	sadd.s32 s0, s7;
	s9 =	sor.u32 $0x20, s7;
	s5 =	sadd.s32 s10, s7  }
0xb: {  	s12 =	sor.u32 $0x30, s7;
	s4 =	sadd.s32 s0, s8;
	s6 =	sadd.s32 s0, s9  }
0xc: {  	v0 =	vlaneseq.u32;
	s7 =	sadd.s32 s10, s8;
	s8 =	sadd.s32 s0, s12;
	s9 =	sadd.s32 s10, s9  }
0xd: {  	v1 =	vimm.s32 $0x0;
	v3 =	vimm.s32 $0x1;
	v2 =	vmul.u32 $0xFFFFFFFF, v0;
	s10 =	sadd.s32 s10, s12;
	s11 =	smax.u32 s11, $0x1;
	s12 =	simm.s32 $0x80  }
.LBB2_265:
0xe: {  	[hbm4b:s10+s12] =	stream.strided.scatter [tilespmem:s15], [sflag:$0x4], $0x8000, s13, s12, $0x38;
	[tilespmem:$0x15000] =	vst v63  }
0xf: {  	s21 =	sadd.s32 $0x1, s21  }
0x10: {  	_ =	swait.ge [sflag:s18], $0x8000;
	p0 =	sne.s32 s21, s11  }
.Ltmp1:
0x11: {  	[sflag:s18] =	ssyncset.done $0x0;
	(pc) =	sbr.rel @!p0 .LBB2_266-.Ltmp1, $4  }
0x12: {  	[sflag:s18] =	ssyncadd.s32 $0xFFFF8000  }
0x13: {  	_ =	swait.ge [sflag:s19], $0x8000  }
0x14: {  	[sflag:s19] =	ssyncset.done $0x0  }
0x15: {  	[sflag:s19] =	ssyncadd.s32 $0xFFFF8000  }
.LBB2_1:
0x16: {  	[tilespmem:s2], [sflag:$0x1] =	stream.strided.gather [hbm4b:s3+s12], $0x8000, s13, s12, $0x38;
	[tilespmem:$0x15000] =	vst v63  }
0x17: {  	_ =	swait.ge [sflag:s14], $0x8000  }
0x18: {  	[sflag:s14] =	ssyncset.done $0x0  }
0x19: {  	s0 =	simm.s32 $0x40;
	[sflag:s14] =	ssyncadd.s32 $0xFFFF8000  }
0x1a: {  	[tilespmem:s15], [sflag:$0x2] =	stream.strided.gather [hbm4b:s4+s12], $0x8000, s13, s12, $0x38;
	[tilespmem:$0x15000] =	vst v63  }
0x1b: {  	v4 =	vld [tilespmem:s0+$0x30]  }
0x1c: {  	v5 =	vld [tilespmem:s0+$0x20]  }
0x1d: {  	v6 =	vld [tilespmem:s0+$0x10]  }
0x1e: {  	v7 =	vld [tilespmem:s0+$0x0]  }
0x1f: {  	v8 =	vld [tilespmem:s0+$0xFFFFFFF0]  }
0x20: {  	v9 =	vld [tilespmem:s0+$0xFFFFFFC0]  }
0x21: {  	v10 =	vld [tilespmem:s0+$0xFFFFFFD0]  }
0x22: {  	v11 =	vld [tilespmem:s0+$0xFFFFFFE0];
	_ =	sdelay $0x2  }
0x23: {  	v12 =	vand.u32 $0xFFF, v0;
	v15 =	vand.u32 $0x7FFFFFFF, v5;
	v19 =	vand.u32 $0x7FFFFFFF, v4  }
0x24: {  	v9 =	vand.u32 $0x7FFFFFFF, v9;
	v21 =	vand.u32 $0x7FFFFFFF, v7;
	v20 =	vand.u32 $0x7FFFFFFF, v6  }
0x25: {  	v4 =	vand.u32 $0x7FFFFFFF, v10;
	v5 =	vand.u32 $0x7FFFFFFF, v8;
	v6 =	vand.u32 $0x7FFFFFFF, v11  }
0x26: {  	vm1 =	vgt.u32 v9, $0x4037FFFF;
	vm2 =	vgt.u32 v4, $0x4037FFFF;
	vm3 =	vgt.u32 v6, $0x4037FFFF  }
0x27: {  	s31 =	simm.s32 $0xC0;
	vm0 =	vgt.u32 v5, $0x4037FFFF;
	vm6 =	vgt.u32 v21, $0x4037FFFF;
	v7 =	vsel vm1, $0x10, v1  }
0x28: {  	v16 =	vld [tilespmem:s31+$0x30];
	vm7 =	vgt.u32 v20, $0x4037FFFF;
	v8 =	vsel vm2, $0x10, v1;
	v7 =	vadd.s32 v0, v7  }
0x29: {  	v22 =	vld [tilespmem:s31+$0x10];
	vm4 =	vgt.u32 v15, $0x4037FFFF;
	v10 =	vsel vm3, $0x10, v1;
	v8 =	vadd.s32 v7, v8  }
0x2a: {  	v27 =	vld [tilespmem:s31+$0xFFFFFFD0];
	vm8 =	vgt.u32 v19, $0x4037FFFF;
	v11 =	vsel vm0, $0x10, v1;
	v10 =	vadd.s32 v8, v10  }
0x2b: {  	v18 =	vld [tilespmem:s31+$0x20];
	v13 =	vsel vm6, $0x10, v1;
	v14 =	vsel vm7, $0x10, v1;
	v11 =	vadd.s32 v10, v11  }
0x2c: {  	v25 =	vld [tilespmem:s31+$0xFFFFFFC0];
	v17 =	vsel vm4, $0x10, v1;
	vm2 =	vmmov vm2;
	v13 =	vadd.s32 v11, v13  }
0x2d: {  	v23 =	vld [tilespmem:s31+$0x0];
	vm5 =	vmmov vm3;
	v32 =	vand.u32 $0xFFF, v11;
	v14 =	vadd.s32 v13, v14  }
0x2e: {  	v24 =	vld [tilespmem:s31+$0xFFFFFFF0];
	[tilespmem:v12+s16+$0x0] =	vst.idx.msk vm1, v9;
	v9 =	vand.u32 $0x7FFFFFFF, v22;
	v26 =	vand.u32 $0xFFF, v14;
	v14 =	vadd.s32 v14, v17  }
0x2f: {  	v31 =	vld [tilespmem:s31+$0xFFFFFFE0];
	v12 =	vand.u32 $0x7FFFFFFF, v27;
	v28 =	vand.u32 $0xFFF, v13;
	v29 =	vand.u32 $0xFFF, v14  }
0x30: {  	v13 =	vand.u32 $0xFFF, v8;
	v8 =	vand.u32 $0x7FFFFFFF, v16;
	v17 =	vsel vm8, $0x10, v1  }
0x31: {  	v16 =	vand.u32 $0x7FFFFFFF, v25;
	v30 =	vadd.s32 v14, v17;
	v17 =	vand.u32 $0xFFF, v10  }
0x32: {  	vm1 =	vgt.u32 v12, $0x4037FFFF;
	v14 =	vand.u32 $0xFFF, v7;
	v10 =	vand.u32 $0x7FFFFFFF, v18;
	[tilespmem:v32+s16+$0x0] =	vst.idx.msk vm6, v21  }
0x33: {  	v7 =	vand.u32 $0x7FFFFFFF, v23;
	v18 =	vand.u32 $0x7FFFFFFF, v24;
	[tilespmem:v26+s16+$0x0] =	vst.idx.msk vm4, v15;
	vm4 =	vgt.u32 v16, $0x4037FFFF  }
0x34: {  	v11 =	vand.u32 $0xFFF, v30;
	[tilespmem:v29+s16+$0x0] =	vst.idx.msk vm8, v19;
	v15 =	vsel vm4, $0x10, v1;
	v19 =	vand.u32 $0x7FFFFFFF, v31  }
0x35: {  	s22 =	simm.s32 $0x80;
	s23 =	simm.s32 $0x140;
	[tilespmem:v28+s16+$0x0] =	vst.idx.msk vm7, v20;
	v20 =	vsel vm1, $0x10, v1;
	v15 =	vadd.s32 v30, v15;
	vm3 =	vgt.u32 v19, $0x4037FFFF  }
.LBB2_2:
0x36: {  	v21 =	vld [tilespmem:s23+$0x30];
	s22 =	sadd.s32 $0x80, s22;
	v20 =	vadd.s32 v15, v20;
	v22 =	vsel vm3, $0x10, v1;
	[tilespmem:v17+s16+$0x0] =	vst.idx.msk vm0, v5;
	vm0 =	vgt.u32 v18, $0x4037FFFF;
	v5 =	vmovc v18  }
0x37: {  	vm6 =	vgt.u32 v7, $0x4037FFFF;
	v18 =	vld [tilespmem:s23+$0x20];
	p0 =	slt.u32 s22, $0x7F80;
	v17 =	vadd.s32 v20, v22;
	v22 =	vsel vm0, $0x10, v1;
	[tilespmem:v13+s16+$0x0] =	vst.idx.msk vm5, v6;
	v6 =	vmovc v19  }
0x38: {  	vm7 =	vgt.u32 v9, $0x4037FFFF;
	v13 =	vsel vm6, $0x10, v1;
	v19 =	vld [tilespmem:s23+$0x10];
	v22 =	vadd.s32 v17, v22;
	[tilespmem:v14+s16+$0x0] =	vst.idx.msk vm2, v4;
	v4 =	vmovc v12  }
0x39: {  	v12 =	vld [tilespmem:s23+$0x0];
	[tilespmem:v11+s16+$0x0] =	vst.idx.msk vm4, v16;
	v11 =	vadd.s32 v22, v13;
	v13 =	vsel vm7, $0x10, v1;
	vm4 =	vgt.u32 v10, $0x4037FFFF  }
0x3a: {  	vm8 =	vgt.u32 v8, $0x4037FFFF;
	v23 =	vld [tilespmem:s23+$0xFFFFFFF0];
	v13 =	vadd.s32 v11, v13;
	v14 =	vsel vm4, $0x10, v1  }
0x3b: {  	v16 =	vld [tilespmem:s23+$0xFFFFFFC0];
	v24 =	vand.u32 $0xFFF, v13;
	v13 =	vadd.s32 v13, v14;
	v14 =	vsel vm8, $0x10, v1  }
0x3c: {  	v26 =	vand.u32 $0xFFF, v11;
	v25 =	vld [tilespmem:s23+$0xFFFFFFD0];
	v27 =	vand.u32 $0xFFF, v13;
	v28 =	vadd.s32 v13, v14  }
0x3d: {  	v17 =	vand.u32 $0xFFF, v17;
	v22 =	vand.u32 $0xFFF, v22;
	v13 =	vand.u32 $0xFFF, v20;
	v29 =	vld [tilespmem:s23+$0xFFFFFFE0]  }
0x3e: {  	vm2 =	vmmov vm1;
	v14 =	vand.u32 $0xFFF, v15;
	v11 =	vand.u32 $0xFFF, v28  }
.Ltmp2:
0x3f: {  	vm5 =	vmmov vm3;
	v15 =	vand.u32 $0x7FFFFFFF, v18;
	v20 =	vand.u32 $0x7FFFFFFF, v21;
	(pc) =	sbr.rel @p0 .LBB2_2-.Ltmp2, $4  }
0x40: {  	v30 =	vand.u32 $0x7FFFFFFF, v19;
	v21 =	vand.u32 $0x7FFFFFFF, v12;
	v16 =	vand.u32 $0x7FFFFFFF, v16;
	[tilespmem:v24+s16+$0x0] =	vst.idx.msk vm4, v10;
	v10 =	vmovc v15  }
0x41: {  	v18 =	vand.u32 $0x7FFFFFFF, v23;
	vm4 =	vgt.u32 v16, $0x4037FFFF;
	v12 =	vand.u32 $0x7FFFFFFF, v25;
	[tilespmem:v27+s16+$0x0] =	vst.idx.msk vm8, v8;
	v8 =	vmovc v20  }
0x42: {  	v15 =	vsel vm4, $0x10, v1;
	vm1 =	vgt.u32 v12, $0x4037FFFF;
	v19 =	vand.u32 $0x7FFFFFFF, v29;
	[tilespmem:v26+s16+$0x0] =	vst.idx.msk vm7, v9;
	v9 =	vmovc v30  }
0x43: {  	s23 =	sadd.s32 $0x80, s23;
	v15 =	vadd.s32 v28, v15;
	v20 =	vsel vm1, $0x10, v1;
	vm3 =	vgt.u32 v19, $0x4037FFFF;
	[tilespmem:v22+s16+$0x0] =	vst.idx.msk vm6, v7;
	v7 =	vmovc v21  }
0x44: {  	v21 =	vadd.s32 v15, v20;
	v20 =	vsel vm3, $0x10, v1;
	vm6 =	vgt.u32 v18, $0x4037FFFF  }
0x45: {  	vm7 =	vgt.u32 v7, $0x4037FFFF;
	v22 =	vadd.s32 v21, v20;
	v20 =	vsel vm6, $0x10, v1  }
0x46: {  	vm8 =	vgt.u32 v9, $0x4037FFFF;
	v23 =	vadd.s32 v22, v20;
	v20 =	vsel vm7, $0x10, v1  }
0x47: {  	vm10 =	vgt.u32 v10, $0x4037FFFF;
	v24 =	vadd.s32 v23, v20;
	v20 =	vsel vm8, $0x10, v1  }
0x48: {  	vm9 =	vgt.u32 v8, $0x4037FFFF;
	v25 =	vadd.s32 v24, v20;
	v20 =	vsel vm10, $0x10, v1  }
0x49: {  	v26 =	vadd.s32 v25, v20;
	v20 =	vsel vm9, $0x10, v1  }
0x4a: {  	v20 =	vadd.s32 v26, v20  }
0x4b: {  	v27 =	vadd.s32 v2, v20  }
0x4c: {  	v27 =	vshra.s32 v27, $0x4  }
0x4d: {  	v28 =	vxor.u32 $0x80000000, v27  }
0x4e: {  	(xrf0) =	vmax.scan.msk.u32 $0xffff, v28;
	_ =	sdelay $0x3  }
0x4f: {  	(xrf0) =	vmin.scan.msk.u32 $0xffff, v28;
	_ =	sdelay $0x1  }
0x50: {  	v57, _, _ =	vpop (xrf0)  }
0x51: {  	(v2sf) =	vpush v57, $0xF;
	_ =	sdelay $0x2  }
0x52: {  	v58, _, _ =	vpop (xrf0)  }
0x53: {  	(v2sf) =	vpush v58, $0xF  }
0x54: {  	(xrf0) =	vadd.scan.msk.s32 $0xffff, v27;
	_ =	sdelay $0x5  }
0x55: {  	v59, _, _ =	vpop (xrf0)  }
0x56: {  	(v2sf) =	vpush v59, $0xF;
	_ =	sdelay $0x2  }
0x57: {  	s0 =	spop (v2sf)  }
0x58: {  	vm1 =	vmmov vm1;
	v62 =	vand.u32 $0xFFF, v21;
	s22 =	sxor.u32 $0x80000000, s0  }
0x59: {  	[tilespmem:v17+s16+$0x0] =	vst.idx.msk vm0, v5;
	v63 =	vand.u32 $0xFFF, v15;
	p0 =	slt.s32 s22, $0x100;
	s0 =	smov.u32 s22  }
0x5a: {  	[tilespmem:v13+s16+$0x0] =	vst.idx.msk vm5, v6;
	v61 =	vand.u32 $0xFFF, v22;
	s0 =	simm.s32 @!p0 $0x100  }
0x5b: {  	[tilespmem:v14+s16+$0x0] =	vst.idx.msk vm2, v4;
	v4 =	vand.u32 $0xFFF, v23;
	s23 =	spop (v2sf);
	s25 =	sadd.s32 $0x3, s0  }
0x5c: {  	[tilespmem:v11+s16+$0x0] =	vst.idx.msk vm4, v16;
	v60 =	vand.u32 $0xFFF, v24;
	s30 =	sxor.u32 $0x80000000, s23;
	s31 =	sand.u32 $0xFFFFFFFC, s25  }
0x5d: {  	v25 =	vand.u32 $0xFFF, v25;
	[tilespmem:v62+s16+$0x0] =	vst.idx.msk vm3, v19;
	s0 =	ssub.s32 s31, s30  }
0x5e: {  	v5 =	vand.u32 $0xFFF, v26;
	[tilespmem:v63+s16+$0x0] =	vst.idx.msk vm1, v12;
	p0 =	slt.s32 s0, $0x1  }
.Ltmp3:
0x5f: {  	[tilespmem:v61+s16+$0x0] =	vst.idx.msk vm6, v18;
	(pc) =	sbr.rel @p0 .LBB2_7-.Ltmp3, $4  }
0x60: {  	[tilespmem:v4+s16+$0x0] =	vst.idx.msk vm7, v7  }
0x61: {  	[tilespmem:v60+s16+$0x0] =	vst.idx.msk vm8, v9  }
0x62: {  	[tilespmem:v25+s16+$0x0] =	vst.idx.msk vm10, v10  }
0x63: {  	vm15 =	vmmov vm3;
	[tilespmem:v5+s16+$0x0] =	vst.idx.msk vm9, v8;
	s23 =	sshra.s32 s25, $0x2;
	s24 =	spop (v2sf)  }
0x64: {  	p0 =	sne.s32 s0, $0x1  }
.Ltmp4:
0x65: {  	_ = 	snop;
	(pc) =	sbr.rel @!p0 .LBB2_6-.Ltmp4, $4  }
0x66: {  	s25 =	sshll.u32 s23, $0x6  }
0x67: {  	v4 =	vmov s25  }
0x68: {  	vm0 =	vlt.s32 v20, v4  }
0x69: {  	s0 =	sadd.s32 $0xFFFFFFFF, s0;
	v5 =	vand.u32 $0xFFF, v20;
	v6 =	vsel vm0, $0x10, v1  }
.LBB2_5:
0x6a: {  	p0 =	sne.s32 s0, $0x1;
	s0 =	sadd.s32 $0xFFFFFFFF, s0;
	v20 =	vadd.s32 v20, v6  }
.Ltmp5:
0x6b: {  	v6 =	vand.u32 $0xFFF, v20;
	(pc) =	sbr.rel @p0 .LBB2_5-.Ltmp5, $3  }
0x6c: {  	_ =	sdelay $0x1  }
0x6d: {  	[tilespmem:v5+s16+$0x0] =	vst.idx.msk vm0, v1;
	vm0 =	vlt.s32 v20, v4;
	v5 =	vmov v6  }
0x6e: {  	v6 =	vsel vm0, $0x10, v1  }
.LBB2_6:
0x6f: {  	_ =	sdelay $0x4  }
0x70: {  	[tilespmem:v5+s16+$0x0] =	vst.idx.msk vm0, v1  }
.LBB2_7:
0x71: {  	p0 =	sgt.s32 s24, $0x3F;
	p1 =	slt.s32 s22, $0x101  }
0x72: {  	p0 =	por !p0, !p1  }
0x73: {  	p0 =	por !p0, !p0  }
.Ltmp6:
0x74: {  	_ = 	snop;
	(pc) =	sbr.rel @!p0 .LBB2_30-.Ltmp6, $2  }
0x75: {  	_ =	sdelay $0x2  }
0x76: {  	s0 =	simm.s32 $0xFFFFFF80;
	s22 =	simm.s32 $0x10040  }
0x77: {  	p0 =	slt.s32 s23, $0x1  }
.Ltmp7:
0x78: {  	_ = 	snop;
	(pc) =	sbr.rel @p0 .LBB2_9-.Ltmp7, $1  }
0x79: {  	_ =	sdelay $0x3  }
0x7a: {  	p2 =	sne.s32 s23, $0x1  }
.Ltmp8:
0x7b: {  	_ = 	snop;
	(pc) =	sbr.rel @!p2 .LBB2_11-.Ltmp8, $3  }
0x7c: {  	_ =	sdelay $0x1  }
0x7d: {  	s22 =	simm.s32 $0x14020  }
0x7e: {  	v4 =	vimm.s32 $0x0;
	s0 =	sadd.s32 $0xFFFFFFFF, s23;
	p1 =	por $0x0, $0x0;
	v5 =	vld [tilespmem:s22+$0xFFFFFFE0]  }
0x7f: {  	_ = 	snop  }
0x80: {  	v8 =	vld [tilespmem:s22+$0xFFFFFFF0]  }
0x81: {  	p2 =	sne.s32 s0, $0x1  }
.Ltmp9:
0x82: {  	v6 =	vld [tilespmem:s22+$0x0];
	(pc) =	sbr.rel @!p2 .LBB2_14-.Ltmp9, $4  }
0x83: {  	vm0 =	vgt.s32 v4, v5  }
0x84: {  	v7 =	vld [tilespmem:s22+$0x10];
	v9 =	vsel vm0, v4, v5  }
0x85: {  	s22 =	simm.s32 $0x14060;
	vm0 =	vgt.s32 v9, v8  }
0x86: {  	s24 =	sadd.s32 $0xFFFFFFFF, s0;
	p1 =	por $0x1, $0x1;
	v5 =	vld [tilespmem:s22+$0xFFFFFFE0];
	v8 =	vsel vm0, v9, v8  }
.LBB2_13:
0x87: {  	p2 =	sne.s32 s24, $0x1;
	vm0 =	vgt.s32 v8, v6  }
0x88: {  	v9 =	vld [tilespmem:s22+$0xFFFFFFF0];
	v8 =	vsel vm0, v8, v6  }
0x89: {  	vm0 =	vgt.s32 v8, v7  }
.Ltmp10:
0x8a: {  	v6 =	vld [tilespmem:s22+$0x0];
	v7 =	vsel vm0, v8, v7;
	(pc) =	sbr.rel @p2 .LBB2_13-.Ltmp10, $4  }
0x8b: {  	vm0 =	vgt.s32 v7, v5  }
0x8c: {  	v8 =	vsel vm0, v7, v5;
	v7 =	vld [tilespmem:s22+$0x10]  }
0x8d: {  	s22 =	sadd.s32 $0x40, s22;
	vm0 =	vgt.s32 v8, v9  }
0x8e: {  	s24 =	sadd.s32 $0xFFFFFFFF, s24;
	v5 =	vld [tilespmem:s22+$0xFFFFFFE0];
	v8 =	vsel vm0, v8, v9  }
.LBB2_14:
0x8f: {  	vm0 =	vgt.s32 @p1 v8, v6  }
0x90: {  	v6 =	vsel @p1 vm0, v8, v6  }
0x91: {  	v63 =	vld [tilespmem:s22+$0xFFFFFFF0];
	vm0 =	vgt.s32 @p1 v6, v7  }
0x92: {  	v6 =	vsel @p1 vm0, v6, v7  }
0x93: {  	v7 =	vld [tilespmem:s22+$0x0];
	v4 =	vpsel p1, v6, v4  }
0x94: {  	vm15 =	vgt.s32 v4, v5  }
0x95: {  	v4 =	vsel vm15, v4, v5;
	v5 =	vld [tilespmem:s22+$0x10]  }
0x96: {  	vm0 =	vgt.s32 v4, v63  }
0x97: {  	v4 =	vsel vm0, v4, v63  }
.Ltmp11:
0x98: {  	vm0 =	vgt.s32 v4, v7;
	(pc) =	sbr.rel .LBB2_15-.Ltmp11, $4  }
0x99: {  	v4 =	vsel vm0, v4, v7  }
0x9a: {  	vm0 =	vgt.s32 v4, v5  }
0x9b: {  	v4 =	vsel vm0, v4, v5  }
0x9c: {  	v4 =	vxor.u32 $0x80000000, v4  }
.LBB2_30:
0x9d: {  	v5 =	vimm.s32 $0x0  }
0x9e: {  	[tilespmem:s22+$0x30] =	vst v5  }
0x9f: {  	[tilespmem:s22+$0xFFFFFFC0] =	vst v5  }
0xa0: {  	[tilespmem:s22+$0xFFFFFFD0] =	vst v5  }
0xa1: {  	[tilespmem:s22+$0xFFFFFFE0] =	vst v5  }
0xa2: {  	[tilespmem:s22+$0xFFFFFFF0] =	vst v5  }
0xa3: {  	[tilespmem:s22+$0x0] =	vst v5  }
0xa4: {  	s0 =	sadd.s32 $0x80, s0;
	[tilespmem:s22+$0x10] =	vst v5  }
.LBB2_31:
0xa5: {  	s0 =	sadd.s32 $0x80, s0;
	[tilespmem:s22+$0x20] =	vst v5;
	s22 =	sadd.s32 $0x80, s22  }
0xa6: {  	s23 =	simm.s32 $0x40;
	[tilespmem:s22+$0x30] =	vst v5;
	p0 =	slt.u32 s0, $0x3F80  }
0xa7: {  	[tilespmem:s22+$0xFFFFFFC0] =	vst v5  }
.Ltmp12:
0xa8: {  	[tilespmem:s22+$0xFFFFFFD0] =	vst v5;
	(pc) =	sbr.rel @p0 .LBB2_31-.Ltmp12, $4  }
0xa9: {  	[tilespmem:s22+$0xFFFFFFE0] =	vst v5  }
0xaa: {  	[tilespmem:s22+$0xFFFFFFF0] =	vst v5  }
0xab: {  	[tilespmem:s22+$0x0] =	vst v5  }
0xac: {  	[tilespmem:s22+$0x10] =	vst v5  }
0xad: {  	[tilespmem:s22+$0x20] =	vst v5  }
0xae: {  	v7 =	vld [tilespmem:s23+$0x30]  }
0xaf: {  	v8 =	vld [tilespmem:s23+$0x20];
	_ =	sdelay $0x1  }
0xb0: {  	v4 =	vld [tilespmem:s23+$0x10]  }
0xb1: {  	v12 =	vld [tilespmem:s23+$0xFFFFFFD0]  }
0xb2: {  	v6 =	vshrl.u32 v7, $0x11  }
0xb3: {  	v16 =	vld [tilespmem:s23+$0xFFFFFFF0];
	v9 =	vshrl.u32 v8, $0x11;
	v6 =	vand.u32 $0x3FF0, v6  }
0xb4: {  	v10 =	vld [tilespmem:s23+$0xFFFFFFC0];
	v9 =	vand.u32 $0x3FF0, v9;
	v14 =	vor.u32 v0, v6  }
0xb5: {  	v6 =	vld [tilespmem:s23+$0x0];
	v17 =	vor.u32 v0, v9;
	v9 =	vshrl.u32 v4, $0x11  }
0xb6: {  	v11 =	vshrl.u32 v12, $0x11;
	v13 =	vand.u32 $0x3FF0, v9  }
0xb7: {  	v9 =	vand.u32 $0x3FF0, v11;
	v11 =	vor.u32 v0, v13;
	_ =	sdelay $0x1  }
0xb8: {  	v15 =	vshrl.u32 v10, $0x11;
	v13 =	vand.u32 $0x7FFFFFFF, v10;
	v10 =	vand.u32 $0x7FFFFFFF, v16;
	[tilespmem:v14+s20+$0x0] =	vst.idx.add.s32.msk $0xffff, v3  }
0xb9: {  	vm0 =	vgt.s32 v5, v13;
	v14 =	vand.u32 $0x3FF0, v15;
	v18 =	vshrl.u32 v6, $0x11;
	[tilespmem:v17+s20+$0x0] =	vst.idx.add.s32.msk $0xffff, v3  }
0xba: {  	s22 =	simm.s32 $0x0;
	v15 =	vand.u32 $0x7FFFFFFF, v12;
	v12 =	vld [tilespmem:s23+$0xFFFFFFE0];
	v17 =	vshrl.u32 v16, $0x11;
	s23 =	simm.s32 $0xC0;
	v16 =	vand.u32 $0x3FF0, v18  }
.LBB2_33:
0xbb: {  	s22 =	sadd.s32 $0x80, s22;
	v17 =	vand.u32 $0x3FF0, v17;
	[tilespmem:v11+s20+$0x0] =	vst.idx.add.s32.msk $0xffff, v3  }
0xbc: {  	v16 =	vor.u32 v0, v16;
	v11 =	vld [tilespmem:s23+$0x30];
	p0 =	slt.u32 s22, $0x7F80;
	v17 =	vor.u32 v0, v17  }
0xbd: {  	v14 =	vor.u32 v0, v14;
	v19 =	vand.u32 $0x7FFFFFFF, v7;
	v18 =	vld [tilespmem:s23+$0x20]  }
0xbe: {  	v20 =	vand.u32 $0x7FFFFFFF, v6;
	v21 =	vand.u32 $0x7FFFFFFF, v4;
	v22 =	vand.u32 $0x7FFFFFFF, v8;
	v6 =	vld [tilespmem:s23+$0x0]  }
0xbf: {  	v5 =	vsel vm0, v5, v13;
	v9 =	vor.u32 v0, v9;
	v4 =	vld [tilespmem:s23+$0x10];
	v8 =	vshrl.u32 v12, $0x11  }
0xc0: {  	v5 =	vmax.u32 v5, v15;
	v25 =	vand.u32 $0x7FFFFFFF, v12;
	v23 =	vld [tilespmem:s23+$0xFFFFFFD0];
	v15 =	vand.u32 $0x3FF0, v8  }
0xc1: {  	v5 =	vmax.u32 v5, v25;
	v24 =	vld [tilespmem:s23+$0xFFFFFFF0];
	v12 =	vshrl.u32 v11, $0x11;
	v13 =	vor.u32 v0, v15;
	v7 =	vmovc v11  }
0xc2: {  	v5 =	vmax.u32 v5, v10;
	v11 =	vshrl.u32 v18, $0x11;
	v12 =	vand.u32 $0x3FF0, v12;
	[tilespmem:v14+s20+$0x0] =	vst.idx.add.s32.msk $0xffff, v3;
	v8 =	vmovc v18  }
0xc3: {  	v5 =	vmax.u32 v5, v20;
	v10 =	vld [tilespmem:s23+$0xFFFFFFC0];
	v11 =	vand.u32 $0x3FF0, v11;
	v12 =	vor.u32 v0, v12  }
0xc4: {  	v5 =	vmax.u32 v5, v21;
	v14 =	vshrl.u32 v4, $0x11;
	v18 =	vor.u32 v0, v11;
	[tilespmem:v9+s20+$0x0] =	vst.idx.add.s32.msk $0xffff, v3  }
0xc5: {  	v5 =	vmax.u32 v5, v22;
	v9 =	vshrl.u32 v23, $0x11;
	v11 =	vand.u32 $0x3FF0, v14;
	[tilespmem:v17+s20+$0x0] =	vst.idx.add.s32.msk $0xffff, v3  }
.Ltmp13:
0xc6: {  	v5 =	vmax.u32 v5, v19;
	v9 =	vand.u32 $0x3FF0, v9;
	v11 =	vor.u32 v0, v11;
	[tilespmem:v13+s20+$0x0] =	vst.idx.add.s32.msk $0xffff, v3;
	(pc) =	sbr.rel @p0 .LBB2_33-.Ltmp13, $4  }
0xc7: {  	[tilespmem:v16+s20+$0x0] =	vst.idx.add.s32.msk $0xffff, v3  }
0xc8: {  	v13 =	vand.u32 $0x7FFFFFFF, v10;
	v14 =	vshrl.u32 v10, $0x11;
	v10 =	vand.u32 $0x7FFFFFFF, v24;
	[tilespmem:v12+s20+$0x0] =	vst.idx.add.s32.msk $0xffff, v3  }
0xc9: {  	v15 =	vand.u32 $0x7FFFFFFF, v23;
	v16 =	vshrl.u32 v6, $0x11;
	v14 =	vand.u32 $0x3FF0, v14;
	[tilespmem:v18+s20+$0x0] =	vst.idx.add.s32.msk $0xffff, v3  }
0xca: {  	v17 =	vshrl.u32 v24, $0x11;
	v16 =	vand.u32 $0x3FF0, v16;
	vm0 =	vgt.s32 v5, v13;
	v12 =	vld [tilespmem:s23+$0xFFFFFFE0];
	s23 =	sadd.s32 $0x80, s23  }
0xcb: {  	_ =	sdelay $0x2  }
0xcc: {  	v5 =	vsel vm0, v5, v13  }
0xcd: {  	v5 =	vmax.u32 v5, v15;
	v59 =	vand.u32 $0x7FFFFFFF, v12  }
0xce: {  	v5 =	vmax.u32 v5, v59  }
0xcf: {  	v6 =	vand.u32 $0x7FFFFFFF, v6;
	v5 =	vmax.u32 v5, v10  }
0xd0: {  	v4 =	vand.u32 $0x7FFFFFFF, v4;
	v5 =	vmax.u32 v5, v6  }
0xd1: {  	v60 =	vand.u32 $0x7FFFFFFF, v8;
	v4 =	vmax.u32 v5, v4  }
0xd2: {  	v5 =	vand.u32 $0x7FFFFFFF, v7;
	v4 =	vmax.u32 v4, v60  }
0xd3: {  	v4 =	vmax.u32 v4, v5  }
0xd4: {  	v4 =	vxor.u32 $0x80000000, v4  }
0xd5: {  	(xrf0) =	vmax.scan.msk.u32 $0xffff, v4;
	_ =	sdelay $0x5  }
0xd6: {  	v4, _, _ =	vpop (xrf0)  }
0xd7: {  	(v2sf) =	vpush v4, $0xF;
	_ =	sdelay $0xc  }
0xd8: {  	v61 =	vor.u32 v0, v9;
	v62 =	vshrl.u32 v12, $0x11  }
0xd9: {  	v63 =	vor.u32 v0, v16;
	v7 =	vand.u32 $0x3FF0, v62  }
0xda: {  	v7 =	vor.u32 v0, v7;
	v5 =	vand.u32 $0x3FF0, v17;
	s0 =	spop (v2sf)  }
0xdb: {  	v5 =	vor.u32 v0, v5;
	s0 =	sshra.s32 s0, $0x15  }
0xdc: {  	[tilespmem:v11+s20+$0x0] =	vst.idx.add.s32.msk $0xffff, v3;
	v4 =	vor.u32 v0, v14;
	p0 =	sgt.s32 s0, $0xFFFFFFFF  }
.Ltmp14:
0xdd: {  	[tilespmem:v61+s20+$0x0] =	vst.idx.add.s32.msk $0xffff, v3;
	(pc) =	sbr.rel @!p0 .LBB2_36-.Ltmp14, $4  }
0xde: {  	[tilespmem:v63+s20+$0x0] =	vst.idx.add.s32.msk $0xffff, v3  }
0xdf: {  	[tilespmem:v7+s20+$0x0] =	vst.idx.add.s32.msk $0xffff, v3  }
0xe0: {  	[tilespmem:v5+s20+$0x0] =	vst.idx.add.s32.msk $0xffff, v3  }
0xe1: {  	s22 =	simm.s32 $0x0;
	[tilespmem:v4+s20+$0x0] =	vst.idx.add.s32.msk $0xffff, v3;
	s23 =	sxor.u32 $0xFFFFFC00, s0  }
.Ltmp15:
0xe2: {  	(pc) =	sbr.rel .LBB2_39-.Ltmp15, $2  }
0xe3: {  	_ =	sdelay $0x2  }
0xe4: {  	s24 =	simm.s32 $0x0  }
.LBB2_9:
0xe5: {  	v4 =	vimm.s32 $0x80000000  }
.LBB2_15:
0xe6: {  	(xrf0) =	vmax.scan.msk.u32 $0xffff, v4;
	_ =	sdelay $0x5  }
0xe7: {  	v4, _, _ =	vpop (xrf0)  }
0xe8: {  	(v2sf) =	vpush v4, $0xF;
	_ =	sdelay $0xe  }
0xe9: {  	s0 =	spop (v2sf)  }
0xea: {  	s24 =	sxor.u32 $0x80000000, s0  }
0xeb: {  	p1 =	sgt.s32 s24, $0x40380000  }
.Ltmp16:
0xec: {  	_ = 	snop;
	(pc) =	sbr.rel @p1 .LBB2_18-.Ltmp16, $2  }
0xed: {  	_ =	sdelay $0x2  }
0xee: {  	s22 =	simm.s32 $0x40380000  }
.LBB2_16:
.Ltmp17:
0xef: {  	(pc) =	sbr.rel @p0 .LBB2_17-.Ltmp17, $1  }
0xf0: {  	_ =	sdelay $0x3  }
0xf1: {  	p1 =	sne.s32 s23, $0x1  }
.Ltmp18:
0xf2: {  	s0 =	simm.s32 $0x14020;
	(pc) =	sbr.rel @!p1 .LBB2_25-.Ltmp18, $4  }
0xf3: {  	v6 =	vld [tilespmem:s0+$0x10]  }
0xf4: {  	v8 =	vld [tilespmem:s0+$0x0]  }
0xf5: {  	v7 =	vld [tilespmem:s0+$0xFFFFFFF0]  }
0xf6: {  	v5 =	vmov s22;
	v4 =	vimm.s32 $0x0;
	s24 =	sadd.s32 $0xFFFFFFFF, s23;
	p0 =	por $0x0, $0x0;
	v9 =	vld [tilespmem:s0+$0xFFFFFFE0]  }
0xf7: {  	_ = 	snop  }
0xf8: {  	vm1 =	vge.s32 v6, v5  }
0xf9: {  	s23 =	simm.s32 $0x14060;
	p1 =	sne.s32 s24, $0x1;
	vm0 =	veq.s32 v6, v5;
	vm2 =	vge.s32 v8, v5;
	vm3 =	veq.s32 v8, v5  }
.Ltmp19:
0xfa: {  	v6 =	vld [tilespmem:s23+$0x10];
	v10 =	vsel vm1, $0x1, v1;
	vm5 =	vge.s32 v7, v5;
	vm6 =	veq.s32 v7, v5;
	(pc) =	sbr.rel @!p1 .LBB2_28-.Ltmp19, $4  }
0xfb: {  	v8 =	vld [tilespmem:s23+$0x0];
	v11 =	vsel vm2, $0x1, v1;
	vm4 =	vge.s32 v9, v5;
	vm7 =	veq.s32 v9, v5  }
0xfc: {  	v7 =	vld [tilespmem:s23+$0xFFFFFFF0];
	v13 =	vsel vm5, $0x1, v1;
	v9 =	vsel vm4, $0x1, v1;
	v12 =	vsel vm7, $0x1, v1  }
0xfd: {  	v16 =	vsel vm6, $0x1, v1;
	v14 =	vadd.s32 v9, v4;
	v15 =	vadd.s32 v12, v4;
	v9 =	vld [tilespmem:s23+$0xFFFFFFE0]  }
0xfe: {  	s24 =	sadd.s32 $0xFFFFFFFF, s24;
	p0 =	por $0x1, $0x1;
	v12 =	vadd.s32 v13, v14;
	v13 =	vadd.s32 v16, v15;
	v14 =	vsel vm3, $0x1, v1  }
.LBB2_27:
0xff: {  	p1 =	sne.s32 s24, $0x1;
	v11 =	vadd.s32 v11, v12;
	v12 =	vadd.s32 v14, v13;
	v13 =	vsel vm0, $0x1, v1  }
0x100: {  	vm1 =	vge.s32 v6, v5;
	v14 =	vadd.s32 v10, v11;
	v12 =	vadd.s32 v13, v12  }
0x101: {  	vm0 =	veq.s32 v6, v5;
	s23 =	sadd.s32 $0x40, s23;
	vm2 =	vge.s32 v8, v5;
	vm3 =	veq.s32 v8, v5  }
.Ltmp20:
0x102: {  	vm5 =	vge.s32 v7, v5;
	vm6 =	veq.s32 v7, v5;
	v6 =	vld [tilespmem:s23+$0x10];
	vm4 =	vge.s32 v9, v5;
	(pc) =	sbr.rel @p1 .LBB2_27-.Ltmp20, $4  }
0x103: {  	v10 =	vsel vm1, $0x1, v1;
	v11 =	vsel vm2, $0x1, v1;
	vm7 =	veq.s32 v9, v5;
	v8 =	vld [tilespmem:s23+$0x0]  }
0x104: {  	v16 =	vsel vm5, $0x1, v1;
	v13 =	vsel vm4, $0x1, v1;
	v15 =	vsel vm7, $0x1, v1;
	v7 =	vld [tilespmem:s23+$0xFFFFFFF0]  }
0x105: {  	v13 =	vadd.s32 v13, v14;
	v14 =	vadd.s32 v15, v12;
	v15 =	vsel vm6, $0x1, v1;
	v9 =	vld [tilespmem:s23+$0xFFFFFFE0]  }
0x106: {  	s24 =	sadd.s32 $0xFFFFFFFF, s24;
	v12 =	vadd.s32 v16, v13;
	v13 =	vadd.s32 v15, v14;
	v14 =	vsel vm3, $0x1, v1  }
.LBB2_28:
0x107: {  	v11 =	vadd.s32 @p0 v11, v12;
	v12 =	vadd.s32 @p0 v14, v13  }
0x108: {  	v13 =	vsel @p0 vm0, $0x1, v1;
	vm15 =	vge.s32 v6, v5;
	vm3 =	veq.s32 v6, v5  }
0x109: {  	v10 =	vadd.s32 @p0 v10, v11;
	v11 =	vadd.s32 @p0 v13, v12;
	vm1 =	vge.s32 v8, v5  }
0x10a: {  	vm2 =	veq.s32 v8, v5;
	v6 =	vsel vm15, $0x1, v1;
	vm5 =	vge.s32 v7, v5  }
0x10b: {  	vm6 =	veq.s32 v7, v5;
	v10 =	vpsel p0, v10, v4;
	v4 =	vpsel p0, v11, v4  }
0x10c: {  	v63 =	vsel vm2, $0x1, v1;
	vm4 =	vge.s32 v9, v5;
	vm7 =	veq.s32 v9, v5  }
.Ltmp21:
0x10d: {  	v61 =	vsel vm5, $0x1, v1;
	v7 =	vsel vm4, $0x1, v1;
	v60 =	vsel vm7, $0x1, v1;
	(pc) =	sbr.rel .LBB2_29-.Ltmp21, $4  }
0x10e: {  	v62 =	vsel vm6, $0x1, v1;
	v7 =	vadd.s32 v7, v10;
	v4 =	vadd.s32 v60, v4  }
0x10f: {  	v5 =	vsel vm1, $0x1, v1;
	v7 =	vadd.s32 v61, v7;
	v4 =	vadd.s32 v62, v4  }
0x110: {  	v5 =	vadd.s32 v5, v7;
	v4 =	vadd.s32 v63, v4;
	v7 =	vsel vm3, $0x1, v1  }
0x111: {  	v5 =	vadd.s32 v6, v5;
	v4 =	vadd.s32 v7, v4  }
.LBB2_19:
0x112: {  	v4 =	vimm.s32 $0x0  }
.LBB2_23:
0x113: {  	(xrf0) =	vadd.scan.msk.s32 $0xffff, v4;
	_ =	sdelay $0x5  }
0x114: {  	v4, _, _ =	vpop (xrf0)  }
0x115: {  	(v2sf) =	vpush v4, $0xF;
	_ =	sdelay $0xe  }
0x116: {  	s0 =	spop (v2sf)  }
0x117: {  	p1 =	sgt.s32 s0, $0x3F;
	s0 =	sadd.s32 $0xFFFFFFFF, s25  }
0x118: {  	s22 =	smov.u32 @p1 s25;
	s0 =	smov.u32 @p1 s24  }
0x119: {  	p1 =	slt.s32 s22, s0  }
.Ltmp22:
0x11a: {  	_ = 	snop;
	(pc) =	sbr.rel @!p1 .LBB2_16-.Ltmp22, $2  }
0x11b: {  	_ =	sdelay $0x2  }
0x11c: {  	s24 =	smov.u32 s0  }
.LBB2_18:
.Ltmp23:
0x11d: {  	(pc) =	sbr.rel @p0 .LBB2_19-.Ltmp23, $4  }
0x11e: {  	s0 =	ssub.s32 s24, s22  }
0x11f: {  	s0 =	sadd.s32 $0x1, s0  }
0x120: {  	s0 =	sshra.s32 s0, $0x1  }
0x121: {  	s25 =	sadd.s32 s22, s0  }
0x122: {  	s0 =	simm.s32 $0x14020  }
0x123: {  	p1 =	sne.s32 s23, $0x1;
	v9 =	vld [tilespmem:s0+$0xFFFFFFE0]  }
.Ltmp24:
0x124: {  	v5 =	vld [tilespmem:s0+$0xFFFFFFF0];
	(pc) =	sbr.rel @!p1 .LBB2_22-.Ltmp24, $4  }
0x125: {  	v6 =	vld [tilespmem:s0+$0x0]  }
0x126: {  	v7 =	vld [tilespmem:s0+$0x10]  }
0x127: {  	v4 =	vmov s25  }
0x128: {  	v8 =	vimm.s32 $0x0;
	s26 =	sadd.s32 $0xFFFFFFFF, s23;
	s28 =	simm.s32 $0x14060;
	vm0 =	vge.s32 v9, v4  }
.LBB2_21:
0x129: {  	v9 =	vld [tilespmem:s28+$0xFFFFFFE0];
	p1 =	sne.s32 s26, $0x1;
	s26 =	sadd.s32 $0xFFFFFFFF, s26;
	v10 =	vsel vm0, $0x1, v1;
	vm0 =	vge.s32 v5, v4  }
.Ltmp25:
0x12a: {  	v5 =	vld [tilespmem:s28+$0xFFFFFFF0];
	v8 =	vadd.s32 v10, v8;
	v10 =	vsel vm0, $0x1, v1;
	vm0 =	vge.s32 v6, v4;
	(pc) =	sbr.rel @p1 .LBB2_21-.Ltmp25, $4  }
0x12b: {  	v6 =	vld [tilespmem:s28+$0x0];
	v8 =	vadd.s32 v10, v8;
	v10 =	vsel vm0, $0x1, v1;
	vm0 =	vge.s32 v7, v4  }
0x12c: {  	v7 =	vld [tilespmem:s28+$0x10];
	v8 =	vadd.s32 v10, v8;
	v10 =	vsel vm0, $0x1, v1  }
0x12d: {  	v8 =	vadd.s32 v10, v8  }
0x12e: {  	s28 =	sadd.s32 $0x40, s28;
	vm0 =	vge.s32 v9, v4  }
.LBB2_22:
.Ltmp26:
0x12f: {  	v9 =	vsel vm0, $0x1, v1;
	vm13 =	vge.s32 v5, v4;
	(pc) =	sbr.rel .LBB2_23-.Ltmp26, $4  }
0x130: {  	v5 =	vadd.s32 v9, v8;
	v63 =	vsel vm13, $0x1, v1;
	vm14 =	vge.s32 v6, v4  }
0x131: {  	v5 =	vadd.s32 v63, v5;
	v6 =	vsel vm14, $0x1, v1;
	vm15 =	vge.s32 v7, v4  }
0x132: {  	v4 =	vadd.s32 v6, v5;
	v5 =	vsel vm15, $0x1, v1  }
0x133: {  	v4 =	vadd.s32 v5, v4  }
.LBB2_36:
0x134: {  	s0 =	sshll.u32 s23, $0x6  }
0x135: {  	s0 =	sshra.s32 s0, $0x2  }
0x136: {  	s22 =	simm.s32 $0x0;
	s0 =	sadd.s32 $0x10000, s0  }
.LBB2_37:
0x137: {  	v4 =	vld [tilespmem:s0+$0x0];
	_ =	sdelay $0x4  }
0x138: {  	(xrf0) =	vadd.scan.msk.s32 $0xffff, v4;
	_ =	sdelay $0x5  }
0x139: {  	v4, _, _ =	vpop (xrf0)  }
0x13a: {  	(v2sf) =	vpush v4, $0xF;
	_ =	sdelay $0xe  }
0x13b: {  	s24 =	spop (v2sf)  }
0x13c: {  	p0 =	slt.s32 s23, $0x1;
	s22 =	sadd.s32 s22, s24  }
0x13d: {  	p1 =	slt.s32 @!p0 s22, $0x40  }
0x13e: {  	p1 =	por p0, !p1  }
.Ltmp27:
0x13f: {  	_ = 	snop;
	(pc) =	sbr.rel @!p1 .LBB2_37-.Ltmp27, $2  }
0x140: {  	_ =	sdelay $0x2  }
0x141: {  	s23 =	sadd.s32 $0xFFFFFFFF, s23;
	s0 =	sadd.s32 $0xFFFFFFF0, s0  }
0x142: {  	s23 =	smov.u32 @p0 s23;
	s22 =	smov.u32 @p0 s22;
	s24 =	smov.u32 @p0 s24  }
.LBB2_39:
0x143: {  	s0 =	simm.s32 $0x40  }
0x144: {  	v4 =	vld [tilespmem:s0+$0x30]  }
0x145: {  	v6 =	vld [tilespmem:s0+$0x20]  }
0x146: {  	v7 =	vld [tilespmem:s0+$0x10]  }
0x147: {  	v8 =	vld [tilespmem:s0+$0x0]  }
0x148: {  	v9 =	vld [tilespmem:s0+$0xFFFFFFF0]  }
0x149: {  	v10 =	vld [tilespmem:s0+$0xFFFFFFE0]  }
0x14a: {  	v11 =	vld [tilespmem:s0+$0xFFFFFFD0]  }
0x14b: {  	v12 =	vld [tilespmem:s0+$0xFFFFFFC0]  }
0x14c: {  	s25 =	sshll.u32 s23, $0x15;
	v13 =	vlaneseq.u32  }
0x14d: {  	s23 =	sadd.s32 $0x200000, s25;
	v14 =	vand.u32 $0xFFF, v13  }
0x14e: {  	v5 =	vmov s23;
	v15 =	vand.u32 $0x7FFFFFFF, v4;
	v16 =	vand.u32 $0x7FFFFFFF, v8  }
0x14f: {  	v19 =	vand.u32 $0x7FFFFFFF, v7;
	v7 =	vand.u32 $0x7FFFFFFF, v6;
	v4 =	vand.u32 $0x7FFFFFFF, v11  }
0x150: {  	v23 =	vand.u32 $0x7FFFFFFF, v10;
	v22 =	vand.u32 $0x7FFFFFFF, v9;
	v6 =	vand.u32 $0x7FFFFFFF, v12  }
0x151: {  	v8 =	vsub.s32 v7, v5;
	v9 =	vsub.s32 v6, v5;
	v10 =	vsub.s32 v16, v5  }
0x152: {  	v11 =	vsub.s32 v19, v5;
	v12 =	vsub.s32 v22, v5;
	vm1 =	vlt.u32 v9, $0x200000  }
0x153: {  	v9 =	vsub.s32 v4, v5;
	vm0 =	vlt.u32 v12, $0x200000;
	vm2 =	vlt.u32 v10, $0x200000  }
0x154: {  	v17 =	vsel vm1, $0x10, v1;
	vm3 =	vlt.u32 v9, $0x200000;
	v9 =	vsub.s32 v23, v5  }
0x155: {  	s31 =	simm.s32 $0xC0;
	v13 =	vadd.s32 v13, v17;
	v17 =	vsel vm3, $0x10, v1;
	vm4 =	vlt.u32 v9, $0x200000  }
0x156: {  	v24 =	vld [tilespmem:s31+$0x0];
	vm5 =	vlt.u32 v11, $0x200000;
	v17 =	vadd.s32 v13, v17;
	v18 =	vsel vm4, $0x10, v1  }
0x157: {  	v12 =	vld [tilespmem:s31+$0x20];
	vm6 =	vlt.u32 v8, $0x200000;
	v20 =	vsel vm0, $0x10, v1;
	v18 =	vadd.s32 v17, v18  }
0x158: {  	v10 =	vld [tilespmem:s31+$0x10];
	v8 =	vsub.s32 v15, v5;
	v21 =	vsel vm2, $0x10, v1;
	v20 =	vadd.s32 v18, v20  }
0x159: {  	v26 =	vsel vm6, $0x10, v1;
	v9 =	vld [tilespmem:s31+$0x30];
	v11 =	vadd.s32 v20, v21;
	v21 =	vsel vm5, $0x10, v1  }
0x15a: {  	v61 =	vld [tilespmem:s31+$0xFFFFFFD0];
	vm7 =	vlt.u32 v8, $0x200000;
	v34 =	vand.u32 $0xFFF, v20;
	v21 =	vadd.s32 v11, v21  }
0x15b: {  	v25 =	vld [tilespmem:s31+$0xFFFFFFF0];
	v28 =	vand.u32 $0xFFF, v21;
	v8 =	vadd.s32 v21, v26;
	v21 =	vsel vm7, $0x10, v1  }
0x15c: {  	v13 =	vand.u32 $0xFFF, v13;
	v29 =	vand.u32 $0xFFF, v8;
	v31 =	vadd.s32 v8, v21;
	v21 =	vld [tilespmem:s31+$0xFFFFFFC0]  }
0x15d: {  	v32 =	vand.u32 $0xFFF, v17;
	v33 =	vand.u32 $0xFFF, v18;
	v30 =	vand.u32 $0xFFF, v11  }
0x15e: {  	v27 =	vld [tilespmem:s31+$0xFFFFFFE0];
	[tilespmem:v14+s16+$0x0] =	vst.idx.msk vm1, v6;
	v6 =	vand.u32 $0x7FFFFFFF, v9;
	v9 =	vand.u32 $0x7FFFFFFF, v10;
	v10 =	vand.u32 $0x7FFFFFFF, v12  }
0x15f: {  	vm1 =	vmmov vm3;
	v12 =	vand.u32 $0x7FFFFFFF, v61;
	v18 =	vsub.s32 v10, v5  }
0x160: {  	v14 =	vand.u32 $0x7FFFFFFF, v25;
	v17 =	vsub.s32 v6, v5;
	v62 =	vsub.s32 v12, v5;
	[tilespmem:v34+s16+$0x0] =	vst.idx.msk vm2, v16  }
0x161: {  	v8 =	vand.u32 $0x7FFFFFFF, v24;
	v11 =	vand.u32 $0xFFF, v31;
	[tilespmem:v29+s16+$0x0] =	vst.idx.msk vm7, v15;
	v15 =	vand.u32 $0x7FFFFFFF, v21  }
0x162: {  	v20 =	vsub.s32 v8, v5;
	vm2 =	vlt.u32 v62, $0x200000;
	[tilespmem:v30+s16+$0x0] =	vst.idx.msk vm5, v19;
	v21 =	vsub.s32 v15, v5  }
0x163: {  	v19 =	vsub.s32 v9, v5;
	[tilespmem:v28+s16+$0x0] =	vst.idx.msk vm6, v7;
	v7 =	vand.u32 $0x7FFFFFFF, v27;
	vm3 =	vlt.u32 v21, $0x200000  }
0x164: {  	[tilespmem:v33+s16+$0x0] =	vst.idx.msk vm0, v22;
	v22 =	vsel vm2, $0x10, v1;
	v63 =	vsub.s32 v7, v5;
	v16 =	vsel vm3, $0x10, v1  }
0x165: {  	s26 =	simm.s32 $0x80;
	s28 =	simm.s32 $0x140;
	[tilespmem:v32+s16+$0x0] =	vst.idx.msk vm4, v23;
	vm0 =	vlt.u32 v63, $0x200000;
	v21 =	vsub.s32 v14, v5;
	v16 =	vadd.s32 v31, v16  }
.LBB2_40:
0x166: {  	v23 =	vld [tilespmem:s28+$0x30];
	v22 =	vadd.s32 v16, v22;
	v25 =	vsel vm0, $0x10, v1;
	vm4 =	vlt.u32 v21, $0x200000;
	[tilespmem:v13+s16+$0x0] =	vst.idx.msk vm1, v4;
	v4 =	vmovc v12  }
0x167: {  	vm5 =	vlt.u32 v20, $0x200000;
	v24 =	vmovc v14;
	v12 =	vld [tilespmem:s28+$0x20];
	v13 =	vadd.s32 v22, v25;
	v21 =	vsel vm4, $0x10, v1  }
0x168: {  	s26 =	sadd.s32 $0x80, s26;
	vm6 =	vlt.u32 v19, $0x200000;
	v14 =	vld [tilespmem:s28+$0x10];
	v20 =	vadd.s32 v13, v21;
	v21 =	vsel vm5, $0x10, v1  }
0x169: {  	p0 =	slt.u32 s26, $0x7F80;
	v19 =	vld [tilespmem:s28+$0x0];
	[tilespmem:v11+s16+$0x0] =	vst.idx.msk vm3, v15;
	v11 =	vadd.s32 v20, v21;
	v15 =	vsel vm6, $0x10, v1;
	vm3 =	vlt.u32 v18, $0x200000  }
0x16a: {  	vm7 =	vlt.u32 v17, $0x200000;
	v18 =	vld [tilespmem:s28+$0xFFFFFFF0];
	v15 =	vadd.s32 v11, v15;
	v21 =	vsel vm3, $0x10, v1  }
0x16b: {  	v17 =	vld [tilespmem:s28+$0xFFFFFFE0];
	v25 =	vand.u32 $0xFFF, v15;
	v15 =	vadd.s32 v15, v21;
	v21 =	vsel vm7, $0x10, v1  }
0x16c: {  	v27 =	vand.u32 $0xFFF, v11;
	v26 =	vld [tilespmem:s28+$0xFFFFFFD0];
	v28 =	vand.u32 $0xFFF, v15;
	v29 =	vadd.s32 v15, v21  }
0x16d: {  	v30 =	vand.u32 $0xFFF, v22;
	v22 =	vand.u32 $0xFFF, v13;
	v31 =	vand.u32 $0xFFF, v20;
	v15 =	vld [tilespmem:s28+$0xFFFFFFC0]  }
0x16e: {  	vm1 =	vmmov vm2;
	v13 =	vand.u32 $0xFFF, v16;
	v11 =	vand.u32 $0xFFF, v29  }
0x16f: {  	v16 =	vand.u32 $0x7FFFFFFF, v23  }
0x170: {  	v21 =	vand.u32 $0x7FFFFFFF, v14;
	v23 =	vand.u32 $0x7FFFFFFF, v19;
	[tilespmem:v25+s16+$0x0] =	vst.idx.msk vm3, v10;
	v10 =	vand.u32 $0x7FFFFFFF, v12  }
0x171: {  	v14 =	vand.u32 $0x7FFFFFFF, v18;
	v25 =	vand.u32 $0x7FFFFFFF, v17;
	v12 =	vand.u32 $0x7FFFFFFF, v26;
	[tilespmem:v28+s16+$0x0] =	vst.idx.msk vm7, v6;
	v6 =	vmovc v16  }
.Ltmp28:
0x172: {  	v18 =	vsub.s32 v10, v5;
	v15 =	vand.u32 $0x7FFFFFFF, v15;
	v17 =	vsub.s32 v6, v5;
	[tilespmem:v27+s16+$0x0] =	vst.idx.msk vm6, v9;
	(pc) =	sbr.rel @p0 .LBB2_40-.Ltmp28, $4  }
0x173: {  	v19 =	vsub.s32 v21, v5;
	v20 =	vsub.s32 v23, v5;
	v9 =	vmovc v21;
	v16 =	vsub.s32 v15, v5  }
0x174: {  	v21 =	vsub.s32 v14, v5;
	vm3 =	vlt.u32 v16, $0x200000;
	v16 =	vsub.s32 v12, v5;
	[tilespmem:v31+s16+$0x0] =	vst.idx.msk vm5, v8  }
0x175: {  	v27 =	vsub.s32 v25, v5;
	v8 =	vmovc v23;
	v26 =	vsel vm3, $0x10, v1;
	vm2 =	vlt.u32 v16, $0x200000;
	[tilespmem:v22+s16+$0x0] =	vst.idx.msk vm4, v24  }
0x176: {  	s28 =	sadd.s32 $0x80, s28;
	v16 =	vadd.s32 v29, v26;
	v22 =	vsel vm2, $0x10, v1;
	[tilespmem:v30+s16+$0x0] =	vst.idx.msk vm0, v7;
	vm0 =	vlt.u32 v27, $0x200000;
	v7 =	vmovc v25  }
0x177: {  	v22 =	vadd.s32 v16, v22;
	v5 =	vsel vm0, $0x10, v1;
	vm4 =	vlt.u32 v21, $0x200000  }
0x178: {  	vm5 =	vlt.u32 v20, $0x200000;
	v56 =	vadd.s32 v22, v5;
	v5 =	vsel vm4, $0x10, v1  }
0x179: {  	vm6 =	vlt.u32 v19, $0x200000;
	v57 =	vadd.s32 v56, v5;
	v5 =	vsel vm5, $0x10, v1  }
0x17a: {  	vm7 =	vlt.u32 v18, $0x200000;
	v58 =	vadd.s32 v57, v5;
	v5 =	vsel vm6, $0x10, v1  }
0x17b: {  	vm8 =	vlt.u32 v17, $0x200000;
	v59 =	vadd.s32 v58, v5;
	v5 =	vsel vm7, $0x10, v1  }
0x17c: {  	v60 =	vadd.s32 v59, v5;
	v5 =	vsel vm8, $0x10, v1  }
0x17d: {  	v5 =	vadd.s32 v60, v5  }
0x17e: {  	v5 =	vadd.s32 v2, v5  }
0x17f: {  	v5 =	vshra.s32 v5, $0x4  }
0x180: {  	v23 =	vxor.u32 $0x80000000, v5  }
0x181: {  	(xrf0) =	vmax.scan.msk.u32 $0xffff, v23;
	_ =	sdelay $0x5  }
0x182: {  	v23, _, _ =	vpop (xrf0)  }
0x183: {  	(v2sf) =	vpush v23, $0xF;
	_ =	sdelay $0x6  }
0x184: {  	v63 =	vand.u32 $0xFFF, v16  }
0x185: {  	v62 =	vand.u32 $0xFFF, v22  }
0x186: {  	v61 =	vand.u32 $0xFFF, v56  }
0x187: {  	[tilespmem:v13+s16+$0x0] =	vst.idx.msk vm1, v4;
	v4 =	vand.u32 $0xFFF, v57  }
0x188: {  	[tilespmem:v11+s16+$0x0] =	vst.idx.msk vm3, v15;
	v19 =	vand.u32 $0xFFF, v58  }
0x189: {  	v18 =	vand.u32 $0xFFF, v59;
	[tilespmem:v63+s16+$0x0] =	vst.idx.msk vm2, v12  }
0x18a: {  	v17 =	vand.u32 $0xFFF, v60;
	[tilespmem:v62+s16+$0x0] =	vst.idx.msk vm0, v7  }
.Ltmp29:
0x18b: {  	[tilespmem:v61+s16+$0x0] =	vst.idx.msk vm4, v14;
	(pc) =	sbr.rel .LBB2_42-.Ltmp29, $4  }
0x18c: {  	[tilespmem:v4+s16+$0x0] =	vst.idx.msk vm5, v8;
	s0 =	spop (v2sf)  }
0x18d: {  	s24 =	ssub.s32 s22, s24;
	[tilespmem:v19+s16+$0x0] =	vst.idx.msk vm6, v9;
	s26 =	sxor.u32 $0x80000000, s0  }
0x18e: {  	s25 =	sadd.s32 $0x3FFFFF, s25;
	s29 =	simm.s32 $0x0;
	[tilespmem:v18+s16+$0x0] =	vst.idx.msk vm7, v10;
	p1 =	slt.s32 s26, $0x100  }
0x18f: {  	vm15 =	vmmov vm2;
	s28 =	ssub.s32 $0x40, s24;
	[tilespmem:v17+s16+$0x0] =	vst.idx.msk vm8, v6;
	p0 =	slt.s32 s26, $0x1;
	s26 =	simm.s32 @!p1 $0x100  }
.LBB2_43:
0x190: {  	v4 =	vimm.s32 $0x0  }
.LBB2_53:
0x191: {  	(xrf0) =	vadd.scan.msk.s32 $0xffff, v4;
	_ =	sdelay $0x5  }
0x192: {  	v4, _, _ =	vpop (xrf0)  }
0x193: {  	(v2sf) =	vpush v4, $0xF;
	_ =	sdelay $0xb  }
0x194: {  	s29 =	sadd.s32 $0x1, s29  }
0x195: {  	p2 =	seq.s32 s29, $0x15  }
.Ltmp30:
0x196: {  	_ = 	snop;
	(pc) =	sbr.rel @p2 .LBB2_44-.Ltmp30, $4  }
0x197: {  	s0 =	spop (v2sf)  }
0x198: {  	p1 =	slt.s32 s0, s28  }
0x199: {  	s0 =	sadd.s32 $0xFFFFFFFF, s22;
	s22 =	smov.u32 @p1 s23  }
0x19a: {  	s25 =	smov.u32 @p1 s0;
	s23 =	smov.u32 s22  }
.LBB2_42:
.Ltmp31:
0x19b: {  	(pc) =	sbr.rel @p0 .LBB2_43-.Ltmp31, $4  }
0x19c: {  	s0 =	ssub.s32 s25, s23  }
0x19d: {  	s0 =	sadd.s32 $0x1, s0  }
0x19e: {  	s0 =	sshra.s32 s0, $0x1  }
0x19f: {  	s22 =	sadd.s32 s23, s0  }
0x1a0: {  	p2 =	sne.s32 s26, $0x1  }
.Ltmp32:
0x1a1: {  	_ = 	snop;
	(pc) =	sbr.rel @!p2 .LBB2_47-.Ltmp32, $3  }
0x1a2: {  	_ =	sdelay $0x1  }
0x1a3: {  	s31 =	simm.s32 $0x14000  }
0x1a4: {  	v6 =	vmov s22;
	s0 =	simm.s32 $0x0;
	v4 =	vimm.s32 $0x0;
	s30 =	simm.s32 $0x1;
	p1 =	por $0x0, $0x0;
	v7 =	vld [tilespmem:s31+$0x0]  }
0x1a5: {  	_ = 	snop  }
0x1a6: {  	p2 =	sne.s32 s26, $0x2  }
.Ltmp33:
0x1a7: {  	_ = 	snop;
	(pc) =	sbr.rel @!p2 .LBB2_49-.Ltmp33, $4  }
0x1a8: {  	v8 =	vmov s0  }
0x1a9: {  	vm1 =	vlt.s32 v8, v5;
	vm0 =	vge.s32 v7, v6  }
0x1aa: {  	s31 =	simm.s32 $0x14010;
	vm0 =	vmand vm1, vm0  }
0x1ab: {  	s0 =	simm.s32 $0x2;
	p1 =	por $0x1, $0x1;
	v8 =	vimm.s32 $0x0;
	v7 =	vld [tilespmem:s31+$0x0];
	v9 =	vsel vm0, $0x1, v1  }
.LBB2_50:
0x1ac: {  	s1 =	smov.u32 s0;
	s0 =	sadd.s32 $0x1, s0  }
0x1ad: {  	v8 =	vadd.s32 v9, v8;
	p2 =	sne.s32 s26, s0  }
.Ltmp34:
0x1ae: {  	(pc) =	sbr.rel @p2 .LBB2_50-.Ltmp34, $4  }
0x1af: {  	v9 =	vmov s30;
	s30 =	smov.u32 s1  }
0x1b0: {  	s31 =	sadd.s32 $0x10, s31;
	vm1 =	vlt.s32 v9, v5;
	vm0 =	vge.s32 v7, v6  }
0x1b1: {  	v7 =	vld [tilespmem:s31+$0x0];
	vm0 =	vmand vm1, vm0  }
0x1b2: {  	v9 =	vsel vm0, $0x1, v1  }
0x1b3: {  	s0 =	smov.u32 s30  }
.LBB2_52:
0x1b4: {  	_ = 	snop  }
.Ltmp35:
0x1b5: {  	v10 =	vmov s0;
	(pc) =	sbr.rel .LBB2_53-.Ltmp35, $4  }
0x1b6: {  	vm1 =	vlt.s32 v10, v5;
	vm0 =	vge.s32 v7, v6  }
0x1b7: {  	v6 =	vadd.s32 @p1 v9, v8;
	vm0 =	vmand vm1, vm0  }
0x1b8: {  	v4 =	vpsel p1, v6, v4;
	v7 =	vsel vm0, $0x1, v1  }
0x1b9: {  	v4 =	vadd.s32 v7, v4  }
.LBB2_47:
.Ltmp36:
0x1ba: {  	(pc) =	sbr.rel .LBB2_52-.Ltmp36, $2  }
0x1bb: {  	_ =	sdelay $0x2  }
0x1bc: {  	v8 =	vimm.s32 $0x0  }
.LBB2_49:
.Ltmp37:
0x1bd: {  	(pc) =	sbr.rel .LBB2_52-.Ltmp37, $2  }
0x1be: {  	_ =	sdelay $0x2  }
0x1bf: {  	v8 =	vimm.s32 $0x0;
	s0 =	simm.s32 $0x1  }
.LBB2_44:
.Ltmp38:
0x1c0: {  	(pc) =	sbr.rel @p0 .LBB2_45-.Ltmp38, $1  }
0x1c1: {  	_ =	sdelay $0x3  }
0x1c2: {  	p1 =	sne.s32 s26, $0x1  }
.Ltmp39:
0x1c3: {  	_ = 	snop;
	(pc) =	sbr.rel @!p1 .LBB2_55-.Ltmp39, $3  }
0x1c4: {  	_ =	sdelay $0x1  }
0x1c5: {  	s25 =	simm.s32 $0x14000  }
0x1c6: {  	v6 =	vmov s22;
	s0 =	simm.s32 $0x0;
	v4 =	vimm.s32 $0x0;
	s23 =	simm.s32 $0x1;
	p0 =	por $0x0, $0x0;
	v7 =	vld [tilespmem:s25+$0x0]  }
0x1c7: {  	_ = 	snop  }
0x1c8: {  	p1 =	sne.s32 s26, $0x2  }
.Ltmp40:
0x1c9: {  	_ = 	snop;
	(pc) =	sbr.rel @!p1 .LBB2_57-.Ltmp40, $4  }
0x1ca: {  	v8 =	vmov s0  }
0x1cb: {  	vm0 =	vlt.s32 v8, v5;
	vm1 =	vge.s32 v7, v6;
	vm2 =	veq.s32 v7, v6  }
0x1cc: {  	s25 =	simm.s32 $0x14010;
	v9 =	vimm.s32 $0x0;
	vm1 =	vmand vm0, vm1;
	vm0 =	vmand vm0, vm2  }
0x1cd: {  	s28 =	simm.s32 $0x2;
	p0 =	por $0x1, $0x1;
	v8 =	vimm.s32 $0x0;
	v7 =	vld [tilespmem:s25+$0x0];
	v10 =	vsel vm1, $0x1, v1;
	v11 =	vsel vm0, $0x1, v1  }
.LBB2_58:
0x1ce: {  	s0 =	smov.u32 s28;
	s28 =	sadd.s32 $0x1, s28  }
0x1cf: {  	v8 =	vadd.s32 v10, v8;
	v9 =	vadd.s32 v11, v9;
	p1 =	sne.s32 s26, s28  }
.Ltmp41:
0x1d0: {  	(pc) =	sbr.rel @p1 .LBB2_58-.Ltmp41, $4  }
0x1d1: {  	v10 =	vmov s23;
	s23 =	smov.u32 s0  }
0x1d2: {  	s25 =	sadd.s32 $0x10, s25;
	vm0 =	vlt.s32 v10, v5;
	vm1 =	vge.s32 v7, v6;
	vm2 =	veq.s32 v7, v6  }
0x1d3: {  	v7 =	vld [tilespmem:s25+$0x0];
	vm1 =	vmand vm0, vm1;
	vm0 =	vmand vm0, vm2  }
0x1d4: {  	v10 =	vsel vm1, $0x1, v1;
	v11 =	vsel vm0, $0x1, v1  }
0x1d5: {  	s0 =	smov.u32 s23  }
.LBB2_60:
0x1d6: {  	v12 =	vmov s0  }
.Ltmp42:
0x1d7: {  	vm0 =	vlt.s32 v12, v5;
	v5 =	vadd.s32 @p0 v10, v8;
	(pc) =	sbr.rel .LBB2_61-.Ltmp42, $4  }
0x1d8: {  	vm1 =	vge.s32 v7, v6;
	vm2 =	veq.s32 v7, v6;
	v6 =	vadd.s32 @p0 v11, v9  }
0x1d9: {  	v5 =	vpsel p0, v5, v4;
	vm1 =	vmand vm0, vm1;
	vm0 =	vmand vm0, vm2  }
0x1da: {  	v4 =	vpsel p0, v6, v4;
	v7 =	vsel vm1, $0x1, v1;
	v63 =	vsel vm0, $0x1, v1  }
0x1db: {  	v5 =	vadd.s32 v7, v5;
	v4 =	vadd.s32 v63, v4  }
.LBB2_17:
0x1dc: {  	v5 =	vimm.s32 $0x0;
	v4 =	vimm.s32 $0x0  }
.LBB2_29:
0x1dd: {  	(xrf0) =	vadd.scan.msk.s32 $0xffff, v5;
	_ =	sdelay $0x5  }
0x1de: {  	v5, _, _ =	vpop (xrf0)  }
0x1df: {  	(v2sf) =	vpush v5, $0xF;
	_ =	sdelay $0xa  }
.Ltmp43:
0x1e0: {  	_ = 	snop;
	(pc) =	sbr.rel .LBB2_62-.Ltmp43, $2  }
0x1e1: {  	_ =	sdelay $0x2  }
0x1e2: {  	s23 =	spop (v2sf)  }
.LBB2_45:
0x1e3: {  	v5 =	vimm.s32 $0x0;
	v4 =	vimm.s32 $0x0  }
.LBB2_61:
0x1e4: {  	(xrf0) =	vadd.scan.msk.s32 $0xffff, v5;
	_ =	sdelay $0x5  }
0x1e5: {  	v5, _, _ =	vpop (xrf0)  }
0x1e6: {  	(v2sf) =	vpush v5, $0xF;
	_ =	sdelay $0xe  }
0x1e7: {  	s0 =	spop (v2sf)  }
0x1e8: {  	s23 =	sadd.s32 s24, s0  }
.LBB2_62:
0x1e9: {  	(xrf0) =	vadd.scan.msk.s32 $0xffff, v4;
	_ =	sdelay $0x5  }
0x1ea: {  	v4, _, _ =	vpop (xrf0)  }
0x1eb: {  	(v2sf) =	vpush v4, $0xF;
	_ =	sdelay $0x6  }
0x1ec: {  	s24 =	simm.s32 $0x40  }
0x1ed: {  	v12 =	vld [tilespmem:s24+$0x30]  }
0x1ee: {  	v11 =	vld [tilespmem:s24+$0xFFFFFFD0]  }
0x1ef: {  	v10 =	vld [tilespmem:s24+$0xFFFFFFE0]  }
0x1f0: {  	v9 =	vld [tilespmem:s24+$0xFFFFFFF0]  }
0x1f1: {  	v8 =	vld [tilespmem:s24+$0x0]  }
0x1f2: {  	v6 =	vld [tilespmem:s24+$0x10];
	v7 =	vand.u32 $0x7FFFFFFF, v12;
	v4 =	vmov s22  }
0x1f3: {  	v5 =	vld [tilespmem:s24+$0x20];
	v13 =	vand.u32 $0x7FFFFFFF, v11;
	vm1 =	vlt.s32 v7, v4  }
0x1f4: {  	s25 =	simm.s32 $0x0;
	s26 =	simm.s32 $0xC0;
	v7 =	vld [tilespmem:s24+$0xFFFFFFC0];
	vm0 =	vlt.s32 v13, v4;
	v13 =	vand.u32 $0x7FFFFFFF, v10;
	v12 =	vsel vm1, $0x0, v12;
	s22 =	spop (v2sf)  }
.LBB2_63:
0x1f5: {  	v14 =	vld [tilespmem:s26+$0x30];
	s25 =	sadd.s32 $0x80, s25;
	v15 =	vsel vm0, $0x0, v11;
	vm0 =	vlt.s32 v13, v4;
	v13 =	vand.u32 $0x7FFFFFFF, v9;
	[tilespmem:s24+$0x30] =	vst v12  }
0x1f6: {  	v11 =	vld [tilespmem:s26+$0xFFFFFFD0];
	p0 =	slt.u32 s25, $0x7F80;
	[tilespmem:s24+$0xFFFFFFD0] =	vst v15;
	v12 =	vsel vm0, $0x0, v10;
	vm0 =	vlt.s32 v13, v4;
	v13 =	vand.u32 $0x7FFFFFFF, v8  }
0x1f7: {  	v10 =	vld [tilespmem:s26+$0xFFFFFFE0];
	[tilespmem:s24+$0xFFFFFFE0] =	vst v12;
	v12 =	vsel vm0, $0x0, v9;
	vm0 =	vlt.s32 v13, v4;
	v13 =	vand.u32 $0x7FFFFFFF, v6  }
.Ltmp44:
0x1f8: {  	v9 =	vld [tilespmem:s26+$0xFFFFFFF0];
	[tilespmem:s24+$0xFFFFFFF0] =	vst v12;
	v12 =	vsel vm0, $0x0, v8;
	vm0 =	vlt.s32 v13, v4;
	v13 =	vand.u32 $0x7FFFFFFF, v5;
	(pc) =	sbr.rel @p0 .LBB2_63-.Ltmp44, $4  }
0x1f9: {  	v8 =	vld [tilespmem:s26+$0x0];
	v15 =	vand.u32 $0x7FFFFFFF, v7;
	[tilespmem:s24+$0x0] =	vst v12;
	v12 =	vsel vm0, $0x0, v6;
	vm0 =	vlt.s32 v13, v4  }
0x1fa: {  	v6 =	vld [tilespmem:s26+$0x10];
	v13 =	vand.u32 $0x7FFFFFFF, v14;
	vm1 =	vlt.s32 v15, v4;
	[tilespmem:s24+$0x10] =	vst v12;
	v12 =	vsel vm0, $0x0, v5  }
0x1fb: {  	v15 =	vand.u32 $0x7FFFFFFF, v11;
	v5 =	vld [tilespmem:s26+$0x20];
	vm2 =	vlt.s32 v13, v4;
	v16 =	vsel vm1, $0x0, v7;
	[tilespmem:s24+$0x20] =	vst v12  }
0x1fc: {  	v7 =	vld [tilespmem:s26+$0xFFFFFFC0];
	vm0 =	vlt.s32 v15, v4;
	v13 =	vand.u32 $0x7FFFFFFF, v10;
	v12 =	vsel vm2, $0x0, v14;
	[tilespmem:s24+$0xFFFFFFC0] =	vst v16;
	s24 =	smov.u32 s26;
	s26 =	sadd.s32 $0x80, s26  }
0x1fd: {  	v11 =	vsel vm0, $0x0, v11;
	vm11 =	vlt.s32 v13, v4;
	v57 =	vand.u32 $0x7FFFFFFF, v9;
	[tilespmem:s24+$0x30] =	vst v12;
	p0 =	slt.s32 s23, $0x41  }
0x1fe: {  	[tilespmem:s24+$0xFFFFFFD0] =	vst v11;
	v10 =	vsel vm11, $0x0, v10;
	vm12 =	vlt.s32 v57, v4;
	v58 =	vand.u32 $0x7FFFFFFF, v8;
	p1 =	slt.s32 @!p0 s22, $0x1  }
0x1ff: {  	[tilespmem:s24+$0xFFFFFFE0] =	vst v10;
	v59 =	vsel vm12, $0x0, v9;
	vm13 =	vlt.s32 v58, v4;
	v60 =	vand.u32 $0x7FFFFFFF, v6;
	p0 =	por p0, p1  }
.Ltmp45:
0x200: {  	[tilespmem:s24+$0xFFFFFFF0] =	vst v59;
	v61 =	vsel vm13, $0x0, v8;
	vm14 =	vlt.s32 v60, v4;
	v62 =	vand.u32 $0x7FFFFFFF, v5;
	(pc) =	sbr.rel @p0 .LBB2_67-.Ltmp45, $4  }
0x201: {  	v63 =	vand.u32 $0x7FFFFFFF, v7;
	[tilespmem:s24+$0x0] =	vst v61;
	v6 =	vsel vm14, $0x0, v6;
	vm15 =	vlt.s32 v62, v4  }
0x202: {  	vm1 =	vlt.s32 v63, v4;
	[tilespmem:s24+$0x10] =	vst v6;
	v5 =	vsel vm15, $0x0, v5  }
0x203: {  	v6 =	vsel vm1, $0x0, v7;
	[tilespmem:s24+$0x20] =	vst v5  }
0x204: {  	[tilespmem:s24+$0xFFFFFFC0] =	vst v6  }
0x205: {  	s0 =	ssub.s32 s22, s23  }
0x206: {  	s0 =	sadd.s32 $0x40, s0  }
0x207: {  	s25 =	simm.s32 $0x0;
	s23 =	simm.s32 $0x0;
	s24 =	simm.s32 $0x0;
	v5 =	vmov s0  }
.LBB2_66:
0x208: {  	v6 =	vld [tilespmem:s23+$0x0];
	_ =	sdelay $0x4  }
0x209: {  	v7 =	vand.u32 $0x7FFFFFFF, v6  }
0x20a: {  	vm0 =	veq.s32 v7, v4  }
0x20b: {  	v7 =	vmpcnt.ones.xlane vm0;
	_ =	sdelay $0x1  }
0x20c: {  	(v2sf) =	vpush v7, $0x0;
	_ =	sdelay $0xa  }
0x20d: {  	v7 =	vsel vm0, $0x1, v1  }
0x20e: {  	(xrf0) =	vadd.scan.msk.s32 $0xffff, v7;
	_ =	sdelay $0x2  }
0x20f: {  	v7 =	vmov s24;
	s0 =	spop (v2sf)  }
0x210: {  	p0 =	sgt.u32 s25, $0x7FEF;
	v7 =	vadd.s32 $0xFFFFFFFF, v7;
	s24 =	sadd.s32 s24, s0  }
0x211: {  	v7 =	vbroadcast v7, $0x0;
	p1 =	slt.s32 @!p0 s24, s22  }
0x212: {  	v8, _, _ =	vpop (xrf0);
	p0 =	por p0, !p1  }
.Ltmp46:
0x213: {  	v7 =	vadd.s32 v8, v7;
	(pc) =	sbr.rel @!p0 .LBB2_66-.Ltmp46, $4  }
0x214: {  	vm1 =	vge.s32 v7, v5  }
0x215: {  	vm0 =	vmand vm0, vm1  }
0x216: {  	v6 =	vsel vm0, $0x0, v6  }
0x217: {  	s25 =	sadd.s32 $0x10, s25;
	[tilespmem:s23+$0x0] =	vst v6;
	s23 =	sadd.s32 $0x10, s23  }
.LBB2_67:
0x218: {  	[hbm4b:s5+s12] =	stream.strided.scatter [tilespmem:s2], [sflag:$0x3], $0x8000, s13, s12, $0x38;
	[tilespmem:$0x15000] =	vst v63  }
0x219: {  	_ =	swait.ge [sflag:s17], $0x8000  }
0x21a: {  	[sflag:s17] =	ssyncset.done $0x0  }
0x21b: {  	[sflag:s17] =	ssyncadd.s32 $0xFFFF8000  }
0x21c: {  	_ =	swait.ge [sflag:s18], $0x8000  }
0x21d: {  	[sflag:s18] =	ssyncset.done $0x0  }
0x21e: {  	s0 =	simm.s32 $0x8040;
	[sflag:s18] =	ssyncadd.s32 $0xFFFF8000  }
0x21f: {  	[tilespmem:s2], [sflag:$0x1] =	stream.strided.gather [hbm4b:s6+s12], $0x8000, s13, s12, $0x38;
	[tilespmem:$0x15000] =	vst v63  }
0x220: {  	v4 =	vld [tilespmem:s0+$0x30]  }
0x221: {  	v5 =	vld [tilespmem:s0+$0x20]  }
0x222: {  	v6 =	vld [tilespmem:s0+$0x10]  }
0x223: {  	v7 =	vld [tilespmem:s0+$0x0]  }
0x224: {  	v8 =	vld [tilespmem:s0+$0xFFFFFFF0]  }
0x225: {  	v9 =	vld [tilespmem:s0+$0xFFFFFFC0]  }
0x226: {  	v10 =	vld [tilespmem:s0+$0xFFFFFFD0]  }
0x227: {  	v11 =	vld [tilespmem:s0+$0xFFFFFFE0];
	_ =	sdelay $0x1  }
0x228: {  	v12 =	vlaneseq.u32  }
0x229: {  	v15 =	vand.u32 $0xFFF, v12;
	v18 =	vand.u32 $0x7FFFFFFF, v5;
	v19 =	vand.u32 $0x7FFFFFFF, v4  }
0x22a: {  	v9 =	vand.u32 $0x7FFFFFFF, v9;
	v21 =	vand.u32 $0x7FFFFFFF, v7;
	v20 =	vand.u32 $0x7FFFFFFF, v6  }
0x22b: {  	v4 =	vand.u32 $0x7FFFFFFF, v10;
	v5 =	vand.u32 $0x7FFFFFFF, v8;
	v6 =	vand.u32 $0x7FFFFFFF, v11  }
0x22c: {  	vm1 =	vgt.u32 v9, $0x4037FFFF;
	vm2 =	vgt.u32 v4, $0x4037FFFF;
	vm3 =	vgt.u32 v6, $0x4037FFFF  }
0x22d: {  	vm0 =	vgt.u32 v5, $0x4037FFFF;
	vm6 =	vgt.u32 v21, $0x4037FFFF;
	v7 =	vsel vm1, $0x10, v1  }
0x22e: {  	s31 =	simm.s32 $0x80C0;
	vm7 =	vgt.u32 v20, $0x4037FFFF;
	v8 =	vsel vm2, $0x10, v1;
	v7 =	vadd.s32 v12, v7  }
0x22f: {  	v22 =	vld [tilespmem:s31+$0x10];
	vm4 =	vgt.u32 v18, $0x4037FFFF;
	v10 =	vsel vm3, $0x10, v1;
	v8 =	vadd.s32 v7, v8  }
0x230: {  	v27 =	vld [tilespmem:s31+$0xFFFFFFD0];
	vm8 =	vgt.u32 v19, $0x4037FFFF;
	v11 =	vsel vm0, $0x10, v1;
	v10 =	vadd.s32 v8, v10  }
0x231: {  	v13 =	vsel vm6, $0x10, v1;
	v14 =	vsel vm7, $0x10, v1;
	v12 =	vld [tilespmem:s31+$0x30];
	v11 =	vadd.s32 v10, v11  }
0x232: {  	v16 =	vld [tilespmem:s31+$0x20];
	v17 =	vsel vm4, $0x10, v1;
	vm2 =	vmmov vm2;
	v13 =	vadd.s32 v11, v13  }
0x233: {  	v25 =	vld [tilespmem:s31+$0xFFFFFFC0];
	vm5 =	vmmov vm3;
	v14 =	vadd.s32 v13, v14;
	v28 =	vand.u32 $0xFFF, v13  }
0x234: {  	v23 =	vld [tilespmem:s31+$0x0];
	v32 =	vand.u32 $0xFFF, v11;
	v26 =	vand.u32 $0xFFF, v14;
	v14 =	vadd.s32 v14, v17  }
0x235: {  	v31 =	vld [tilespmem:s31+$0xFFFFFFE0];
	[tilespmem:v15+s16+$0x0] =	vst.idx.msk vm1, v9;
	v9 =	vand.u32 $0x7FFFFFFF, v22;
	v13 =	vand.u32 $0xFFF, v8;
	v29 =	vand.u32 $0xFFF, v14  }
0x236: {  	v24 =	vld [tilespmem:s31+$0xFFFFFFF0];
	v8 =	vand.u32 $0x7FFFFFFF, v12;
	v12 =	vand.u32 $0x7FFFFFFF, v27;
	v17 =	vsel vm8, $0x10, v1  }
0x237: {  	vm1 =	vgt.u32 v12, $0x4037FFFF;
	v30 =	vadd.s32 v14, v17;
	v17 =	vand.u32 $0xFFF, v10  }
0x238: {  	v14 =	vand.u32 $0xFFF, v7;
	v10 =	vand.u32 $0x7FFFFFFF, v16;
	v16 =	vand.u32 $0x7FFFFFFF, v25;
	[tilespmem:v28+s16+$0x0] =	vst.idx.msk vm7, v20  }
0x239: {  	v7 =	vand.u32 $0x7FFFFFFF, v23;
	v11 =	vand.u32 $0xFFF, v30;
	[tilespmem:v26+s16+$0x0] =	vst.idx.msk vm4, v18;
	vm4 =	vgt.u32 v16, $0x4037FFFF  }
0x23a: {  	v20 =	vsel vm1, $0x10, v1;
	[tilespmem:v29+s16+$0x0] =	vst.idx.msk vm8, v19;
	v15 =	vsel vm4, $0x10, v1;
	v19 =	vand.u32 $0x7FFFFFFF, v31  }
0x23b: {  	s22 =	simm.s32 $0x80;
	s23 =	simm.s32 $0x8140;
	[tilespmem:v32+s16+$0x0] =	vst.idx.msk vm6, v21;
	v18 =	vand.u32 $0x7FFFFFFF, v24;
	v15 =	vadd.s32 v30, v15;
	vm3 =	vgt.u32 v19, $0x4037FFFF  }
.LBB2_68:
0x23c: {  	v21 =	vld [tilespmem:s23+$0x30];
	s22 =	sadd.s32 $0x80, s22;
	v20 =	vadd.s32 v15, v20;
	v22 =	vsel vm3, $0x10, v1;
	[tilespmem:v17+s16+$0x0] =	vst.idx.msk vm0, v5;
	vm0 =	vgt.u32 v18, $0x4037FFFF;
	v5 =	vmovc v18  }
0x23d: {  	vm6 =	vgt.u32 v7, $0x4037FFFF;
	v18 =	vld [tilespmem:s23+$0x20];
	p0 =	slt.u32 s22, $0x7F80;
	v17 =	vadd.s32 v20, v22;
	v22 =	vsel vm0, $0x10, v1;
	[tilespmem:v13+s16+$0x0] =	vst.idx.msk vm5, v6;
	v6 =	vmovc v19  }
0x23e: {  	vm7 =	vgt.u32 v9, $0x4037FFFF;
	v13 =	vsel vm6, $0x10, v1;
	v19 =	vld [tilespmem:s23+$0x10];
	v22 =	vadd.s32 v17, v22;
	[tilespmem:v14+s16+$0x0] =	vst.idx.msk vm2, v4;
	v4 =	vmovc v12  }
0x23f: {  	v12 =	vld [tilespmem:s23+$0x0];
	[tilespmem:v11+s16+$0x0] =	vst.idx.msk vm4, v16;
	v11 =	vadd.s32 v22, v13;
	v13 =	vsel vm7, $0x10, v1;
	vm4 =	vgt.u32 v10, $0x4037FFFF  }
0x240: {  	vm8 =	vgt.u32 v8, $0x4037FFFF;
	v23 =	vld [tilespmem:s23+$0xFFFFFFF0];
	v13 =	vadd.s32 v11, v13;
	v14 =	vsel vm4, $0x10, v1  }
0x241: {  	v16 =	vld [tilespmem:s23+$0xFFFFFFC0];
	v24 =	vand.u32 $0xFFF, v13;
	v13 =	vadd.s32 v13, v14;
	v14 =	vsel vm8, $0x10, v1  }
0x242: {  	v26 =	vand.u32 $0xFFF, v11;
	v25 =	vld [tilespmem:s23+$0xFFFFFFD0];
	v27 =	vand.u32 $0xFFF, v13;
	v28 =	vadd.s32 v13, v14  }
0x243: {  	v17 =	vand.u32 $0xFFF, v17;
	v22 =	vand.u32 $0xFFF, v22;
	v13 =	vand.u32 $0xFFF, v20;
	v29 =	vld [tilespmem:s23+$0xFFFFFFE0]  }
0x244: {  	vm2 =	vmmov vm1;
	v14 =	vand.u32 $0xFFF, v15;
	v11 =	vand.u32 $0xFFF, v28  }
.Ltmp47:
0x245: {  	vm5 =	vmmov vm3;
	v15 =	vand.u32 $0x7FFFFFFF, v18;
	v20 =	vand.u32 $0x7FFFFFFF, v21;
	(pc) =	sbr.rel @p0 .LBB2_68-.Ltmp47, $4  }
0x246: {  	v30 =	vand.u32 $0x7FFFFFFF, v19;
	v21 =	vand.u32 $0x7FFFFFFF, v12;
	v16 =	vand.u32 $0x7FFFFFFF, v16;
	[tilespmem:v24+s16+$0x0] =	vst.idx.msk vm4, v10;
	v10 =	vmovc v15  }
0x247: {  	v18 =	vand.u32 $0x7FFFFFFF, v23;
	vm4 =	vgt.u32 v16, $0x4037FFFF;
	v12 =	vand.u32 $0x7FFFFFFF, v25;
	[tilespmem:v27+s16+$0x0] =	vst.idx.msk vm8, v8;
	v8 =	vmovc v20  }
0x248: {  	v15 =	vsel vm4, $0x10, v1;
	vm1 =	vgt.u32 v12, $0x4037FFFF;
	v19 =	vand.u32 $0x7FFFFFFF, v29;
	[tilespmem:v26+s16+$0x0] =	vst.idx.msk vm7, v9;
	v9 =	vmovc v30  }
0x249: {  	s23 =	sadd.s32 $0x80, s23;
	v15 =	vadd.s32 v28, v15;
	v20 =	vsel vm1, $0x10, v1;
	vm3 =	vgt.u32 v19, $0x4037FFFF;
	[tilespmem:v22+s16+$0x0] =	vst.idx.msk vm6, v7;
	v7 =	vmovc v21  }
0x24a: {  	v21 =	vadd.s32 v15, v20;
	v20 =	vsel vm3, $0x10, v1;
	vm6 =	vgt.u32 v18, $0x4037FFFF  }
0x24b: {  	vm7 =	vgt.u32 v7, $0x4037FFFF;
	v22 =	vadd.s32 v21, v20;
	v20 =	vsel vm6, $0x10, v1  }
0x24c: {  	vm8 =	vgt.u32 v9, $0x4037FFFF;
	v23 =	vadd.s32 v22, v20;
	v20 =	vsel vm7, $0x10, v1  }
0x24d: {  	vm10 =	vgt.u32 v10, $0x4037FFFF;
	v24 =	vadd.s32 v23, v20;
	v20 =	vsel vm8, $0x10, v1  }
0x24e: {  	vm9 =	vgt.u32 v8, $0x4037FFFF;
	v25 =	vadd.s32 v24, v20;
	v20 =	vsel vm10, $0x10, v1  }
0x24f: {  	v26 =	vadd.s32 v25, v20;
	v20 =	vsel vm9, $0x10, v1  }
0x250: {  	v20 =	vadd.s32 v26, v20  }
0x251: {  	v27 =	vadd.s32 v2, v20  }
0x252: {  	v27 =	vshra.s32 v27, $0x4  }
0x253: {  	v28 =	vxor.u32 $0x80000000, v27  }
0x254: {  	(xrf0) =	vmax.scan.msk.u32 $0xffff, v28;
	_ =	sdelay $0x3  }
0x255: {  	(xrf0) =	vmin.scan.msk.u32 $0xffff, v28;
	_ =	sdelay $0x1  }
0x256: {  	v57, _, _ =	vpop (xrf0)  }
0x257: {  	(v2sf) =	vpush v57, $0xF;
	_ =	sdelay $0x2  }
0x258: {  	v58, _, _ =	vpop (xrf0)  }
0x259: {  	(v2sf) =	vpush v58, $0xF  }
0x25a: {  	(xrf0) =	vadd.scan.msk.s32 $0xffff, v27;
	_ =	sdelay $0x5  }
0x25b: {  	v59, _, _ =	vpop (xrf0)  }
0x25c: {  	(v2sf) =	vpush v59, $0xF;
	_ =	sdelay $0x2  }
0x25d: {  	s0 =	spop (v2sf)  }
0x25e: {  	vm1 =	vmmov vm1;
	v62 =	vand.u32 $0xFFF, v21;
	s22 =	sxor.u32 $0x80000000, s0  }
0x25f: {  	[tilespmem:v17+s16+$0x0] =	vst.idx.msk vm0, v5;
	v63 =	vand.u32 $0xFFF, v15;
	p0 =	slt.s32 s22, $0x100;
	s0 =	smov.u32 s22  }
0x260: {  	[tilespmem:v13+s16+$0x0] =	vst.idx.msk vm5, v6;
	v61 =	vand.u32 $0xFFF, v22;
	s0 =	simm.s32 @!p0 $0x100  }
0x261: {  	[tilespmem:v14+s16+$0x0] =	vst.idx.msk vm2, v4;
	v4 =	vand.u32 $0xFFF, v23;
	s1 =	spop (v2sf);
	s23 =	sadd.s32 $0x3, s0  }
0x262: {  	[tilespmem:v11+s16+$0x0] =	vst.idx.msk vm4, v16;
	v60 =	vand.u32 $0xFFF, v24;
	s30 =	sxor.u32 $0x80000000, s1;
	s31 =	sand.u32 $0xFFFFFFFC, s23  }
0x263: {  	v25 =	vand.u32 $0xFFF, v25;
	[tilespmem:v62+s16+$0x0] =	vst.idx.msk vm3, v19;
	s0 =	ssub.s32 s31, s30  }
0x264: {  	v5 =	vand.u32 $0xFFF, v26;
	[tilespmem:v63+s16+$0x0] =	vst.idx.msk vm1, v12;
	p0 =	slt.s32 s0, $0x1  }
.Ltmp48:
0x265: {  	[tilespmem:v61+s16+$0x0] =	vst.idx.msk vm6, v18;
	(pc) =	sbr.rel @p0 .LBB2_73-.Ltmp48, $4  }
0x266: {  	[tilespmem:v4+s16+$0x0] =	vst.idx.msk vm7, v7  }
0x267: {  	[tilespmem:v60+s16+$0x0] =	vst.idx.msk vm8, v9  }
0x268: {  	[tilespmem:v25+s16+$0x0] =	vst.idx.msk vm10, v10  }
0x269: {  	vm15 =	vmmov vm3;
	[tilespmem:v5+s16+$0x0] =	vst.idx.msk vm9, v8;
	s23 =	sshra.s32 s23, $0x2;
	s24 =	spop (v2sf)  }
0x26a: {  	p0 =	sne.s32 s0, $0x1  }
.Ltmp49:
0x26b: {  	_ = 	snop;
	(pc) =	sbr.rel @!p0 .LBB2_72-.Ltmp49, $4  }
0x26c: {  	s1 =	sshll.u32 s23, $0x6  }
0x26d: {  	v4 =	vmov s1  }
0x26e: {  	vm0 =	vlt.s32 v20, v4  }
0x26f: {  	s0 =	sadd.s32 $0xFFFFFFFF, s0;
	v5 =	vand.u32 $0xFFF, v20;
	v6 =	vsel vm0, $0x10, v1  }
.LBB2_71:
0x270: {  	p0 =	sne.s32 s0, $0x1;
	s0 =	sadd.s32 $0xFFFFFFFF, s0;
	v20 =	vadd.s32 v20, v6  }
.Ltmp50:
0x271: {  	v6 =	vand.u32 $0xFFF, v20;
	(pc) =	sbr.rel @p0 .LBB2_71-.Ltmp50, $3  }
0x272: {  	_ =	sdelay $0x1  }
0x273: {  	[tilespmem:v5+s16+$0x0] =	vst.idx.msk vm0, v1;
	vm0 =	vlt.s32 v20, v4;
	v5 =	vmov v6  }
0x274: {  	v6 =	vsel vm0, $0x10, v1  }
.LBB2_72:
0x275: {  	_ =	sdelay $0x4  }
0x276: {  	[tilespmem:v5+s16+$0x0] =	vst.idx.msk vm0, v1  }
.LBB2_73:
0x277: {  	p0 =	sgt.s32 s24, $0x3F;
	p1 =	slt.s32 s22, $0x101  }
0x278: {  	p0 =	por !p0, !p1  }
0x279: {  	p0 =	por !p0, !p0  }
.Ltmp51:
0x27a: {  	_ = 	snop;
	(pc) =	sbr.rel @!p0 .LBB2_96-.Ltmp51, $2  }
0x27b: {  	_ =	sdelay $0x2  }
0x27c: {  	s0 =	simm.s32 $0xFFFFFF80;
	s22 =	simm.s32 $0x10040  }
0x27d: {  	p0 =	slt.s32 s23, $0x1  }
.Ltmp52:
0x27e: {  	_ = 	snop;
	(pc) =	sbr.rel @p0 .LBB2_75-.Ltmp52, $1  }
0x27f: {  	_ =	sdelay $0x3  }
0x280: {  	p2 =	sne.s32 s23, $0x1  }
.Ltmp53:
0x281: {  	_ = 	snop;
	(pc) =	sbr.rel @!p2 .LBB2_77-.Ltmp53, $3  }
0x282: {  	_ =	sdelay $0x1  }
0x283: {  	s22 =	simm.s32 $0x14020  }
0x284: {  	v4 =	vimm.s32 $0x0;
	s0 =	sadd.s32 $0xFFFFFFFF, s23;
	p1 =	por $0x0, $0x0;
	v5 =	vld [tilespmem:s22+$0xFFFFFFE0]  }
0x285: {  	_ = 	snop  }
0x286: {  	v8 =	vld [tilespmem:s22+$0xFFFFFFF0]  }
0x287: {  	p2 =	sne.s32 s0, $0x1  }
.Ltmp54:
0x288: {  	v6 =	vld [tilespmem:s22+$0x0];
	(pc) =	sbr.rel @!p2 .LBB2_80-.Ltmp54, $4  }
0x289: {  	vm0 =	vgt.s32 v4, v5  }
0x28a: {  	v7 =	vld [tilespmem:s22+$0x10];
	v9 =	vsel vm0, v4, v5  }
0x28b: {  	s22 =	simm.s32 $0x14060;
	vm0 =	vgt.s32 v9, v8  }
0x28c: {  	s24 =	sadd.s32 $0xFFFFFFFF, s0;
	p1 =	por $0x1, $0x1;
	v5 =	vld [tilespmem:s22+$0xFFFFFFE0];
	v8 =	vsel vm0, v9, v8  }
.LBB2_79:
0x28d: {  	p2 =	sne.s32 s24, $0x1;
	vm0 =	vgt.s32 v8, v6  }
0x28e: {  	v9 =	vld [tilespmem:s22+$0xFFFFFFF0];
	v8 =	vsel vm0, v8, v6  }
0x28f: {  	vm0 =	vgt.s32 v8, v7  }
.Ltmp55:
0x290: {  	v6 =	vld [tilespmem:s22+$0x0];
	v7 =	vsel vm0, v8, v7;
	(pc) =	sbr.rel @p2 .LBB2_79-.Ltmp55, $4  }
0x291: {  	vm0 =	vgt.s32 v7, v5  }
0x292: {  	v8 =	vsel vm0, v7, v5;
	v7 =	vld [tilespmem:s22+$0x10]  }
0x293: {  	s22 =	sadd.s32 $0x40, s22;
	vm0 =	vgt.s32 v8, v9  }
0x294: {  	s24 =	sadd.s32 $0xFFFFFFFF, s24;
	v5 =	vld [tilespmem:s22+$0xFFFFFFE0];
	v8 =	vsel vm0, v8, v9  }
.LBB2_80:
0x295: {  	vm0 =	vgt.s32 @p1 v8, v6  }
0x296: {  	v6 =	vsel @p1 vm0, v8, v6  }
0x297: {  	v63 =	vld [tilespmem:s22+$0xFFFFFFF0];
	vm0 =	vgt.s32 @p1 v6, v7  }
0x298: {  	v6 =	vsel @p1 vm0, v6, v7  }
0x299: {  	v7 =	vld [tilespmem:s22+$0x0];
	v4 =	vpsel p1, v6, v4  }
0x29a: {  	vm15 =	vgt.s32 v4, v5  }
0x29b: {  	v4 =	vsel vm15, v4, v5;
	v5 =	vld [tilespmem:s22+$0x10]  }
0x29c: {  	vm0 =	vgt.s32 v4, v63  }
0x29d: {  	v4 =	vsel vm0, v4, v63  }
.Ltmp56:
0x29e: {  	vm0 =	vgt.s32 v4, v7;
	(pc) =	sbr.rel .LBB2_81-.Ltmp56, $4  }
0x29f: {  	v4 =	vsel vm0, v4, v7  }
0x2a0: {  	vm0 =	vgt.s32 v4, v5  }
0x2a1: {  	v4 =	vsel vm0, v4, v5  }
0x2a2: {  	v4 =	vxor.u32 $0x80000000, v4  }
.LBB2_96:
0x2a3: {  	v5 =	vimm.s32 $0x0  }
0x2a4: {  	[tilespmem:s22+$0x30] =	vst v5  }
0x2a5: {  	[tilespmem:s22+$0xFFFFFFC0] =	vst v5  }
0x2a6: {  	[tilespmem:s22+$0xFFFFFFD0] =	vst v5  }
0x2a7: {  	[tilespmem:s22+$0xFFFFFFE0] =	vst v5  }
0x2a8: {  	[tilespmem:s22+$0xFFFFFFF0] =	vst v5  }
0x2a9: {  	[tilespmem:s22+$0x0] =	vst v5  }
0x2aa: {  	s0 =	sadd.s32 $0x80, s0;
	[tilespmem:s22+$0x10] =	vst v5  }
.LBB2_97:
0x2ab: {  	s0 =	sadd.s32 $0x80, s0;
	[tilespmem:s22+$0x20] =	vst v5;
	s22 =	sadd.s32 $0x80, s22  }
0x2ac: {  	s23 =	simm.s32 $0x8040;
	[tilespmem:s22+$0x30] =	vst v5;
	p0 =	slt.u32 s0, $0x3F80  }
0x2ad: {  	[tilespmem:s22+$0xFFFFFFC0] =	vst v5  }
.Ltmp57:
0x2ae: {  	[tilespmem:s22+$0xFFFFFFD0] =	vst v5;
	(pc) =	sbr.rel @p0 .LBB2_97-.Ltmp57, $4  }
0x2af: {  	[tilespmem:s22+$0xFFFFFFE0] =	vst v5  }
0x2b0: {  	[tilespmem:s22+$0xFFFFFFF0] =	vst v5  }
0x2b1: {  	[tilespmem:s22+$0x0] =	vst v5  }
0x2b2: {  	[tilespmem:s22+$0x10] =	vst v5  }
0x2b3: {  	[tilespmem:s22+$0x20] =	vst v5  }
0x2b4: {  	v7 =	vld [tilespmem:s23+$0x30]  }
0x2b5: {  	v8 =	vld [tilespmem:s23+$0x20];
	_ =	sdelay $0x1  }
0x2b6: {  	v4 =	vld [tilespmem:s23+$0x10]  }
0x2b7: {  	v12 =	vld [tilespmem:s23+$0xFFFFFFD0]  }
0x2b8: {  	v6 =	vshrl.u32 v7, $0x11  }
0x2b9: {  	v16 =	vld [tilespmem:s23+$0xFFFFFFF0];
	v9 =	vshrl.u32 v8, $0x11;
	v6 =	vand.u32 $0x3FF0, v6  }
0x2ba: {  	v10 =	vld [tilespmem:s23+$0xFFFFFFC0];
	v9 =	vand.u32 $0x3FF0, v9;
	v14 =	vor.u32 v0, v6  }
0x2bb: {  	v6 =	vld [tilespmem:s23+$0x0];
	v17 =	vor.u32 v0, v9;
	v9 =	vshrl.u32 v4, $0x11  }
0x2bc: {  	v11 =	vshrl.u32 v12, $0x11;
	v13 =	vand.u32 $0x3FF0, v9  }
0x2bd: {  	v9 =	vand.u32 $0x3FF0, v11;
	v11 =	vor.u32 v0, v13;
	_ =	sdelay $0x1  }
0x2be: {  	v15 =	vshrl.u32 v10, $0x11;
	v13 =	vand.u32 $0x7FFFFFFF, v10;
	v10 =	vand.u32 $0x7FFFFFFF, v16;
	[tilespmem:v14+s20+$0x0] =	vst.idx.add.s32.msk $0xffff, v3  }
0x2bf: {  	vm0 =	vgt.s32 v5, v13;
	v14 =	vand.u32 $0x3FF0, v15;
	v18 =	vshrl.u32 v6, $0x11;
	[tilespmem:v17+s20+$0x0] =	vst.idx.add.s32.msk $0xffff, v3  }
0x2c0: {  	s22 =	simm.s32 $0x0;
	v15 =	vand.u32 $0x7FFFFFFF, v12;
	v12 =	vld [tilespmem:s23+$0xFFFFFFE0];
	v17 =	vshrl.u32 v16, $0x11;
	s23 =	simm.s32 $0x80C0;
	v16 =	vand.u32 $0x3FF0, v18  }
.LBB2_99:
0x2c1: {  	s22 =	sadd.s32 $0x80, s22;
	v17 =	vand.u32 $0x3FF0, v17;
	[tilespmem:v11+s20+$0x0] =	vst.idx.add.s32.msk $0xffff, v3  }
0x2c2: {  	v16 =	vor.u32 v0, v16;
	v11 =	vld [tilespmem:s23+$0x30];
	p0 =	slt.u32 s22, $0x7F80;
	v17 =	vor.u32 v0, v17  }
0x2c3: {  	v14 =	vor.u32 v0, v14;
	v19 =	vand.u32 $0x7FFFFFFF, v7;
	v18 =	vld [tilespmem:s23+$0x20]  }
0x2c4: {  	v20 =	vand.u32 $0x7FFFFFFF, v6;
	v21 =	vand.u32 $0x7FFFFFFF, v4;
	v22 =	vand.u32 $0x7FFFFFFF, v8;
	v6 =	vld [tilespmem:s23+$0x0]  }
0x2c5: {  	v5 =	vsel vm0, v5, v13;
	v9 =	vor.u32 v0, v9;
	v4 =	vld [tilespmem:s23+$0x10];
	v8 =	vshrl.u32 v12, $0x11  }
0x2c6: {  	v5 =	vmax.u32 v5, v15;
	v25 =	vand.u32 $0x7FFFFFFF, v12;
	v23 =	vld [tilespmem:s23+$0xFFFFFFD0];
	v15 =	vand.u32 $0x3FF0, v8  }
0x2c7: {  	v5 =	vmax.u32 v5, v25;
	v24 =	vld [tilespmem:s23+$0xFFFFFFF0];
	v12 =	vshrl.u32 v11, $0x11;
	v13 =	vor.u32 v0, v15;
	v7 =	vmovc v11  }
0x2c8: {  	v5 =	vmax.u32 v5, v10;
	v11 =	vshrl.u32 v18, $0x11;
	v12 =	vand.u32 $0x3FF0, v12;
	[tilespmem:v14+s20+$0x0] =	vst.idx.add.s32.msk $0xffff, v3;
	v8 =	vmovc v18  }
0x2c9: {  	v5 =	vmax.u32 v5, v20;
	v10 =	vld [tilespmem:s23+$0xFFFFFFC0];
	v11 =	vand.u32 $0x3FF0, v11;
	v12 =	vor.u32 v0, v12  }
0x2ca: {  	v5 =	vmax.u32 v5, v21;
	v14 =	vshrl.u32 v4, $0x11;
	v18 =	vor.u32 v0, v11;
	[tilespmem:v9+s20+$0x0] =	vst.idx.add.s32.msk $0xffff, v3  }
0x2cb: {  	v5 =	vmax.u32 v5, v22;
	v9 =	vshrl.u32 v23, $0x11;
	v11 =	vand.u32 $0x3FF0, v14;
	[tilespmem:v17+s20+$0x0] =	vst.idx.add.s32.msk $0xffff, v3  }
.Ltmp58:
0x2cc: {  	v5 =	vmax.u32 v5, v19;
	v9 =	vand.u32 $0x3FF0, v9;
	v11 =	vor.u32 v0, v11;
	[tilespmem:v13+s20+$0x0] =	vst.idx.add.s32.msk $0xffff, v3;
	(pc) =	sbr.rel @p0 .LBB2_99-.Ltmp58, $4  }
0x2cd: {  	[tilespmem:v16+s20+$0x0] =	vst.idx.add.s32.msk $0xffff, v3  }
0x2ce: {  	v13 =	vand.u32 $0x7FFFFFFF, v10;
	v14 =	vshrl.u32 v10, $0x11;
	v10 =	vand.u32 $0x7FFFFFFF, v24;
	[tilespmem:v12+s20+$0x0] =	vst.idx.add.s32.msk $0xffff, v3  }
0x2cf: {  	v15 =	vand.u32 $0x7FFFFFFF, v23;
	v16 =	vshrl.u32 v6, $0x11;
	v14 =	vand.u32 $0x3FF0, v14;
	[tilespmem:v18+s20+$0x0] =	vst.idx.add.s32.msk $0xffff, v3  }
0x2d0: {  	v17 =	vshrl.u32 v24, $0x11;
	v16 =	vand.u32 $0x3FF0, v16;
	vm0 =	vgt.s32 v5, v13;
	v12 =	vld [tilespmem:s23+$0xFFFFFFE0];
	s23 =	sadd.s32 $0x80, s23  }
0x2d1: {  	_ =	sdelay $0x2  }
0x2d2: {  	v5 =	vsel vm0, v5, v13  }
0x2d3: {  	v5 =	vmax.u32 v5, v15;
	v59 =	vand.u32 $0x7FFFFFFF, v12  }
0x2d4: {  	v5 =	vmax.u32 v5, v59  }
0x2d5: {  	v6 =	vand.u32 $0x7FFFFFFF, v6;
	v5 =	vmax.u32 v5, v10  }
0x2d6: {  	v4 =	vand.u32 $0x7FFFFFFF, v4;
	v5 =	vmax.u32 v5, v6  }
0x2d7: {  	v60 =	vand.u32 $0x7FFFFFFF, v8;
	v4 =	vmax.u32 v5, v4  }
0x2d8: {  	v5 =	vand.u32 $0x7FFFFFFF, v7;
	v4 =	vmax.u32 v4, v60  }
0x2d9: {  	v4 =	vmax.u32 v4, v5  }
0x2da: {  	v4 =	vxor.u32 $0x80000000, v4  }
0x2db: {  	(xrf0) =	vmax.scan.msk.u32 $0xffff, v4;
	_ =	sdelay $0x5  }
0x2dc: {  	v4, _, _ =	vpop (xrf0)  }
0x2dd: {  	(v2sf) =	vpush v4, $0xF;
	_ =	sdelay $0xc  }
0x2de: {  	v61 =	vor.u32 v0, v9;
	v62 =	vshrl.u32 v12, $0x11  }
0x2df: {  	v63 =	vor.u32 v0, v16;
	v7 =	vand.u32 $0x3FF0, v62  }
0x2e0: {  	v7 =	vor.u32 v0, v7;
	v5 =	vand.u32 $0x3FF0, v17;
	s0 =	spop (v2sf)  }
0x2e1: {  	v5 =	vor.u32 v0, v5;
	s0 =	sshra.s32 s0, $0x15  }
0x2e2: {  	[tilespmem:v11+s20+$0x0] =	vst.idx.add.s32.msk $0xffff, v3;
	v4 =	vor.u32 v0, v14;
	p0 =	sgt.s32 s0, $0xFFFFFFFF  }
.Ltmp59:
0x2e3: {  	[tilespmem:v61+s20+$0x0] =	vst.idx.add.s32.msk $0xffff, v3;
	(pc) =	sbr.rel @!p0 .LBB2_102-.Ltmp59, $4  }
0x2e4: {  	[tilespmem:v63+s20+$0x0] =	vst.idx.add.s32.msk $0xffff, v3  }
0x2e5: {  	[tilespmem:v7+s20+$0x0] =	vst.idx.add.s32.msk $0xffff, v3  }
0x2e6: {  	[tilespmem:v5+s20+$0x0] =	vst.idx.add.s32.msk $0xffff, v3  }
0x2e7: {  	s22 =	simm.s32 $0x0;
	[tilespmem:v4+s20+$0x0] =	vst.idx.add.s32.msk $0xffff, v3;
	s23 =	sxor.u32 $0xFFFFFC00, s0  }
.Ltmp60:
0x2e8: {  	(pc) =	sbr.rel .LBB2_105-.Ltmp60, $2  }
0x2e9: {  	_ =	sdelay $0x2  }
0x2ea: {  	s24 =	simm.s32 $0x0  }
.LBB2_75:
0x2eb: {  	v4 =	vimm.s32 $0x80000000  }
.LBB2_81:
0x2ec: {  	(xrf0) =	vmax.scan.msk.u32 $0xffff, v4;
	_ =	sdelay $0x5  }
0x2ed: {  	v4, _, _ =	vpop (xrf0)  }
0x2ee: {  	(v2sf) =	vpush v4, $0xF;
	_ =	sdelay $0xe  }
0x2ef: {  	s0 =	spop (v2sf)  }
0x2f0: {  	s24 =	sxor.u32 $0x80000000, s0  }
0x2f1: {  	p1 =	sgt.s32 s24, $0x40380000  }
.Ltmp61:
0x2f2: {  	_ = 	snop;
	(pc) =	sbr.rel @p1 .LBB2_84-.Ltmp61, $2  }
0x2f3: {  	_ =	sdelay $0x2  }
0x2f4: {  	s22 =	simm.s32 $0x40380000  }
.LBB2_82:
.Ltmp62:
0x2f5: {  	(pc) =	sbr.rel @p0 .LBB2_83-.Ltmp62, $1  }
0x2f6: {  	_ =	sdelay $0x3  }
0x2f7: {  	p1 =	sne.s32 s23, $0x1  }
.Ltmp63:
0x2f8: {  	s0 =	simm.s32 $0x14020;
	(pc) =	sbr.rel @!p1 .LBB2_91-.Ltmp63, $4  }
0x2f9: {  	v6 =	vld [tilespmem:s0+$0x10]  }
0x2fa: {  	v8 =	vld [tilespmem:s0+$0x0]  }
0x2fb: {  	v7 =	vld [tilespmem:s0+$0xFFFFFFF0]  }
0x2fc: {  	v5 =	vmov s22;
	v4 =	vimm.s32 $0x0;
	s24 =	sadd.s32 $0xFFFFFFFF, s23;
	p0 =	por $0x0, $0x0;
	v9 =	vld [tilespmem:s0+$0xFFFFFFE0]  }
0x2fd: {  	_ = 	snop  }
0x2fe: {  	vm1 =	vge.s32 v6, v5  }
0x2ff: {  	s23 =	simm.s32 $0x14060;
	p1 =	sne.s32 s24, $0x1;
	vm0 =	veq.s32 v6, v5;
	vm2 =	vge.s32 v8, v5;
	vm3 =	veq.s32 v8, v5  }
.Ltmp64:
0x300: {  	v6 =	vld [tilespmem:s23+$0x10];
	v10 =	vsel vm1, $0x1, v1;
	vm5 =	vge.s32 v7, v5;
	vm6 =	veq.s32 v7, v5;
	(pc) =	sbr.rel @!p1 .LBB2_94-.Ltmp64, $4  }
0x301: {  	v8 =	vld [tilespmem:s23+$0x0];
	v11 =	vsel vm2, $0x1, v1;
	vm4 =	vge.s32 v9, v5;
	vm7 =	veq.s32 v9, v5  }
0x302: {  	v7 =	vld [tilespmem:s23+$0xFFFFFFF0];
	v13 =	vsel vm5, $0x1, v1;
	v9 =	vsel vm4, $0x1, v1;
	v12 =	vsel vm7, $0x1, v1  }
0x303: {  	v16 =	vsel vm6, $0x1, v1;
	v14 =	vadd.s32 v9, v4;
	v15 =	vadd.s32 v12, v4;
	v9 =	vld [tilespmem:s23+$0xFFFFFFE0]  }
0x304: {  	s24 =	sadd.s32 $0xFFFFFFFF, s24;
	p0 =	por $0x1, $0x1;
	v12 =	vadd.s32 v13, v14;
	v13 =	vadd.s32 v16, v15;
	v14 =	vsel vm3, $0x1, v1  }
.LBB2_93:
0x305: {  	p1 =	sne.s32 s24, $0x1;
	v11 =	vadd.s32 v11, v12;
	v12 =	vadd.s32 v14, v13;
	v13 =	vsel vm0, $0x1, v1  }
0x306: {  	vm1 =	vge.s32 v6, v5;
	v14 =	vadd.s32 v10, v11;
	v12 =	vadd.s32 v13, v12  }
0x307: {  	vm0 =	veq.s32 v6, v5;
	s23 =	sadd.s32 $0x40, s23;
	vm2 =	vge.s32 v8, v5;
	vm3 =	veq.s32 v8, v5  }
.Ltmp65:
0x308: {  	vm5 =	vge.s32 v7, v5;
	vm6 =	veq.s32 v7, v5;
	v6 =	vld [tilespmem:s23+$0x10];
	vm4 =	vge.s32 v9, v5;
	(pc) =	sbr.rel @p1 .LBB2_93-.Ltmp65, $4  }
0x309: {  	v10 =	vsel vm1, $0x1, v1;
	v11 =	vsel vm2, $0x1, v1;
	vm7 =	veq.s32 v9, v5;
	v8 =	vld [tilespmem:s23+$0x0]  }
0x30a: {  	v16 =	vsel vm5, $0x1, v1;
	v13 =	vsel vm4, $0x1, v1;
	v15 =	vsel vm7, $0x1, v1;
	v7 =	vld [tilespmem:s23+$0xFFFFFFF0]  }
0x30b: {  	v13 =	vadd.s32 v13, v14;
	v14 =	vadd.s32 v15, v12;
	v15 =	vsel vm6, $0x1, v1;
	v9 =	vld [tilespmem:s23+$0xFFFFFFE0]  }
0x30c: {  	s24 =	sadd.s32 $0xFFFFFFFF, s24;
	v12 =	vadd.s32 v16, v13;
	v13 =	vadd.s32 v15, v14;
	v14 =	vsel vm3, $0x1, v1  }
.LBB2_94:
0x30d: {  	v11 =	vadd.s32 @p0 v11, v12;
	v12 =	vadd.s32 @p0 v14, v13  }
0x30e: {  	v13 =	vsel @p0 vm0, $0x1, v1;
	vm15 =	vge.s32 v6, v5;
	vm3 =	veq.s32 v6, v5  }
0x30f: {  	v10 =	vadd.s32 @p0 v10, v11;
	v11 =	vadd.s32 @p0 v13, v12;
	vm1 =	vge.s32 v8, v5  }
0x310: {  	vm2 =	veq.s32 v8, v5;
	v6 =	vsel vm15, $0x1, v1;
	vm5 =	vge.s32 v7, v5  }
0x311: {  	vm6 =	veq.s32 v7, v5;
	v10 =	vpsel p0, v10, v4;
	v4 =	vpsel p0, v11, v4  }
0x312: {  	v63 =	vsel vm2, $0x1, v1;
	vm4 =	vge.s32 v9, v5;
	vm7 =	veq.s32 v9, v5  }
.Ltmp66:
0x313: {  	v61 =	vsel vm5, $0x1, v1;
	v7 =	vsel vm4, $0x1, v1;
	v60 =	vsel vm7, $0x1, v1;
	(pc) =	sbr.rel .LBB2_95-.Ltmp66, $4  }
0x314: {  	v62 =	vsel vm6, $0x1, v1;
	v7 =	vadd.s32 v7, v10;
	v4 =	vadd.s32 v60, v4  }
0x315: {  	v5 =	vsel vm1, $0x1, v1;
	v7 =	vadd.s32 v61, v7;
	v4 =	vadd.s32 v62, v4  }
0x316: {  	v5 =	vadd.s32 v5, v7;
	v4 =	vadd.s32 v63, v4;
	v7 =	vsel vm3, $0x1, v1  }
0x317: {  	v5 =	vadd.s32 v6, v5;
	v4 =	vadd.s32 v7, v4  }
.LBB2_85:
0x318: {  	v4 =	vimm.s32 $0x0  }
.LBB2_89:
0x319: {  	(xrf0) =	vadd.scan.msk.s32 $0xffff, v4;
	_ =	sdelay $0x5  }
0x31a: {  	v4, _, _ =	vpop (xrf0)  }
0x31b: {  	(v2sf) =	vpush v4, $0xF;
	_ =	sdelay $0xe  }
0x31c: {  	s0 =	spop (v2sf)  }
0x31d: {  	p1 =	sgt.s32 s0, $0x3F;
	s0 =	sadd.s32 $0xFFFFFFFF, s25  }
0x31e: {  	s22 =	smov.u32 @p1 s25;
	s0 =	smov.u32 @p1 s24  }
0x31f: {  	p1 =	slt.s32 s22, s0  }
.Ltmp67:
0x320: {  	_ = 	snop;
	(pc) =	sbr.rel @!p1 .LBB2_82-.Ltmp67, $2  }
0x321: {  	_ =	sdelay $0x2  }
0x322: {  	s24 =	smov.u32 s0  }
.LBB2_84:
.Ltmp68:
0x323: {  	(pc) =	sbr.rel @p0 .LBB2_85-.Ltmp68, $4  }
0x324: {  	s0 =	ssub.s32 s24, s22  }
0x325: {  	s0 =	sadd.s32 $0x1, s0  }
0x326: {  	s0 =	sshra.s32 s0, $0x1  }
0x327: {  	s25 =	sadd.s32 s22, s0  }
0x328: {  	s0 =	simm.s32 $0x14020  }
0x329: {  	p1 =	sne.s32 s23, $0x1;
	v9 =	vld [tilespmem:s0+$0xFFFFFFE0]  }
.Ltmp69:
0x32a: {  	v5 =	vld [tilespmem:s0+$0xFFFFFFF0];
	(pc) =	sbr.rel @!p1 .LBB2_88-.Ltmp69, $4  }
0x32b: {  	v6 =	vld [tilespmem:s0+$0x0]  }
0x32c: {  	v7 =	vld [tilespmem:s0+$0x10]  }
0x32d: {  	v4 =	vmov s25  }
0x32e: {  	v8 =	vimm.s32 $0x0;
	s26 =	sadd.s32 $0xFFFFFFFF, s23;
	s28 =	simm.s32 $0x14060;
	vm0 =	vge.s32 v9, v4  }
.LBB2_87:
0x32f: {  	v9 =	vld [tilespmem:s28+$0xFFFFFFE0];
	p1 =	sne.s32 s26, $0x1;
	s26 =	sadd.s32 $0xFFFFFFFF, s26;
	v10 =	vsel vm0, $0x1, v1;
	vm0 =	vge.s32 v5, v4  }
.Ltmp70:
0x330: {  	v5 =	vld [tilespmem:s28+$0xFFFFFFF0];
	v8 =	vadd.s32 v10, v8;
	v10 =	vsel vm0, $0x1, v1;
	vm0 =	vge.s32 v6, v4;
	(pc) =	sbr.rel @p1 .LBB2_87-.Ltmp70, $4  }
0x331: {  	v6 =	vld [tilespmem:s28+$0x0];
	v8 =	vadd.s32 v10, v8;
	v10 =	vsel vm0, $0x1, v1;
	vm0 =	vge.s32 v7, v4  }
0x332: {  	v7 =	vld [tilespmem:s28+$0x10];
	v8 =	vadd.s32 v10, v8;
	v10 =	vsel vm0, $0x1, v1  }
0x333: {  	v8 =	vadd.s32 v10, v8  }
0x334: {  	s28 =	sadd.s32 $0x40, s28;
	vm0 =	vge.s32 v9, v4  }
.LBB2_88:
.Ltmp71:
0x335: {  	v9 =	vsel vm0, $0x1, v1;
	vm13 =	vge.s32 v5, v4;
	(pc) =	sbr.rel .LBB2_89-.Ltmp71, $4  }
0x336: {  	v5 =	vadd.s32 v9, v8;
	v63 =	vsel vm13, $0x1, v1;
	vm14 =	vge.s32 v6, v4  }
0x337: {  	v5 =	vadd.s32 v63, v5;
	v6 =	vsel vm14, $0x1, v1;
	vm15 =	vge.s32 v7, v4  }
0x338: {  	v4 =	vadd.s32 v6, v5;
	v5 =	vsel vm15, $0x1, v1  }
0x339: {  	v4 =	vadd.s32 v5, v4  }
.LBB2_102:
0x33a: {  	s0 =	sshll.u32 s23, $0x6  }
0x33b: {  	s0 =	sshra.s32 s0, $0x2  }
0x33c: {  	s22 =	simm.s32 $0x0;
	s0 =	sadd.s32 $0x10000, s0  }
.LBB2_103:
0x33d: {  	v4 =	vld [tilespmem:s0+$0x0];
	_ =	sdelay $0x4  }
0x33e: {  	(xrf0) =	vadd.scan.msk.s32 $0xffff, v4;
	_ =	sdelay $0x5  }
0x33f: {  	v4, _, _ =	vpop (xrf0)  }
0x340: {  	(v2sf) =	vpush v4, $0xF;
	_ =	sdelay $0xe  }
0x341: {  	s24 =	spop (v2sf)  }
0x342: {  	p0 =	slt.s32 s23, $0x1;
	s22 =	sadd.s32 s22, s24  }
0x343: {  	p1 =	slt.s32 @!p0 s22, $0x40  }
0x344: {  	p1 =	por p0, !p1  }
.Ltmp72:
0x345: {  	_ = 	snop;
	(pc) =	sbr.rel @!p1 .LBB2_103-.Ltmp72, $2  }
0x346: {  	_ =	sdelay $0x2  }
0x347: {  	s23 =	sadd.s32 $0xFFFFFFFF, s23;
	s0 =	sadd.s32 $0xFFFFFFF0, s0  }
0x348: {  	s23 =	smov.u32 @p0 s23;
	s22 =	smov.u32 @p0 s22;
	s24 =	smov.u32 @p0 s24  }
.LBB2_105:
0x349: {  	s0 =	simm.s32 $0x8040  }
0x34a: {  	v4 =	vld [tilespmem:s0+$0x30]  }
0x34b: {  	v6 =	vld [tilespmem:s0+$0x20]  }
0x34c: {  	v7 =	vld [tilespmem:s0+$0x10]  }
0x34d: {  	v8 =	vld [tilespmem:s0+$0x0]  }
0x34e: {  	v9 =	vld [tilespmem:s0+$0xFFFFFFF0]  }
0x34f: {  	v10 =	vld [tilespmem:s0+$0xFFFFFFE0]  }
0x350: {  	v11 =	vld [tilespmem:s0+$0xFFFFFFD0]  }
0x351: {  	v12 =	vld [tilespmem:s0+$0xFFFFFFC0]  }
0x352: {  	s25 =	sshll.u32 s23, $0x15;
	v13 =	vlaneseq.u32  }
0x353: {  	s23 =	sadd.s32 $0x200000, s25;
	v14 =	vand.u32 $0xFFF, v13  }
0x354: {  	v5 =	vmov s23;
	v15 =	vand.u32 $0x7FFFFFFF, v4;
	v16 =	vand.u32 $0x7FFFFFFF, v8  }
0x355: {  	v19 =	vand.u32 $0x7FFFFFFF, v7;
	v7 =	vand.u32 $0x7FFFFFFF, v6;
	v4 =	vand.u32 $0x7FFFFFFF, v11  }
0x356: {  	v23 =	vand.u32 $0x7FFFFFFF, v10;
	v22 =	vand.u32 $0x7FFFFFFF, v9;
	v6 =	vand.u32 $0x7FFFFFFF, v12  }
0x357: {  	v8 =	vsub.s32 v7, v5;
	v9 =	vsub.s32 v6, v5;
	v10 =	vsub.s32 v16, v5  }
0x358: {  	v11 =	vsub.s32 v19, v5;
	v12 =	vsub.s32 v22, v5;
	vm1 =	vlt.u32 v9, $0x200000  }
0x359: {  	v9 =	vsub.s32 v4, v5;
	vm0 =	vlt.u32 v12, $0x200000;
	vm2 =	vlt.u32 v10, $0x200000  }
0x35a: {  	v17 =	vsel vm1, $0x10, v1;
	vm3 =	vlt.u32 v9, $0x200000;
	v9 =	vsub.s32 v23, v5  }
0x35b: {  	s31 =	simm.s32 $0x80C0;
	v13 =	vadd.s32 v13, v17;
	v17 =	vsel vm3, $0x10, v1;
	vm4 =	vlt.u32 v9, $0x200000  }
0x35c: {  	v24 =	vld [tilespmem:s31+$0x0];
	vm5 =	vlt.u32 v11, $0x200000;
	v17 =	vadd.s32 v13, v17;
	v18 =	vsel vm4, $0x10, v1  }
0x35d: {  	v12 =	vld [tilespmem:s31+$0x20];
	vm6 =	vlt.u32 v8, $0x200000;
	v20 =	vsel vm0, $0x10, v1;
	v18 =	vadd.s32 v17, v18  }
0x35e: {  	v10 =	vld [tilespmem:s31+$0x10];
	v8 =	vsub.s32 v15, v5;
	v21 =	vsel vm2, $0x10, v1;
	v20 =	vadd.s32 v18, v20  }
0x35f: {  	v26 =	vsel vm6, $0x10, v1;
	v9 =	vld [tilespmem:s31+$0x30];
	v11 =	vadd.s32 v20, v21;
	v21 =	vsel vm5, $0x10, v1  }
0x360: {  	v61 =	vld [tilespmem:s31+$0xFFFFFFD0];
	vm7 =	vlt.u32 v8, $0x200000;
	v34 =	vand.u32 $0xFFF, v20;
	v21 =	vadd.s32 v11, v21  }
0x361: {  	v25 =	vld [tilespmem:s31+$0xFFFFFFF0];
	v28 =	vand.u32 $0xFFF, v21;
	v8 =	vadd.s32 v21, v26;
	v21 =	vsel vm7, $0x10, v1  }
0x362: {  	v13 =	vand.u32 $0xFFF, v13;
	v29 =	vand.u32 $0xFFF, v8;
	v31 =	vadd.s32 v8, v21;
	v21 =	vld [tilespmem:s31+$0xFFFFFFC0]  }
0x363: {  	v32 =	vand.u32 $0xFFF, v17;
	v33 =	vand.u32 $0xFFF, v18;
	v30 =	vand.u32 $0xFFF, v11  }
0x364: {  	v27 =	vld [tilespmem:s31+$0xFFFFFFE0];
	[tilespmem:v14+s16+$0x0] =	vst.idx.msk vm1, v6;
	v6 =	vand.u32 $0x7FFFFFFF, v9;
	v9 =	vand.u32 $0x7FFFFFFF, v10;
	v10 =	vand.u32 $0x7FFFFFFF, v12  }
0x365: {  	vm1 =	vmmov vm3;
	v12 =	vand.u32 $0x7FFFFFFF, v61;
	v18 =	vsub.s32 v10, v5  }
0x366: {  	v14 =	vand.u32 $0x7FFFFFFF, v25;
	v17 =	vsub.s32 v6, v5;
	v62 =	vsub.s32 v12, v5;
	[tilespmem:v34+s16+$0x0] =	vst.idx.msk vm2, v16  }
0x367: {  	v8 =	vand.u32 $0x7FFFFFFF, v24;
	v11 =	vand.u32 $0xFFF, v31;
	[tilespmem:v29+s16+$0x0] =	vst.idx.msk vm7, v15;
	v15 =	vand.u32 $0x7FFFFFFF, v21  }
0x368: {  	v20 =	vsub.s32 v8, v5;
	vm2 =	vlt.u32 v62, $0x200000;
	[tilespmem:v30+s16+$0x0] =	vst.idx.msk vm5, v19;
	v21 =	vsub.s32 v15, v5  }
0x369: {  	v19 =	vsub.s32 v9, v5;
	[tilespmem:v28+s16+$0x0] =	vst.idx.msk vm6, v7;
	v7 =	vand.u32 $0x7FFFFFFF, v27;
	vm3 =	vlt.u32 v21, $0x200000  }
0x36a: {  	[tilespmem:v33+s16+$0x0] =	vst.idx.msk vm0, v22;
	v22 =	vsel vm2, $0x10, v1;
	v63 =	vsub.s32 v7, v5;
	v16 =	vsel vm3, $0x10, v1  }
0x36b: {  	s26 =	simm.s32 $0x80;
	s28 =	simm.s32 $0x8140;
	[tilespmem:v32+s16+$0x0] =	vst.idx.msk vm4, v23;
	vm0 =	vlt.u32 v63, $0x200000;
	v21 =	vsub.s32 v14, v5;
	v16 =	vadd.s32 v31, v16  }
.LBB2_106:
0x36c: {  	v23 =	vld [tilespmem:s28+$0x30];
	v22 =	vadd.s32 v16, v22;
	v25 =	vsel vm0, $0x10, v1;
	vm4 =	vlt.u32 v21, $0x200000;
	[tilespmem:v13+s16+$0x0] =	vst.idx.msk vm1, v4;
	v4 =	vmovc v12  }
0x36d: {  	vm5 =	vlt.u32 v20, $0x200000;
	v24 =	vmovc v14;
	v12 =	vld [tilespmem:s28+$0x20];
	v13 =	vadd.s32 v22, v25;
	v21 =	vsel vm4, $0x10, v1  }
0x36e: {  	s26 =	sadd.s32 $0x80, s26;
	vm6 =	vlt.u32 v19, $0x200000;
	v14 =	vld [tilespmem:s28+$0x10];
	v20 =	vadd.s32 v13, v21;
	v21 =	vsel vm5, $0x10, v1  }
0x36f: {  	p0 =	slt.u32 s26, $0x7F80;
	v19 =	vld [tilespmem:s28+$0x0];
	[tilespmem:v11+s16+$0x0] =	vst.idx.msk vm3, v15;
	v11 =	vadd.s32 v20, v21;
	v15 =	vsel vm6, $0x10, v1;
	vm3 =	vlt.u32 v18, $0x200000  }
0x370: {  	vm7 =	vlt.u32 v17, $0x200000;
	v18 =	vld [tilespmem:s28+$0xFFFFFFF0];
	v15 =	vadd.s32 v11, v15;
	v21 =	vsel vm3, $0x10, v1  }
0x371: {  	v17 =	vld [tilespmem:s28+$0xFFFFFFE0];
	v25 =	vand.u32 $0xFFF, v15;
	v15 =	vadd.s32 v15, v21;
	v21 =	vsel vm7, $0x10, v1  }
0x372: {  	v27 =	vand.u32 $0xFFF, v11;
	v26 =	vld [tilespmem:s28+$0xFFFFFFD0];
	v28 =	vand.u32 $0xFFF, v15;
	v29 =	vadd.s32 v15, v21  }
0x373: {  	v30 =	vand.u32 $0xFFF, v22;
	v22 =	vand.u32 $0xFFF, v13;
	v31 =	vand.u32 $0xFFF, v20;
	v15 =	vld [tilespmem:s28+$0xFFFFFFC0]  }
0x374: {  	vm1 =	vmmov vm2;
	v13 =	vand.u32 $0xFFF, v16;
	v11 =	vand.u32 $0xFFF, v29  }
0x375: {  	v16 =	vand.u32 $0x7FFFFFFF, v23  }
0x376: {  	v21 =	vand.u32 $0x7FFFFFFF, v14;
	v23 =	vand.u32 $0x7FFFFFFF, v19;
	[tilespmem:v25+s16+$0x0] =	vst.idx.msk vm3, v10;
	v10 =	vand.u32 $0x7FFFFFFF, v12  }
0x377: {  	v14 =	vand.u32 $0x7FFFFFFF, v18;
	v25 =	vand.u32 $0x7FFFFFFF, v17;
	v12 =	vand.u32 $0x7FFFFFFF, v26;
	[tilespmem:v28+s16+$0x0] =	vst.idx.msk vm7, v6;
	v6 =	vmovc v16  }
.Ltmp73:
0x378: {  	v18 =	vsub.s32 v10, v5;
	v15 =	vand.u32 $0x7FFFFFFF, v15;
	v17 =	vsub.s32 v6, v5;
	[tilespmem:v27+s16+$0x0] =	vst.idx.msk vm6, v9;
	(pc) =	sbr.rel @p0 .LBB2_106-.Ltmp73, $4  }
0x379: {  	v19 =	vsub.s32 v21, v5;
	v20 =	vsub.s32 v23, v5;
	v9 =	vmovc v21;
	v16 =	vsub.s32 v15, v5  }
0x37a: {  	v21 =	vsub.s32 v14, v5;
	vm3 =	vlt.u32 v16, $0x200000;
	v16 =	vsub.s32 v12, v5;
	[tilespmem:v31+s16+$0x0] =	vst.idx.msk vm5, v8  }
0x37b: {  	v27 =	vsub.s32 v25, v5;
	v8 =	vmovc v23;
	v26 =	vsel vm3, $0x10, v1;
	vm2 =	vlt.u32 v16, $0x200000;
	[tilespmem:v22+s16+$0x0] =	vst.idx.msk vm4, v24  }
0x37c: {  	s28 =	sadd.s32 $0x80, s28;
	v16 =	vadd.s32 v29, v26;
	v22 =	vsel vm2, $0x10, v1;
	[tilespmem:v30+s16+$0x0] =	vst.idx.msk vm0, v7;
	vm0 =	vlt.u32 v27, $0x200000;
	v7 =	vmovc v25  }
0x37d: {  	v22 =	vadd.s32 v16, v22;
	v5 =	vsel vm0, $0x10, v1;
	vm4 =	vlt.u32 v21, $0x200000  }
0x37e: {  	vm5 =	vlt.u32 v20, $0x200000;
	v56 =	vadd.s32 v22, v5;
	v5 =	vsel vm4, $0x10, v1  }
0x37f: {  	vm6 =	vlt.u32 v19, $0x200000;
	v57 =	vadd.s32 v56, v5;
	v5 =	vsel vm5, $0x10, v1  }
0x380: {  	vm7 =	vlt.u32 v18, $0x200000;
	v58 =	vadd.s32 v57, v5;
	v5 =	vsel vm6, $0x10, v1  }
0x381: {  	vm8 =	vlt.u32 v17, $0x200000;
	v59 =	vadd.s32 v58, v5;
	v5 =	vsel vm7, $0x10, v1  }
0x382: {  	v60 =	vadd.s32 v59, v5;
	v5 =	vsel vm8, $0x10, v1  }
0x383: {  	v5 =	vadd.s32 v60, v5  }
0x384: {  	v5 =	vadd.s32 v2, v5  }
0x385: {  	v5 =	vshra.s32 v5, $0x4  }
0x386: {  	v23 =	vxor.u32 $0x80000000, v5  }
0x387: {  	(xrf0) =	vmax.scan.msk.u32 $0xffff, v23;
	_ =	sdelay $0x5  }
0x388: {  	v23, _, _ =	vpop (xrf0)  }
0x389: {  	(v2sf) =	vpush v23, $0xF;
	_ =	sdelay $0x6  }
0x38a: {  	v63 =	vand.u32 $0xFFF, v16  }
0x38b: {  	v62 =	vand.u32 $0xFFF, v22  }
0x38c: {  	v61 =	vand.u32 $0xFFF, v56  }
0x38d: {  	[tilespmem:v13+s16+$0x0] =	vst.idx.msk vm1, v4;
	v4 =	vand.u32 $0xFFF, v57  }
0x38e: {  	[tilespmem:v11+s16+$0x0] =	vst.idx.msk vm3, v15;
	v19 =	vand.u32 $0xFFF, v58  }
0x38f: {  	v18 =	vand.u32 $0xFFF, v59;
	[tilespmem:v63+s16+$0x0] =	vst.idx.msk vm2, v12  }
0x390: {  	v17 =	vand.u32 $0xFFF, v60;
	[tilespmem:v62+s16+$0x0] =	vst.idx.msk vm0, v7  }
.Ltmp74:
0x391: {  	[tilespmem:v61+s16+$0x0] =	vst.idx.msk vm4, v14;
	(pc) =	sbr.rel .LBB2_108-.Ltmp74, $4  }
0x392: {  	[tilespmem:v4+s16+$0x0] =	vst.idx.msk vm5, v8;
	s0 =	spop (v2sf)  }
0x393: {  	s24 =	ssub.s32 s22, s24;
	[tilespmem:v19+s16+$0x0] =	vst.idx.msk vm6, v9;
	s26 =	sxor.u32 $0x80000000, s0  }
0x394: {  	s25 =	sadd.s32 $0x3FFFFF, s25;
	s29 =	simm.s32 $0x0;
	[tilespmem:v18+s16+$0x0] =	vst.idx.msk vm7, v10;
	p1 =	slt.s32 s26, $0x100  }
0x395: {  	vm15 =	vmmov vm2;
	s28 =	ssub.s32 $0x40, s24;
	[tilespmem:v17+s16+$0x0] =	vst.idx.msk vm8, v6;
	p0 =	slt.s32 s26, $0x1;
	s26 =	simm.s32 @!p1 $0x100  }
.LBB2_109:
0x396: {  	v4 =	vimm.s32 $0x0  }
.LBB2_119:
0x397: {  	(xrf0) =	vadd.scan.msk.s32 $0xffff, v4;
	_ =	sdelay $0x5  }
0x398: {  	v4, _, _ =	vpop (xrf0)  }
0x399: {  	(v2sf) =	vpush v4, $0xF;
	_ =	sdelay $0xb  }
0x39a: {  	s29 =	sadd.s32 $0x1, s29  }
0x39b: {  	p2 =	seq.s32 s29, $0x15  }
.Ltmp75:
0x39c: {  	_ = 	snop;
	(pc) =	sbr.rel @p2 .LBB2_110-.Ltmp75, $4  }
0x39d: {  	s0 =	spop (v2sf)  }
0x39e: {  	p1 =	slt.s32 s0, s28  }
0x39f: {  	s0 =	sadd.s32 $0xFFFFFFFF, s22;
	s22 =	smov.u32 @p1 s23  }
0x3a0: {  	s25 =	smov.u32 @p1 s0;
	s23 =	smov.u32 s22  }
.LBB2_108:
.Ltmp76:
0x3a1: {  	(pc) =	sbr.rel @p0 .LBB2_109-.Ltmp76, $4  }
0x3a2: {  	s0 =	ssub.s32 s25, s23  }
0x3a3: {  	s0 =	sadd.s32 $0x1, s0  }
0x3a4: {  	s0 =	sshra.s32 s0, $0x1  }
0x3a5: {  	s22 =	sadd.s32 s23, s0  }
0x3a6: {  	p2 =	sne.s32 s26, $0x1  }
.Ltmp77:
0x3a7: {  	_ = 	snop;
	(pc) =	sbr.rel @!p2 .LBB2_113-.Ltmp77, $3  }
0x3a8: {  	_ =	sdelay $0x1  }
0x3a9: {  	s1 =	simm.s32 $0x14000  }
0x3aa: {  	v6 =	vmov s22;
	s0 =	simm.s32 $0x0;
	v4 =	vimm.s32 $0x0;
	s30 =	simm.s32 $0x1;
	p1 =	por $0x0, $0x0;
	v7 =	vld [tilespmem:s1+$0x0]  }
0x3ab: {  	_ = 	snop  }
0x3ac: {  	p2 =	sne.s32 s26, $0x2  }
.Ltmp78:
0x3ad: {  	_ = 	snop;
	(pc) =	sbr.rel @!p2 .LBB2_115-.Ltmp78, $4  }
0x3ae: {  	v8 =	vmov s0  }
0x3af: {  	vm1 =	vlt.s32 v8, v5;
	vm0 =	vge.s32 v7, v6  }
0x3b0: {  	s31 =	simm.s32 $0x14010;
	vm0 =	vmand vm1, vm0  }
0x3b1: {  	s0 =	simm.s32 $0x2;
	p1 =	por $0x1, $0x1;
	v8 =	vimm.s32 $0x0;
	v7 =	vld [tilespmem:s31+$0x0];
	v9 =	vsel vm0, $0x1, v1  }
.LBB2_116:
0x3b2: {  	s1 =	smov.u32 s0;
	s0 =	sadd.s32 $0x1, s0  }
0x3b3: {  	v8 =	vadd.s32 v9, v8;
	p2 =	sne.s32 s26, s0  }
.Ltmp79:
0x3b4: {  	(pc) =	sbr.rel @p2 .LBB2_116-.Ltmp79, $4  }
0x3b5: {  	v9 =	vmov s30;
	s30 =	smov.u32 s1  }
0x3b6: {  	s31 =	sadd.s32 $0x10, s31;
	vm1 =	vlt.s32 v9, v5;
	vm0 =	vge.s32 v7, v6  }
0x3b7: {  	v7 =	vld [tilespmem:s31+$0x0];
	vm0 =	vmand vm1, vm0  }
0x3b8: {  	v9 =	vsel vm0, $0x1, v1  }
0x3b9: {  	s0 =	smov.u32 s30  }
.LBB2_118:
0x3ba: {  	_ = 	snop  }
.Ltmp80:
0x3bb: {  	v10 =	vmov s0;
	(pc) =	sbr.rel .LBB2_119-.Ltmp80, $4  }
0x3bc: {  	vm1 =	vlt.s32 v10, v5;
	vm0 =	vge.s32 v7, v6  }
0x3bd: {  	v6 =	vadd.s32 @p1 v9, v8;
	vm0 =	vmand vm1, vm0  }
0x3be: {  	v4 =	vpsel p1, v6, v4;
	v7 =	vsel vm0, $0x1, v1  }
0x3bf: {  	v4 =	vadd.s32 v7, v4  }
.LBB2_113:
.Ltmp81:
0x3c0: {  	(pc) =	sbr.rel .LBB2_118-.Ltmp81, $2  }
0x3c1: {  	_ =	sdelay $0x2  }
0x3c2: {  	v8 =	vimm.s32 $0x0  }
.LBB2_115:
.Ltmp82:
0x3c3: {  	(pc) =	sbr.rel .LBB2_118-.Ltmp82, $2  }
0x3c4: {  	_ =	sdelay $0x2  }
0x3c5: {  	v8 =	vimm.s32 $0x0;
	s0 =	simm.s32 $0x1  }
.LBB2_110:
.Ltmp83:
0x3c6: {  	(pc) =	sbr.rel @p0 .LBB2_111-.Ltmp83, $1  }
0x3c7: {  	_ =	sdelay $0x3  }
0x3c8: {  	p1 =	sne.s32 s26, $0x1  }
.Ltmp84:
0x3c9: {  	_ = 	snop;
	(pc) =	sbr.rel @!p1 .LBB2_121-.Ltmp84, $3  }
0x3ca: {  	_ =	sdelay $0x1  }
0x3cb: {  	s25 =	simm.s32 $0x14000  }
0x3cc: {  	v6 =	vmov s22;
	s0 =	simm.s32 $0x0;
	v4 =	vimm.s32 $0x0;
	s23 =	simm.s32 $0x1;
	p0 =	por $0x0, $0x0;
	v7 =	vld [tilespmem:s25+$0x0]  }
0x3cd: {  	_ = 	snop  }
0x3ce: {  	p1 =	sne.s32 s26, $0x2  }
.Ltmp85:
0x3cf: {  	_ = 	snop;
	(pc) =	sbr.rel @!p1 .LBB2_123-.Ltmp85, $4  }
0x3d0: {  	v8 =	vmov s0  }
0x3d1: {  	vm0 =	vlt.s32 v8, v5;
	vm1 =	vge.s32 v7, v6;
	vm2 =	veq.s32 v7, v6  }
0x3d2: {  	s25 =	simm.s32 $0x14010;
	v9 =	vimm.s32 $0x0;
	vm1 =	vmand vm0, vm1;
	vm0 =	vmand vm0, vm2  }
0x3d3: {  	s28 =	simm.s32 $0x2;
	p0 =	por $0x1, $0x1;
	v8 =	vimm.s32 $0x0;
	v7 =	vld [tilespmem:s25+$0x0];
	v10 =	vsel vm1, $0x1, v1;
	v11 =	vsel vm0, $0x1, v1  }
.LBB2_124:
0x3d4: {  	s0 =	smov.u32 s28;
	s28 =	sadd.s32 $0x1, s28  }
0x3d5: {  	v8 =	vadd.s32 v10, v8;
	v9 =	vadd.s32 v11, v9;
	p1 =	sne.s32 s26, s28  }
.Ltmp86:
0x3d6: {  	(pc) =	sbr.rel @p1 .LBB2_124-.Ltmp86, $4  }
0x3d7: {  	v10 =	vmov s23;
	s23 =	smov.u32 s0  }
0x3d8: {  	s25 =	sadd.s32 $0x10, s25;
	vm0 =	vlt.s32 v10, v5;
	vm1 =	vge.s32 v7, v6;
	vm2 =	veq.s32 v7, v6  }
0x3d9: {  	v7 =	vld [tilespmem:s25+$0x0];
	vm1 =	vmand vm0, vm1;
	vm0 =	vmand vm0, vm2  }
0x3da: {  	v10 =	vsel vm1, $0x1, v1;
	v11 =	vsel vm0, $0x1, v1  }
0x3db: {  	s0 =	smov.u32 s23  }
.LBB2_126:
0x3dc: {  	v12 =	vmov s0  }
.Ltmp87:
0x3dd: {  	vm0 =	vlt.s32 v12, v5;
	v5 =	vadd.s32 @p0 v10, v8;
	(pc) =	sbr.rel .LBB2_127-.Ltmp87, $4  }
0x3de: {  	vm1 =	vge.s32 v7, v6;
	vm2 =	veq.s32 v7, v6;
	v6 =	vadd.s32 @p0 v11, v9  }
0x3df: {  	v5 =	vpsel p0, v5, v4;
	vm1 =	vmand vm0, vm1;
	vm0 =	vmand vm0, vm2  }
0x3e0: {  	v4 =	vpsel p0, v6, v4;
	v7 =	vsel vm1, $0x1, v1;
	v63 =	vsel vm0, $0x1, v1  }
0x3e1: {  	v5 =	vadd.s32 v7, v5;
	v4 =	vadd.s32 v63, v4  }
.LBB2_83:
0x3e2: {  	v5 =	vimm.s32 $0x0;
	v4 =	vimm.s32 $0x0  }
.LBB2_95:
0x3e3: {  	(xrf0) =	vadd.scan.msk.s32 $0xffff, v5;
	_ =	sdelay $0x5  }
0x3e4: {  	v5, _, _ =	vpop (xrf0)  }
0x3e5: {  	(v2sf) =	vpush v5, $0xF;
	_ =	sdelay $0xa  }
.Ltmp88:
0x3e6: {  	_ = 	snop;
	(pc) =	sbr.rel .LBB2_128-.Ltmp88, $2  }
0x3e7: {  	_ =	sdelay $0x2  }
0x3e8: {  	s23 =	spop (v2sf)  }
.LBB2_111:
0x3e9: {  	v5 =	vimm.s32 $0x0;
	v4 =	vimm.s32 $0x0  }
.LBB2_127:
0x3ea: {  	(xrf0) =	vadd.scan.msk.s32 $0xffff, v5;
	_ =	sdelay $0x5  }
0x3eb: {  	v5, _, _ =	vpop (xrf0)  }
0x3ec: {  	(v2sf) =	vpush v5, $0xF;
	_ =	sdelay $0xe  }
0x3ed: {  	s0 =	spop (v2sf)  }
0x3ee: {  	s23 =	sadd.s32 s24, s0  }
.LBB2_128:
0x3ef: {  	(xrf0) =	vadd.scan.msk.s32 $0xffff, v4;
	_ =	sdelay $0x5  }
0x3f0: {  	v4, _, _ =	vpop (xrf0)  }
0x3f1: {  	(v2sf) =	vpush v4, $0xF;
	_ =	sdelay $0x6  }
0x3f2: {  	s24 =	simm.s32 $0x8040  }
0x3f3: {  	v12 =	vld [tilespmem:s24+$0x30]  }
0x3f4: {  	v11 =	vld [tilespmem:s24+$0xFFFFFFD0]  }
0x3f5: {  	v10 =	vld [tilespmem:s24+$0xFFFFFFE0]  }
0x3f6: {  	v9 =	vld [tilespmem:s24+$0xFFFFFFF0]  }
0x3f7: {  	v8 =	vld [tilespmem:s24+$0x0]  }
0x3f8: {  	v6 =	vld [tilespmem:s24+$0x10];
	v7 =	vand.u32 $0x7FFFFFFF, v12;
	v4 =	vmov s22  }
0x3f9: {  	v5 =	vld [tilespmem:s24+$0x20];
	v13 =	vand.u32 $0x7FFFFFFF, v11;
	vm1 =	vlt.s32 v7, v4  }
0x3fa: {  	s25 =	simm.s32 $0x0;
	s26 =	simm.s32 $0x80C0;
	v7 =	vld [tilespmem:s24+$0xFFFFFFC0];
	vm0 =	vlt.s32 v13, v4;
	v13 =	vand.u32 $0x7FFFFFFF, v10;
	v12 =	vsel vm1, $0x0, v12;
	s22 =	spop (v2sf)  }
.LBB2_129:
0x3fb: {  	v14 =	vld [tilespmem:s26+$0x30];
	s25 =	sadd.s32 $0x80, s25;
	v15 =	vsel vm0, $0x0, v11;
	vm0 =	vlt.s32 v13, v4;
	v13 =	vand.u32 $0x7FFFFFFF, v9;
	[tilespmem:s24+$0x30] =	vst v12  }
0x3fc: {  	v11 =	vld [tilespmem:s26+$0xFFFFFFD0];
	p0 =	slt.u32 s25, $0x7F80;
	[tilespmem:s24+$0xFFFFFFD0] =	vst v15;
	v12 =	vsel vm0, $0x0, v10;
	vm0 =	vlt.s32 v13, v4;
	v13 =	vand.u32 $0x7FFFFFFF, v8  }
0x3fd: {  	v10 =	vld [tilespmem:s26+$0xFFFFFFE0];
	[tilespmem:s24+$0xFFFFFFE0] =	vst v12;
	v12 =	vsel vm0, $0x0, v9;
	vm0 =	vlt.s32 v13, v4;
	v13 =	vand.u32 $0x7FFFFFFF, v6  }
.Ltmp89:
0x3fe: {  	v9 =	vld [tilespmem:s26+$0xFFFFFFF0];
	[tilespmem:s24+$0xFFFFFFF0] =	vst v12;
	v12 =	vsel vm0, $0x0, v8;
	vm0 =	vlt.s32 v13, v4;
	v13 =	vand.u32 $0x7FFFFFFF, v5;
	(pc) =	sbr.rel @p0 .LBB2_129-.Ltmp89, $4  }
0x3ff: {  	v8 =	vld [tilespmem:s26+$0x0];
	v15 =	vand.u32 $0x7FFFFFFF, v7;
	[tilespmem:s24+$0x0] =	vst v12;
	v12 =	vsel vm0, $0x0, v6;
	vm0 =	vlt.s32 v13, v4  }
0x400: {  	v6 =	vld [tilespmem:s26+$0x10];
	v13 =	vand.u32 $0x7FFFFFFF, v14;
	vm1 =	vlt.s32 v15, v4;
	[tilespmem:s24+$0x10] =	vst v12;
	v12 =	vsel vm0, $0x0, v5  }
0x401: {  	v15 =	vand.u32 $0x7FFFFFFF, v11;
	v5 =	vld [tilespmem:s26+$0x20];
	vm2 =	vlt.s32 v13, v4;
	v16 =	vsel vm1, $0x0, v7;
	[tilespmem:s24+$0x20] =	vst v12  }
0x402: {  	v7 =	vld [tilespmem:s26+$0xFFFFFFC0];
	vm0 =	vlt.s32 v15, v4;
	v13 =	vand.u32 $0x7FFFFFFF, v10;
	v12 =	vsel vm2, $0x0, v14;
	[tilespmem:s24+$0xFFFFFFC0] =	vst v16;
	s24 =	smov.u32 s26;
	s26 =	sadd.s32 $0x80, s26  }
0x403: {  	v11 =	vsel vm0, $0x0, v11;
	vm11 =	vlt.s32 v13, v4;
	v57 =	vand.u32 $0x7FFFFFFF, v9;
	[tilespmem:s24+$0x30] =	vst v12;
	p0 =	slt.s32 s23, $0x41  }
0x404: {  	[tilespmem:s24+$0xFFFFFFD0] =	vst v11;
	v10 =	vsel vm11, $0x0, v10;
	vm12 =	vlt.s32 v57, v4;
	v58 =	vand.u32 $0x7FFFFFFF, v8;
	p1 =	slt.s32 @!p0 s22, $0x1  }
0x405: {  	[tilespmem:s24+$0xFFFFFFE0] =	vst v10;
	v59 =	vsel vm12, $0x0, v9;
	vm13 =	vlt.s32 v58, v4;
	v60 =	vand.u32 $0x7FFFFFFF, v6;
	p0 =	por p0, p1  }
.Ltmp90:
0x406: {  	[tilespmem:s24+$0xFFFFFFF0] =	vst v59;
	v61 =	vsel vm13, $0x0, v8;
	vm14 =	vlt.s32 v60, v4;
	v62 =	vand.u32 $0x7FFFFFFF, v5;
	(pc) =	sbr.rel @p0 .LBB2_133-.Ltmp90, $4  }
0x407: {  	v63 =	vand.u32 $0x7FFFFFFF, v7;
	[tilespmem:s24+$0x0] =	vst v61;
	v6 =	vsel vm14, $0x0, v6;
	vm15 =	vlt.s32 v62, v4  }
0x408: {  	vm1 =	vlt.s32 v63, v4;
	[tilespmem:s24+$0x10] =	vst v6;
	v5 =	vsel vm15, $0x0, v5  }
0x409: {  	v6 =	vsel vm1, $0x0, v7;
	[tilespmem:s24+$0x20] =	vst v5  }
0x40a: {  	[tilespmem:s24+$0xFFFFFFC0] =	vst v6  }
0x40b: {  	s0 =	ssub.s32 s22, s23  }
0x40c: {  	s0 =	sadd.s32 $0x40, s0  }
0x40d: {  	s25 =	simm.s32 $0x0;
	s23 =	simm.s32 $0x8000;
	s24 =	simm.s32 $0x0;
	v5 =	vmov s0  }
.LBB2_132:
0x40e: {  	v6 =	vld [tilespmem:s23+$0x0];
	_ =	sdelay $0x4  }
0x40f: {  	v7 =	vand.u32 $0x7FFFFFFF, v6  }
0x410: {  	vm0 =	veq.s32 v7, v4  }
0x411: {  	v7 =	vmpcnt.ones.xlane vm0;
	_ =	sdelay $0x1  }
0x412: {  	(v2sf) =	vpush v7, $0x0;
	_ =	sdelay $0xa  }
0x413: {  	v7 =	vsel vm0, $0x1, v1  }
0x414: {  	(xrf0) =	vadd.scan.msk.s32 $0xffff, v7;
	_ =	sdelay $0x2  }
0x415: {  	v7 =	vmov s24;
	s0 =	spop (v2sf)  }
0x416: {  	p0 =	sgt.u32 s25, $0x7FEF;
	v7 =	vadd.s32 $0xFFFFFFFF, v7;
	s24 =	sadd.s32 s24, s0  }
0x417: {  	v7 =	vbroadcast v7, $0x0;
	p1 =	slt.s32 @!p0 s24, s22  }
0x418: {  	v8, _, _ =	vpop (xrf0);
	p0 =	por p0, !p1  }
.Ltmp91:
0x419: {  	v7 =	vadd.s32 v8, v7;
	(pc) =	sbr.rel @!p0 .LBB2_132-.Ltmp91, $4  }
0x41a: {  	vm1 =	vge.s32 v7, v5  }
0x41b: {  	vm0 =	vmand vm0, vm1  }
0x41c: {  	v6 =	vsel vm0, $0x0, v6  }
0x41d: {  	s25 =	sadd.s32 $0x10, s25;
	[tilespmem:s23+$0x0] =	vst v6;
	s23 =	sadd.s32 $0x10, s23  }
.LBB2_133:
0x41e: {  	[hbm4b:s7+s12] =	stream.strided.scatter [tilespmem:s15], [sflag:$0x4], $0x8000, s13, s12, $0x38;
	[tilespmem:$0x15000] =	vst v63  }
0x41f: {  	_ =	swait.ge [sflag:s14], $0x8000  }
0x420: {  	[sflag:s14] =	ssyncset.done $0x0  }
0x421: {  	[sflag:s14] =	ssyncadd.s32 $0xFFFF8000  }
0x422: {  	_ =	swait.ge [sflag:s19], $0x8000  }
0x423: {  	[sflag:s19] =	ssyncset.done $0x0  }
0x424: {  	s0 =	simm.s32 $0x40;
	[sflag:s19] =	ssyncadd.s32 $0xFFFF8000  }
0x425: {  	[tilespmem:s15], [sflag:$0x2] =	stream.strided.gather [hbm4b:s8+s12], $0x8000, s13, s12, $0x38;
	[tilespmem:$0x15000] =	vst v63  }
0x426: {  	v4 =	vld [tilespmem:s0+$0x30]  }
0x427: {  	v5 =	vld [tilespmem:s0+$0x20]  }
0x428: {  	v6 =	vld [tilespmem:s0+$0x10]  }
0x429: {  	v7 =	vld [tilespmem:s0+$0x0]  }
0x42a: {  	v8 =	vld [tilespmem:s0+$0xFFFFFFF0]  }
0x42b: {  	v9 =	vld [tilespmem:s0+$0xFFFFFFC0]  }
0x42c: {  	v10 =	vld [tilespmem:s0+$0xFFFFFFD0]  }
0x42d: {  	v11 =	vld [tilespmem:s0+$0xFFFFFFE0];
	_ =	sdelay $0x1  }
0x42e: {  	v12 =	vlaneseq.u32  }
0x42f: {  	v15 =	vand.u32 $0xFFF, v12;
	v18 =	vand.u32 $0x7FFFFFFF, v5;
	v19 =	vand.u32 $0x7FFFFFFF, v4  }
0x430: {  	v9 =	vand.u32 $0x7FFFFFFF, v9;
	v21 =	vand.u32 $0x7FFFFFFF, v7;
	v20 =	vand.u32 $0x7FFFFFFF, v6  }
0x431: {  	v4 =	vand.u32 $0x7FFFFFFF, v10;
	v5 =	vand.u32 $0x7FFFFFFF, v8;
	v6 =	vand.u32 $0x7FFFFFFF, v11  }
0x432: {  	vm1 =	vgt.u32 v9, $0x4037FFFF;
	vm2 =	vgt.u32 v4, $0x4037FFFF;
	vm3 =	vgt.u32 v6, $0x4037FFFF  }
0x433: {  	vm0 =	vgt.u32 v5, $0x4037FFFF;
	vm6 =	vgt.u32 v21, $0x4037FFFF;
	v7 =	vsel vm1, $0x10, v1  }
0x434: {  	s31 =	simm.s32 $0xC0;
	vm7 =	vgt.u32 v20, $0x4037FFFF;
	v8 =	vsel vm2, $0x10, v1;
	v7 =	vadd.s32 v12, v7  }
0x435: {  	v22 =	vld [tilespmem:s31+$0x10];
	vm4 =	vgt.u32 v18, $0x4037FFFF;
	v10 =	vsel vm3, $0x10, v1;
	v8 =	vadd.s32 v7, v8  }
0x436: {  	v27 =	vld [tilespmem:s31+$0xFFFFFFD0];
	vm8 =	vgt.u32 v19, $0x4037FFFF;
	v11 =	vsel vm0, $0x10, v1;
	v10 =	vadd.s32 v8, v10  }
0x437: {  	v13 =	vsel vm6, $0x10, v1;
	v14 =	vsel vm7, $0x10, v1;
	v12 =	vld [tilespmem:s31+$0x30];
	v11 =	vadd.s32 v10, v11  }
0x438: {  	v16 =	vld [tilespmem:s31+$0x20];
	v17 =	vsel vm4, $0x10, v1;
	vm2 =	vmmov vm2;
	v13 =	vadd.s32 v11, v13  }
0x439: {  	v25 =	vld [tilespmem:s31+$0xFFFFFFC0];
	vm5 =	vmmov vm3;
	v14 =	vadd.s32 v13, v14;
	v28 =	vand.u32 $0xFFF, v13  }
0x43a: {  	v23 =	vld [tilespmem:s31+$0x0];
	v32 =	vand.u32 $0xFFF, v11;
	v26 =	vand.u32 $0xFFF, v14;
	v14 =	vadd.s32 v14, v17  }
0x43b: {  	v31 =	vld [tilespmem:s31+$0xFFFFFFE0];
	[tilespmem:v15+s16+$0x0] =	vst.idx.msk vm1, v9;
	v9 =	vand.u32 $0x7FFFFFFF, v22;
	v13 =	vand.u32 $0xFFF, v8;
	v29 =	vand.u32 $0xFFF, v14  }
0x43c: {  	v24 =	vld [tilespmem:s31+$0xFFFFFFF0];
	v8 =	vand.u32 $0x7FFFFFFF, v12;
	v12 =	vand.u32 $0x7FFFFFFF, v27;
	v17 =	vsel vm8, $0x10, v1  }
0x43d: {  	vm1 =	vgt.u32 v12, $0x4037FFFF;
	v30 =	vadd.s32 v14, v17;
	v17 =	vand.u32 $0xFFF, v10  }
0x43e: {  	v14 =	vand.u32 $0xFFF, v7;
	v10 =	vand.u32 $0x7FFFFFFF, v16;
	v16 =	vand.u32 $0x7FFFFFFF, v25;
	[tilespmem:v28+s16+$0x0] =	vst.idx.msk vm7, v20  }
0x43f: {  	v7 =	vand.u32 $0x7FFFFFFF, v23;
	v11 =	vand.u32 $0xFFF, v30;
	[tilespmem:v26+s16+$0x0] =	vst.idx.msk vm4, v18;
	vm4 =	vgt.u32 v16, $0x4037FFFF  }
0x440: {  	v20 =	vsel vm1, $0x10, v1;
	[tilespmem:v29+s16+$0x0] =	vst.idx.msk vm8, v19;
	v15 =	vsel vm4, $0x10, v1;
	v19 =	vand.u32 $0x7FFFFFFF, v31  }
0x441: {  	s22 =	simm.s32 $0x80;
	s23 =	simm.s32 $0x140;
	[tilespmem:v32+s16+$0x0] =	vst.idx.msk vm6, v21;
	v18 =	vand.u32 $0x7FFFFFFF, v24;
	v15 =	vadd.s32 v30, v15;
	vm3 =	vgt.u32 v19, $0x4037FFFF  }
.LBB2_134:
0x442: {  	v21 =	vld [tilespmem:s23+$0x30];
	s22 =	sadd.s32 $0x80, s22;
	v20 =	vadd.s32 v15, v20;
	v22 =	vsel vm3, $0x10, v1;
	[tilespmem:v17+s16+$0x0] =	vst.idx.msk vm0, v5;
	vm0 =	vgt.u32 v18, $0x4037FFFF;
	v5 =	vmovc v18  }
0x443: {  	vm6 =	vgt.u32 v7, $0x4037FFFF;
	v18 =	vld [tilespmem:s23+$0x20];
	p0 =	slt.u32 s22, $0x7F80;
	v17 =	vadd.s32 v20, v22;
	v22 =	vsel vm0, $0x10, v1;
	[tilespmem:v13+s16+$0x0] =	vst.idx.msk vm5, v6;
	v6 =	vmovc v19  }
0x444: {  	vm7 =	vgt.u32 v9, $0x4037FFFF;
	v13 =	vsel vm6, $0x10, v1;
	v19 =	vld [tilespmem:s23+$0x10];
	v22 =	vadd.s32 v17, v22;
	[tilespmem:v14+s16+$0x0] =	vst.idx.msk vm2, v4;
	v4 =	vmovc v12  }
0x445: {  	v12 =	vld [tilespmem:s23+$0x0];
	[tilespmem:v11+s16+$0x0] =	vst.idx.msk vm4, v16;
	v11 =	vadd.s32 v22, v13;
	v13 =	vsel vm7, $0x10, v1;
	vm4 =	vgt.u32 v10, $0x4037FFFF  }
0x446: {  	vm8 =	vgt.u32 v8, $0x4037FFFF;
	v23 =	vld [tilespmem:s23+$0xFFFFFFF0];
	v13 =	vadd.s32 v11, v13;
	v14 =	vsel vm4, $0x10, v1  }
0x447: {  	v16 =	vld [tilespmem:s23+$0xFFFFFFC0];
	v24 =	vand.u32 $0xFFF, v13;
	v13 =	vadd.s32 v13, v14;
	v14 =	vsel vm8, $0x10, v1  }
0x448: {  	v26 =	vand.u32 $0xFFF, v11;
	v25 =	vld [tilespmem:s23+$0xFFFFFFD0];
	v27 =	vand.u32 $0xFFF, v13;
	v28 =	vadd.s32 v13, v14  }
0x449: {  	v17 =	vand.u32 $0xFFF, v17;
	v22 =	vand.u32 $0xFFF, v22;
	v13 =	vand.u32 $0xFFF, v20;
	v29 =	vld [tilespmem:s23+$0xFFFFFFE0]  }
0x44a: {  	vm2 =	vmmov vm1;
	v14 =	vand.u32 $0xFFF, v15;
	v11 =	vand.u32 $0xFFF, v28  }
.Ltmp92:
0x44b: {  	vm5 =	vmmov vm3;
	v15 =	vand.u32 $0x7FFFFFFF, v18;
	v20 =	vand.u32 $0x7FFFFFFF, v21;
	(pc) =	sbr.rel @p0 .LBB2_134-.Ltmp92, $4  }
0x44c: {  	v30 =	vand.u32 $0x7FFFFFFF, v19;
	v21 =	vand.u32 $0x7FFFFFFF, v12;
	v16 =	vand.u32 $0x7FFFFFFF, v16;
	[tilespmem:v24+s16+$0x0] =	vst.idx.msk vm4, v10;
	v10 =	vmovc v15  }
0x44d: {  	v18 =	vand.u32 $0x7FFFFFFF, v23;
	vm4 =	vgt.u32 v16, $0x4037FFFF;
	v12 =	vand.u32 $0x7FFFFFFF, v25;
	[tilespmem:v27+s16+$0x0] =	vst.idx.msk vm8, v8;
	v8 =	vmovc v20  }
0x44e: {  	v15 =	vsel vm4, $0x10, v1;
	vm1 =	vgt.u32 v12, $0x4037FFFF;
	v19 =	vand.u32 $0x7FFFFFFF, v29;
	[tilespmem:v26+s16+$0x0] =	vst.idx.msk vm7, v9;
	v9 =	vmovc v30  }
0x44f: {  	s23 =	sadd.s32 $0x80, s23;
	v15 =	vadd.s32 v28, v15;
	v20 =	vsel vm1, $0x10, v1;
	vm3 =	vgt.u32 v19, $0x4037FFFF;
	[tilespmem:v22+s16+$0x0] =	vst.idx.msk vm6, v7;
	v7 =	vmovc v21  }
0x450: {  	v21 =	vadd.s32 v15, v20;
	v20 =	vsel vm3, $0x10, v1;
	vm6 =	vgt.u32 v18, $0x4037FFFF  }
0x451: {  	vm7 =	vgt.u32 v7, $0x4037FFFF;
	v22 =	vadd.s32 v21, v20;
	v20 =	vsel vm6, $0x10, v1  }
0x452: {  	vm8 =	vgt.u32 v9, $0x4037FFFF;
	v23 =	vadd.s32 v22, v20;
	v20 =	vsel vm7, $0x10, v1  }
0x453: {  	vm10 =	vgt.u32 v10, $0x4037FFFF;
	v24 =	vadd.s32 v23, v20;
	v20 =	vsel vm8, $0x10, v1  }
0x454: {  	vm9 =	vgt.u32 v8, $0x4037FFFF;
	v25 =	vadd.s32 v24, v20;
	v20 =	vsel vm10, $0x10, v1  }
0x455: {  	v26 =	vadd.s32 v25, v20;
	v20 =	vsel vm9, $0x10, v1  }
0x456: {  	v20 =	vadd.s32 v26, v20  }
0x457: {  	v27 =	vadd.s32 v2, v20  }
0x458: {  	v27 =	vshra.s32 v27, $0x4  }
0x459: {  	v28 =	vxor.u32 $0x80000000, v27  }
0x45a: {  	(xrf0) =	vmax.scan.msk.u32 $0xffff, v28;
	_ =	sdelay $0x3  }
0x45b: {  	(xrf0) =	vmin.scan.msk.u32 $0xffff, v28;
	_ =	sdelay $0x1  }
0x45c: {  	v57, _, _ =	vpop (xrf0)  }
0x45d: {  	(v2sf) =	vpush v57, $0xF;
	_ =	sdelay $0x2  }
0x45e: {  	v58, _, _ =	vpop (xrf0)  }
0x45f: {  	(v2sf) =	vpush v58, $0xF  }
0x460: {  	(xrf0) =	vadd.scan.msk.s32 $0xffff, v27;
	_ =	sdelay $0x5  }
0x461: {  	v59, _, _ =	vpop (xrf0)  }
0x462: {  	(v2sf) =	vpush v59, $0xF;
	_ =	sdelay $0x2  }
0x463: {  	s0 =	spop (v2sf)  }
0x464: {  	vm1 =	vmmov vm1;
	v62 =	vand.u32 $0xFFF, v21;
	s22 =	sxor.u32 $0x80000000, s0  }
0x465: {  	[tilespmem:v17+s16+$0x0] =	vst.idx.msk vm0, v5;
	v63 =	vand.u32 $0xFFF, v15;
	p0 =	slt.s32 s22, $0x100;
	s0 =	smov.u32 s22  }
0x466: {  	[tilespmem:v13+s16+$0x0] =	vst.idx.msk vm5, v6;
	v61 =	vand.u32 $0xFFF, v22;
	s0 =	simm.s32 @!p0 $0x100  }
0x467: {  	[tilespmem:v14+s16+$0x0] =	vst.idx.msk vm2, v4;
	v4 =	vand.u32 $0xFFF, v23;
	s1 =	spop (v2sf);
	s23 =	sadd.s32 $0x3, s0  }
0x468: {  	[tilespmem:v11+s16+$0x0] =	vst.idx.msk vm4, v16;
	v60 =	vand.u32 $0xFFF, v24;
	s30 =	sxor.u32 $0x80000000, s1;
	s31 =	sand.u32 $0xFFFFFFFC, s23  }
0x469: {  	v25 =	vand.u32 $0xFFF, v25;
	[tilespmem:v62+s16+$0x0] =	vst.idx.msk vm3, v19;
	s0 =	ssub.s32 s31, s30  }
0x46a: {  	v5 =	vand.u32 $0xFFF, v26;
	[tilespmem:v63+s16+$0x0] =	vst.idx.msk vm1, v12;
	p0 =	slt.s32 s0, $0x1  }
.Ltmp93:
0x46b: {  	[tilespmem:v61+s16+$0x0] =	vst.idx.msk vm6, v18;
	(pc) =	sbr.rel @p0 .LBB2_139-.Ltmp93, $4  }
0x46c: {  	[tilespmem:v4+s16+$0x0] =	vst.idx.msk vm7, v7  }
0x46d: {  	[tilespmem:v60+s16+$0x0] =	vst.idx.msk vm8, v9  }
0x46e: {  	[tilespmem:v25+s16+$0x0] =	vst.idx.msk vm10, v10  }
0x46f: {  	vm15 =	vmmov vm3;
	[tilespmem:v5+s16+$0x0] =	vst.idx.msk vm9, v8;
	s23 =	sshra.s32 s23, $0x2;
	s24 =	spop (v2sf)  }
0x470: {  	p0 =	sne.s32 s0, $0x1  }
.Ltmp94:
0x471: {  	_ = 	snop;
	(pc) =	sbr.rel @!p0 .LBB2_138-.Ltmp94, $4  }
0x472: {  	s1 =	sshll.u32 s23, $0x6  }
0x473: {  	v4 =	vmov s1  }
0x474: {  	vm0 =	vlt.s32 v20, v4  }
0x475: {  	s0 =	sadd.s32 $0xFFFFFFFF, s0;
	v5 =	vand.u32 $0xFFF, v20;
	v6 =	vsel vm0, $0x10, v1  }
.LBB2_137:
0x476: {  	p0 =	sne.s32 s0, $0x1;
	s0 =	sadd.s32 $0xFFFFFFFF, s0;
	v20 =	vadd.s32 v20, v6  }
.Ltmp95:
0x477: {  	v6 =	vand.u32 $0xFFF, v20;
	(pc) =	sbr.rel @p0 .LBB2_137-.Ltmp95, $3  }
0x478: {  	_ =	sdelay $0x1  }
0x479: {  	[tilespmem:v5+s16+$0x0] =	vst.idx.msk vm0, v1;
	vm0 =	vlt.s32 v20, v4;
	v5 =	vmov v6  }
0x47a: {  	v6 =	vsel vm0, $0x10, v1  }
.LBB2_138:
0x47b: {  	_ =	sdelay $0x4  }
0x47c: {  	[tilespmem:v5+s16+$0x0] =	vst.idx.msk vm0, v1  }
.LBB2_139:
0x47d: {  	p0 =	sgt.s32 s24, $0x3F;
	p1 =	slt.s32 s22, $0x101  }
0x47e: {  	p0 =	por !p0, !p1  }
0x47f: {  	p0 =	por !p0, !p0  }
.Ltmp96:
0x480: {  	_ = 	snop;
	(pc) =	sbr.rel @!p0 .LBB2_162-.Ltmp96, $2  }
0x481: {  	_ =	sdelay $0x2  }
0x482: {  	s0 =	simm.s32 $0xFFFFFF80;
	s22 =	simm.s32 $0x10040  }
0x483: {  	p0 =	slt.s32 s23, $0x1  }
.Ltmp97:
0x484: {  	_ = 	snop;
	(pc) =	sbr.rel @p0 .LBB2_141-.Ltmp97, $1  }
0x485: {  	_ =	sdelay $0x3  }
0x486: {  	p2 =	sne.s32 s23, $0x1  }
.Ltmp98:
0x487: {  	_ = 	snop;
	(pc) =	sbr.rel @!p2 .LBB2_143-.Ltmp98, $3  }
0x488: {  	_ =	sdelay $0x1  }
0x489: {  	s22 =	simm.s32 $0x14020  }
0x48a: {  	v4 =	vimm.s32 $0x0;
	s0 =	sadd.s32 $0xFFFFFFFF, s23;
	p1 =	por $0x0, $0x0;
	v5 =	vld [tilespmem:s22+$0xFFFFFFE0]  }
0x48b: {  	_ = 	snop  }
0x48c: {  	v8 =	vld [tilespmem:s22+$0xFFFFFFF0]  }
0x48d: {  	p2 =	sne.s32 s0, $0x1  }
.Ltmp99:
0x48e: {  	v6 =	vld [tilespmem:s22+$0x0];
	(pc) =	sbr.rel @!p2 .LBB2_146-.Ltmp99, $4  }
0x48f: {  	vm0 =	vgt.s32 v4, v5  }
0x490: {  	v7 =	vld [tilespmem:s22+$0x10];
	v9 =	vsel vm0, v4, v5  }
0x491: {  	s22 =	simm.s32 $0x14060;
	vm0 =	vgt.s32 v9, v8  }
0x492: {  	s24 =	sadd.s32 $0xFFFFFFFF, s0;
	p1 =	por $0x1, $0x1;
	v5 =	vld [tilespmem:s22+$0xFFFFFFE0];
	v8 =	vsel vm0, v9, v8  }
.LBB2_145:
0x493: {  	p2 =	sne.s32 s24, $0x1;
	vm0 =	vgt.s32 v8, v6  }
0x494: {  	v9 =	vld [tilespmem:s22+$0xFFFFFFF0];
	v8 =	vsel vm0, v8, v6  }
0x495: {  	vm0 =	vgt.s32 v8, v7  }
.Ltmp100:
0x496: {  	v6 =	vld [tilespmem:s22+$0x0];
	v7 =	vsel vm0, v8, v7;
	(pc) =	sbr.rel @p2 .LBB2_145-.Ltmp100, $4  }
0x497: {  	vm0 =	vgt.s32 v7, v5  }
0x498: {  	v8 =	vsel vm0, v7, v5;
	v7 =	vld [tilespmem:s22+$0x10]  }
0x499: {  	s22 =	sadd.s32 $0x40, s22;
	vm0 =	vgt.s32 v8, v9  }
0x49a: {  	s24 =	sadd.s32 $0xFFFFFFFF, s24;
	v5 =	vld [tilespmem:s22+$0xFFFFFFE0];
	v8 =	vsel vm0, v8, v9  }
.LBB2_146:
0x49b: {  	vm0 =	vgt.s32 @p1 v8, v6  }
0x49c: {  	v6 =	vsel @p1 vm0, v8, v6  }
0x49d: {  	v63 =	vld [tilespmem:s22+$0xFFFFFFF0];
	vm0 =	vgt.s32 @p1 v6, v7  }
0x49e: {  	v6 =	vsel @p1 vm0, v6, v7  }
0x49f: {  	v7 =	vld [tilespmem:s22+$0x0];
	v4 =	vpsel p1, v6, v4  }
0x4a0: {  	vm15 =	vgt.s32 v4, v5  }
0x4a1: {  	v4 =	vsel vm15, v4, v5;
	v5 =	vld [tilespmem:s22+$0x10]  }
0x4a2: {  	vm0 =	vgt.s32 v4, v63  }
0x4a3: {  	v4 =	vsel vm0, v4, v63  }
.Ltmp101:
0x4a4: {  	vm0 =	vgt.s32 v4, v7;
	(pc) =	sbr.rel .LBB2_147-.Ltmp101, $4  }
0x4a5: {  	v4 =	vsel vm0, v4, v7  }
0x4a6: {  	vm0 =	vgt.s32 v4, v5  }
0x4a7: {  	v4 =	vsel vm0, v4, v5  }
0x4a8: {  	v4 =	vxor.u32 $0x80000000, v4  }
.LBB2_162:
0x4a9: {  	v5 =	vimm.s32 $0x0  }
0x4aa: {  	[tilespmem:s22+$0x30] =	vst v5  }
0x4ab: {  	[tilespmem:s22+$0xFFFFFFC0] =	vst v5  }
0x4ac: {  	[tilespmem:s22+$0xFFFFFFD0] =	vst v5  }
0x4ad: {  	[tilespmem:s22+$0xFFFFFFE0] =	vst v5  }
0x4ae: {  	[tilespmem:s22+$0xFFFFFFF0] =	vst v5  }
0x4af: {  	[tilespmem:s22+$0x0] =	vst v5  }
0x4b0: {  	s0 =	sadd.s32 $0x80, s0;
	[tilespmem:s22+$0x10] =	vst v5  }
.LBB2_163:
0x4b1: {  	s0 =	sadd.s32 $0x80, s0;
	[tilespmem:s22+$0x20] =	vst v5;
	s22 =	sadd.s32 $0x80, s22  }
0x4b2: {  	s23 =	simm.s32 $0x40;
	[tilespmem:s22+$0x30] =	vst v5;
	p0 =	slt.u32 s0, $0x3F80  }
0x4b3: {  	[tilespmem:s22+$0xFFFFFFC0] =	vst v5  }
.Ltmp102:
0x4b4: {  	[tilespmem:s22+$0xFFFFFFD0] =	vst v5;
	(pc) =	sbr.rel @p0 .LBB2_163-.Ltmp102, $4  }
0x4b5: {  	[tilespmem:s22+$0xFFFFFFE0] =	vst v5  }
0x4b6: {  	[tilespmem:s22+$0xFFFFFFF0] =	vst v5  }
0x4b7: {  	[tilespmem:s22+$0x0] =	vst v5  }
0x4b8: {  	[tilespmem:s22+$0x10] =	vst v5  }
0x4b9: {  	[tilespmem:s22+$0x20] =	vst v5  }
0x4ba: {  	v7 =	vld [tilespmem:s23+$0x30]  }
0x4bb: {  	v8 =	vld [tilespmem:s23+$0x20];
	_ =	sdelay $0x1  }
0x4bc: {  	v4 =	vld [tilespmem:s23+$0x10]  }
0x4bd: {  	v12 =	vld [tilespmem:s23+$0xFFFFFFD0]  }
0x4be: {  	v6 =	vshrl.u32 v7, $0x11  }
0x4bf: {  	v16 =	vld [tilespmem:s23+$0xFFFFFFF0];
	v9 =	vshrl.u32 v8, $0x11;
	v6 =	vand.u32 $0x3FF0, v6  }
0x4c0: {  	v10 =	vld [tilespmem:s23+$0xFFFFFFC0];
	v9 =	vand.u32 $0x3FF0, v9;
	v14 =	vor.u32 v0, v6  }
0x4c1: {  	v6 =	vld [tilespmem:s23+$0x0];
	v17 =	vor.u32 v0, v9;
	v9 =	vshrl.u32 v4, $0x11  }
0x4c2: {  	v11 =	vshrl.u32 v12, $0x11;
	v13 =	vand.u32 $0x3FF0, v9  }
0x4c3: {  	v9 =	vand.u32 $0x3FF0, v11;
	v11 =	vor.u32 v0, v13;
	_ =	sdelay $0x1  }
0x4c4: {  	v15 =	vshrl.u32 v10, $0x11;
	v13 =	vand.u32 $0x7FFFFFFF, v10;
	v10 =	vand.u32 $0x7FFFFFFF, v16;
	[tilespmem:v14+s20+$0x0] =	vst.idx.add.s32.msk $0xffff, v3  }
0x4c5: {  	vm0 =	vgt.s32 v5, v13;
	v14 =	vand.u32 $0x3FF0, v15;
	v18 =	vshrl.u32 v6, $0x11;
	[tilespmem:v17+s20+$0x0] =	vst.idx.add.s32.msk $0xffff, v3  }
0x4c6: {  	s22 =	simm.s32 $0x0;
	v15 =	vand.u32 $0x7FFFFFFF, v12;
	v12 =	vld [tilespmem:s23+$0xFFFFFFE0];
	v17 =	vshrl.u32 v16, $0x11;
	s23 =	simm.s32 $0xC0;
	v16 =	vand.u32 $0x3FF0, v18  }
.LBB2_165:
0x4c7: {  	s22 =	sadd.s32 $0x80, s22;
	v17 =	vand.u32 $0x3FF0, v17;
	[tilespmem:v11+s20+$0x0] =	vst.idx.add.s32.msk $0xffff, v3  }
0x4c8: {  	v16 =	vor.u32 v0, v16;
	v11 =	vld [tilespmem:s23+$0x30];
	p0 =	slt.u32 s22, $0x7F80;
	v17 =	vor.u32 v0, v17  }
0x4c9: {  	v14 =	vor.u32 v0, v14;
	v19 =	vand.u32 $0x7FFFFFFF, v7;
	v18 =	vld [tilespmem:s23+$0x20]  }
0x4ca: {  	v20 =	vand.u32 $0x7FFFFFFF, v6;
	v21 =	vand.u32 $0x7FFFFFFF, v4;
	v22 =	vand.u32 $0x7FFFFFFF, v8;
	v6 =	vld [tilespmem:s23+$0x0]  }
0x4cb: {  	v5 =	vsel vm0, v5, v13;
	v9 =	vor.u32 v0, v9;
	v4 =	vld [tilespmem:s23+$0x10];
	v8 =	vshrl.u32 v12, $0x11  }
0x4cc: {  	v5 =	vmax.u32 v5, v15;
	v25 =	vand.u32 $0x7FFFFFFF, v12;
	v23 =	vld [tilespmem:s23+$0xFFFFFFD0];
	v15 =	vand.u32 $0x3FF0, v8  }
0x4cd: {  	v5 =	vmax.u32 v5, v25;
	v24 =	vld [tilespmem:s23+$0xFFFFFFF0];
	v12 =	vshrl.u32 v11, $0x11;
	v13 =	vor.u32 v0, v15;
	v7 =	vmovc v11  }
0x4ce: {  	v5 =	vmax.u32 v5, v10;
	v11 =	vshrl.u32 v18, $0x11;
	v12 =	vand.u32 $0x3FF0, v12;
	[tilespmem:v14+s20+$0x0] =	vst.idx.add.s32.msk $0xffff, v3;
	v8 =	vmovc v18  }
0x4cf: {  	v5 =	vmax.u32 v5, v20;
	v10 =	vld [tilespmem:s23+$0xFFFFFFC0];
	v11 =	vand.u32 $0x3FF0, v11;
	v12 =	vor.u32 v0, v12  }
0x4d0: {  	v5 =	vmax.u32 v5, v21;
	v14 =	vshrl.u32 v4, $0x11;
	v18 =	vor.u32 v0, v11;
	[tilespmem:v9+s20+$0x0] =	vst.idx.add.s32.msk $0xffff, v3  }
0x4d1: {  	v5 =	vmax.u32 v5, v22;
	v9 =	vshrl.u32 v23, $0x11;
	v11 =	vand.u32 $0x3FF0, v14;
	[tilespmem:v17+s20+$0x0] =	vst.idx.add.s32.msk $0xffff, v3  }
.Ltmp103:
0x4d2: {  	v5 =	vmax.u32 v5, v19;
	v9 =	vand.u32 $0x3FF0, v9;
	v11 =	vor.u32 v0, v11;
	[tilespmem:v13+s20+$0x0] =	vst.idx.add.s32.msk $0xffff, v3;
	(pc) =	sbr.rel @p0 .LBB2_165-.Ltmp103, $4  }
0x4d3: {  	[tilespmem:v16+s20+$0x0] =	vst.idx.add.s32.msk $0xffff, v3  }
0x4d4: {  	v13 =	vand.u32 $0x7FFFFFFF, v10;
	v14 =	vshrl.u32 v10, $0x11;
	v10 =	vand.u32 $0x7FFFFFFF, v24;
	[tilespmem:v12+s20+$0x0] =	vst.idx.add.s32.msk $0xffff, v3  }
0x4d5: {  	v15 =	vand.u32 $0x7FFFFFFF, v23;
	v16 =	vshrl.u32 v6, $0x11;
	v14 =	vand.u32 $0x3FF0, v14;
	[tilespmem:v18+s20+$0x0] =	vst.idx.add.s32.msk $0xffff, v3  }
0x4d6: {  	v17 =	vshrl.u32 v24, $0x11;
	v16 =	vand.u32 $0x3FF0, v16;
	vm0 =	vgt.s32 v5, v13;
	v12 =	vld [tilespmem:s23+$0xFFFFFFE0];
	s23 =	sadd.s32 $0x80, s23  }
0x4d7: {  	_ =	sdelay $0x2  }
0x4d8: {  	v5 =	vsel vm0, v5, v13  }
0x4d9: {  	v5 =	vmax.u32 v5, v15;
	v59 =	vand.u32 $0x7FFFFFFF, v12  }
0x4da: {  	v5 =	vmax.u32 v5, v59  }
0x4db: {  	v6 =	vand.u32 $0x7FFFFFFF, v6;
	v5 =	vmax.u32 v5, v10  }
0x4dc: {  	v4 =	vand.u32 $0x7FFFFFFF, v4;
	v5 =	vmax.u32 v5, v6  }
0x4dd: {  	v60 =	vand.u32 $0x7FFFFFFF, v8;
	v4 =	vmax.u32 v5, v4  }
0x4de: {  	v5 =	vand.u32 $0x7FFFFFFF, v7;
	v4 =	vmax.u32 v4, v60  }
0x4df: {  	v4 =	vmax.u32 v4, v5  }
0x4e0: {  	v4 =	vxor.u32 $0x80000000, v4  }
0x4e1: {  	(xrf0) =	vmax.scan.msk.u32 $0xffff, v4;
	_ =	sdelay $0x5  }
0x4e2: {  	v4, _, _ =	vpop (xrf0)  }
0x4e3: {  	(v2sf) =	vpush v4, $0xF;
	_ =	sdelay $0xc  }
0x4e4: {  	v61 =	vor.u32 v0, v9;
	v62 =	vshrl.u32 v12, $0x11  }
0x4e5: {  	v63 =	vor.u32 v0, v16;
	v7 =	vand.u32 $0x3FF0, v62  }
0x4e6: {  	v7 =	vor.u32 v0, v7;
	v5 =	vand.u32 $0x3FF0, v17;
	s0 =	spop (v2sf)  }
0x4e7: {  	v5 =	vor.u32 v0, v5;
	s0 =	sshra.s32 s0, $0x15  }
0x4e8: {  	[tilespmem:v11+s20+$0x0] =	vst.idx.add.s32.msk $0xffff, v3;
	v4 =	vor.u32 v0, v14;
	p0 =	sgt.s32 s0, $0xFFFFFFFF  }
.Ltmp104:
0x4e9: {  	[tilespmem:v61+s20+$0x0] =	vst.idx.add.s32.msk $0xffff, v3;
	(pc) =	sbr.rel @!p0 .LBB2_168-.Ltmp104, $4  }
0x4ea: {  	[tilespmem:v63+s20+$0x0] =	vst.idx.add.s32.msk $0xffff, v3  }
0x4eb: {  	[tilespmem:v7+s20+$0x0] =	vst.idx.add.s32.msk $0xffff, v3  }
0x4ec: {  	[tilespmem:v5+s20+$0x0] =	vst.idx.add.s32.msk $0xffff, v3  }
0x4ed: {  	s22 =	simm.s32 $0x0;
	[tilespmem:v4+s20+$0x0] =	vst.idx.add.s32.msk $0xffff, v3;
	s23 =	sxor.u32 $0xFFFFFC00, s0  }
.Ltmp105:
0x4ee: {  	(pc) =	sbr.rel .LBB2_171-.Ltmp105, $2  }
0x4ef: {  	_ =	sdelay $0x2  }
0x4f0: {  	s24 =	simm.s32 $0x0  }
.LBB2_141:
0x4f1: {  	v4 =	vimm.s32 $0x80000000  }
.LBB2_147:
0x4f2: {  	(xrf0) =	vmax.scan.msk.u32 $0xffff, v4;
	_ =	sdelay $0x5  }
0x4f3: {  	v4, _, _ =	vpop (xrf0)  }
0x4f4: {  	(v2sf) =	vpush v4, $0xF;
	_ =	sdelay $0xe  }
0x4f5: {  	s0 =	spop (v2sf)  }
0x4f6: {  	s24 =	sxor.u32 $0x80000000, s0  }
0x4f7: {  	p1 =	sgt.s32 s24, $0x40380000  }
.Ltmp106:
0x4f8: {  	_ = 	snop;
	(pc) =	sbr.rel @p1 .LBB2_150-.Ltmp106, $2  }
0x4f9: {  	_ =	sdelay $0x2  }
0x4fa: {  	s22 =	simm.s32 $0x40380000  }
.LBB2_148:
.Ltmp107:
0x4fb: {  	(pc) =	sbr.rel @p0 .LBB2_149-.Ltmp107, $1  }
0x4fc: {  	_ =	sdelay $0x3  }
0x4fd: {  	p1 =	sne.s32 s23, $0x1  }
.Ltmp108:
0x4fe: {  	s0 =	simm.s32 $0x14020;
	(pc) =	sbr.rel @!p1 .LBB2_157-.Ltmp108, $4  }
0x4ff: {  	v6 =	vld [tilespmem:s0+$0x10]  }
0x500: {  	v8 =	vld [tilespmem:s0+$0x0]  }
0x501: {  	v7 =	vld [tilespmem:s0+$0xFFFFFFF0]  }
0x502: {  	v5 =	vmov s22;
	v4 =	vimm.s32 $0x0;
	s24 =	sadd.s32 $0xFFFFFFFF, s23;
	p0 =	por $0x0, $0x0;
	v9 =	vld [tilespmem:s0+$0xFFFFFFE0]  }
0x503: {  	_ = 	snop  }
0x504: {  	vm1 =	vge.s32 v6, v5  }
0x505: {  	s23 =	simm.s32 $0x14060;
	p1 =	sne.s32 s24, $0x1;
	vm0 =	veq.s32 v6, v5;
	vm2 =	vge.s32 v8, v5;
	vm3 =	veq.s32 v8, v5  }
.Ltmp109:
0x506: {  	v6 =	vld [tilespmem:s23+$0x10];
	v10 =	vsel vm1, $0x1, v1;
	vm5 =	vge.s32 v7, v5;
	vm6 =	veq.s32 v7, v5;
	(pc) =	sbr.rel @!p1 .LBB2_160-.Ltmp109, $4  }
0x507: {  	v8 =	vld [tilespmem:s23+$0x0];
	v11 =	vsel vm2, $0x1, v1;
	vm4 =	vge.s32 v9, v5;
	vm7 =	veq.s32 v9, v5  }
0x508: {  	v7 =	vld [tilespmem:s23+$0xFFFFFFF0];
	v13 =	vsel vm5, $0x1, v1;
	v9 =	vsel vm4, $0x1, v1;
	v12 =	vsel vm7, $0x1, v1  }
0x509: {  	v16 =	vsel vm6, $0x1, v1;
	v14 =	vadd.s32 v9, v4;
	v15 =	vadd.s32 v12, v4;
	v9 =	vld [tilespmem:s23+$0xFFFFFFE0]  }
0x50a: {  	s24 =	sadd.s32 $0xFFFFFFFF, s24;
	p0 =	por $0x1, $0x1;
	v12 =	vadd.s32 v13, v14;
	v13 =	vadd.s32 v16, v15;
	v14 =	vsel vm3, $0x1, v1  }
.LBB2_159:
0x50b: {  	p1 =	sne.s32 s24, $0x1;
	v11 =	vadd.s32 v11, v12;
	v12 =	vadd.s32 v14, v13;
	v13 =	vsel vm0, $0x1, v1  }
0x50c: {  	vm1 =	vge.s32 v6, v5;
	v14 =	vadd.s32 v10, v11;
	v12 =	vadd.s32 v13, v12  }
0x50d: {  	vm0 =	veq.s32 v6, v5;
	s23 =	sadd.s32 $0x40, s23;
	vm2 =	vge.s32 v8, v5;
	vm3 =	veq.s32 v8, v5  }
.Ltmp110:
0x50e: {  	vm5 =	vge.s32 v7, v5;
	vm6 =	veq.s32 v7, v5;
	v6 =	vld [tilespmem:s23+$0x10];
	vm4 =	vge.s32 v9, v5;
	(pc) =	sbr.rel @p1 .LBB2_159-.Ltmp110, $4  }
0x50f: {  	v10 =	vsel vm1, $0x1, v1;
	v11 =	vsel vm2, $0x1, v1;
	vm7 =	veq.s32 v9, v5;
	v8 =	vld [tilespmem:s23+$0x0]  }
0x510: {  	v16 =	vsel vm5, $0x1, v1;
	v13 =	vsel vm4, $0x1, v1;
	v15 =	vsel vm7, $0x1, v1;
	v7 =	vld [tilespmem:s23+$0xFFFFFFF0]  }
0x511: {  	v13 =	vadd.s32 v13, v14;
	v14 =	vadd.s32 v15, v12;
	v15 =	vsel vm6, $0x1, v1;
	v9 =	vld [tilespmem:s23+$0xFFFFFFE0]  }
0x512: {  	s24 =	sadd.s32 $0xFFFFFFFF, s24;
	v12 =	vadd.s32 v16, v13;
	v13 =	vadd.s32 v15, v14;
	v14 =	vsel vm3, $0x1, v1  }
.LBB2_160:
0x513: {  	v11 =	vadd.s32 @p0 v11, v12;
	v12 =	vadd.s32 @p0 v14, v13  }
0x514: {  	v13 =	vsel @p0 vm0, $0x1, v1;
	vm15 =	vge.s32 v6, v5;
	vm3 =	veq.s32 v6, v5  }
0x515: {  	v10 =	vadd.s32 @p0 v10, v11;
	v11 =	vadd.s32 @p0 v13, v12;
	vm1 =	vge.s32 v8, v5  }
0x516: {  	vm2 =	veq.s32 v8, v5;
	v6 =	vsel vm15, $0x1, v1;
	vm5 =	vge.s32 v7, v5  }
0x517: {  	vm6 =	veq.s32 v7, v5;
	v10 =	vpsel p0, v10, v4;
	v4 =	vpsel p0, v11, v4  }
0x518: {  	v63 =	vsel vm2, $0x1, v1;
	vm4 =	vge.s32 v9, v5;
	vm7 =	veq.s32 v9, v5  }
.Ltmp111:
0x519: {  	v61 =	vsel vm5, $0x1, v1;
	v7 =	vsel vm4, $0x1, v1;
	v60 =	vsel vm7, $0x1, v1;
	(pc) =	sbr.rel .LBB2_161-.Ltmp111, $4  }
0x51a: {  	v62 =	vsel vm6, $0x1, v1;
	v7 =	vadd.s32 v7, v10;
	v4 =	vadd.s32 v60, v4  }
0x51b: {  	v5 =	vsel vm1, $0x1, v1;
	v7 =	vadd.s32 v61, v7;
	v4 =	vadd.s32 v62, v4  }
0x51c: {  	v5 =	vadd.s32 v5, v7;
	v4 =	vadd.s32 v63, v4;
	v7 =	vsel vm3, $0x1, v1  }
0x51d: {  	v5 =	vadd.s32 v6, v5;
	v4 =	vadd.s32 v7, v4  }
.LBB2_151:
0x51e: {  	v4 =	vimm.s32 $0x0  }
.LBB2_155:
0x51f: {  	(xrf0) =	vadd.scan.msk.s32 $0xffff, v4;
	_ =	sdelay $0x5  }
0x520: {  	v4, _, _ =	vpop (xrf0)  }
0x521: {  	(v2sf) =	vpush v4, $0xF;
	_ =	sdelay $0xe  }
0x522: {  	s0 =	spop (v2sf)  }
0x523: {  	p1 =	sgt.s32 s0, $0x3F;
	s0 =	sadd.s32 $0xFFFFFFFF, s25  }
0x524: {  	s22 =	smov.u32 @p1 s25;
	s0 =	smov.u32 @p1 s24  }
0x525: {  	p1 =	slt.s32 s22, s0  }
.Ltmp112:
0x526: {  	_ = 	snop;
	(pc) =	sbr.rel @!p1 .LBB2_148-.Ltmp112, $2  }
0x527: {  	_ =	sdelay $0x2  }
0x528: {  	s24 =	smov.u32 s0  }
.LBB2_150:
.Ltmp113:
0x529: {  	(pc) =	sbr.rel @p0 .LBB2_151-.Ltmp113, $4  }
0x52a: {  	s0 =	ssub.s32 s24, s22  }
0x52b: {  	s0 =	sadd.s32 $0x1, s0  }
0x52c: {  	s0 =	sshra.s32 s0, $0x1  }
0x52d: {  	s25 =	sadd.s32 s22, s0  }
0x52e: {  	s0 =	simm.s32 $0x14020  }
0x52f: {  	p1 =	sne.s32 s23, $0x1;
	v9 =	vld [tilespmem:s0+$0xFFFFFFE0]  }
.Ltmp114:
0x530: {  	v5 =	vld [tilespmem:s0+$0xFFFFFFF0];
	(pc) =	sbr.rel @!p1 .LBB2_154-.Ltmp114, $4  }
0x531: {  	v6 =	vld [tilespmem:s0+$0x0]  }
0x532: {  	v7 =	vld [tilespmem:s0+$0x10]  }
0x533: {  	v4 =	vmov s25  }
0x534: {  	v8 =	vimm.s32 $0x0;
	s26 =	sadd.s32 $0xFFFFFFFF, s23;
	s28 =	simm.s32 $0x14060;
	vm0 =	vge.s32 v9, v4  }
.LBB2_153:
0x535: {  	v9 =	vld [tilespmem:s28+$0xFFFFFFE0];
	p1 =	sne.s32 s26, $0x1;
	s26 =	sadd.s32 $0xFFFFFFFF, s26;
	v10 =	vsel vm0, $0x1, v1;
	vm0 =	vge.s32 v5, v4  }
.Ltmp115:
0x536: {  	v5 =	vld [tilespmem:s28+$0xFFFFFFF0];
	v8 =	vadd.s32 v10, v8;
	v10 =	vsel vm0, $0x1, v1;
	vm0 =	vge.s32 v6, v4;
	(pc) =	sbr.rel @p1 .LBB2_153-.Ltmp115, $4  }
0x537: {  	v6 =	vld [tilespmem:s28+$0x0];
	v8 =	vadd.s32 v10, v8;
	v10 =	vsel vm0, $0x1, v1;
	vm0 =	vge.s32 v7, v4  }
0x538: {  	v7 =	vld [tilespmem:s28+$0x10];
	v8 =	vadd.s32 v10, v8;
	v10 =	vsel vm0, $0x1, v1  }
0x539: {  	v8 =	vadd.s32 v10, v8  }
0x53a: {  	s28 =	sadd.s32 $0x40, s28;
	vm0 =	vge.s32 v9, v4  }
.LBB2_154:
.Ltmp116:
0x53b: {  	v9 =	vsel vm0, $0x1, v1;
	vm13 =	vge.s32 v5, v4;
	(pc) =	sbr.rel .LBB2_155-.Ltmp116, $4  }
0x53c: {  	v5 =	vadd.s32 v9, v8;
	v63 =	vsel vm13, $0x1, v1;
	vm14 =	vge.s32 v6, v4  }
0x53d: {  	v5 =	vadd.s32 v63, v5;
	v6 =	vsel vm14, $0x1, v1;
	vm15 =	vge.s32 v7, v4  }
0x53e: {  	v4 =	vadd.s32 v6, v5;
	v5 =	vsel vm15, $0x1, v1  }
0x53f: {  	v4 =	vadd.s32 v5, v4  }
.LBB2_168:
0x540: {  	s0 =	sshll.u32 s23, $0x6  }
0x541: {  	s0 =	sshra.s32 s0, $0x2  }
0x542: {  	s22 =	simm.s32 $0x0;
	s0 =	sadd.s32 $0x10000, s0  }
.LBB2_169:
0x543: {  	v4 =	vld [tilespmem:s0+$0x0];
	_ =	sdelay $0x4  }
0x544: {  	(xrf0) =	vadd.scan.msk.s32 $0xffff, v4;
	_ =	sdelay $0x5  }
0x545: {  	v4, _, _ =	vpop (xrf0)  }
0x546: {  	(v2sf) =	vpush v4, $0xF;
	_ =	sdelay $0xe  }
0x547: {  	s24 =	spop (v2sf)  }
0x548: {  	p0 =	slt.s32 s23, $0x1;
	s22 =	sadd.s32 s22, s24  }
0x549: {  	p1 =	slt.s32 @!p0 s22, $0x40  }
0x54a: {  	p1 =	por p0, !p1  }
.Ltmp117:
0x54b: {  	_ = 	snop;
	(pc) =	sbr.rel @!p1 .LBB2_169-.Ltmp117, $2  }
0x54c: {  	_ =	sdelay $0x2  }
0x54d: {  	s23 =	sadd.s32 $0xFFFFFFFF, s23;
	s0 =	sadd.s32 $0xFFFFFFF0, s0  }
0x54e: {  	s23 =	smov.u32 @p0 s23;
	s22 =	smov.u32 @p0 s22;
	s24 =	smov.u32 @p0 s24  }
.LBB2_171:
0x54f: {  	s0 =	simm.s32 $0x40  }
0x550: {  	v4 =	vld [tilespmem:s0+$0x30]  }
0x551: {  	v6 =	vld [tilespmem:s0+$0x20]  }
0x552: {  	v7 =	vld [tilespmem:s0+$0x10]  }
0x553: {  	v8 =	vld [tilespmem:s0+$0x0]  }
0x554: {  	v9 =	vld [tilespmem:s0+$0xFFFFFFF0]  }
0x555: {  	v10 =	vld [tilespmem:s0+$0xFFFFFFE0]  }
0x556: {  	v11 =	vld [tilespmem:s0+$0xFFFFFFD0]  }
0x557: {  	v12 =	vld [tilespmem:s0+$0xFFFFFFC0]  }
0x558: {  	s25 =	sshll.u32 s23, $0x15;
	v13 =	vlaneseq.u32  }
0x559: {  	s23 =	sadd.s32 $0x200000, s25;
	v14 =	vand.u32 $0xFFF, v13  }
0x55a: {  	v5 =	vmov s23;
	v15 =	vand.u32 $0x7FFFFFFF, v4;
	v16 =	vand.u32 $0x7FFFFFFF, v8  }
0x55b: {  	v19 =	vand.u32 $0x7FFFFFFF, v7;
	v7 =	vand.u32 $0x7FFFFFFF, v6;
	v4 =	vand.u32 $0x7FFFFFFF, v11  }
0x55c: {  	v23 =	vand.u32 $0x7FFFFFFF, v10;
	v22 =	vand.u32 $0x7FFFFFFF, v9;
	v6 =	vand.u32 $0x7FFFFFFF, v12  }
0x55d: {  	v8 =	vsub.s32 v7, v5;
	v9 =	vsub.s32 v6, v5;
	v10 =	vsub.s32 v16, v5  }
0x55e: {  	v11 =	vsub.s32 v19, v5;
	v12 =	vsub.s32 v22, v5;
	vm1 =	vlt.u32 v9, $0x200000  }
0x55f: {  	v9 =	vsub.s32 v4, v5;
	vm0 =	vlt.u32 v12, $0x200000;
	vm2 =	vlt.u32 v10, $0x200000  }
0x560: {  	v17 =	vsel vm1, $0x10, v1;
	vm3 =	vlt.u32 v9, $0x200000;
	v9 =	vsub.s32 v23, v5  }
0x561: {  	s31 =	simm.s32 $0xC0;
	v13 =	vadd.s32 v13, v17;
	v17 =	vsel vm3, $0x10, v1;
	vm4 =	vlt.u32 v9, $0x200000  }
0x562: {  	v24 =	vld [tilespmem:s31+$0x0];
	vm5 =	vlt.u32 v11, $0x200000;
	v17 =	vadd.s32 v13, v17;
	v18 =	vsel vm4, $0x10, v1  }
0x563: {  	v12 =	vld [tilespmem:s31+$0x20];
	vm6 =	vlt.u32 v8, $0x200000;
	v20 =	vsel vm0, $0x10, v1;
	v18 =	vadd.s32 v17, v18  }
0x564: {  	v10 =	vld [tilespmem:s31+$0x10];
	v8 =	vsub.s32 v15, v5;
	v21 =	vsel vm2, $0x10, v1;
	v20 =	vadd.s32 v18, v20  }
0x565: {  	v26 =	vsel vm6, $0x10, v1;
	v9 =	vld [tilespmem:s31+$0x30];
	v11 =	vadd.s32 v20, v21;
	v21 =	vsel vm5, $0x10, v1  }
0x566: {  	v61 =	vld [tilespmem:s31+$0xFFFFFFD0];
	vm7 =	vlt.u32 v8, $0x200000;
	v34 =	vand.u32 $0xFFF, v20;
	v21 =	vadd.s32 v11, v21  }
0x567: {  	v25 =	vld [tilespmem:s31+$0xFFFFFFF0];
	v28 =	vand.u32 $0xFFF, v21;
	v8 =	vadd.s32 v21, v26;
	v21 =	vsel vm7, $0x10, v1  }
0x568: {  	v13 =	vand.u32 $0xFFF, v13;
	v29 =	vand.u32 $0xFFF, v8;
	v31 =	vadd.s32 v8, v21;
	v21 =	vld [tilespmem:s31+$0xFFFFFFC0]  }
0x569: {  	v32 =	vand.u32 $0xFFF, v17;
	v33 =	vand.u32 $0xFFF, v18;
	v30 =	vand.u32 $0xFFF, v11  }
0x56a: {  	v27 =	vld [tilespmem:s31+$0xFFFFFFE0];
	[tilespmem:v14+s16+$0x0] =	vst.idx.msk vm1, v6;
	v6 =	vand.u32 $0x7FFFFFFF, v9;
	v9 =	vand.u32 $0x7FFFFFFF, v10;
	v10 =	vand.u32 $0x7FFFFFFF, v12  }
0x56b: {  	vm1 =	vmmov vm3;
	v12 =	vand.u32 $0x7FFFFFFF, v61;
	v18 =	vsub.s32 v10, v5  }
0x56c: {  	v14 =	vand.u32 $0x7FFFFFFF, v25;
	v17 =	vsub.s32 v6, v5;
	v62 =	vsub.s32 v12, v5;
	[tilespmem:v34+s16+$0x0] =	vst.idx.msk vm2, v16  }
0x56d: {  	v8 =	vand.u32 $0x7FFFFFFF, v24;
	v11 =	vand.u32 $0xFFF, v31;
	[tilespmem:v29+s16+$0x0] =	vst.idx.msk vm7, v15;
	v15 =	vand.u32 $0x7FFFFFFF, v21  }
0x56e: {  	v20 =	vsub.s32 v8, v5;
	vm2 =	vlt.u32 v62, $0x200000;
	[tilespmem:v30+s16+$0x0] =	vst.idx.msk vm5, v19;
	v21 =	vsub.s32 v15, v5  }
0x56f: {  	v19 =	vsub.s32 v9, v5;
	[tilespmem:v28+s16+$0x0] =	vst.idx.msk vm6, v7;
	v7 =	vand.u32 $0x7FFFFFFF, v27;
	vm3 =	vlt.u32 v21, $0x200000  }
0x570: {  	[tilespmem:v33+s16+$0x0] =	vst.idx.msk vm0, v22;
	v22 =	vsel vm2, $0x10, v1;
	v63 =	vsub.s32 v7, v5;
	v16 =	vsel vm3, $0x10, v1  }
0x571: {  	s26 =	simm.s32 $0x80;
	s28 =	simm.s32 $0x140;
	[tilespmem:v32+s16+$0x0] =	vst.idx.msk vm4, v23;
	vm0 =	vlt.u32 v63, $0x200000;
	v21 =	vsub.s32 v14, v5;
	v16 =	vadd.s32 v31, v16  }
.LBB2_172:
0x572: {  	v23 =	vld [tilespmem:s28+$0x30];
	v22 =	vadd.s32 v16, v22;
	v25 =	vsel vm0, $0x10, v1;
	vm4 =	vlt.u32 v21, $0x200000;
	[tilespmem:v13+s16+$0x0] =	vst.idx.msk vm1, v4;
	v4 =	vmovc v12  }
0x573: {  	vm5 =	vlt.u32 v20, $0x200000;
	v24 =	vmovc v14;
	v12 =	vld [tilespmem:s28+$0x20];
	v13 =	vadd.s32 v22, v25;
	v21 =	vsel vm4, $0x10, v1  }
0x574: {  	s26 =	sadd.s32 $0x80, s26;
	vm6 =	vlt.u32 v19, $0x200000;
	v14 =	vld [tilespmem:s28+$0x10];
	v20 =	vadd.s32 v13, v21;
	v21 =	vsel vm5, $0x10, v1  }
0x575: {  	p0 =	slt.u32 s26, $0x7F80;
	v19 =	vld [tilespmem:s28+$0x0];
	[tilespmem:v11+s16+$0x0] =	vst.idx.msk vm3, v15;
	v11 =	vadd.s32 v20, v21;
	v15 =	vsel vm6, $0x10, v1;
	vm3 =	vlt.u32 v18, $0x200000  }
0x576: {  	vm7 =	vlt.u32 v17, $0x200000;
	v18 =	vld [tilespmem:s28+$0xFFFFFFF0];
	v15 =	vadd.s32 v11, v15;
	v21 =	vsel vm3, $0x10, v1  }
0x577: {  	v17 =	vld [tilespmem:s28+$0xFFFFFFE0];
	v25 =	vand.u32 $0xFFF, v15;
	v15 =	vadd.s32 v15, v21;
	v21 =	vsel vm7, $0x10, v1  }
0x578: {  	v27 =	vand.u32 $0xFFF, v11;
	v26 =	vld [tilespmem:s28+$0xFFFFFFD0];
	v28 =	vand.u32 $0xFFF, v15;
	v29 =	vadd.s32 v15, v21  }
0x579: {  	v30 =	vand.u32 $0xFFF, v22;
	v22 =	vand.u32 $0xFFF, v13;
	v31 =	vand.u32 $0xFFF, v20;
	v15 =	vld [tilespmem:s28+$0xFFFFFFC0]  }
0x57a: {  	vm1 =	vmmov vm2;
	v13 =	vand.u32 $0xFFF, v16;
	v11 =	vand.u32 $0xFFF, v29  }
0x57b: {  	v16 =	vand.u32 $0x7FFFFFFF, v23  }
0x57c: {  	v21 =	vand.u32 $0x7FFFFFFF, v14;
	v23 =	vand.u32 $0x7FFFFFFF, v19;
	[tilespmem:v25+s16+$0x0] =	vst.idx.msk vm3, v10;
	v10 =	vand.u32 $0x7FFFFFFF, v12  }
0x57d: {  	v14 =	vand.u32 $0x7FFFFFFF, v18;
	v25 =	vand.u32 $0x7FFFFFFF, v17;
	v12 =	vand.u32 $0x7FFFFFFF, v26;
	[tilespmem:v28+s16+$0x0] =	vst.idx.msk vm7, v6;
	v6 =	vmovc v16  }
.Ltmp118:
0x57e: {  	v18 =	vsub.s32 v10, v5;
	v15 =	vand.u32 $0x7FFFFFFF, v15;
	v17 =	vsub.s32 v6, v5;
	[tilespmem:v27+s16+$0x0] =	vst.idx.msk vm6, v9;
	(pc) =	sbr.rel @p0 .LBB2_172-.Ltmp118, $4  }
0x57f: {  	v19 =	vsub.s32 v21, v5;
	v20 =	vsub.s32 v23, v5;
	v9 =	vmovc v21;
	v16 =	vsub.s32 v15, v5  }
0x580: {  	v21 =	vsub.s32 v14, v5;
	vm3 =	vlt.u32 v16, $0x200000;
	v16 =	vsub.s32 v12, v5;
	[tilespmem:v31+s16+$0x0] =	vst.idx.msk vm5, v8  }
0x581: {  	v27 =	vsub.s32 v25, v5;
	v8 =	vmovc v23;
	v26 =	vsel vm3, $0x10, v1;
	vm2 =	vlt.u32 v16, $0x200000;
	[tilespmem:v22+s16+$0x0] =	vst.idx.msk vm4, v24  }
0x582: {  	s28 =	sadd.s32 $0x80, s28;
	v16 =	vadd.s32 v29, v26;
	v22 =	vsel vm2, $0x10, v1;
	[tilespmem:v30+s16+$0x0] =	vst.idx.msk vm0, v7;
	vm0 =	vlt.u32 v27, $0x200000;
	v7 =	vmovc v25  }
0x583: {  	v22 =	vadd.s32 v16, v22;
	v5 =	vsel vm0, $0x10, v1;
	vm4 =	vlt.u32 v21, $0x200000  }
0x584: {  	vm5 =	vlt.u32 v20, $0x200000;
	v56 =	vadd.s32 v22, v5;
	v5 =	vsel vm4, $0x10, v1  }
0x585: {  	vm6 =	vlt.u32 v19, $0x200000;
	v57 =	vadd.s32 v56, v5;
	v5 =	vsel vm5, $0x10, v1  }
0x586: {  	vm7 =	vlt.u32 v18, $0x200000;
	v58 =	vadd.s32 v57, v5;
	v5 =	vsel vm6, $0x10, v1  }
0x587: {  	vm8 =	vlt.u32 v17, $0x200000;
	v59 =	vadd.s32 v58, v5;
	v5 =	vsel vm7, $0x10, v1  }
0x588: {  	v60 =	vadd.s32 v59, v5;
	v5 =	vsel vm8, $0x10, v1  }
0x589: {  	v5 =	vadd.s32 v60, v5  }
0x58a: {  	v5 =	vadd.s32 v2, v5  }
0x58b: {  	v5 =	vshra.s32 v5, $0x4  }
0x58c: {  	v23 =	vxor.u32 $0x80000000, v5  }
0x58d: {  	(xrf0) =	vmax.scan.msk.u32 $0xffff, v23;
	_ =	sdelay $0x5  }
0x58e: {  	v23, _, _ =	vpop (xrf0)  }
0x58f: {  	(v2sf) =	vpush v23, $0xF;
	_ =	sdelay $0x6  }
0x590: {  	v63 =	vand.u32 $0xFFF, v16  }
0x591: {  	v62 =	vand.u32 $0xFFF, v22  }
0x592: {  	v61 =	vand.u32 $0xFFF, v56  }
0x593: {  	[tilespmem:v13+s16+$0x0] =	vst.idx.msk vm1, v4;
	v4 =	vand.u32 $0xFFF, v57  }
0x594: {  	[tilespmem:v11+s16+$0x0] =	vst.idx.msk vm3, v15;
	v19 =	vand.u32 $0xFFF, v58  }
0x595: {  	v18 =	vand.u32 $0xFFF, v59;
	[tilespmem:v63+s16+$0x0] =	vst.idx.msk vm2, v12  }
0x596: {  	v17 =	vand.u32 $0xFFF, v60;
	[tilespmem:v62+s16+$0x0] =	vst.idx.msk vm0, v7  }
.Ltmp119:
0x597: {  	[tilespmem:v61+s16+$0x0] =	vst.idx.msk vm4, v14;
	(pc) =	sbr.rel .LBB2_174-.Ltmp119, $4  }
0x598: {  	[tilespmem:v4+s16+$0x0] =	vst.idx.msk vm5, v8;
	s0 =	spop (v2sf)  }
0x599: {  	s24 =	ssub.s32 s22, s24;
	[tilespmem:v19+s16+$0x0] =	vst.idx.msk vm6, v9;
	s26 =	sxor.u32 $0x80000000, s0  }
0x59a: {  	s25 =	sadd.s32 $0x3FFFFF, s25;
	s29 =	simm.s32 $0x0;
	[tilespmem:v18+s16+$0x0] =	vst.idx.msk vm7, v10;
	p1 =	slt.s32 s26, $0x100  }
0x59b: {  	vm15 =	vmmov vm2;
	s28 =	ssub.s32 $0x40, s24;
	[tilespmem:v17+s16+$0x0] =	vst.idx.msk vm8, v6;
	p0 =	slt.s32 s26, $0x1;
	s26 =	simm.s32 @!p1 $0x100  }
.LBB2_175:
0x59c: {  	v4 =	vimm.s32 $0x0  }
.LBB2_185:
0x59d: {  	(xrf0) =	vadd.scan.msk.s32 $0xffff, v4;
	_ =	sdelay $0x5  }
0x59e: {  	v4, _, _ =	vpop (xrf0)  }
0x59f: {  	(v2sf) =	vpush v4, $0xF;
	_ =	sdelay $0xb  }
0x5a0: {  	s29 =	sadd.s32 $0x1, s29  }
0x5a1: {  	p2 =	seq.s32 s29, $0x15  }
.Ltmp120:
0x5a2: {  	_ = 	snop;
	(pc) =	sbr.rel @p2 .LBB2_176-.Ltmp120, $4  }
0x5a3: {  	s0 =	spop (v2sf)  }
0x5a4: {  	p1 =	slt.s32 s0, s28  }
0x5a5: {  	s0 =	sadd.s32 $0xFFFFFFFF, s22;
	s22 =	smov.u32 @p1 s23  }
0x5a6: {  	s25 =	smov.u32 @p1 s0;
	s23 =	smov.u32 s22  }
.LBB2_174:
.Ltmp121:
0x5a7: {  	(pc) =	sbr.rel @p0 .LBB2_175-.Ltmp121, $4  }
0x5a8: {  	s0 =	ssub.s32 s25, s23  }
0x5a9: {  	s0 =	sadd.s32 $0x1, s0  }
0x5aa: {  	s0 =	sshra.s32 s0, $0x1  }
0x5ab: {  	s22 =	sadd.s32 s23, s0  }
0x5ac: {  	p2 =	sne.s32 s26, $0x1  }
.Ltmp122:
0x5ad: {  	_ = 	snop;
	(pc) =	sbr.rel @!p2 .LBB2_179-.Ltmp122, $3  }
0x5ae: {  	_ =	sdelay $0x1  }
0x5af: {  	s1 =	simm.s32 $0x14000  }
0x5b0: {  	v6 =	vmov s22;
	s0 =	simm.s32 $0x0;
	v4 =	vimm.s32 $0x0;
	s30 =	simm.s32 $0x1;
	p1 =	por $0x0, $0x0;
	v7 =	vld [tilespmem:s1+$0x0]  }
0x5b1: {  	_ = 	snop  }
0x5b2: {  	p2 =	sne.s32 s26, $0x2  }
.Ltmp123:
0x5b3: {  	_ = 	snop;
	(pc) =	sbr.rel @!p2 .LBB2_181-.Ltmp123, $4  }
0x5b4: {  	v8 =	vmov s0  }
0x5b5: {  	vm1 =	vlt.s32 v8, v5;
	vm0 =	vge.s32 v7, v6  }
0x5b6: {  	s31 =	simm.s32 $0x14010;
	vm0 =	vmand vm1, vm0  }
0x5b7: {  	s0 =	simm.s32 $0x2;
	p1 =	por $0x1, $0x1;
	v8 =	vimm.s32 $0x0;
	v7 =	vld [tilespmem:s31+$0x0];
	v9 =	vsel vm0, $0x1, v1  }
.LBB2_182:
0x5b8: {  	s1 =	smov.u32 s0;
	s0 =	sadd.s32 $0x1, s0  }
0x5b9: {  	v8 =	vadd.s32 v9, v8;
	p2 =	sne.s32 s26, s0  }
.Ltmp124:
0x5ba: {  	(pc) =	sbr.rel @p2 .LBB2_182-.Ltmp124, $4  }
0x5bb: {  	v9 =	vmov s30;
	s30 =	smov.u32 s1  }
0x5bc: {  	s31 =	sadd.s32 $0x10, s31;
	vm1 =	vlt.s32 v9, v5;
	vm0 =	vge.s32 v7, v6  }
0x5bd: {  	v7 =	vld [tilespmem:s31+$0x0];
	vm0 =	vmand vm1, vm0  }
0x5be: {  	v9 =	vsel vm0, $0x1, v1  }
0x5bf: {  	s0 =	smov.u32 s30  }
.LBB2_184:
0x5c0: {  	_ = 	snop  }
.Ltmp125:
0x5c1: {  	v10 =	vmov s0;
	(pc) =	sbr.rel .LBB2_185-.Ltmp125, $4  }
0x5c2: {  	vm1 =	vlt.s32 v10, v5;
	vm0 =	vge.s32 v7, v6  }
0x5c3: {  	v6 =	vadd.s32 @p1 v9, v8;
	vm0 =	vmand vm1, vm0  }
0x5c4: {  	v4 =	vpsel p1, v6, v4;
	v7 =	vsel vm0, $0x1, v1  }
0x5c5: {  	v4 =	vadd.s32 v7, v4  }
.LBB2_179:
.Ltmp126:
0x5c6: {  	(pc) =	sbr.rel .LBB2_184-.Ltmp126, $2  }
0x5c7: {  	_ =	sdelay $0x2  }
0x5c8: {  	v8 =	vimm.s32 $0x0  }
.LBB2_181:
.Ltmp127:
0x5c9: {  	(pc) =	sbr.rel .LBB2_184-.Ltmp127, $2  }
0x5ca: {  	_ =	sdelay $0x2  }
0x5cb: {  	v8 =	vimm.s32 $0x0;
	s0 =	simm.s32 $0x1  }
.LBB2_176:
.Ltmp128:
0x5cc: {  	(pc) =	sbr.rel @p0 .LBB2_177-.Ltmp128, $1  }
0x5cd: {  	_ =	sdelay $0x3  }
0x5ce: {  	p1 =	sne.s32 s26, $0x1  }
.Ltmp129:
0x5cf: {  	_ = 	snop;
	(pc) =	sbr.rel @!p1 .LBB2_187-.Ltmp129, $3  }
0x5d0: {  	_ =	sdelay $0x1  }
0x5d1: {  	s25 =	simm.s32 $0x14000  }
0x5d2: {  	v6 =	vmov s22;
	s0 =	simm.s32 $0x0;
	v4 =	vimm.s32 $0x0;
	s23 =	simm.s32 $0x1;
	p0 =	por $0x0, $0x0;
	v7 =	vld [tilespmem:s25+$0x0]  }
0x5d3: {  	_ = 	snop  }
0x5d4: {  	p1 =	sne.s32 s26, $0x2  }
.Ltmp130:
0x5d5: {  	_ = 	snop;
	(pc) =	sbr.rel @!p1 .LBB2_189-.Ltmp130, $4  }
0x5d6: {  	v8 =	vmov s0  }
0x5d7: {  	vm0 =	vlt.s32 v8, v5;
	vm1 =	vge.s32 v7, v6;
	vm2 =	veq.s32 v7, v6  }
0x5d8: {  	s25 =	simm.s32 $0x14010;
	v9 =	vimm.s32 $0x0;
	vm1 =	vmand vm0, vm1;
	vm0 =	vmand vm0, vm2  }
0x5d9: {  	s28 =	simm.s32 $0x2;
	p0 =	por $0x1, $0x1;
	v8 =	vimm.s32 $0x0;
	v7 =	vld [tilespmem:s25+$0x0];
	v10 =	vsel vm1, $0x1, v1;
	v11 =	vsel vm0, $0x1, v1  }
.LBB2_190:
0x5da: {  	s0 =	smov.u32 s28;
	s28 =	sadd.s32 $0x1, s28  }
0x5db: {  	v8 =	vadd.s32 v10, v8;
	v9 =	vadd.s32 v11, v9;
	p1 =	sne.s32 s26, s28  }
.Ltmp131:
0x5dc: {  	(pc) =	sbr.rel @p1 .LBB2_190-.Ltmp131, $4  }
0x5dd: {  	v10 =	vmov s23;
	s23 =	smov.u32 s0  }
0x5de: {  	s25 =	sadd.s32 $0x10, s25;
	vm0 =	vlt.s32 v10, v5;
	vm1 =	vge.s32 v7, v6;
	vm2 =	veq.s32 v7, v6  }
0x5df: {  	v7 =	vld [tilespmem:s25+$0x0];
	vm1 =	vmand vm0, vm1;
	vm0 =	vmand vm0, vm2  }
0x5e0: {  	v10 =	vsel vm1, $0x1, v1;
	v11 =	vsel vm0, $0x1, v1  }
0x5e1: {  	s0 =	smov.u32 s23  }
.LBB2_192:
0x5e2: {  	v12 =	vmov s0  }
.Ltmp132:
0x5e3: {  	vm0 =	vlt.s32 v12, v5;
	v5 =	vadd.s32 @p0 v10, v8;
	(pc) =	sbr.rel .LBB2_193-.Ltmp132, $4  }
0x5e4: {  	vm1 =	vge.s32 v7, v6;
	vm2 =	veq.s32 v7, v6;
	v6 =	vadd.s32 @p0 v11, v9  }
0x5e5: {  	v5 =	vpsel p0, v5, v4;
	vm1 =	vmand vm0, vm1;
	vm0 =	vmand vm0, vm2  }
0x5e6: {  	v4 =	vpsel p0, v6, v4;
	v7 =	vsel vm1, $0x1, v1;
	v63 =	vsel vm0, $0x1, v1  }
0x5e7: {  	v5 =	vadd.s32 v7, v5;
	v4 =	vadd.s32 v63, v4  }
.LBB2_149:
0x5e8: {  	v5 =	vimm.s32 $0x0;
	v4 =	vimm.s32 $0x0  }
.LBB2_161:
0x5e9: {  	(xrf0) =	vadd.scan.msk.s32 $0xffff, v5;
	_ =	sdelay $0x5  }
0x5ea: {  	v5, _, _ =	vpop (xrf0)  }
0x5eb: {  	(v2sf) =	vpush v5, $0xF;
	_ =	sdelay $0xa  }
.Ltmp133:
0x5ec: {  	_ = 	snop;
	(pc) =	sbr.rel .LBB2_194-.Ltmp133, $2  }
0x5ed: {  	_ =	sdelay $0x2  }
0x5ee: {  	s23 =	spop (v2sf)  }
.LBB2_177:
0x5ef: {  	v5 =	vimm.s32 $0x0;
	v4 =	vimm.s32 $0x0  }
.LBB2_193:
0x5f0: {  	(xrf0) =	vadd.scan.msk.s32 $0xffff, v5;
	_ =	sdelay $0x5  }
0x5f1: {  	v5, _, _ =	vpop (xrf0)  }
0x5f2: {  	(v2sf) =	vpush v5, $0xF;
	_ =	sdelay $0xe  }
0x5f3: {  	s0 =	spop (v2sf)  }
0x5f4: {  	s23 =	sadd.s32 s24, s0  }
.LBB2_194:
0x5f5: {  	(xrf0) =	vadd.scan.msk.s32 $0xffff, v4;
	_ =	sdelay $0x5  }
0x5f6: {  	v4, _, _ =	vpop (xrf0)  }
0x5f7: {  	(v2sf) =	vpush v4, $0xF;
	_ =	sdelay $0x6  }
0x5f8: {  	s24 =	simm.s32 $0x40  }
0x5f9: {  	v12 =	vld [tilespmem:s24+$0x30]  }
0x5fa: {  	v11 =	vld [tilespmem:s24+$0xFFFFFFD0]  }
0x5fb: {  	v10 =	vld [tilespmem:s24+$0xFFFFFFE0]  }
0x5fc: {  	v9 =	vld [tilespmem:s24+$0xFFFFFFF0]  }
0x5fd: {  	v8 =	vld [tilespmem:s24+$0x0]  }
0x5fe: {  	v6 =	vld [tilespmem:s24+$0x10];
	v7 =	vand.u32 $0x7FFFFFFF, v12;
	v4 =	vmov s22  }
0x5ff: {  	v5 =	vld [tilespmem:s24+$0x20];
	v13 =	vand.u32 $0x7FFFFFFF, v11;
	vm1 =	vlt.s32 v7, v4  }
0x600: {  	s25 =	simm.s32 $0x0;
	s26 =	simm.s32 $0xC0;
	v7 =	vld [tilespmem:s24+$0xFFFFFFC0];
	vm0 =	vlt.s32 v13, v4;
	v13 =	vand.u32 $0x7FFFFFFF, v10;
	v12 =	vsel vm1, $0x0, v12;
	s22 =	spop (v2sf)  }
.LBB2_195:
0x601: {  	v14 =	vld [tilespmem:s26+$0x30];
	s25 =	sadd.s32 $0x80, s25;
	v15 =	vsel vm0, $0x0, v11;
	vm0 =	vlt.s32 v13, v4;
	v13 =	vand.u32 $0x7FFFFFFF, v9;
	[tilespmem:s24+$0x30] =	vst v12  }
0x602: {  	v11 =	vld [tilespmem:s26+$0xFFFFFFD0];
	p0 =	slt.u32 s25, $0x7F80;
	[tilespmem:s24+$0xFFFFFFD0] =	vst v15;
	v12 =	vsel vm0, $0x0, v10;
	vm0 =	vlt.s32 v13, v4;
	v13 =	vand.u32 $0x7FFFFFFF, v8  }
0x603: {  	v10 =	vld [tilespmem:s26+$0xFFFFFFE0];
	[tilespmem:s24+$0xFFFFFFE0] =	vst v12;
	v12 =	vsel vm0, $0x0, v9;
	vm0 =	vlt.s32 v13, v4;
	v13 =	vand.u32 $0x7FFFFFFF, v6  }
.Ltmp134:
0x604: {  	v9 =	vld [tilespmem:s26+$0xFFFFFFF0];
	[tilespmem:s24+$0xFFFFFFF0] =	vst v12;
	v12 =	vsel vm0, $0x0, v8;
	vm0 =	vlt.s32 v13, v4;
	v13 =	vand.u32 $0x7FFFFFFF, v5;
	(pc) =	sbr.rel @p0 .LBB2_195-.Ltmp134, $4  }
0x605: {  	v8 =	vld [tilespmem:s26+$0x0];
	v15 =	vand.u32 $0x7FFFFFFF, v7;
	[tilespmem:s24+$0x0] =	vst v12;
	v12 =	vsel vm0, $0x0, v6;
	vm0 =	vlt.s32 v13, v4  }
0x606: {  	v6 =	vld [tilespmem:s26+$0x10];
	v13 =	vand.u32 $0x7FFFFFFF, v14;
	vm1 =	vlt.s32 v15, v4;
	[tilespmem:s24+$0x10] =	vst v12;
	v12 =	vsel vm0, $0x0, v5  }
0x607: {  	v15 =	vand.u32 $0x7FFFFFFF, v11;
	v5 =	vld [tilespmem:s26+$0x20];
	vm2 =	vlt.s32 v13, v4;
	v16 =	vsel vm1, $0x0, v7;
	[tilespmem:s24+$0x20] =	vst v12  }
0x608: {  	v7 =	vld [tilespmem:s26+$0xFFFFFFC0];
	vm0 =	vlt.s32 v15, v4;
	v13 =	vand.u32 $0x7FFFFFFF, v10;
	v12 =	vsel vm2, $0x0, v14;
	[tilespmem:s24+$0xFFFFFFC0] =	vst v16;
	s24 =	smov.u32 s26;
	s26 =	sadd.s32 $0x80, s26  }
0x609: {  	v11 =	vsel vm0, $0x0, v11;
	vm11 =	vlt.s32 v13, v4;
	v57 =	vand.u32 $0x7FFFFFFF, v9;
	[tilespmem:s24+$0x30] =	vst v12;
	p0 =	slt.s32 s23, $0x41  }
0x60a: {  	[tilespmem:s24+$0xFFFFFFD0] =	vst v11;
	v10 =	vsel vm11, $0x0, v10;
	vm12 =	vlt.s32 v57, v4;
	v58 =	vand.u32 $0x7FFFFFFF, v8;
	p1 =	slt.s32 @!p0 s22, $0x1  }
0x60b: {  	[tilespmem:s24+$0xFFFFFFE0] =	vst v10;
	v59 =	vsel vm12, $0x0, v9;
	vm13 =	vlt.s32 v58, v4;
	v60 =	vand.u32 $0x7FFFFFFF, v6;
	p0 =	por p0, p1  }
.Ltmp135:
0x60c: {  	[tilespmem:s24+$0xFFFFFFF0] =	vst v59;
	v61 =	vsel vm13, $0x0, v8;
	vm14 =	vlt.s32 v60, v4;
	v62 =	vand.u32 $0x7FFFFFFF, v5;
	(pc) =	sbr.rel @p0 .LBB2_199-.Ltmp135, $4  }
0x60d: {  	v63 =	vand.u32 $0x7FFFFFFF, v7;
	[tilespmem:s24+$0x0] =	vst v61;
	v6 =	vsel vm14, $0x0, v6;
	vm15 =	vlt.s32 v62, v4  }
0x60e: {  	vm1 =	vlt.s32 v63, v4;
	[tilespmem:s24+$0x10] =	vst v6;
	v5 =	vsel vm15, $0x0, v5  }
0x60f: {  	v6 =	vsel vm1, $0x0, v7;
	[tilespmem:s24+$0x20] =	vst v5  }
0x610: {  	[tilespmem:s24+$0xFFFFFFC0] =	vst v6  }
0x611: {  	s0 =	ssub.s32 s22, s23  }
0x612: {  	s0 =	sadd.s32 $0x40, s0  }
0x613: {  	s25 =	simm.s32 $0x0;
	s23 =	simm.s32 $0x0;
	s24 =	simm.s32 $0x0;
	v5 =	vmov s0  }
.LBB2_198:
0x614: {  	v6 =	vld [tilespmem:s23+$0x0];
	_ =	sdelay $0x4  }
0x615: {  	v7 =	vand.u32 $0x7FFFFFFF, v6  }
0x616: {  	vm0 =	veq.s32 v7, v4  }
0x617: {  	v7 =	vmpcnt.ones.xlane vm0;
	_ =	sdelay $0x1  }
0x618: {  	(v2sf) =	vpush v7, $0x0;
	_ =	sdelay $0xa  }
0x619: {  	v7 =	vsel vm0, $0x1, v1  }
0x61a: {  	(xrf0) =	vadd.scan.msk.s32 $0xffff, v7;
	_ =	sdelay $0x2  }
0x61b: {  	v7 =	vmov s24;
	s0 =	spop (v2sf)  }
0x61c: {  	p0 =	sgt.u32 s25, $0x7FEF;
	v7 =	vadd.s32 $0xFFFFFFFF, v7;
	s24 =	sadd.s32 s24, s0  }
0x61d: {  	v7 =	vbroadcast v7, $0x0;
	p1 =	slt.s32 @!p0 s24, s22  }
0x61e: {  	v8, _, _ =	vpop (xrf0);
	p0 =	por p0, !p1  }
.Ltmp136:
0x61f: {  	v7 =	vadd.s32 v8, v7;
	(pc) =	sbr.rel @!p0 .LBB2_198-.Ltmp136, $4  }
0x620: {  	vm1 =	vge.s32 v7, v5  }
0x621: {  	vm0 =	vmand vm0, vm1  }
0x622: {  	v6 =	vsel vm0, $0x0, v6  }
0x623: {  	s25 =	sadd.s32 $0x10, s25;
	[tilespmem:s23+$0x0] =	vst v6;
	s23 =	sadd.s32 $0x10, s23  }
.LBB2_199:
0x624: {  	[hbm4b:s9+s12] =	stream.strided.scatter [tilespmem:s2], [sflag:$0x3], $0x8000, s13, s12, $0x38;
	[tilespmem:$0x15000] =	vst v63  }
0x625: {  	_ =	swait.ge [sflag:s17], $0x8000  }
0x626: {  	[sflag:s17] =	ssyncset.done $0x0  }
0x627: {  	s0 =	simm.s32 $0x8040;
	[sflag:s17] =	ssyncadd.s32 $0xFFFF8000  }
0x628: {  	v4 =	vld [tilespmem:s0+$0x30]  }
0x629: {  	v5 =	vld [tilespmem:s0+$0x20]  }
0x62a: {  	v6 =	vld [tilespmem:s0+$0x10]  }
0x62b: {  	v7 =	vld [tilespmem:s0+$0x0]  }
0x62c: {  	v8 =	vld [tilespmem:s0+$0xFFFFFFF0]  }
0x62d: {  	v9 =	vld [tilespmem:s0+$0xFFFFFFC0]  }
0x62e: {  	v10 =	vld [tilespmem:s0+$0xFFFFFFD0]  }
0x62f: {  	v11 =	vld [tilespmem:s0+$0xFFFFFFE0];
	_ =	sdelay $0x1  }
0x630: {  	v12 =	vlaneseq.u32  }
0x631: {  	v15 =	vand.u32 $0xFFF, v12;
	v18 =	vand.u32 $0x7FFFFFFF, v5;
	v19 =	vand.u32 $0x7FFFFFFF, v4  }
0x632: {  	v9 =	vand.u32 $0x7FFFFFFF, v9;
	v21 =	vand.u32 $0x7FFFFFFF, v7;
	v20 =	vand.u32 $0x7FFFFFFF, v6  }
0x633: {  	v4 =	vand.u32 $0x7FFFFFFF, v10;
	v5 =	vand.u32 $0x7FFFFFFF, v8;
	v6 =	vand.u32 $0x7FFFFFFF, v11  }
0x634: {  	vm1 =	vgt.u32 v9, $0x4037FFFF;
	vm2 =	vgt.u32 v4, $0x4037FFFF;
	vm3 =	vgt.u32 v6, $0x4037FFFF  }
0x635: {  	vm0 =	vgt.u32 v5, $0x4037FFFF;
	vm6 =	vgt.u32 v21, $0x4037FFFF;
	v7 =	vsel vm1, $0x10, v1  }
0x636: {  	s31 =	simm.s32 $0x80C0;
	vm7 =	vgt.u32 v20, $0x4037FFFF;
	v8 =	vsel vm2, $0x10, v1;
	v7 =	vadd.s32 v12, v7  }
0x637: {  	v22 =	vld [tilespmem:s31+$0x10];
	vm4 =	vgt.u32 v18, $0x4037FFFF;
	v10 =	vsel vm3, $0x10, v1;
	v8 =	vadd.s32 v7, v8  }
0x638: {  	v27 =	vld [tilespmem:s31+$0xFFFFFFD0];
	vm8 =	vgt.u32 v19, $0x4037FFFF;
	v11 =	vsel vm0, $0x10, v1;
	v10 =	vadd.s32 v8, v10  }
0x639: {  	v13 =	vsel vm6, $0x10, v1;
	v14 =	vsel vm7, $0x10, v1;
	v12 =	vld [tilespmem:s31+$0x30];
	v11 =	vadd.s32 v10, v11  }
0x63a: {  	v16 =	vld [tilespmem:s31+$0x20];
	v17 =	vsel vm4, $0x10, v1;
	vm2 =	vmmov vm2;
	v13 =	vadd.s32 v11, v13  }
0x63b: {  	v25 =	vld [tilespmem:s31+$0xFFFFFFC0];
	vm5 =	vmmov vm3;
	v14 =	vadd.s32 v13, v14;
	v28 =	vand.u32 $0xFFF, v13  }
0x63c: {  	v23 =	vld [tilespmem:s31+$0x0];
	v32 =	vand.u32 $0xFFF, v11;
	v26 =	vand.u32 $0xFFF, v14;
	v14 =	vadd.s32 v14, v17  }
0x63d: {  	v31 =	vld [tilespmem:s31+$0xFFFFFFE0];
	[tilespmem:v15+s16+$0x0] =	vst.idx.msk vm1, v9;
	v9 =	vand.u32 $0x7FFFFFFF, v22;
	v13 =	vand.u32 $0xFFF, v8;
	v29 =	vand.u32 $0xFFF, v14  }
0x63e: {  	v24 =	vld [tilespmem:s31+$0xFFFFFFF0];
	v8 =	vand.u32 $0x7FFFFFFF, v12;
	v12 =	vand.u32 $0x7FFFFFFF, v27;
	v17 =	vsel vm8, $0x10, v1  }
0x63f: {  	vm1 =	vgt.u32 v12, $0x4037FFFF;
	v30 =	vadd.s32 v14, v17;
	v17 =	vand.u32 $0xFFF, v10  }
0x640: {  	v14 =	vand.u32 $0xFFF, v7;
	v10 =	vand.u32 $0x7FFFFFFF, v16;
	v16 =	vand.u32 $0x7FFFFFFF, v25;
	[tilespmem:v28+s16+$0x0] =	vst.idx.msk vm7, v20  }
0x641: {  	v7 =	vand.u32 $0x7FFFFFFF, v23;
	v11 =	vand.u32 $0xFFF, v30;
	[tilespmem:v26+s16+$0x0] =	vst.idx.msk vm4, v18;
	vm4 =	vgt.u32 v16, $0x4037FFFF  }
0x642: {  	v20 =	vsel vm1, $0x10, v1;
	[tilespmem:v29+s16+$0x0] =	vst.idx.msk vm8, v19;
	v15 =	vsel vm4, $0x10, v1;
	v19 =	vand.u32 $0x7FFFFFFF, v31  }
0x643: {  	s22 =	simm.s32 $0x80;
	s23 =	simm.s32 $0x8140;
	[tilespmem:v32+s16+$0x0] =	vst.idx.msk vm6, v21;
	v18 =	vand.u32 $0x7FFFFFFF, v24;
	v15 =	vadd.s32 v30, v15;
	vm3 =	vgt.u32 v19, $0x4037FFFF  }
.LBB2_200:
0x644: {  	v21 =	vld [tilespmem:s23+$0x30];
	s22 =	sadd.s32 $0x80, s22;
	v20 =	vadd.s32 v15, v20;
	v22 =	vsel vm3, $0x10, v1;
	[tilespmem:v17+s16+$0x0] =	vst.idx.msk vm0, v5;
	vm0 =	vgt.u32 v18, $0x4037FFFF;
	v5 =	vmovc v18  }
0x645: {  	vm6 =	vgt.u32 v7, $0x4037FFFF;
	v18 =	vld [tilespmem:s23+$0x20];
	p0 =	slt.u32 s22, $0x7F80;
	v17 =	vadd.s32 v20, v22;
	v22 =	vsel vm0, $0x10, v1;
	[tilespmem:v13+s16+$0x0] =	vst.idx.msk vm5, v6;
	v6 =	vmovc v19  }
0x646: {  	vm7 =	vgt.u32 v9, $0x4037FFFF;
	v13 =	vsel vm6, $0x10, v1;
	v19 =	vld [tilespmem:s23+$0x10];
	v22 =	vadd.s32 v17, v22;
	[tilespmem:v14+s16+$0x0] =	vst.idx.msk vm2, v4;
	v4 =	vmovc v12  }
0x647: {  	v12 =	vld [tilespmem:s23+$0x0];
	[tilespmem:v11+s16+$0x0] =	vst.idx.msk vm4, v16;
	v11 =	vadd.s32 v22, v13;
	v13 =	vsel vm7, $0x10, v1;
	vm4 =	vgt.u32 v10, $0x4037FFFF  }
0x648: {  	vm8 =	vgt.u32 v8, $0x4037FFFF;
	v23 =	vld [tilespmem:s23+$0xFFFFFFF0];
	v13 =	vadd.s32 v11, v13;
	v14 =	vsel vm4, $0x10, v1  }
0x649: {  	v16 =	vld [tilespmem:s23+$0xFFFFFFC0];
	v24 =	vand.u32 $0xFFF, v13;
	v13 =	vadd.s32 v13, v14;
	v14 =	vsel vm8, $0x10, v1  }
0x64a: {  	v26 =	vand.u32 $0xFFF, v11;
	v25 =	vld [tilespmem:s23+$0xFFFFFFD0];
	v27 =	vand.u32 $0xFFF, v13;
	v28 =	vadd.s32 v13, v14  }
0x64b: {  	v17 =	vand.u32 $0xFFF, v17;
	v22 =	vand.u32 $0xFFF, v22;
	v13 =	vand.u32 $0xFFF, v20;
	v29 =	vld [tilespmem:s23+$0xFFFFFFE0]  }
0x64c: {  	vm2 =	vmmov vm1;
	v14 =	vand.u32 $0xFFF, v15;
	v11 =	vand.u32 $0xFFF, v28  }
.Ltmp137:
0x64d: {  	vm5 =	vmmov vm3;
	v15 =	vand.u32 $0x7FFFFFFF, v18;
	v20 =	vand.u32 $0x7FFFFFFF, v21;
	(pc) =	sbr.rel @p0 .LBB2_200-.Ltmp137, $4  }
0x64e: {  	v30 =	vand.u32 $0x7FFFFFFF, v19;
	v21 =	vand.u32 $0x7FFFFFFF, v12;
	v16 =	vand.u32 $0x7FFFFFFF, v16;
	[tilespmem:v24+s16+$0x0] =	vst.idx.msk vm4, v10;
	v10 =	vmovc v15  }
0x64f: {  	v18 =	vand.u32 $0x7FFFFFFF, v23;
	vm4 =	vgt.u32 v16, $0x4037FFFF;
	v12 =	vand.u32 $0x7FFFFFFF, v25;
	[tilespmem:v27+s16+$0x0] =	vst.idx.msk vm8, v8;
	v8 =	vmovc v20  }
0x650: {  	v15 =	vsel vm4, $0x10, v1;
	vm1 =	vgt.u32 v12, $0x4037FFFF;
	v19 =	vand.u32 $0x7FFFFFFF, v29;
	[tilespmem:v26+s16+$0x0] =	vst.idx.msk vm7, v9;
	v9 =	vmovc v30  }
0x651: {  	s23 =	sadd.s32 $0x80, s23;
	v15 =	vadd.s32 v28, v15;
	v20 =	vsel vm1, $0x10, v1;
	vm3 =	vgt.u32 v19, $0x4037FFFF;
	[tilespmem:v22+s16+$0x0] =	vst.idx.msk vm6, v7;
	v7 =	vmovc v21  }
0x652: {  	v21 =	vadd.s32 v15, v20;
	v20 =	vsel vm3, $0x10, v1;
	vm6 =	vgt.u32 v18, $0x4037FFFF  }
0x653: {  	vm7 =	vgt.u32 v7, $0x4037FFFF;
	v22 =	vadd.s32 v21, v20;
	v20 =	vsel vm6, $0x10, v1  }
0x654: {  	vm8 =	vgt.u32 v9, $0x4037FFFF;
	v23 =	vadd.s32 v22, v20;
	v20 =	vsel vm7, $0x10, v1  }
0x655: {  	vm10 =	vgt.u32 v10, $0x4037FFFF;
	v24 =	vadd.s32 v23, v20;
	v20 =	vsel vm8, $0x10, v1  }
0x656: {  	vm9 =	vgt.u32 v8, $0x4037FFFF;
	v25 =	vadd.s32 v24, v20;
	v20 =	vsel vm10, $0x10, v1  }
0x657: {  	v26 =	vadd.s32 v25, v20;
	v20 =	vsel vm9, $0x10, v1  }
0x658: {  	v20 =	vadd.s32 v26, v20  }
0x659: {  	v27 =	vadd.s32 v2, v20  }
0x65a: {  	v27 =	vshra.s32 v27, $0x4  }
0x65b: {  	v28 =	vxor.u32 $0x80000000, v27  }
0x65c: {  	(xrf0) =	vmax.scan.msk.u32 $0xffff, v28;
	_ =	sdelay $0x3  }
0x65d: {  	(xrf0) =	vmin.scan.msk.u32 $0xffff, v28;
	_ =	sdelay $0x1  }
0x65e: {  	v57, _, _ =	vpop (xrf0)  }
0x65f: {  	(v2sf) =	vpush v57, $0xF;
	_ =	sdelay $0x2  }
0x660: {  	v58, _, _ =	vpop (xrf0)  }
0x661: {  	(v2sf) =	vpush v58, $0xF  }
0x662: {  	(xrf0) =	vadd.scan.msk.s32 $0xffff, v27;
	_ =	sdelay $0x5  }
0x663: {  	v59, _, _ =	vpop (xrf0)  }
0x664: {  	(v2sf) =	vpush v59, $0xF;
	_ =	sdelay $0x2  }
0x665: {  	s0 =	spop (v2sf)  }
0x666: {  	vm1 =	vmmov vm1;
	v62 =	vand.u32 $0xFFF, v21;
	s22 =	sxor.u32 $0x80000000, s0  }
0x667: {  	[tilespmem:v17+s16+$0x0] =	vst.idx.msk vm0, v5;
	v63 =	vand.u32 $0xFFF, v15;
	p0 =	slt.s32 s22, $0x100;
	s0 =	smov.u32 s22  }
0x668: {  	[tilespmem:v13+s16+$0x0] =	vst.idx.msk vm5, v6;
	v61 =	vand.u32 $0xFFF, v22;
	s0 =	simm.s32 @!p0 $0x100  }
0x669: {  	[tilespmem:v14+s16+$0x0] =	vst.idx.msk vm2, v4;
	v4 =	vand.u32 $0xFFF, v23;
	s1 =	spop (v2sf);
	s23 =	sadd.s32 $0x3, s0  }
0x66a: {  	[tilespmem:v11+s16+$0x0] =	vst.idx.msk vm4, v16;
	v60 =	vand.u32 $0xFFF, v24;
	s30 =	sxor.u32 $0x80000000, s1;
	s31 =	sand.u32 $0xFFFFFFFC, s23  }
0x66b: {  	v25 =	vand.u32 $0xFFF, v25;
	[tilespmem:v62+s16+$0x0] =	vst.idx.msk vm3, v19;
	s0 =	ssub.s32 s31, s30  }
0x66c: {  	v5 =	vand.u32 $0xFFF, v26;
	[tilespmem:v63+s16+$0x0] =	vst.idx.msk vm1, v12;
	p0 =	slt.s32 s0, $0x1  }
.Ltmp138:
0x66d: {  	[tilespmem:v61+s16+$0x0] =	vst.idx.msk vm6, v18;
	(pc) =	sbr.rel @p0 .LBB2_205-.Ltmp138, $4  }
0x66e: {  	[tilespmem:v4+s16+$0x0] =	vst.idx.msk vm7, v7  }
0x66f: {  	[tilespmem:v60+s16+$0x0] =	vst.idx.msk vm8, v9  }
0x670: {  	[tilespmem:v25+s16+$0x0] =	vst.idx.msk vm10, v10  }
0x671: {  	vm15 =	vmmov vm3;
	[tilespmem:v5+s16+$0x0] =	vst.idx.msk vm9, v8;
	s23 =	sshra.s32 s23, $0x2;
	s24 =	spop (v2sf)  }
0x672: {  	p0 =	sne.s32 s0, $0x1  }
.Ltmp139:
0x673: {  	_ = 	snop;
	(pc) =	sbr.rel @!p0 .LBB2_204-.Ltmp139, $4  }
0x674: {  	s1 =	sshll.u32 s23, $0x6  }
0x675: {  	v4 =	vmov s1  }
0x676: {  	vm0 =	vlt.s32 v20, v4  }
0x677: {  	s0 =	sadd.s32 $0xFFFFFFFF, s0;
	v5 =	vand.u32 $0xFFF, v20;
	v6 =	vsel vm0, $0x10, v1  }
.LBB2_203:
0x678: {  	p0 =	sne.s32 s0, $0x1;
	s0 =	sadd.s32 $0xFFFFFFFF, s0;
	v20 =	vadd.s32 v20, v6  }
.Ltmp140:
0x679: {  	v6 =	vand.u32 $0xFFF, v20;
	(pc) =	sbr.rel @p0 .LBB2_203-.Ltmp140, $3  }
0x67a: {  	_ =	sdelay $0x1  }
0x67b: {  	[tilespmem:v5+s16+$0x0] =	vst.idx.msk vm0, v1;
	vm0 =	vlt.s32 v20, v4;
	v5 =	vmov v6  }
0x67c: {  	v6 =	vsel vm0, $0x10, v1  }
.LBB2_204:
0x67d: {  	_ =	sdelay $0x4  }
0x67e: {  	[tilespmem:v5+s16+$0x0] =	vst.idx.msk vm0, v1  }
.LBB2_205:
0x67f: {  	p0 =	sgt.s32 s24, $0x3F;
	p1 =	slt.s32 s22, $0x101  }
0x680: {  	p0 =	por !p0, !p1  }
0x681: {  	p0 =	por !p0, !p0  }
.Ltmp141:
0x682: {  	_ = 	snop;
	(pc) =	sbr.rel @!p0 .LBB2_228-.Ltmp141, $2  }
0x683: {  	_ =	sdelay $0x2  }
0x684: {  	s0 =	simm.s32 $0xFFFFFF80;
	s22 =	simm.s32 $0x10040  }
0x685: {  	p0 =	slt.s32 s23, $0x1  }
.Ltmp142:
0x686: {  	_ = 	snop;
	(pc) =	sbr.rel @p0 .LBB2_207-.Ltmp142, $1  }
0x687: {  	_ =	sdelay $0x3  }
0x688: {  	p2 =	sne.s32 s23, $0x1  }
.Ltmp143:
0x689: {  	_ = 	snop;
	(pc) =	sbr.rel @!p2 .LBB2_209-.Ltmp143, $3  }
0x68a: {  	_ =	sdelay $0x1  }
0x68b: {  	s22 =	simm.s32 $0x14020  }
0x68c: {  	v4 =	vimm.s32 $0x0;
	s0 =	sadd.s32 $0xFFFFFFFF, s23;
	p1 =	por $0x0, $0x0;
	v5 =	vld [tilespmem:s22+$0xFFFFFFE0]  }
0x68d: {  	_ = 	snop  }
0x68e: {  	v8 =	vld [tilespmem:s22+$0xFFFFFFF0]  }
0x68f: {  	p2 =	sne.s32 s0, $0x1  }
.Ltmp144:
0x690: {  	v6 =	vld [tilespmem:s22+$0x0];
	(pc) =	sbr.rel @!p2 .LBB2_212-.Ltmp144, $4  }
0x691: {  	vm0 =	vgt.s32 v4, v5  }
0x692: {  	v7 =	vld [tilespmem:s22+$0x10];
	v9 =	vsel vm0, v4, v5  }
0x693: {  	s22 =	simm.s32 $0x14060;
	vm0 =	vgt.s32 v9, v8  }
0x694: {  	s24 =	sadd.s32 $0xFFFFFFFF, s0;
	p1 =	por $0x1, $0x1;
	v5 =	vld [tilespmem:s22+$0xFFFFFFE0];
	v8 =	vsel vm0, v9, v8  }
.LBB2_211:
0x695: {  	p2 =	sne.s32 s24, $0x1;
	vm0 =	vgt.s32 v8, v6  }
0x696: {  	v9 =	vld [tilespmem:s22+$0xFFFFFFF0];
	v8 =	vsel vm0, v8, v6  }
0x697: {  	vm0 =	vgt.s32 v8, v7  }
.Ltmp145:
0x698: {  	v6 =	vld [tilespmem:s22+$0x0];
	v7 =	vsel vm0, v8, v7;
	(pc) =	sbr.rel @p2 .LBB2_211-.Ltmp145, $4  }
0x699: {  	vm0 =	vgt.s32 v7, v5  }
0x69a: {  	v8 =	vsel vm0, v7, v5;
	v7 =	vld [tilespmem:s22+$0x10]  }
0x69b: {  	s22 =	sadd.s32 $0x40, s22;
	vm0 =	vgt.s32 v8, v9  }
0x69c: {  	s24 =	sadd.s32 $0xFFFFFFFF, s24;
	v5 =	vld [tilespmem:s22+$0xFFFFFFE0];
	v8 =	vsel vm0, v8, v9  }
.LBB2_212:
0x69d: {  	vm0 =	vgt.s32 @p1 v8, v6  }
0x69e: {  	v6 =	vsel @p1 vm0, v8, v6  }
0x69f: {  	v63 =	vld [tilespmem:s22+$0xFFFFFFF0];
	vm0 =	vgt.s32 @p1 v6, v7  }
0x6a0: {  	v6 =	vsel @p1 vm0, v6, v7  }
0x6a1: {  	v7 =	vld [tilespmem:s22+$0x0];
	v4 =	vpsel p1, v6, v4  }
0x6a2: {  	vm15 =	vgt.s32 v4, v5  }
0x6a3: {  	v4 =	vsel vm15, v4, v5;
	v5 =	vld [tilespmem:s22+$0x10]  }
0x6a4: {  	vm0 =	vgt.s32 v4, v63  }
0x6a5: {  	v4 =	vsel vm0, v4, v63  }
.Ltmp146:
0x6a6: {  	vm0 =	vgt.s32 v4, v7;
	(pc) =	sbr.rel .LBB2_213-.Ltmp146, $4  }
0x6a7: {  	v4 =	vsel vm0, v4, v7  }
0x6a8: {  	vm0 =	vgt.s32 v4, v5  }
0x6a9: {  	v4 =	vsel vm0, v4, v5  }
0x6aa: {  	v4 =	vxor.u32 $0x80000000, v4  }
.LBB2_228:
0x6ab: {  	v5 =	vimm.s32 $0x0  }
0x6ac: {  	[tilespmem:s22+$0x30] =	vst v5  }
0x6ad: {  	[tilespmem:s22+$0xFFFFFFC0] =	vst v5  }
0x6ae: {  	[tilespmem:s22+$0xFFFFFFD0] =	vst v5  }
0x6af: {  	[tilespmem:s22+$0xFFFFFFE0] =	vst v5  }
0x6b0: {  	[tilespmem:s22+$0xFFFFFFF0] =	vst v5  }
0x6b1: {  	[tilespmem:s22+$0x0] =	vst v5  }
0x6b2: {  	s0 =	sadd.s32 $0x80, s0;
	[tilespmem:s22+$0x10] =	vst v5  }
.LBB2_229:
0x6b3: {  	s0 =	sadd.s32 $0x80, s0;
	[tilespmem:s22+$0x20] =	vst v5;
	s22 =	sadd.s32 $0x80, s22  }
0x6b4: {  	s23 =	simm.s32 $0x8040;
	[tilespmem:s22+$0x30] =	vst v5;
	p0 =	slt.u32 s0, $0x3F80  }
0x6b5: {  	[tilespmem:s22+$0xFFFFFFC0] =	vst v5  }
.Ltmp147:
0x6b6: {  	[tilespmem:s22+$0xFFFFFFD0] =	vst v5;
	(pc) =	sbr.rel @p0 .LBB2_229-.Ltmp147, $4  }
0x6b7: {  	[tilespmem:s22+$0xFFFFFFE0] =	vst v5  }
0x6b8: {  	[tilespmem:s22+$0xFFFFFFF0] =	vst v5  }
0x6b9: {  	[tilespmem:s22+$0x0] =	vst v5  }
0x6ba: {  	[tilespmem:s22+$0x10] =	vst v5  }
0x6bb: {  	[tilespmem:s22+$0x20] =	vst v5  }
0x6bc: {  	v7 =	vld [tilespmem:s23+$0x30]  }
0x6bd: {  	v8 =	vld [tilespmem:s23+$0x20];
	_ =	sdelay $0x1  }
0x6be: {  	v4 =	vld [tilespmem:s23+$0x10]  }
0x6bf: {  	v12 =	vld [tilespmem:s23+$0xFFFFFFD0]  }
0x6c0: {  	v6 =	vshrl.u32 v7, $0x11  }
0x6c1: {  	v16 =	vld [tilespmem:s23+$0xFFFFFFF0];
	v9 =	vshrl.u32 v8, $0x11;
	v6 =	vand.u32 $0x3FF0, v6  }
0x6c2: {  	v10 =	vld [tilespmem:s23+$0xFFFFFFC0];
	v9 =	vand.u32 $0x3FF0, v9;
	v14 =	vor.u32 v0, v6  }
0x6c3: {  	v6 =	vld [tilespmem:s23+$0x0];
	v17 =	vor.u32 v0, v9;
	v9 =	vshrl.u32 v4, $0x11  }
0x6c4: {  	v11 =	vshrl.u32 v12, $0x11;
	v13 =	vand.u32 $0x3FF0, v9  }
0x6c5: {  	v9 =	vand.u32 $0x3FF0, v11;
	v11 =	vor.u32 v0, v13;
	_ =	sdelay $0x1  }
0x6c6: {  	v15 =	vshrl.u32 v10, $0x11;
	v13 =	vand.u32 $0x7FFFFFFF, v10;
	v10 =	vand.u32 $0x7FFFFFFF, v16;
	[tilespmem:v14+s20+$0x0] =	vst.idx.add.s32.msk $0xffff, v3  }
0x6c7: {  	vm0 =	vgt.s32 v5, v13;
	v14 =	vand.u32 $0x3FF0, v15;
	v18 =	vshrl.u32 v6, $0x11;
	[tilespmem:v17+s20+$0x0] =	vst.idx.add.s32.msk $0xffff, v3  }
0x6c8: {  	s22 =	simm.s32 $0x0;
	v15 =	vand.u32 $0x7FFFFFFF, v12;
	v12 =	vld [tilespmem:s23+$0xFFFFFFE0];
	v17 =	vshrl.u32 v16, $0x11;
	s23 =	simm.s32 $0x80C0;
	v16 =	vand.u32 $0x3FF0, v18  }
.LBB2_231:
0x6c9: {  	s22 =	sadd.s32 $0x80, s22;
	v17 =	vand.u32 $0x3FF0, v17;
	[tilespmem:v11+s20+$0x0] =	vst.idx.add.s32.msk $0xffff, v3  }
0x6ca: {  	v16 =	vor.u32 v0, v16;
	v11 =	vld [tilespmem:s23+$0x30];
	p0 =	slt.u32 s22, $0x7F80;
	v17 =	vor.u32 v0, v17  }
0x6cb: {  	v14 =	vor.u32 v0, v14;
	v19 =	vand.u32 $0x7FFFFFFF, v7;
	v18 =	vld [tilespmem:s23+$0x20]  }
0x6cc: {  	v20 =	vand.u32 $0x7FFFFFFF, v6;
	v21 =	vand.u32 $0x7FFFFFFF, v4;
	v22 =	vand.u32 $0x7FFFFFFF, v8;
	v6 =	vld [tilespmem:s23+$0x0]  }
0x6cd: {  	v5 =	vsel vm0, v5, v13;
	v9 =	vor.u32 v0, v9;
	v4 =	vld [tilespmem:s23+$0x10];
	v8 =	vshrl.u32 v12, $0x11  }
0x6ce: {  	v5 =	vmax.u32 v5, v15;
	v25 =	vand.u32 $0x7FFFFFFF, v12;
	v23 =	vld [tilespmem:s23+$0xFFFFFFD0];
	v15 =	vand.u32 $0x3FF0, v8  }
0x6cf: {  	v5 =	vmax.u32 v5, v25;
	v24 =	vld [tilespmem:s23+$0xFFFFFFF0];
	v12 =	vshrl.u32 v11, $0x11;
	v13 =	vor.u32 v0, v15;
	v7 =	vmovc v11  }
0x6d0: {  	v5 =	vmax.u32 v5, v10;
	v11 =	vshrl.u32 v18, $0x11;
	v12 =	vand.u32 $0x3FF0, v12;
	[tilespmem:v14+s20+$0x0] =	vst.idx.add.s32.msk $0xffff, v3;
	v8 =	vmovc v18  }
0x6d1: {  	v5 =	vmax.u32 v5, v20;
	v10 =	vld [tilespmem:s23+$0xFFFFFFC0];
	v11 =	vand.u32 $0x3FF0, v11;
	v12 =	vor.u32 v0, v12  }
0x6d2: {  	v5 =	vmax.u32 v5, v21;
	v14 =	vshrl.u32 v4, $0x11;
	v18 =	vor.u32 v0, v11;
	[tilespmem:v9+s20+$0x0] =	vst.idx.add.s32.msk $0xffff, v3  }
0x6d3: {  	v5 =	vmax.u32 v5, v22;
	v9 =	vshrl.u32 v23, $0x11;
	v11 =	vand.u32 $0x3FF0, v14;
	[tilespmem:v17+s20+$0x0] =	vst.idx.add.s32.msk $0xffff, v3  }
.Ltmp148:
0x6d4: {  	v5 =	vmax.u32 v5, v19;
	v9 =	vand.u32 $0x3FF0, v9;
	v11 =	vor.u32 v0, v11;
	[tilespmem:v13+s20+$0x0] =	vst.idx.add.s32.msk $0xffff, v3;
	(pc) =	sbr.rel @p0 .LBB2_231-.Ltmp148, $4  }
0x6d5: {  	[tilespmem:v16+s20+$0x0] =	vst.idx.add.s32.msk $0xffff, v3  }
0x6d6: {  	v13 =	vand.u32 $0x7FFFFFFF, v10;
	v14 =	vshrl.u32 v10, $0x11;
	v10 =	vand.u32 $0x7FFFFFFF, v24;
	[tilespmem:v12+s20+$0x0] =	vst.idx.add.s32.msk $0xffff, v3  }
0x6d7: {  	v15 =	vand.u32 $0x7FFFFFFF, v23;
	v16 =	vshrl.u32 v6, $0x11;
	v14 =	vand.u32 $0x3FF0, v14;
	[tilespmem:v18+s20+$0x0] =	vst.idx.add.s32.msk $0xffff, v3  }
0x6d8: {  	v17 =	vshrl.u32 v24, $0x11;
	v16 =	vand.u32 $0x3FF0, v16;
	vm0 =	vgt.s32 v5, v13;
	v12 =	vld [tilespmem:s23+$0xFFFFFFE0];
	s23 =	sadd.s32 $0x80, s23  }
0x6d9: {  	_ =	sdelay $0x2  }
0x6da: {  	v5 =	vsel vm0, v5, v13  }
0x6db: {  	v5 =	vmax.u32 v5, v15;
	v59 =	vand.u32 $0x7FFFFFFF, v12  }
0x6dc: {  	v5 =	vmax.u32 v5, v59  }
0x6dd: {  	v6 =	vand.u32 $0x7FFFFFFF, v6;
	v5 =	vmax.u32 v5, v10  }
0x6de: {  	v4 =	vand.u32 $0x7FFFFFFF, v4;
	v5 =	vmax.u32 v5, v6  }
0x6df: {  	v60 =	vand.u32 $0x7FFFFFFF, v8;
	v4 =	vmax.u32 v5, v4  }
0x6e0: {  	v5 =	vand.u32 $0x7FFFFFFF, v7;
	v4 =	vmax.u32 v4, v60  }
0x6e1: {  	v4 =	vmax.u32 v4, v5  }
0x6e2: {  	v4 =	vxor.u32 $0x80000000, v4  }
0x6e3: {  	(xrf0) =	vmax.scan.msk.u32 $0xffff, v4;
	_ =	sdelay $0x5  }
0x6e4: {  	v4, _, _ =	vpop (xrf0)  }
0x6e5: {  	(v2sf) =	vpush v4, $0xF;
	_ =	sdelay $0xc  }
0x6e6: {  	v61 =	vor.u32 v0, v9;
	v62 =	vshrl.u32 v12, $0x11  }
0x6e7: {  	v63 =	vor.u32 v0, v16;
	v7 =	vand.u32 $0x3FF0, v62  }
0x6e8: {  	v7 =	vor.u32 v0, v7;
	v5 =	vand.u32 $0x3FF0, v17;
	s0 =	spop (v2sf)  }
0x6e9: {  	v5 =	vor.u32 v0, v5;
	s0 =	sshra.s32 s0, $0x15  }
0x6ea: {  	[tilespmem:v11+s20+$0x0] =	vst.idx.add.s32.msk $0xffff, v3;
	v4 =	vor.u32 v0, v14;
	p0 =	sgt.s32 s0, $0xFFFFFFFF  }
.Ltmp149:
0x6eb: {  	[tilespmem:v61+s20+$0x0] =	vst.idx.add.s32.msk $0xffff, v3;
	(pc) =	sbr.rel @!p0 .LBB2_234-.Ltmp149, $4  }
0x6ec: {  	[tilespmem:v63+s20+$0x0] =	vst.idx.add.s32.msk $0xffff, v3  }
0x6ed: {  	[tilespmem:v7+s20+$0x0] =	vst.idx.add.s32.msk $0xffff, v3  }
0x6ee: {  	[tilespmem:v5+s20+$0x0] =	vst.idx.add.s32.msk $0xffff, v3  }
0x6ef: {  	s22 =	simm.s32 $0x0;
	[tilespmem:v4+s20+$0x0] =	vst.idx.add.s32.msk $0xffff, v3;
	s23 =	sxor.u32 $0xFFFFFC00, s0  }
.Ltmp150:
0x6f0: {  	(pc) =	sbr.rel .LBB2_237-.Ltmp150, $2  }
0x6f1: {  	_ =	sdelay $0x2  }
0x6f2: {  	s24 =	simm.s32 $0x0  }
.LBB2_207:
0x6f3: {  	v4 =	vimm.s32 $0x80000000  }
.LBB2_213:
0x6f4: {  	(xrf0) =	vmax.scan.msk.u32 $0xffff, v4;
	_ =	sdelay $0x5  }
0x6f5: {  	v4, _, _ =	vpop (xrf0)  }
0x6f6: {  	(v2sf) =	vpush v4, $0xF;
	_ =	sdelay $0xe  }
0x6f7: {  	s0 =	spop (v2sf)  }
0x6f8: {  	s24 =	sxor.u32 $0x80000000, s0  }
0x6f9: {  	p1 =	sgt.s32 s24, $0x40380000  }
.Ltmp151:
0x6fa: {  	_ = 	snop;
	(pc) =	sbr.rel @p1 .LBB2_216-.Ltmp151, $2  }
0x6fb: {  	_ =	sdelay $0x2  }
0x6fc: {  	s22 =	simm.s32 $0x40380000  }
.LBB2_214:
.Ltmp152:
0x6fd: {  	(pc) =	sbr.rel @p0 .LBB2_215-.Ltmp152, $1  }
0x6fe: {  	_ =	sdelay $0x3  }
0x6ff: {  	p1 =	sne.s32 s23, $0x1  }
.Ltmp153:
0x700: {  	s0 =	simm.s32 $0x14020;
	(pc) =	sbr.rel @!p1 .LBB2_223-.Ltmp153, $4  }
0x701: {  	v6 =	vld [tilespmem:s0+$0x10]  }
0x702: {  	v8 =	vld [tilespmem:s0+$0x0]  }
0x703: {  	v7 =	vld [tilespmem:s0+$0xFFFFFFF0]  }
0x704: {  	v5 =	vmov s22;
	v4 =	vimm.s32 $0x0;
	s24 =	sadd.s32 $0xFFFFFFFF, s23;
	p0 =	por $0x0, $0x0;
	v9 =	vld [tilespmem:s0+$0xFFFFFFE0]  }
0x705: {  	_ = 	snop  }
0x706: {  	vm1 =	vge.s32 v6, v5  }
0x707: {  	s23 =	simm.s32 $0x14060;
	p1 =	sne.s32 s24, $0x1;
	vm0 =	veq.s32 v6, v5;
	vm2 =	vge.s32 v8, v5;
	vm3 =	veq.s32 v8, v5  }
.Ltmp154:
0x708: {  	v6 =	vld [tilespmem:s23+$0x10];
	v10 =	vsel vm1, $0x1, v1;
	vm5 =	vge.s32 v7, v5;
	vm6 =	veq.s32 v7, v5;
	(pc) =	sbr.rel @!p1 .LBB2_226-.Ltmp154, $4  }
0x709: {  	v8 =	vld [tilespmem:s23+$0x0];
	v11 =	vsel vm2, $0x1, v1;
	vm4 =	vge.s32 v9, v5;
	vm7 =	veq.s32 v9, v5  }
0x70a: {  	v7 =	vld [tilespmem:s23+$0xFFFFFFF0];
	v13 =	vsel vm5, $0x1, v1;
	v9 =	vsel vm4, $0x1, v1;
	v12 =	vsel vm7, $0x1, v1  }
0x70b: {  	v16 =	vsel vm6, $0x1, v1;
	v14 =	vadd.s32 v9, v4;
	v15 =	vadd.s32 v12, v4;
	v9 =	vld [tilespmem:s23+$0xFFFFFFE0]  }
0x70c: {  	s24 =	sadd.s32 $0xFFFFFFFF, s24;
	p0 =	por $0x1, $0x1;
	v12 =	vadd.s32 v13, v14;
	v13 =	vadd.s32 v16, v15;
	v14 =	vsel vm3, $0x1, v1  }
.LBB2_225:
0x70d: {  	p1 =	sne.s32 s24, $0x1;
	v11 =	vadd.s32 v11, v12;
	v12 =	vadd.s32 v14, v13;
	v13 =	vsel vm0, $0x1, v1  }
0x70e: {  	vm1 =	vge.s32 v6, v5;
	v14 =	vadd.s32 v10, v11;
	v12 =	vadd.s32 v13, v12  }
0x70f: {  	vm0 =	veq.s32 v6, v5;
	s23 =	sadd.s32 $0x40, s23;
	vm2 =	vge.s32 v8, v5;
	vm3 =	veq.s32 v8, v5  }
.Ltmp155:
0x710: {  	vm5 =	vge.s32 v7, v5;
	vm6 =	veq.s32 v7, v5;
	v6 =	vld [tilespmem:s23+$0x10];
	vm4 =	vge.s32 v9, v5;
	(pc) =	sbr.rel @p1 .LBB2_225-.Ltmp155, $4  }
0x711: {  	v10 =	vsel vm1, $0x1, v1;
	v11 =	vsel vm2, $0x1, v1;
	vm7 =	veq.s32 v9, v5;
	v8 =	vld [tilespmem:s23+$0x0]  }
0x712: {  	v16 =	vsel vm5, $0x1, v1;
	v13 =	vsel vm4, $0x1, v1;
	v15 =	vsel vm7, $0x1, v1;
	v7 =	vld [tilespmem:s23+$0xFFFFFFF0]  }
0x713: {  	v13 =	vadd.s32 v13, v14;
	v14 =	vadd.s32 v15, v12;
	v15 =	vsel vm6, $0x1, v1;
	v9 =	vld [tilespmem:s23+$0xFFFFFFE0]  }
0x714: {  	s24 =	sadd.s32 $0xFFFFFFFF, s24;
	v12 =	vadd.s32 v16, v13;
	v13 =	vadd.s32 v15, v14;
	v14 =	vsel vm3, $0x1, v1  }
.LBB2_226:
0x715: {  	v11 =	vadd.s32 @p0 v11, v12;
	v12 =	vadd.s32 @p0 v14, v13  }
0x716: {  	v13 =	vsel @p0 vm0, $0x1, v1;
	vm15 =	vge.s32 v6, v5;
	vm3 =	veq.s32 v6, v5  }
0x717: {  	v10 =	vadd.s32 @p0 v10, v11;
	v11 =	vadd.s32 @p0 v13, v12;
	vm1 =	vge.s32 v8, v5  }
0x718: {  	vm2 =	veq.s32 v8, v5;
	v6 =	vsel vm15, $0x1, v1;
	vm5 =	vge.s32 v7, v5  }
0x719: {  	vm6 =	veq.s32 v7, v5;
	v10 =	vpsel p0, v10, v4;
	v4 =	vpsel p0, v11, v4  }
0x71a: {  	v63 =	vsel vm2, $0x1, v1;
	vm4 =	vge.s32 v9, v5;
	vm7 =	veq.s32 v9, v5  }
.Ltmp156:
0x71b: {  	v61 =	vsel vm5, $0x1, v1;
	v7 =	vsel vm4, $0x1, v1;
	v60 =	vsel vm7, $0x1, v1;
	(pc) =	sbr.rel .LBB2_227-.Ltmp156, $4  }
0x71c: {  	v62 =	vsel vm6, $0x1, v1;
	v7 =	vadd.s32 v7, v10;
	v4 =	vadd.s32 v60, v4  }
0x71d: {  	v5 =	vsel vm1, $0x1, v1;
	v7 =	vadd.s32 v61, v7;
	v4 =	vadd.s32 v62, v4  }
0x71e: {  	v5 =	vadd.s32 v5, v7;
	v4 =	vadd.s32 v63, v4;
	v7 =	vsel vm3, $0x1, v1  }
0x71f: {  	v5 =	vadd.s32 v6, v5;
	v4 =	vadd.s32 v7, v4  }
.LBB2_217:
0x720: {  	v4 =	vimm.s32 $0x0  }
.LBB2_221:
0x721: {  	(xrf0) =	vadd.scan.msk.s32 $0xffff, v4;
	_ =	sdelay $0x5  }
0x722: {  	v4, _, _ =	vpop (xrf0)  }
0x723: {  	(v2sf) =	vpush v4, $0xF;
	_ =	sdelay $0xe  }
0x724: {  	s0 =	spop (v2sf)  }
0x725: {  	p1 =	sgt.s32 s0, $0x3F;
	s0 =	sadd.s32 $0xFFFFFFFF, s25  }
0x726: {  	s22 =	smov.u32 @p1 s25;
	s0 =	smov.u32 @p1 s24  }
0x727: {  	p1 =	slt.s32 s22, s0  }
.Ltmp157:
0x728: {  	_ = 	snop;
	(pc) =	sbr.rel @!p1 .LBB2_214-.Ltmp157, $2  }
0x729: {  	_ =	sdelay $0x2  }
0x72a: {  	s24 =	smov.u32 s0  }
.LBB2_216:
.Ltmp158:
0x72b: {  	(pc) =	sbr.rel @p0 .LBB2_217-.Ltmp158, $4  }
0x72c: {  	s0 =	ssub.s32 s24, s22  }
0x72d: {  	s0 =	sadd.s32 $0x1, s0  }
0x72e: {  	s0 =	sshra.s32 s0, $0x1  }
0x72f: {  	s25 =	sadd.s32 s22, s0  }
0x730: {  	s0 =	simm.s32 $0x14020  }
0x731: {  	p1 =	sne.s32 s23, $0x1;
	v9 =	vld [tilespmem:s0+$0xFFFFFFE0]  }
.Ltmp159:
0x732: {  	v5 =	vld [tilespmem:s0+$0xFFFFFFF0];
	(pc) =	sbr.rel @!p1 .LBB2_220-.Ltmp159, $4  }
0x733: {  	v6 =	vld [tilespmem:s0+$0x0]  }
0x734: {  	v7 =	vld [tilespmem:s0+$0x10]  }
0x735: {  	v4 =	vmov s25  }
0x736: {  	v8 =	vimm.s32 $0x0;
	s26 =	sadd.s32 $0xFFFFFFFF, s23;
	s28 =	simm.s32 $0x14060;
	vm0 =	vge.s32 v9, v4  }
.LBB2_219:
0x737: {  	v9 =	vld [tilespmem:s28+$0xFFFFFFE0];
	p1 =	sne.s32 s26, $0x1;
	s26 =	sadd.s32 $0xFFFFFFFF, s26;
	v10 =	vsel vm0, $0x1, v1;
	vm0 =	vge.s32 v5, v4  }
.Ltmp160:
0x738: {  	v5 =	vld [tilespmem:s28+$0xFFFFFFF0];
	v8 =	vadd.s32 v10, v8;
	v10 =	vsel vm0, $0x1, v1;
	vm0 =	vge.s32 v6, v4;
	(pc) =	sbr.rel @p1 .LBB2_219-.Ltmp160, $4  }
0x739: {  	v6 =	vld [tilespmem:s28+$0x0];
	v8 =	vadd.s32 v10, v8;
	v10 =	vsel vm0, $0x1, v1;
	vm0 =	vge.s32 v7, v4  }
0x73a: {  	v7 =	vld [tilespmem:s28+$0x10];
	v8 =	vadd.s32 v10, v8;
	v10 =	vsel vm0, $0x1, v1  }
0x73b: {  	v8 =	vadd.s32 v10, v8  }
0x73c: {  	s28 =	sadd.s32 $0x40, s28;
	vm0 =	vge.s32 v9, v4  }
.LBB2_220:
.Ltmp161:
0x73d: {  	v9 =	vsel vm0, $0x1, v1;
	vm13 =	vge.s32 v5, v4;
	(pc) =	sbr.rel .LBB2_221-.Ltmp161, $4  }
0x73e: {  	v5 =	vadd.s32 v9, v8;
	v63 =	vsel vm13, $0x1, v1;
	vm14 =	vge.s32 v6, v4  }
0x73f: {  	v5 =	vadd.s32 v63, v5;
	v6 =	vsel vm14, $0x1, v1;
	vm15 =	vge.s32 v7, v4  }
0x740: {  	v4 =	vadd.s32 v6, v5;
	v5 =	vsel vm15, $0x1, v1  }
0x741: {  	v4 =	vadd.s32 v5, v4  }
.LBB2_234:
0x742: {  	s0 =	sshll.u32 s23, $0x6  }
0x743: {  	s0 =	sshra.s32 s0, $0x2  }
0x744: {  	s22 =	simm.s32 $0x0;
	s0 =	sadd.s32 $0x10000, s0  }
.LBB2_235:
0x745: {  	v4 =	vld [tilespmem:s0+$0x0];
	_ =	sdelay $0x4  }
0x746: {  	(xrf0) =	vadd.scan.msk.s32 $0xffff, v4;
	_ =	sdelay $0x5  }
0x747: {  	v4, _, _ =	vpop (xrf0)  }
0x748: {  	(v2sf) =	vpush v4, $0xF;
	_ =	sdelay $0xe  }
0x749: {  	s24 =	spop (v2sf)  }
0x74a: {  	p0 =	slt.s32 s23, $0x1;
	s22 =	sadd.s32 s22, s24  }
0x74b: {  	p1 =	slt.s32 @!p0 s22, $0x40  }
0x74c: {  	p1 =	por p0, !p1  }
.Ltmp162:
0x74d: {  	_ = 	snop;
	(pc) =	sbr.rel @!p1 .LBB2_235-.Ltmp162, $2  }
0x74e: {  	_ =	sdelay $0x2  }
0x74f: {  	s23 =	sadd.s32 $0xFFFFFFFF, s23;
	s0 =	sadd.s32 $0xFFFFFFF0, s0  }
0x750: {  	s23 =	smov.u32 @p0 s23;
	s22 =	smov.u32 @p0 s22;
	s24 =	smov.u32 @p0 s24  }
.LBB2_237:
0x751: {  	s0 =	simm.s32 $0x8040  }
0x752: {  	v4 =	vld [tilespmem:s0+$0x30]  }
0x753: {  	v6 =	vld [tilespmem:s0+$0x20]  }
0x754: {  	v7 =	vld [tilespmem:s0+$0x10]  }
0x755: {  	v8 =	vld [tilespmem:s0+$0x0]  }
0x756: {  	v9 =	vld [tilespmem:s0+$0xFFFFFFF0]  }
0x757: {  	v10 =	vld [tilespmem:s0+$0xFFFFFFE0]  }
0x758: {  	v11 =	vld [tilespmem:s0+$0xFFFFFFD0]  }
0x759: {  	v12 =	vld [tilespmem:s0+$0xFFFFFFC0]  }
0x75a: {  	s25 =	sshll.u32 s23, $0x15;
	v13 =	vlaneseq.u32  }
0x75b: {  	s23 =	sadd.s32 $0x200000, s25;
	v14 =	vand.u32 $0xFFF, v13  }
0x75c: {  	v5 =	vmov s23;
	v15 =	vand.u32 $0x7FFFFFFF, v4;
	v16 =	vand.u32 $0x7FFFFFFF, v8  }
0x75d: {  	v19 =	vand.u32 $0x7FFFFFFF, v7;
	v7 =	vand.u32 $0x7FFFFFFF, v6;
	v4 =	vand.u32 $0x7FFFFFFF, v11  }
0x75e: {  	v23 =	vand.u32 $0x7FFFFFFF, v10;
	v22 =	vand.u32 $0x7FFFFFFF, v9;
	v6 =	vand.u32 $0x7FFFFFFF, v12  }
0x75f: {  	v8 =	vsub.s32 v7, v5;
	v9 =	vsub.s32 v6, v5;
	v10 =	vsub.s32 v16, v5  }
0x760: {  	v11 =	vsub.s32 v19, v5;
	v12 =	vsub.s32 v22, v5;
	vm1 =	vlt.u32 v9, $0x200000  }
0x761: {  	v9 =	vsub.s32 v4, v5;
	vm0 =	vlt.u32 v12, $0x200000;
	vm2 =	vlt.u32 v10, $0x200000  }
0x762: {  	v17 =	vsel vm1, $0x10, v1;
	vm3 =	vlt.u32 v9, $0x200000;
	v9 =	vsub.s32 v23, v5  }
0x763: {  	s31 =	simm.s32 $0x80C0;
	v13 =	vadd.s32 v13, v17;
	v17 =	vsel vm3, $0x10, v1;
	vm4 =	vlt.u32 v9, $0x200000  }
0x764: {  	v24 =	vld [tilespmem:s31+$0x0];
	vm5 =	vlt.u32 v11, $0x200000;
	v17 =	vadd.s32 v13, v17;
	v18 =	vsel vm4, $0x10, v1  }
0x765: {  	v12 =	vld [tilespmem:s31+$0x20];
	vm6 =	vlt.u32 v8, $0x200000;
	v20 =	vsel vm0, $0x10, v1;
	v18 =	vadd.s32 v17, v18  }
0x766: {  	v10 =	vld [tilespmem:s31+$0x10];
	v8 =	vsub.s32 v15, v5;
	v21 =	vsel vm2, $0x10, v1;
	v20 =	vadd.s32 v18, v20  }
0x767: {  	v26 =	vsel vm6, $0x10, v1;
	v9 =	vld [tilespmem:s31+$0x30];
	v11 =	vadd.s32 v20, v21;
	v21 =	vsel vm5, $0x10, v1  }
0x768: {  	v61 =	vld [tilespmem:s31+$0xFFFFFFD0];
	vm7 =	vlt.u32 v8, $0x200000;
	v34 =	vand.u32 $0xFFF, v20;
	v21 =	vadd.s32 v11, v21  }
0x769: {  	v25 =	vld [tilespmem:s31+$0xFFFFFFF0];
	v28 =	vand.u32 $0xFFF, v21;
	v8 =	vadd.s32 v21, v26;
	v21 =	vsel vm7, $0x10, v1  }
0x76a: {  	v13 =	vand.u32 $0xFFF, v13;
	v29 =	vand.u32 $0xFFF, v8;
	v31 =	vadd.s32 v8, v21;
	v21 =	vld [tilespmem:s31+$0xFFFFFFC0]  }
0x76b: {  	v32 =	vand.u32 $0xFFF, v17;
	v33 =	vand.u32 $0xFFF, v18;
	v30 =	vand.u32 $0xFFF, v11  }
0x76c: {  	v27 =	vld [tilespmem:s31+$0xFFFFFFE0];
	[tilespmem:v14+s16+$0x0] =	vst.idx.msk vm1, v6;
	v6 =	vand.u32 $0x7FFFFFFF, v9;
	v9 =	vand.u32 $0x7FFFFFFF, v10;
	v10 =	vand.u32 $0x7FFFFFFF, v12  }
0x76d: {  	vm1 =	vmmov vm3;
	v12 =	vand.u32 $0x7FFFFFFF, v61;
	v18 =	vsub.s32 v10, v5  }
0x76e: {  	v14 =	vand.u32 $0x7FFFFFFF, v25;
	v17 =	vsub.s32 v6, v5;
	v62 =	vsub.s32 v12, v5;
	[tilespmem:v34+s16+$0x0] =	vst.idx.msk vm2, v16  }
0x76f: {  	v8 =	vand.u32 $0x7FFFFFFF, v24;
	v11 =	vand.u32 $0xFFF, v31;
	[tilespmem:v29+s16+$0x0] =	vst.idx.msk vm7, v15;
	v15 =	vand.u32 $0x7FFFFFFF, v21  }
0x770: {  	v20 =	vsub.s32 v8, v5;
	vm2 =	vlt.u32 v62, $0x200000;
	[tilespmem:v30+s16+$0x0] =	vst.idx.msk vm5, v19;
	v21 =	vsub.s32 v15, v5  }
0x771: {  	v19 =	vsub.s32 v9, v5;
	[tilespmem:v28+s16+$0x0] =	vst.idx.msk vm6, v7;
	v7 =	vand.u32 $0x7FFFFFFF, v27;
	vm3 =	vlt.u32 v21, $0x200000  }
0x772: {  	[tilespmem:v33+s16+$0x0] =	vst.idx.msk vm0, v22;
	v22 =	vsel vm2, $0x10, v1;
	v63 =	vsub.s32 v7, v5;
	v16 =	vsel vm3, $0x10, v1  }
0x773: {  	s26 =	simm.s32 $0x80;
	s28 =	simm.s32 $0x8140;
	[tilespmem:v32+s16+$0x0] =	vst.idx.msk vm4, v23;
	vm0 =	vlt.u32 v63, $0x200000;
	v21 =	vsub.s32 v14, v5;
	v16 =	vadd.s32 v31, v16  }
.LBB2_238:
0x774: {  	v23 =	vld [tilespmem:s28+$0x30];
	v22 =	vadd.s32 v16, v22;
	v25 =	vsel vm0, $0x10, v1;
	vm4 =	vlt.u32 v21, $0x200000;
	[tilespmem:v13+s16+$0x0] =	vst.idx.msk vm1, v4;
	v4 =	vmovc v12  }
0x775: {  	vm5 =	vlt.u32 v20, $0x200000;
	v24 =	vmovc v14;
	v12 =	vld [tilespmem:s28+$0x20];
	v13 =	vadd.s32 v22, v25;
	v21 =	vsel vm4, $0x10, v1  }
0x776: {  	s26 =	sadd.s32 $0x80, s26;
	vm6 =	vlt.u32 v19, $0x200000;
	v14 =	vld [tilespmem:s28+$0x10];
	v20 =	vadd.s32 v13, v21;
	v21 =	vsel vm5, $0x10, v1  }
0x777: {  	p0 =	slt.u32 s26, $0x7F80;
	v19 =	vld [tilespmem:s28+$0x0];
	[tilespmem:v11+s16+$0x0] =	vst.idx.msk vm3, v15;
	v11 =	vadd.s32 v20, v21;
	v15 =	vsel vm6, $0x10, v1;
	vm3 =	vlt.u32 v18, $0x200000  }
0x778: {  	vm7 =	vlt.u32 v17, $0x200000;
	v18 =	vld [tilespmem:s28+$0xFFFFFFF0];
	v15 =	vadd.s32 v11, v15;
	v21 =	vsel vm3, $0x10, v1  }
0x779: {  	v17 =	vld [tilespmem:s28+$0xFFFFFFE0];
	v25 =	vand.u32 $0xFFF, v15;
	v15 =	vadd.s32 v15, v21;
	v21 =	vsel vm7, $0x10, v1  }
0x77a: {  	v27 =	vand.u32 $0xFFF, v11;
	v26 =	vld [tilespmem:s28+$0xFFFFFFD0];
	v28 =	vand.u32 $0xFFF, v15;
	v29 =	vadd.s32 v15, v21  }
0x77b: {  	v30 =	vand.u32 $0xFFF, v22;
	v22 =	vand.u32 $0xFFF, v13;
	v31 =	vand.u32 $0xFFF, v20;
	v15 =	vld [tilespmem:s28+$0xFFFFFFC0]  }
0x77c: {  	vm1 =	vmmov vm2;
	v13 =	vand.u32 $0xFFF, v16;
	v11 =	vand.u32 $0xFFF, v29  }
0x77d: {  	v16 =	vand.u32 $0x7FFFFFFF, v23  }
0x77e: {  	v21 =	vand.u32 $0x7FFFFFFF, v14;
	v23 =	vand.u32 $0x7FFFFFFF, v19;
	[tilespmem:v25+s16+$0x0] =	vst.idx.msk vm3, v10;
	v10 =	vand.u32 $0x7FFFFFFF, v12  }
0x77f: {  	v14 =	vand.u32 $0x7FFFFFFF, v18;
	v25 =	vand.u32 $0x7FFFFFFF, v17;
	v12 =	vand.u32 $0x7FFFFFFF, v26;
	[tilespmem:v28+s16+$0x0] =	vst.idx.msk vm7, v6;
	v6 =	vmovc v16  }
.Ltmp163:
0x780: {  	v18 =	vsub.s32 v10, v5;
	v15 =	vand.u32 $0x7FFFFFFF, v15;
	v17 =	vsub.s32 v6, v5;
	[tilespmem:v27+s16+$0x0] =	vst.idx.msk vm6, v9;
	(pc) =	sbr.rel @p0 .LBB2_238-.Ltmp163, $4  }
0x781: {  	v19 =	vsub.s32 v21, v5;
	v20 =	vsub.s32 v23, v5;
	v9 =	vmovc v21;
	v16 =	vsub.s32 v15, v5  }
0x782: {  	v21 =	vsub.s32 v14, v5;
	vm3 =	vlt.u32 v16, $0x200000;
	v16 =	vsub.s32 v12, v5;
	[tilespmem:v31+s16+$0x0] =	vst.idx.msk vm5, v8  }
0x783: {  	v27 =	vsub.s32 v25, v5;
	v8 =	vmovc v23;
	v26 =	vsel vm3, $0x10, v1;
	vm2 =	vlt.u32 v16, $0x200000;
	[tilespmem:v22+s16+$0x0] =	vst.idx.msk vm4, v24  }
0x784: {  	s28 =	sadd.s32 $0x80, s28;
	v16 =	vadd.s32 v29, v26;
	v22 =	vsel vm2, $0x10, v1;
	[tilespmem:v30+s16+$0x0] =	vst.idx.msk vm0, v7;
	vm0 =	vlt.u32 v27, $0x200000;
	v7 =	vmovc v25  }
0x785: {  	v22 =	vadd.s32 v16, v22;
	v5 =	vsel vm0, $0x10, v1;
	vm4 =	vlt.u32 v21, $0x200000  }
0x786: {  	vm5 =	vlt.u32 v20, $0x200000;
	v56 =	vadd.s32 v22, v5;
	v5 =	vsel vm4, $0x10, v1  }
0x787: {  	vm6 =	vlt.u32 v19, $0x200000;
	v57 =	vadd.s32 v56, v5;
	v5 =	vsel vm5, $0x10, v1  }
0x788: {  	vm7 =	vlt.u32 v18, $0x200000;
	v58 =	vadd.s32 v57, v5;
	v5 =	vsel vm6, $0x10, v1  }
0x789: {  	vm8 =	vlt.u32 v17, $0x200000;
	v59 =	vadd.s32 v58, v5;
	v5 =	vsel vm7, $0x10, v1  }
0x78a: {  	v60 =	vadd.s32 v59, v5;
	v5 =	vsel vm8, $0x10, v1  }
0x78b: {  	v5 =	vadd.s32 v60, v5  }
0x78c: {  	v5 =	vadd.s32 v2, v5  }
0x78d: {  	v5 =	vshra.s32 v5, $0x4  }
0x78e: {  	v23 =	vxor.u32 $0x80000000, v5  }
0x78f: {  	(xrf0) =	vmax.scan.msk.u32 $0xffff, v23;
	_ =	sdelay $0x5  }
0x790: {  	v23, _, _ =	vpop (xrf0)  }
0x791: {  	(v2sf) =	vpush v23, $0xF;
	_ =	sdelay $0x6  }
0x792: {  	v63 =	vand.u32 $0xFFF, v16  }
0x793: {  	v62 =	vand.u32 $0xFFF, v22  }
0x794: {  	v61 =	vand.u32 $0xFFF, v56  }
0x795: {  	[tilespmem:v13+s16+$0x0] =	vst.idx.msk vm1, v4;
	v4 =	vand.u32 $0xFFF, v57  }
0x796: {  	[tilespmem:v11+s16+$0x0] =	vst.idx.msk vm3, v15;
	v19 =	vand.u32 $0xFFF, v58  }
0x797: {  	v18 =	vand.u32 $0xFFF, v59;
	[tilespmem:v63+s16+$0x0] =	vst.idx.msk vm2, v12  }
0x798: {  	v17 =	vand.u32 $0xFFF, v60;
	[tilespmem:v62+s16+$0x0] =	vst.idx.msk vm0, v7  }
.Ltmp164:
0x799: {  	[tilespmem:v61+s16+$0x0] =	vst.idx.msk vm4, v14;
	(pc) =	sbr.rel .LBB2_240-.Ltmp164, $4  }
0x79a: {  	[tilespmem:v4+s16+$0x0] =	vst.idx.msk vm5, v8;
	s0 =	spop (v2sf)  }
0x79b: {  	s24 =	ssub.s32 s22, s24;
	[tilespmem:v19+s16+$0x0] =	vst.idx.msk vm6, v9;
	s26 =	sxor.u32 $0x80000000, s0  }
0x79c: {  	s25 =	sadd.s32 $0x3FFFFF, s25;
	s29 =	simm.s32 $0x0;
	[tilespmem:v18+s16+$0x0] =	vst.idx.msk vm7, v10;
	p1 =	slt.s32 s26, $0x100  }
0x79d: {  	vm15 =	vmmov vm2;
	s28 =	ssub.s32 $0x40, s24;
	[tilespmem:v17+s16+$0x0] =	vst.idx.msk vm8, v6;
	p0 =	slt.s32 s26, $0x1;
	s26 =	simm.s32 @!p1 $0x100  }
.LBB2_241:
0x79e: {  	v4 =	vimm.s32 $0x0  }
.LBB2_251:
0x79f: {  	(xrf0) =	vadd.scan.msk.s32 $0xffff, v4;
	_ =	sdelay $0x5  }
0x7a0: {  	v4, _, _ =	vpop (xrf0)  }
0x7a1: {  	(v2sf) =	vpush v4, $0xF;
	_ =	sdelay $0xb  }
0x7a2: {  	s29 =	sadd.s32 $0x1, s29  }
0x7a3: {  	p2 =	seq.s32 s29, $0x15  }
.Ltmp165:
0x7a4: {  	_ = 	snop;
	(pc) =	sbr.rel @p2 .LBB2_242-.Ltmp165, $4  }
0x7a5: {  	s0 =	spop (v2sf)  }
0x7a6: {  	p1 =	slt.s32 s0, s28  }
0x7a7: {  	s0 =	sadd.s32 $0xFFFFFFFF, s22;
	s22 =	smov.u32 @p1 s23  }
0x7a8: {  	s25 =	smov.u32 @p1 s0;
	s23 =	smov.u32 s22  }
.LBB2_240:
.Ltmp166:
0x7a9: {  	(pc) =	sbr.rel @p0 .LBB2_241-.Ltmp166, $4  }
0x7aa: {  	s0 =	ssub.s32 s25, s23  }
0x7ab: {  	s0 =	sadd.s32 $0x1, s0  }
0x7ac: {  	s0 =	sshra.s32 s0, $0x1  }
0x7ad: {  	s22 =	sadd.s32 s23, s0  }
0x7ae: {  	p2 =	sne.s32 s26, $0x1  }
.Ltmp167:
0x7af: {  	_ = 	snop;
	(pc) =	sbr.rel @!p2 .LBB2_245-.Ltmp167, $3  }
0x7b0: {  	_ =	sdelay $0x1  }
0x7b1: {  	s1 =	simm.s32 $0x14000  }
0x7b2: {  	v6 =	vmov s22;
	s0 =	simm.s32 $0x0;
	v4 =	vimm.s32 $0x0;
	s30 =	simm.s32 $0x1;
	p1 =	por $0x0, $0x0;
	v7 =	vld [tilespmem:s1+$0x0]  }
0x7b3: {  	_ = 	snop  }
0x7b4: {  	p2 =	sne.s32 s26, $0x2  }
.Ltmp168:
0x7b5: {  	_ = 	snop;
	(pc) =	sbr.rel @!p2 .LBB2_247-.Ltmp168, $4  }
0x7b6: {  	v8 =	vmov s0  }
0x7b7: {  	vm1 =	vlt.s32 v8, v5;
	vm0 =	vge.s32 v7, v6  }
0x7b8: {  	s31 =	simm.s32 $0x14010;
	vm0 =	vmand vm1, vm0  }
0x7b9: {  	s0 =	simm.s32 $0x2;
	p1 =	por $0x1, $0x1;
	v8 =	vimm.s32 $0x0;
	v7 =	vld [tilespmem:s31+$0x0];
	v9 =	vsel vm0, $0x1, v1  }
.LBB2_248:
0x7ba: {  	s1 =	smov.u32 s0;
	s0 =	sadd.s32 $0x1, s0  }
0x7bb: {  	v8 =	vadd.s32 v9, v8;
	p2 =	sne.s32 s26, s0  }
.Ltmp169:
0x7bc: {  	(pc) =	sbr.rel @p2 .LBB2_248-.Ltmp169, $4  }
0x7bd: {  	v9 =	vmov s30;
	s30 =	smov.u32 s1  }
0x7be: {  	s31 =	sadd.s32 $0x10, s31;
	vm1 =	vlt.s32 v9, v5;
	vm0 =	vge.s32 v7, v6  }
0x7bf: {  	v7 =	vld [tilespmem:s31+$0x0];
	vm0 =	vmand vm1, vm0  }
0x7c0: {  	v9 =	vsel vm0, $0x1, v1  }
0x7c1: {  	s0 =	smov.u32 s30  }
.LBB2_250:
0x7c2: {  	_ = 	snop  }
.Ltmp170:
0x7c3: {  	v10 =	vmov s0;
	(pc) =	sbr.rel .LBB2_251-.Ltmp170, $4  }
0x7c4: {  	vm1 =	vlt.s32 v10, v5;
	vm0 =	vge.s32 v7, v6  }
0x7c5: {  	v6 =	vadd.s32 @p1 v9, v8;
	vm0 =	vmand vm1, vm0  }
0x7c6: {  	v4 =	vpsel p1, v6, v4;
	v7 =	vsel vm0, $0x1, v1  }
0x7c7: {  	v4 =	vadd.s32 v7, v4  }
.LBB2_245:
.Ltmp171:
0x7c8: {  	(pc) =	sbr.rel .LBB2_250-.Ltmp171, $2  }
0x7c9: {  	_ =	sdelay $0x2  }
0x7ca: {  	v8 =	vimm.s32 $0x0  }
.LBB2_247:
.Ltmp172:
0x7cb: {  	(pc) =	sbr.rel .LBB2_250-.Ltmp172, $2  }
0x7cc: {  	_ =	sdelay $0x2  }
0x7cd: {  	v8 =	vimm.s32 $0x0;
	s0 =	simm.s32 $0x1  }
.LBB2_242:
.Ltmp173:
0x7ce: {  	(pc) =	sbr.rel @p0 .LBB2_243-.Ltmp173, $1  }
0x7cf: {  	_ =	sdelay $0x3  }
0x7d0: {  	p1 =	sne.s32 s26, $0x1  }
.Ltmp174:
0x7d1: {  	_ = 	snop;
	(pc) =	sbr.rel @!p1 .LBB2_253-.Ltmp174, $3  }
0x7d2: {  	_ =	sdelay $0x1  }
0x7d3: {  	s25 =	simm.s32 $0x14000  }
0x7d4: {  	v6 =	vmov s22;
	s0 =	simm.s32 $0x0;
	v4 =	vimm.s32 $0x0;
	s23 =	simm.s32 $0x1;
	p0 =	por $0x0, $0x0;
	v7 =	vld [tilespmem:s25+$0x0]  }
0x7d5: {  	_ = 	snop  }
0x7d6: {  	p1 =	sne.s32 s26, $0x2  }
.Ltmp175:
0x7d7: {  	_ = 	snop;
	(pc) =	sbr.rel @!p1 .LBB2_255-.Ltmp175, $4  }
0x7d8: {  	v8 =	vmov s0  }
0x7d9: {  	vm0 =	vlt.s32 v8, v5;
	vm1 =	vge.s32 v7, v6;
	vm2 =	veq.s32 v7, v6  }
0x7da: {  	s25 =	simm.s32 $0x14010;
	v9 =	vimm.s32 $0x0;
	vm1 =	vmand vm0, vm1;
	vm0 =	vmand vm0, vm2  }
0x7db: {  	s28 =	simm.s32 $0x2;
	p0 =	por $0x1, $0x1;
	v8 =	vimm.s32 $0x0;
	v7 =	vld [tilespmem:s25+$0x0];
	v10 =	vsel vm1, $0x1, v1;
	v11 =	vsel vm0, $0x1, v1  }
.LBB2_256:
0x7dc: {  	s0 =	smov.u32 s28;
	s28 =	sadd.s32 $0x1, s28  }
0x7dd: {  	v8 =	vadd.s32 v10, v8;
	v9 =	vadd.s32 v11, v9;
	p1 =	sne.s32 s26, s28  }
.Ltmp176:
0x7de: {  	(pc) =	sbr.rel @p1 .LBB2_256-.Ltmp176, $4  }
0x7df: {  	v10 =	vmov s23;
	s23 =	smov.u32 s0  }
0x7e0: {  	s25 =	sadd.s32 $0x10, s25;
	vm0 =	vlt.s32 v10, v5;
	vm1 =	vge.s32 v7, v6;
	vm2 =	veq.s32 v7, v6  }
0x7e1: {  	v7 =	vld [tilespmem:s25+$0x0];
	vm1 =	vmand vm0, vm1;
	vm0 =	vmand vm0, vm2  }
0x7e2: {  	v10 =	vsel vm1, $0x1, v1;
	v11 =	vsel vm0, $0x1, v1  }
0x7e3: {  	s0 =	smov.u32 s23  }
.LBB2_258:
0x7e4: {  	v12 =	vmov s0  }
.Ltmp177:
0x7e5: {  	vm0 =	vlt.s32 v12, v5;
	v5 =	vadd.s32 @p0 v10, v8;
	(pc) =	sbr.rel .LBB2_259-.Ltmp177, $4  }
0x7e6: {  	vm1 =	vge.s32 v7, v6;
	vm2 =	veq.s32 v7, v6;
	v6 =	vadd.s32 @p0 v11, v9  }
0x7e7: {  	v5 =	vpsel p0, v5, v4;
	vm1 =	vmand vm0, vm1;
	vm0 =	vmand vm0, vm2  }
0x7e8: {  	v4 =	vpsel p0, v6, v4;
	v7 =	vsel vm1, $0x1, v1;
	v63 =	vsel vm0, $0x1, v1  }
0x7e9: {  	v5 =	vadd.s32 v7, v5;
	v4 =	vadd.s32 v63, v4  }
.LBB2_215:
0x7ea: {  	v5 =	vimm.s32 $0x0;
	v4 =	vimm.s32 $0x0  }
.LBB2_227:
0x7eb: {  	(xrf0) =	vadd.scan.msk.s32 $0xffff, v5;
	_ =	sdelay $0x5  }
0x7ec: {  	v5, _, _ =	vpop (xrf0)  }
0x7ed: {  	(v2sf) =	vpush v5, $0xF;
	_ =	sdelay $0xa  }
.Ltmp178:
0x7ee: {  	_ = 	snop;
	(pc) =	sbr.rel .LBB2_260-.Ltmp178, $2  }
0x7ef: {  	_ =	sdelay $0x2  }
0x7f0: {  	s23 =	spop (v2sf)  }
.LBB2_243:
0x7f1: {  	v5 =	vimm.s32 $0x0;
	v4 =	vimm.s32 $0x0  }
.LBB2_259:
0x7f2: {  	(xrf0) =	vadd.scan.msk.s32 $0xffff, v5;
	_ =	sdelay $0x5  }
0x7f3: {  	v5, _, _ =	vpop (xrf0)  }
0x7f4: {  	(v2sf) =	vpush v5, $0xF;
	_ =	sdelay $0xe  }
0x7f5: {  	s0 =	spop (v2sf)  }
0x7f6: {  	s23 =	sadd.s32 s24, s0  }
.LBB2_260:
0x7f7: {  	(xrf0) =	vadd.scan.msk.s32 $0xffff, v4;
	_ =	sdelay $0x5  }
0x7f8: {  	v4, _, _ =	vpop (xrf0)  }
0x7f9: {  	(v2sf) =	vpush v4, $0xF;
	_ =	sdelay $0x6  }
0x7fa: {  	s24 =	simm.s32 $0x8040  }
0x7fb: {  	v12 =	vld [tilespmem:s24+$0x30]  }
0x7fc: {  	v11 =	vld [tilespmem:s24+$0xFFFFFFD0]  }
0x7fd: {  	v10 =	vld [tilespmem:s24+$0xFFFFFFE0]  }
0x7fe: {  	v9 =	vld [tilespmem:s24+$0xFFFFFFF0]  }
0x7ff: {  	v8 =	vld [tilespmem:s24+$0x0]  }
0x800: {  	v6 =	vld [tilespmem:s24+$0x10];
	v7 =	vand.u32 $0x7FFFFFFF, v12;
	v4 =	vmov s22  }
0x801: {  	v5 =	vld [tilespmem:s24+$0x20];
	v13 =	vand.u32 $0x7FFFFFFF, v11;
	vm1 =	vlt.s32 v7, v4  }
0x802: {  	s25 =	simm.s32 $0x0;
	s26 =	simm.s32 $0x80C0;
	v7 =	vld [tilespmem:s24+$0xFFFFFFC0];
	vm0 =	vlt.s32 v13, v4;
	v13 =	vand.u32 $0x7FFFFFFF, v10;
	v12 =	vsel vm1, $0x0, v12;
	s22 =	spop (v2sf)  }
.LBB2_261:
0x803: {  	v14 =	vld [tilespmem:s26+$0x30];
	s25 =	sadd.s32 $0x80, s25;
	v15 =	vsel vm0, $0x0, v11;
	vm0 =	vlt.s32 v13, v4;
	v13 =	vand.u32 $0x7FFFFFFF, v9;
	[tilespmem:s24+$0x30] =	vst v12  }
0x804: {  	v11 =	vld [tilespmem:s26+$0xFFFFFFD0];
	p0 =	slt.u32 s25, $0x7F80;
	[tilespmem:s24+$0xFFFFFFD0] =	vst v15;
	v12 =	vsel vm0, $0x0, v10;
	vm0 =	vlt.s32 v13, v4;
	v13 =	vand.u32 $0x7FFFFFFF, v8  }
0x805: {  	v10 =	vld [tilespmem:s26+$0xFFFFFFE0];
	[tilespmem:s24+$0xFFFFFFE0] =	vst v12;
	v12 =	vsel vm0, $0x0, v9;
	vm0 =	vlt.s32 v13, v4;
	v13 =	vand.u32 $0x7FFFFFFF, v6  }
.Ltmp179:
0x806: {  	v9 =	vld [tilespmem:s26+$0xFFFFFFF0];
	[tilespmem:s24+$0xFFFFFFF0] =	vst v12;
	v12 =	vsel vm0, $0x0, v8;
	vm0 =	vlt.s32 v13, v4;
	v13 =	vand.u32 $0x7FFFFFFF, v5;
	(pc) =	sbr.rel @p0 .LBB2_261-.Ltmp179, $4  }
0x807: {  	v8 =	vld [tilespmem:s26+$0x0];
	v15 =	vand.u32 $0x7FFFFFFF, v7;
	[tilespmem:s24+$0x0] =	vst v12;
	v12 =	vsel vm0, $0x0, v6;
	vm0 =	vlt.s32 v13, v4  }
0x808: {  	v6 =	vld [tilespmem:s26+$0x10];
	v13 =	vand.u32 $0x7FFFFFFF, v14;
	vm1 =	vlt.s32 v15, v4;
	[tilespmem:s24+$0x10] =	vst v12;
	v12 =	vsel vm0, $0x0, v5  }
0x809: {  	v15 =	vand.u32 $0x7FFFFFFF, v11;
	v5 =	vld [tilespmem:s26+$0x20];
	vm2 =	vlt.s32 v13, v4;
	v16 =	vsel vm1, $0x0, v7;
	[tilespmem:s24+$0x20] =	vst v12  }
0x80a: {  	v7 =	vld [tilespmem:s26+$0xFFFFFFC0];
	vm0 =	vlt.s32 v15, v4;
	v13 =	vand.u32 $0x7FFFFFFF, v10;
	v12 =	vsel vm2, $0x0, v14;
	[tilespmem:s24+$0xFFFFFFC0] =	vst v16;
	s24 =	smov.u32 s26;
	s26 =	sadd.s32 $0x80, s26  }
0x80b: {  	v11 =	vsel vm0, $0x0, v11;
	vm11 =	vlt.s32 v13, v4;
	v57 =	vand.u32 $0x7FFFFFFF, v9;
	[tilespmem:s24+$0x30] =	vst v12;
	p0 =	slt.s32 s23, $0x41  }
0x80c: {  	[tilespmem:s24+$0xFFFFFFD0] =	vst v11;
	v10 =	vsel vm11, $0x0, v10;
	vm12 =	vlt.s32 v57, v4;
	v58 =	vand.u32 $0x7FFFFFFF, v8;
	p1 =	slt.s32 @!p0 s22, $0x1  }
0x80d: {  	[tilespmem:s24+$0xFFFFFFE0] =	vst v10;
	v59 =	vsel vm12, $0x0, v9;
	vm13 =	vlt.s32 v58, v4;
	v60 =	vand.u32 $0x7FFFFFFF, v6;
	p0 =	por p0, p1  }
.Ltmp180:
0x80e: {  	[tilespmem:s24+$0xFFFFFFF0] =	vst v59;
	v61 =	vsel vm13, $0x0, v8;
	vm14 =	vlt.s32 v60, v4;
	v62 =	vand.u32 $0x7FFFFFFF, v5;
	(pc) =	sbr.rel @p0 .LBB2_265-.Ltmp180, $4  }
0x80f: {  	v63 =	vand.u32 $0x7FFFFFFF, v7;
	[tilespmem:s24+$0x0] =	vst v61;
	v6 =	vsel vm14, $0x0, v6;
	vm15 =	vlt.s32 v62, v4  }
0x810: {  	vm1 =	vlt.s32 v63, v4;
	[tilespmem:s24+$0x10] =	vst v6;
	v5 =	vsel vm15, $0x0, v5  }
0x811: {  	v6 =	vsel vm1, $0x0, v7;
	[tilespmem:s24+$0x20] =	vst v5  }
0x812: {  	[tilespmem:s24+$0xFFFFFFC0] =	vst v6  }
0x813: {  	s0 =	ssub.s32 s22, s23  }
0x814: {  	s0 =	sadd.s32 $0x40, s0  }
0x815: {  	s25 =	simm.s32 $0x0;
	s23 =	simm.s32 $0x8000;
	s24 =	simm.s32 $0x0;
	v5 =	vmov s0  }
.LBB2_264:
0x816: {  	v6 =	vld [tilespmem:s23+$0x0];
	_ =	sdelay $0x4  }
0x817: {  	v7 =	vand.u32 $0x7FFFFFFF, v6  }
0x818: {  	vm0 =	veq.s32 v7, v4  }
0x819: {  	v7 =	vmpcnt.ones.xlane vm0;
	_ =	sdelay $0x1  }
0x81a: {  	(v2sf) =	vpush v7, $0x0;
	_ =	sdelay $0xa  }
0x81b: {  	v7 =	vsel vm0, $0x1, v1  }
0x81c: {  	(xrf0) =	vadd.scan.msk.s32 $0xffff, v7;
	_ =	sdelay $0x2  }
0x81d: {  	v7 =	vmov s24;
	s0 =	spop (v2sf)  }
0x81e: {  	p0 =	sgt.u32 s25, $0x7FEF;
	v7 =	vadd.s32 $0xFFFFFFFF, v7;
	s24 =	sadd.s32 s24, s0  }
0x81f: {  	v7 =	vbroadcast v7, $0x0;
	p1 =	slt.s32 @!p0 s24, s22  }
0x820: {  	v8, _, _ =	vpop (xrf0);
	p0 =	por p0, !p1  }
.Ltmp181:
0x821: {  	v7 =	vadd.s32 v8, v7;
	(pc) =	sbr.rel @!p0 .LBB2_264-.Ltmp181, $4  }
0x822: {  	vm1 =	vge.s32 v7, v5  }
0x823: {  	vm0 =	vmand vm0, vm1  }
0x824: {  	v6 =	vsel vm0, $0x0, v6  }
0x825: {  	s25 =	sadd.s32 $0x10, s25;
	[tilespmem:s23+$0x0] =	vst v6;
	s23 =	sadd.s32 $0x10, s23  }
.Ltmp182:
0x826: {  	_ = 	snop;
	(pc) =	sbr.rel .LBB2_265-.Ltmp182, $1  }
0x827: {  	_ =	sdelay $0x3  }
.LBB2_11:
.Ltmp183:
0x828: {  	(pc) =	sbr.rel .LBB2_14-.Ltmp183, $2  }
0x829: {  	_ =	sdelay $0x2  }
0x82a: {  	_ = 	snop  }
.LBB2_25:
.Ltmp184:
0x82b: {  	(pc) =	sbr.rel .LBB2_28-.Ltmp184, $2  }
0x82c: {  	_ =	sdelay $0x2  }
0x82d: {  	_ = 	snop  }
.LBB2_55:
.Ltmp185:
0x82e: {  	(pc) =	sbr.rel .LBB2_60-.Ltmp185, $2  }
0x82f: {  	_ =	sdelay $0x2  }
0x830: {  	v8 =	vimm.s32 $0x0;
	v9 =	vimm.s32 $0x0  }
.LBB2_77:
.Ltmp186:
0x831: {  	(pc) =	sbr.rel .LBB2_80-.Ltmp186, $2  }
0x832: {  	_ =	sdelay $0x2  }
0x833: {  	_ = 	snop  }
.LBB2_91:
.Ltmp187:
0x834: {  	(pc) =	sbr.rel .LBB2_94-.Ltmp187, $2  }
0x835: {  	_ =	sdelay $0x2  }
0x836: {  	_ = 	snop  }
.LBB2_121:
.Ltmp188:
0x837: {  	(pc) =	sbr.rel .LBB2_126-.Ltmp188, $2  }
0x838: {  	_ =	sdelay $0x2  }
0x839: {  	v8 =	vimm.s32 $0x0;
	v9 =	vimm.s32 $0x0  }
.LBB2_143:
.Ltmp189:
0x83a: {  	(pc) =	sbr.rel .LBB2_146-.Ltmp189, $2  }
0x83b: {  	_ =	sdelay $0x2  }
0x83c: {  	_ = 	snop  }
.LBB2_157:
.Ltmp190:
0x83d: {  	(pc) =	sbr.rel .LBB2_160-.Ltmp190, $2  }
0x83e: {  	_ =	sdelay $0x2  }
0x83f: {  	_ = 	snop  }
.LBB2_187:
.Ltmp191:
0x840: {  	(pc) =	sbr.rel .LBB2_192-.Ltmp191, $2  }
0x841: {  	_ =	sdelay $0x2  }
0x842: {  	v8 =	vimm.s32 $0x0;
	v9 =	vimm.s32 $0x0  }
.LBB2_209:
.Ltmp192:
0x843: {  	(pc) =	sbr.rel .LBB2_212-.Ltmp192, $2  }
0x844: {  	_ =	sdelay $0x2  }
0x845: {  	_ = 	snop  }
.LBB2_223:
.Ltmp193:
0x846: {  	(pc) =	sbr.rel .LBB2_226-.Ltmp193, $2  }
0x847: {  	_ =	sdelay $0x2  }
0x848: {  	_ = 	snop  }
.LBB2_253:
.Ltmp194:
0x849: {  	(pc) =	sbr.rel .LBB2_258-.Ltmp194, $2  }
0x84a: {  	_ =	sdelay $0x2  }
0x84b: {  	v8 =	vimm.s32 $0x0;
	v9 =	vimm.s32 $0x0  }
.LBB2_57:
.Ltmp195:
0x84c: {  	(pc) =	sbr.rel .LBB2_60-.Ltmp195, $2  }
0x84d: {  	_ =	sdelay $0x2  }
0x84e: {  	v8 =	vimm.s32 $0x0;
	v9 =	vimm.s32 $0x0;
	s0 =	simm.s32 $0x1  }
.LBB2_123:
.Ltmp196:
0x84f: {  	(pc) =	sbr.rel .LBB2_126-.Ltmp196, $2  }
0x850: {  	_ =	sdelay $0x2  }
0x851: {  	v8 =	vimm.s32 $0x0;
	v9 =	vimm.s32 $0x0;
	s0 =	simm.s32 $0x1  }
.LBB2_189:
.Ltmp197:
0x852: {  	(pc) =	sbr.rel .LBB2_192-.Ltmp197, $2  }
0x853: {  	_ =	sdelay $0x2  }
0x854: {  	v8 =	vimm.s32 $0x0;
	v9 =	vimm.s32 $0x0;
	s0 =	simm.s32 $0x1  }
.LBB2_255:
.Ltmp198:
0x855: {  	(pc) =	sbr.rel .LBB2_258-.Ltmp198, $2  }
0x856: {  	_ =	sdelay $0x2  }
0x857: {  	v8 =	vimm.s32 $0x0;
	v9 =	vimm.s32 $0x0;
	s0 =	simm.s32 $0x1  }
.LBB2_266:
0x858: {  	_ =	sfence.sel $0x180000  }
0x859: {  	[bflag:$0x0] =	sbarrier.arrive $0xFFFF  }
0x85a: {  	_ =	strace $0x90000047  }
0x85b: {  	s0 =	stileid.u32;
	[bflag:$0x2] =	sbarrier.arrive $0xFFFF  }
0x85c: {  	p0 =	sne.s32 s0, $0x0;
	s0 =	rddreg [dreg:$0x2]  }
0x85d: {  	s0 =	sadd.s32 @!p0 $0x100000, s0  }
0x85e: {  	[sflag:s0] =	ssyncadd.tile.s32 @!p0 $0x1;
	_ =	shalt  }
.Lfunc_end2:
_tile_overlayer_lowered:
.L_overlay_start_2:
0x85f: {  	(tag) =	ssettag $0x2  }
0x860: {  	s0 =	rddreg [dreg:$0x0];
	s2 =	stileid.u32  }
0x861: {  	s1 =	rddreg [dreg:$0x1];
	p0 =	sne.s32 s2, $0x0  }
0x862: {  	s3 =	rddreg [dreg:$0x2];
	[bflag:$0x3] =	sbarrier.arrive $0xFFFF;
	s2 =	simm.s32 @!p0 $0x1C05  }
0x863: {  	[timem:s3], [sflag:s2] =	dma.local @!p0 [hbm:s0], s1  }
0x864: {  	s0 =	simm.s32 @!p0 $0x5  }
0x865: {  	_ =	swait.ge @!p0 [sflag:s0], s1  }
0x866: {  	s1 =	ssub.s32 @!p0 $0x0, s1;
	[sflag:s0] =	ssyncset.done @!p0 $0x0  }
0x867: {  	[sflag:s0] =	ssyncadd.s32 @!p0 s1  }
0x868: {  	[bflag:$0x3] =	sbarrier.arrive $0xFFFF  }
0x869: {  	_ =	shalt  }

</sc_bundles>
